<compile_context>
chip_gen: v7x
topology: tpu7x:2x2x1
jax: 0.10.2.dev20260603
libtpu: 0.0.44.dev20260713+nightly
codegen_flags: <defaults>
</compile_context>

<pallas_src>
import dataclasses
import functools

import jax
import jax.numpy as jnp
from jax import lax
from jax.experimental import pallas as pl
from jax.experimental.pallas import tpu as pltpu
from jax.experimental.pallas import tpu_sc as plsc

_L = 4
_K = 8192
_D = 256
_B = 16384
_BETA = 0.25
_ENTROPY_REG = 0.0001

_TB = 1024
_TK = 2048
_NB = _B // _TB
_NK = _K // _TK

_NC = 2
_NS = 16
_LANES = 16
_NW = _NC * _NS
_BW = _B // _NW
_CH = 128
_NCHUNK = _BW // _CH


def _argmin_body(has_q, precision, r_ref, q_ref, c_ref, idx_ref, rout_ref,
                 minv_ref, mini_ref, rnorm_ref):
    kt = pl.program_id(1)

    @pl.when(kt == 0)
    def _():
        if has_q:
            rout_ref[...] = r_ref[...] - q_ref[...]
        else:
            rout_ref[...] = r_ref[...]
        rr = rout_ref[...]
        rnorm_ref[...] = jnp.sum(rr * rr, axis=1, keepdims=True)

    R = rout_ref[...]
    C = c_ref[...]
    c_norm = jnp.sum(C * C, axis=1)
    del precision
    dot = lax.dot_general(R.astype(jnp.bfloat16), C.astype(jnp.bfloat16),
                          (((1,), (1,)), ((), ())),
                          preferred_element_type=jnp.float32)
    dists = rnorm_ref[...] - 2.0 * dot + c_norm[None, :]
    lmin = jnp.min(dists, axis=1)
    kidx = lax.broadcasted_iota(jnp.int32, (_TB, _TK), 1)
    lidx = jnp.min(jnp.where(dists == lmin[:, None], kidx, _K), axis=1)
    lidx = lidx + kt * _TK

    lminb = lmin.astype(jnp.bfloat16).astype(jnp.float32)

    @pl.when(kt == 0)
    def _():
        minv_ref[0, :] = lminb
        mini_ref[0, :] = lidx

    @pl.when(kt > 0)
    def _():
        better = lmin < minv_ref[0, :]
        minv_ref[0, :] = jnp.where(better, lminb, minv_ref[0, :])
        mini_ref[0, :] = jnp.where(better, lidx, mini_ref[0, :])

    @pl.when(kt == _NK - 1)
    def _():
        idx_ref[0, 0, :] = mini_ref[0, :]


def _tc_argmin(resid, q_prev, C, has_q, precision=None):
    body = functools.partial(_argmin_body, has_q, precision)
    grid = (_NB, _NK)
    r_spec = pl.BlockSpec((_TB, _D), lambda bt, kt: (bt, 0))
    q_spec = pl.BlockSpec((_TB, _D), lambda bt, kt: (bt, 0))
    c_spec = pl.BlockSpec((_TK, _D), lambda bt, kt: (kt, 0))
    idx_spec = pl.BlockSpec((1, 1, _TB), lambda bt, kt: (bt, 0, 0))
    rout_spec = pl.BlockSpec((_TB, _D), lambda bt, kt: (bt, 0))
    idx3, rout = pl.pallas_call(
        body,
        grid=grid,
        in_specs=[r_spec, q_spec, c_spec],
        out_specs=[idx_spec, rout_spec],
        out_shape=[
            jax.ShapeDtypeStruct((_NB, 1, _TB), jnp.int32),
            jax.ShapeDtypeStruct((_B, _D), jnp.float32),
        ],
        scratch_shapes=[
            pltpu.VMEM((1, _TB), jnp.float32),
            pltpu.VMEM((1, _TB), jnp.int32),
            pltpu.VMEM((_TB, 1), jnp.float32),
        ],
    )(resid, q_prev, C)
    return idx3.reshape(_B), rout


def _sc_body(c_hbm, idx_hbm, out_hbm, cnt_hbm, idx_v, rows_v, cnt_v, sem1):
    cid = lax.axis_index("c")
    sid = lax.axis_index("s")
    wid = sid * _NC + cid

    @pl.loop(0, _K, step=_LANES)
    def _(i):
        cnt_v[pl.ds(i, _LANES)] = jnp.zeros((_LANES,), jnp.float32)

    pltpu.sync_copy(idx_hbm.at[wid], idx_v)
    iota = lax.iota(jnp.int32, _LANES)

    @pl.loop(0, _NCHUNK)
    def _(j):
        base = wid * _BW + j * _CH
        pltpu.async_copy(c_hbm.at[idx_v.at[j]], rows_v, sem1).wait()
        pltpu.sync_copy(rows_v, out_hbm.at[pl.ds(base, _CH)])
        @pl.loop(0, _CH, step=_LANES)
        def _(o):
            v = idx_v[j, pl.ds(o, _LANES)]
            cnt = jnp.ones((_LANES,), jnp.float32)
            dup = iota < 0
            for s in range(1, _LANES):
                perm = iota + s
                perm = jnp.where(perm >= _LANES, perm - _LANES, perm)
                w = v.at[perm].get(mode="promise_in_bounds")
                eq = w == v
                cnt = cnt + jnp.where(eq, 1.0, 0.0)
                dup = jnp.logical_or(
                    dup, jnp.logical_and(eq, iota >= _LANES - s))
            plsc.addupdate_scatter(cnt_v, [v], cnt,
                                   mask=jnp.logical_not(dup))

    pltpu.sync_copy(cnt_v, cnt_hbm.at[wid])


def _sc_gather(C, idx):
    idx3 = idx.reshape(_NW, _NCHUNK, _CH)
    mesh = plsc.VectorSubcoreMesh(core_axis_name="c", subcore_axis_name="s")
    cp = pltpu.CompilerParams()
    if "needs_layout_passes" in pltpu.CompilerParams.__dataclass_fields__:
        cp = dataclasses.replace(cp, needs_layout_passes=False)
    kern = pl.kernel(
        _sc_body,
        mesh=mesh,
        compiler_params=cp,
        out_type=[
            jax.ShapeDtypeStruct((_B, _D), jnp.float32),
            jax.ShapeDtypeStruct((_NW, _K), jnp.float32),
        ],
        scratch_types=[
            pltpu.VMEM((_NCHUNK, _CH), jnp.int32),
            pltpu.VMEM((_CH, _D), jnp.float32),
            pltpu.VMEM((_K,), jnp.float32),
            pltpu.SemaphoreType.DMA,
        ],
    )
    return kern(C, idx3)


def _final_body(ze_ref, r_ref, q_ref, cnt_ref, zq_ref, commit_ref, reg_ref,
                acc_ref):
    bt = pl.program_id(0)

    @pl.when(bt == 0)
    def _():
        acc_ref[0] = jnp.float32(0.0)

    r4 = r_ref[...] - q_ref[...]
    zq_ref[...] = ze_ref[...] - r4
    acc_ref[0] += jnp.sum(r4 * r4)

    @pl.when(bt == _NB - 1)
    def _():
        commit = _BETA * acc_ref[0] / jnp.float32(_B * _D)
        commit_ref[...] = jnp.broadcast_to(commit, (1, 1))
        ent_sum = jnp.float32(0.0)
        for l in range(_L):
            cl = jnp.sum(cnt_ref[l], axis=0)
            p = cl / jnp.maximum(jnp.sum(cl), 1e-09)
            ent = -jnp.sum(p * jnp.log(jnp.maximum(p, 1e-09)))
            ent_sum = ent_sum + ent
        reg_ref[...] = jnp.broadcast_to(-_ENTROPY_REG * (ent_sum / _L), (1, 1))


def _tc_final(z_e, r3, q4, counts):
    grid = (_NB,)
    bspec = pl.BlockSpec((_TB, _D), lambda bt: (bt, 0))
    cnt_spec = pl.BlockSpec((_L, _NW, _K), lambda bt: (0, 0, 0))
    scal_spec = pl.BlockSpec((1, 1), lambda bt: (0, 0))
    zq, commit, reg = pl.pallas_call(
        _final_body,
        grid=grid,
        in_specs=[bspec, bspec, bspec, cnt_spec],
        out_specs=[bspec, scal_spec, scal_spec],
        out_shape=[
            jax.ShapeDtypeStruct((_B, _D), jnp.float32),
            jax.ShapeDtypeStruct((1, 1), jnp.float32),
            jax.ShapeDtypeStruct((1, 1), jnp.float32),
        ],
        scratch_shapes=[pltpu.SMEM((1,), jnp.float32)],
    )(z_e, r3, q4, counts)
    return zq, commit.reshape(()), reg.reshape(())


def kernel(z_e, codebooks):
    z_e = z_e.astype(jnp.float32)
    resid = z_e
    q = z_e
    ids = []
    counts = []
    for l in range(_L):
        idx_l, resid = _tc_argmin(resid, q, codebooks[l], has_q=(l > 0))
        q, cnt_l = _sc_gather(codebooks[l], idx_l)
        ids.append(idx_l)
        counts.append(cnt_l)
    cnt_all = jnp.stack(counts, axis=0)
    z_q, commit, reg = _tc_final(z_e, resid, q, cnt_all)
    ids_arr = jnp.stack(ids, axis=0)
    return (z_q, ids_arr, commit, reg)

# --- scband reference (transcript-rebuilt; emitter-appended) ---
"""Pipeline reference for scband-residual-quantizer-83373905150270 (READ-ONLY COPY).

The authoritative reference and input builder live on the scoring server;
editing this copy changes nothing except your own understanding.
"""

import jax, jax.numpy as jnp
import numpy as np

L = 4
K = 8192
D = 256
BETA = 0.25
ENTROPY_REG = 0.0001


def setup_inputs(seed: int = 0) -> dict:
    key = jax.random.key(seed)
    k1, k2 = jax.random.split(key)
    z_e = jax.random.normal(k1, (16384, D), dtype=jnp.float32)
    codebooks = jax.random.normal(k2, (L, K, D), dtype=jnp.float32)
    return {"z_e": z_e, "codebooks": codebooks}


def _argmin_layer(R, C):
    # R: [B, d], C: [K, d] -> idx[B], q[B, d]
    # K-chunked in torch purely for memory; math is identical done in one shot.
    r_norm = jnp.sum(R * R, axis=1, keepdims=True)
    c_norm = jnp.sum(C * C, axis=1)
    dists = r_norm - 2.0 * (R @ C.T) + c_norm[None, :]
    idx = jnp.argmin(dists, axis=1)
    q = jnp.take(C, idx, axis=0)
    return idx, q


def reference(z_e, codebooks):
    z_e = z_e.astype(jnp.float32)
    residual = z_e
    zs = []
    ids = []
    ent_sum = jnp.float32(0.0)
    for l in range(L):
        C = codebooks[l]
        idx_l, q_l = _argmin_layer(residual, C)
        zs.append(q_l)
        ids.append(idx_l)
        counts = jnp.bincount(idx_l, length=K).astype(z_e.dtype)
        residual = residual - q_l
        if ENTROPY_REG > 0:
            p = counts / jnp.maximum(counts.sum(), 1e-09)
            ent = -jnp.sum(p * jnp.log(jnp.maximum(p, 1e-09)))
            ent_sum = ent_sum + jax.lax.stop_gradient(ent)
    z_q_total = sum(zs)
    z_q_total = z_e + jax.lax.stop_gradient(z_q_total - z_e)
    commit = BETA * jnp.mean((z_e - jax.lax.stop_gradient(z_q_total)) ** 2)
    loss_reg = -ENTROPY_REG * (ent_sum / max(1, L))
    ids_arr = jnp.stack(ids, axis=0)
    return (z_q_total, ids_arr, commit, loss_reg)

if __name__ == "__main__":
    import jax
    _d = setup_inputs()
    print(jax.jit(kernel)(*tuple(_d.values())))

</pallas_src>

<mosaic_0001>
#map = affine_map<(d0, d1) -> (0, 0)>
#map1 = affine_map<(d0, d1) -> (0, 0, 0)>
module attributes {stable_mosaic.version = 14 : i64} {
  func.func @_sc_body(%arg0: i32, %arg1: i32, %arg2: memref<8192x256xf32, #tpu.memory_space<hbm>>, %arg3: memref<32x4x128xi32, #tpu.memory_space<hbm>>, %arg4: memref<16384x256xf32, #tpu.memory_space<hbm>>, %arg5: memref<32x8192xf32, #tpu.memory_space<hbm>>, %arg6: memref<4x128xi32, #tpu.memory_space<vmem>>, %arg7: memref<128x256xf32, #tpu.memory_space<vmem>>, %arg8: memref<8192xf32, #tpu.memory_space<vmem>>, %arg9: memref<!tpu.dma_semaphore, #tpu.memory_space<semaphore_mem>>) attributes {dimension_semantics = [#tpu.dimension_semantics<core_parallel>, #tpu.dimension_semantics<subcore_parallel>], iteration_bounds = array<i64: 2, 16>, scalar_prefetch = 0 : i64, scratch_operands = 4 : i64, tpu.core_type = #tpu.core_type<sc_vector_subcore>, window_params = [{transform_indices = #map}, {transform_indices = #map1}, {transform_indices = #map}, {transform_indices = #map}]} {
    %mul3A = arith.constant 2 : i32
    %mul3A_0 = arith.muli %arg1, %mul3A : i32
    %add3A = arith.addi %mul3A_0, %arg0 : i32
    %scan3A = arith.constant 0 : i32
    %scan3A_1 = arith.constant 512 : i32
    %scan3A_2 = arith.addi %scan3A, %scan3A_1 : i32
    %scan3A_3 = arith.constant 1 : i32
    scf.for %scan3A_10 = %scan3A to %scan3A_2 step %scan3A_3  : i32 {
      %mul3A_11 = arith.constant 16 : i32
      %mul3A_12 = arith.muli %scan3A_10, %mul3A_11 : i32
      %add3A_13 = arith.constant 0 : i32
      %add3A_14 = arith.addi %add3A_13, %mul3A_12 : i32
      %broadcast_in_dim3A = arith.constant 0.000000e+00 : f32
      %broadcast_in_dim3A_15 = vector.broadcast %broadcast_in_dim3A : f32 to vector<16xf32>
      %swap3A = arith.index_cast %add3A_14 : i32 to index
      %swap3A_16 = tpu.vector_load %arg8[%swap3A] {strides = array<i32>} : memref<8192xf32, #tpu.memory_space<vmem>>, vector<16xf32>,
      tpu.vector_store %arg8[%swap3A], %broadcast_in_dim3A_15 {strides = array<i32>} : memref<8192xf32, #tpu.memory_space<vmem>>, vector<16xf32>,
    }
    %scan3A_4 = arith.constant 512 : i32
    "tpu.region"() ({
      %run_scoped3A = tpu.sem_alloc : memref<!tpu.dma_semaphore, #tpu.memory_space<semaphore_mem>>
      %dma_start3A = arith.constant 0 : i32
      %dma_start3A_10 = arith.constant 0 : i32
      %dma_start3A_11 = tpu.memref_slice %arg3[%add3A, %dma_start3A, %dma_start3A_10] : memref<32x4x128xi32, #tpu.memory_space<hbm>> -> memref<1x4x128xi32, #tpu.memory_space<hbm>>
      %dma_start3A_12 = tpu.memref_squeeze %dma_start3A_11 : memref<1x4x128xi32, #tpu.memory_space<hbm>> -> memref<4x128xi32, #tpu.memory_space<hbm>>
      %dma_start3A_13 = arith.constant 0 : i32
      %dma_start3A_14 = arith.constant 0 : i32
      %dma_start3A_15 = tpu.memref_slice %arg3[%add3A, %dma_start3A_13, %dma_start3A_14] : memref<32x4x128xi32, #tpu.memory_space<hbm>> -> memref<1x4x128xi32, #tpu.memory_space<hbm>>
      %dma_start3A_16 = tpu.memref_squeeze %dma_start3A_15 : memref<1x4x128xi32, #tpu.memory_space<hbm>> -> memref<4x128xi32, #tpu.memory_space<hbm>>
      tpu.enqueue_dma source(%dma_start3A_16 : memref<4x128xi32, #tpu.memory_space<hbm>>) target(%arg6 : memref<4x128xi32, #tpu.memory_space<vmem>>) target_semaphore(%run_scoped3A : memref<!tpu.dma_semaphore, #tpu.memory_space<semaphore_mem>>)
      %dma_wait3A = arith.constant 0 : i32
      %dma_wait3A_17 = arith.constant 0 : i32
      %dma_wait3A_18 = tpu.memref_slice %arg3[%add3A, %dma_wait3A, %dma_wait3A_17] : memref<32x4x128xi32, #tpu.memory_space<hbm>> -> memref<1x4x128xi32, #tpu.memory_space<hbm>>
      %dma_wait3A_19 = tpu.memref_squeeze %dma_wait3A_18 : memref<1x4x128xi32, #tpu.memory_space<hbm>> -> memref<4x128xi32, #tpu.memory_space<hbm>>
      %dma_wait3A_20 = arith.constant 0 : i32
      %dma_wait3A_21 = arith.constant 0 : i32
      %dma_wait3A_22 = tpu.memref_slice %arg3[%add3A, %dma_wait3A_20, %dma_wait3A_21] : memref<32x4x128xi32, #tpu.memory_space<hbm>> -> memref<1x4x128xi32, #tpu.memory_space<hbm>>
      %dma_wait3A_23 = tpu.memref_squeeze %dma_wait3A_22 : memref<1x4x128xi32, #tpu.memory_space<hbm>> -> memref<4x128xi32, #tpu.memory_space<hbm>>
      tpu.wait_dma2 semaphore(%run_scoped3A : memref<!tpu.dma_semaphore, #tpu.memory_space<semaphore_mem>>) src(%dma_wait3A_23 : memref<4x128xi32, #tpu.memory_space<hbm>>) dst(%arg6 : memref<4x128xi32, #tpu.memory_space<vmem>>)
      tpu.yield
    }) : () -> ()
    %iota3A = tpu.iota {dimensions = array<i32: 0>} : vector<16xi32>
    %scan3A_5 = arith.constant 0 : i32
    %scan3A_6 = arith.constant 4 : i32
    %scan3A_7 = arith.addi %scan3A_5, %scan3A_6 : i32
    %scan3A_8 = arith.constant 1 : i32
    scf.for %scan3A_10 = %scan3A_5 to %scan3A_7 step %scan3A_8  : i32 {
      %mul3A_11 = arith.constant 1 : i32
      %mul3A_12 = arith.muli %scan3A_10, %mul3A_11 : i32
      %add3A_13 = arith.constant 0 : i32
      %add3A_14 = arith.addi %add3A_13, %mul3A_12 : i32
      %mul3A_15 = arith.constant 512 : i32
      %mul3A_16 = arith.muli %add3A, %mul3A_15 : i32
      %mul3A_17 = arith.constant 128 : i32
      %mul3A_18 = arith.muli %add3A_14, %mul3A_17 : i32
      %add3A_19 = arith.addi %mul3A_16, %mul3A_18 : i32
      %dma_start3A = arith.constant 0 : i32
      %dma_start3A_20 = tpu.memref_slice %arg6[%add3A_14, %dma_start3A] : memref<4x128xi32, #tpu.memory_space<vmem>> -> memref<1x128xi32, #tpu.memory_space<vmem>>
      %dma_start3A_21 = tpu.memref_squeeze %dma_start3A_20 : memref<1x128xi32, #tpu.memory_space<vmem>> -> memref<128xi32, #tpu.memory_space<vmem>>
      %dma_start3A_22 = arith.constant 0 : i32
      %dma_start3A_23 = arith.constant 0 : i32
      %dma_start3A_24 = tpu.memref_slice %arg2[%dma_start3A_22, %dma_start3A_23] : memref<8192x256xf32, #tpu.memory_space<hbm>> -> memref<8192x256xf32, #tpu.memory_space<hbm>>
      tpu.enqueue_indirect_dma source(%dma_start3A_24 : memref<8192x256xf32, #tpu.memory_space<hbm>>) target(%arg7 : memref<128x256xf32, #tpu.memory_space<vmem>>) offsets(%dma_start3A_21 : memref<128xi32, #tpu.memory_space<vmem>>) semaphore(%arg9 : memref<!tpu.dma_semaphore, #tpu.memory_space<semaphore_mem>>)
      %dma_wait3A = arith.constant 0 : i32
      %dma_wait3A_25 = tpu.memref_slice %arg6[%add3A_14, %dma_wait3A] : memref<4x128xi32, #tpu.memory_space<vmem>> -> memref<1x128xi32, #tpu.memory_space<vmem>>
      %dma_wait3A_26 = tpu.memref_squeeze %dma_wait3A_25 : memref<1x128xi32, #tpu.memory_space<vmem>> -> memref<128xi32, #tpu.memory_space<vmem>>
      %dma_wait3A_27 = arith.constant 0 : i32
      %dma_wait3A_28 = arith.constant 0 : i32
      %dma_wait3A_29 = tpu.memref_slice %arg2[%dma_wait3A_27, %dma_wait3A_28] : memref<8192x256xf32, #tpu.memory_space<hbm>> -> memref<8192x256xf32, #tpu.memory_space<hbm>>
      tpu.wait_indirect_dma semaphore(%arg9 : memref<!tpu.dma_semaphore, #tpu.memory_space<semaphore_mem>>) src(%dma_wait3A_29 : memref<8192x256xf32, #tpu.memory_space<hbm>>) dst(%arg7 : memref<128x256xf32, #tpu.memory_space<vmem>>)
      "tpu.region"() ({
        %run_scoped3A = tpu.sem_alloc : memref<!tpu.dma_semaphore, #tpu.memory_space<semaphore_mem>>
        %dma_start3A_35 = arith.constant 0 : i32
        %dma_start3A_36 = tpu.memref_slice %arg4[%add3A_19, %dma_start3A_35] : memref<16384x256xf32, #tpu.memory_space<hbm>> -> memref<128x256xf32, #tpu.memory_space<hbm>>
        %dma_start3A_37 = arith.constant 0 : i32
        %dma_start3A_38 = tpu.memref_slice %arg4[%add3A_19, %dma_start3A_37] : memref<16384x256xf32, #tpu.memory_space<hbm>> -> memref<128x256xf32, #tpu.memory_space<hbm>>
        tpu.enqueue_dma source(%arg7 : memref<128x256xf32, #tpu.memory_space<vmem>>) target(%dma_start3A_38 : memref<128x256xf32, #tpu.memory_space<hbm>>) target_semaphore(%run_scoped3A : memref<!tpu.dma_semaphore, #tpu.memory_space<semaphore_mem>>)
        %dma_wait3A_39 = arith.constant 0 : i32
        %dma_wait3A_40 = tpu.memref_slice %arg4[%add3A_19, %dma_wait3A_39] : memref<16384x256xf32, #tpu.memory_space<hbm>> -> memref<128x256xf32, #tpu.memory_space<hbm>>
        %dma_wait3A_41 = arith.constant 0 : i32
        %dma_wait3A_42 = tpu.memref_slice %arg4[%add3A_19, %dma_wait3A_41] : memref<16384x256xf32, #tpu.memory_space<hbm>> -> memref<128x256xf32, #tpu.memory_space<hbm>>
        tpu.wait_dma2 semaphore(%run_scoped3A : memref<!tpu.dma_semaphore, #tpu.memory_space<semaphore_mem>>) src(%arg7 : memref<128x256xf32, #tpu.memory_space<vmem>>) dst(%dma_wait3A_42 : memref<128x256xf32, #tpu.memory_space<hbm>>)
        tpu.yield
      }) : () -> ()
      %scan3A_30 = arith.constant 0 : i32
      %scan3A_31 = arith.constant 8 : i32
      %scan3A_32 = arith.addi %scan3A_30, %scan3A_31 : i32
      %scan3A_33 = arith.constant 1 : i32
      scf.for %scan3A_35 = %scan3A_30 to %scan3A_32 step %scan3A_33  : i32 {
        %mul3A_36 = arith.constant 16 : i32
        %mul3A_37 = arith.muli %scan3A_35, %mul3A_36 : i32
        %add3A_38 = arith.constant 0 : i32
        %add3A_39 = arith.addi %add3A_38, %mul3A_37 : i32
        %get3A = arith.index_cast %add3A_14 : i32 to index
        %get3A_40 = arith.index_cast %add3A_39 : i32 to index
        %get3A_41 = tpu.vector_load %arg6[%get3A, %get3A_40] {strides = array<i32>} : memref<4x128xi32, #tpu.memory_space<vmem>>, vector<16xi32>,
        %broadcast_in_dim3A = arith.constant 1.000000e+00 : f32
        %broadcast_in_dim3A_42 = vector.broadcast %broadcast_in_dim3A : f32 to vector<16xf32>
        %lt3A = arith.constant 0 : i32
        %lt3A_43 = vector.broadcast %lt3A : i32 to vector<16xi32>
        %lt3A_44 = arith.cmpi slt, %iota3A, %lt3A_43 : vector<16xi32>
        %add3A_45 = arith.constant 1 : i32
        %add3A_46 = vector.broadcast %add3A_45 : i32 to vector<16xi32>
        %add3A_47 = arith.addi %iota3A, %add3A_46 : vector<16xi32>
        %ge3A = arith.constant 16 : i32
        %ge3A_48 = vector.broadcast %ge3A : i32 to vector<16xi32>
        %ge3A_49 = arith.cmpi sge, %add3A_47, %ge3A_48 : vector<16xi32>
        %sub3A = arith.constant 16 : i32
        %sub3A_50 = vector.broadcast %sub3A : i32 to vector<16xi32>
        %sub3A_51 = arith.subi %add3A_47, %sub3A_50 : vector<16xi32>
        %select_n3A = arith.select %ge3A_49, %sub3A_51, %add3A_47 : vector<16xi1>, vector<16xi32>
        %lt3A_52 = arith.constant 0 : i32
        %lt3A_53 = vector.broadcast %lt3A_52 : i32 to vector<16xi32>
        %lt3A_54 = arith.cmpi slt, %select_n3A, %lt3A_53 : vector<16xi32>
        %add3A_55 = arith.constant 16 : i32
        %add3A_56 = vector.broadcast %add3A_55 : i32 to vector<16xi32>
        %add3A_57 = arith.addi %select_n3A, %add3A_56 : vector<16xi32>
        %select_n3A_58 = arith.select %lt3A_54, %add3A_57, %select_n3A : vector<16xi1>, vector<16xi32>
        %broadcast_in_dim3A_59 = vector.shape_cast %select_n3A_58 : vector<16xi32> to vector<16x1xi32>
        %gather3A = vector.shape_cast %broadcast_in_dim3A_59 : vector<16x1xi32> to vector<16xi32>
        %gather3A_60 = tpu.dynamic_gather %get3A_41[%gather3A] in [0] : vector<16xi32>, vector<16xi32> -> vector<16xi32>
        %eq3A = arith.cmpi eq, %gather3A_60, %get3A_41 : vector<16xi32>
        %jit3A = arith.constant 1.000000e+00 : f32
        %jit3A_61 = arith.constant 0.000000e+00 : f32
        %broadcast_in_dim3A_62 = vector.broadcast %jit3A : f32 to vector<16xf32>
        %broadcast_in_dim3A_63 = vector.broadcast %jit3A_61 : f32 to vector<16xf32>
        %select_n3A_64 = arith.select %eq3A, %broadcast_in_dim3A_62, %broadcast_in_dim3A_63 : vector<16xi1>, vector<16xf32>
        %add3A_65 = arith.addf %broadcast_in_dim3A_42, %select_n3A_64 : vector<16xf32>
        %ge3A_66 = arith.constant 15 : i32
        %ge3A_67 = vector.broadcast %ge3A_66 : i32 to vector<16xi32>
        %ge3A_68 = arith.cmpi sge, %iota3A, %ge3A_67 : vector<16xi32>
        %and3A = arith.andi %eq3A, %ge3A_68 : vector<16xi1>
        %or3A = arith.ori %lt3A_44, %and3A : vector<16xi1>
        %add3A_69 = arith.constant 2 : i32
        %add3A_70 = vector.broadcast %add3A_69 : i32 to vector<16xi32>
        %add3A_71 = arith.addi %iota3A, %add3A_70 : vector<16xi32>
        %ge3A_72 = arith.constant 16 : i32
        %ge3A_73 = vector.broadcast %ge3A_72 : i32 to vector<16xi32>
        %ge3A_74 = arith.cmpi sge, %add3A_71, %ge3A_73 : vector<16xi32>
        %sub3A_75 = arith.constant 16 : i32
        %sub3A_76 = vector.broadcast %sub3A_75 : i32 to vector<16xi32>
        %sub3A_77 = arith.subi %add3A_71, %sub3A_76 : vector<16xi32>
        %select_n3A_78 = arith.select %ge3A_74, %sub3A_77, %add3A_71 : vector<16xi1>, vector<16xi32>
        %lt3A_79 = arith.constant 0 : i32
        %lt3A_80 = vector.broadcast %lt3A_79 : i32 to vector<16xi32>
        %lt3A_81 = arith.cmpi slt, %select_n3A_78, %lt3A_80 : vector<16xi32>
        %add3A_82 = arith.constant 16 : i32
        %add3A_83 = vector.broadcast %add3A_82 : i32 to vector<16xi32>
        %add3A_84 = arith.addi %select_n3A_78, %add3A_83 : vector<16xi32>
        %select_n3A_85 = arith.select %lt3A_81, %add3A_84, %select_n3A_78 : vector<16xi1>, vector<16xi32>
        %broadcast_in_dim3A_86 = vector.shape_cast %select_n3A_85 : vector<16xi32> to vector<16x1xi32>
        %gather3A_87 = vector.shape_cast %broadcast_in_dim3A_86 : vector<16x1xi32> to vector<16xi32>
        %gather3A_88 = tpu.dynamic_gather %get3A_41[%gather3A_87] in [0] : vector<16xi32>, vector<16xi32> -> vector<16xi32>
        %eq3A_89 = arith.cmpi eq, %gather3A_88, %get3A_41 : vector<16xi32>
        %jit3A_90 = arith.constant 1.000000e+00 : f32
        %jit3A_91 = arith.constant 0.000000e+00 : f32
        %broadcast_in_dim3A_92 = vector.broadcast %jit3A_90 : f32 to vector<16xf32>
        %broadcast_in_dim3A_93 = vector.broadcast %jit3A_91 : f32 to vector<16xf32>
        %select_n3A_94 = arith.select %eq3A_89, %broadcast_in_dim3A_92, %broadcast_in_dim3A_93 : vector<16xi1>, vector<16xf32>
        %add3A_95 = arith.addf %add3A_65, %select_n3A_94 : vector<16xf32>
        %ge3A_96 = arith.constant 14 : i32
        %ge3A_97 = vector.broadcast %ge3A_96 : i32 to vector<16xi32>
        %ge3A_98 = arith.cmpi sge, %iota3A, %ge3A_97 : vector<16xi32>
        %and3A_99 = arith.andi %eq3A_89, %ge3A_98 : vector<16xi1>
        %or3A_100 = arith.ori %or3A, %and3A_99 : vector<16xi1>
        %add3A_101 = arith.constant 3 : i32
        %add3A_102 = vector.broadcast %add3A_101 : i32 to vector<16xi32>
        %add3A_103 = arith.addi %iota3A, %add3A_102 : vector<16xi32>
        %ge3A_104 = arith.constant 16 : i32
        %ge3A_105 = vector.broadcast %ge3A_104 : i32 to vector<16xi32>
        %ge3A_106 = arith.cmpi sge, %add3A_103, %ge3A_105 : vector<16xi32>
        %sub3A_107 = arith.constant 16 : i32
        %sub3A_108 = vector.broadcast %sub3A_107 : i32 to vector<16xi32>
        %sub3A_109 = arith.subi %add3A_103, %sub3A_108 : vector<16xi32>
        %select_n3A_110 = arith.select %ge3A_106, %sub3A_109, %add3A_103 : vector<16xi1>, vector<16xi32>
        %lt3A_111 = arith.constant 0 : i32
        %lt3A_112 = vector.broadcast %lt3A_111 : i32 to vector<16xi32>
        %lt3A_113 = arith.cmpi slt, %select_n3A_110, %lt3A_112 : vector<16xi32>
        %add3A_114 = arith.constant 16 : i32
        %add3A_115 = vector.broadcast %add3A_114 : i32 to vector<16xi32>
        %add3A_116 = arith.addi %select_n3A_110, %add3A_115 : vector<16xi32>
        %select_n3A_117 = arith.select %lt3A_113, %add3A_116, %select_n3A_110 : vector<16xi1>, vector<16xi32>
        %broadcast_in_dim3A_118 = vector.shape_cast %select_n3A_117 : vector<16xi32> to vector<16x1xi32>
        %gather3A_119 = vector.shape_cast %broadcast_in_dim3A_118 : vector<16x1xi32> to vector<16xi32>
        %gather3A_120 = tpu.dynamic_gather %get3A_41[%gather3A_119] in [0] : vector<16xi32>, vector<16xi32> -> vector<16xi32>
        %eq3A_121 = arith.cmpi eq, %gather3A_120, %get3A_41 : vector<16xi32>
        %jit3A_122 = arith.constant 1.000000e+00 : f32
        %jit3A_123 = arith.constant 0.000000e+00 : f32
        %broadcast_in_dim3A_124 = vector.broadcast %jit3A_122 : f32 to vector<16xf32>
        %broadcast_in_dim3A_125 = vector.broadcast %jit3A_123 : f32 to vector<16xf32>
        %select_n3A_126 = arith.select %eq3A_121, %broadcast_in_dim3A_124, %broadcast_in_dim3A_125 : vector<16xi1>, vector<16xf32>
        %add3A_127 = arith.addf %add3A_95, %select_n3A_126 : vector<16xf32>
        %ge3A_128 = arith.constant 13 : i32
        %ge3A_129 = vector.broadcast %ge3A_128 : i32 to vector<16xi32>
        %ge3A_130 = arith.cmpi sge, %iota3A, %ge3A_129 : vector<16xi32>
        %and3A_131 = arith.andi %eq3A_121, %ge3A_130 : vector<16xi1>
        %or3A_132 = arith.ori %or3A_100, %and3A_131 : vector<16xi1>
        %add3A_133 = arith.constant 4 : i32
        %add3A_134 = vector.broadcast %add3A_133 : i32 to vector<16xi32>
        %add3A_135 = arith.addi %iota3A, %add3A_134 : vector<16xi32>
        %ge3A_136 = arith.constant 16 : i32
        %ge3A_137 = vector.broadcast %ge3A_136 : i32 to vector<16xi32>
        %ge3A_138 = arith.cmpi sge, %add3A_135, %ge3A_137 : vector<16xi32>
        %sub3A_139 = arith.constant 16 : i32
        %sub3A_140 = vector.broadcast %sub3A_139 : i32 to vector<16xi32>
        %sub3A_141 = arith.subi %add3A_135, %sub3A_140 : vector<16xi32>
        %select_n3A_142 = arith.select %ge3A_138, %sub3A_141, %add3A_135 : vector<16xi1>, vector<16xi32>
        %lt3A_143 = arith.constant 0 : i32
        %lt3A_144 = vector.broadcast %lt3A_143 : i32 to vector<16xi32>
        %lt3A_145 = arith.cmpi slt, %select_n3A_142, %lt3A_144 : vector<16xi32>
        %add3A_146 = arith.constant 16 : i32
        %add3A_147 = vector.broadcast %add3A_146 : i32 to vector<16xi32>
        %add3A_148 = arith.addi %select_n3A_142, %add3A_147 : vector<16xi32>
        %select_n3A_149 = arith.select %lt3A_145, %add3A_148, %select_n3A_142 : vector<16xi1>, vector<16xi32>
        %broadcast_in_dim3A_150 = vector.shape_cast %select_n3A_149 : vector<16xi32> to vector<16x1xi32>
        %gather3A_151 = vector.shape_cast %broadcast_in_dim3A_150 : vector<16x1xi32> to vector<16xi32>
        %gather3A_152 = tpu.dynamic_gather %get3A_41[%gather3A_151] in [0] : vector<16xi32>, vector<16xi32> -> vector<16xi32>
        %eq3A_153 = arith.cmpi eq, %gather3A_152, %get3A_41 : vector<16xi32>
        %jit3A_154 = arith.constant 1.000000e+00 : f32
        %jit3A_155 = arith.constant 0.000000e+00 : f32
        %broadcast_in_dim3A_156 = vector.broadcast %jit3A_154 : f32 to vector<16xf32>
        %broadcast_in_dim3A_157 = vector.broadcast %jit3A_155 : f32 to vector<16xf32>
        %select_n3A_158 = arith.select %eq3A_153, %broadcast_in_dim3A_156, %broadcast_in_dim3A_157 : vector<16xi1>, vector<16xf32>
        %add3A_159 = arith.addf %add3A_127, %select_n3A_158 : vector<16xf32>
        %ge3A_160 = arith.constant 12 : i32
        %ge3A_161 = vector.broadcast %ge3A_160 : i32 to vector<16xi32>
        %ge3A_162 = arith.cmpi sge, %iota3A, %ge3A_161 : vector<16xi32>
        %and3A_163 = arith.andi %eq3A_153, %ge3A_162 : vector<16xi1>
        %or3A_164 = arith.ori %or3A_132, %and3A_163 : vector<16xi1>
        %add3A_165 = arith.constant 5 : i32
        %add3A_166 = vector.broadcast %add3A_165 : i32 to vector<16xi32>
        %add3A_167 = arith.addi %iota3A, %add3A_166 : vector<16xi32>
        %ge3A_168 = arith.constant 16 : i32
        %ge3A_169 = vector.broadcast %ge3A_168 : i32 to vector<16xi32>
        %ge3A_170 = arith.cmpi sge, %add3A_167, %ge3A_169 : vector<16xi32>
        %sub3A_171 = arith.constant 16 : i32
        %sub3A_172 = vector.broadcast %sub3A_171 : i32 to vector<16xi32>
        %sub3A_173 = arith.subi %add3A_167, %sub3A_172 : vector<16xi32>
        %select_n3A_174 = arith.select %ge3A_170, %sub3A_173, %add3A_167 : vector<16xi1>, vector<16xi32>
        %lt3A_175 = arith.constant 0 : i32
        %lt3A_176 = vector.broadcast %lt3A_175 : i32 to vector<16xi32>
        %lt3A_177 = arith.cmpi slt, %select_n3A_174, %lt3A_176 : vector<16xi32>
        %add3A_178 = arith.constant 16 : i32
        %add3A_179 = vector.broadcast %add3A_178 : i32 to vector<16xi32>
        %add3A_180 = arith.addi %select_n3A_174, %add3A_179 : vector<16xi32>
        %select_n3A_181 = arith.select %lt3A_177, %add3A_180, %select_n3A_174 : vector<16xi1>, vector<16xi32>
        %broadcast_in_dim3A_182 = vector.shape_cast %select_n3A_181 : vector<16xi32> to vector<16x1xi32>
        %gather3A_183 = vector.shape_cast %broadcast_in_dim3A_182 : vector<16x1xi32> to vector<16xi32>
        %gather3A_184 = tpu.dynamic_gather %get3A_41[%gather3A_183] in [0] : vector<16xi32>, vector<16xi32> -> vector<16xi32>
        %eq3A_185 = arith.cmpi eq, %gather3A_184, %get3A_41 : vector<16xi32>
        %jit3A_186 = arith.constant 1.000000e+00 : f32
        %jit3A_187 = arith.constant 0.000000e+00 : f32
        %broadcast_in_dim3A_188 = vector.broadcast %jit3A_186 : f32 to vector<16xf32>
        %broadcast_in_dim3A_189 = vector.broadcast %jit3A_187 : f32 to vector<16xf32>
        %select_n3A_190 = arith.select %eq3A_185, %broadcast_in_dim3A_188, %broadcast_in_dim3A_189 : vector<16xi1>, vector<16xf32>
        %add3A_191 = arith.addf %add3A_159, %select_n3A_190 : vector<16xf32>
        %ge3A_192 = arith.constant 11 : i32
        %ge3A_193 = vector.broadcast %ge3A_192 : i32 to vector<16xi32>
        %ge3A_194 = arith.cmpi sge, %iota3A, %ge3A_193 : vector<16xi32>
        %and3A_195 = arith.andi %eq3A_185, %ge3A_194 : vector<16xi1>
        %or3A_196 = arith.ori %or3A_164, %and3A_195 : vector<16xi1>
        %add3A_197 = arith.constant 6 : i32
        %add3A_198 = vector.broadcast %add3A_197 : i32 to vector<16xi32>
        %add3A_199 = arith.addi %iota3A, %add3A_198 : vector<16xi32>
        %ge3A_200 = arith.constant 16 : i32
        %ge3A_201 = vector.broadcast %ge3A_200 : i32 to vector<16xi32>
        %ge3A_202 = arith.cmpi sge, %add3A_199, %ge3A_201 : vector<16xi32>
        %sub3A_203 = arith.constant 16 : i32
        %sub3A_204 = vector.broadcast %sub3A_203 : i32 to vector<16xi32>
        %sub3A_205 = arith.subi %add3A_199, %sub3A_204 : vector<16xi32>
        %select_n3A_206 = arith.select %ge3A_202, %sub3A_205, %add3A_199 : vector<16xi1>, vector<16xi32>
        %lt3A_207 = arith.constant 0 : i32
        %lt3A_208 = vector.broadcast %lt3A_207 : i32 to vector<16xi32>
        %lt3A_209 = arith.cmpi slt, %select_n3A_206, %lt3A_208 : vector<16xi32>
        %add3A_210 = arith.constant 16 : i32
        %add3A_211 = vector.broadcast %add3A_210 : i32 to vector<16xi32>
        %add3A_212 = arith.addi %select_n3A_206, %add3A_211 : vector<16xi32>
        %select_n3A_213 = arith.select %lt3A_209, %add3A_212, %select_n3A_206 : vector<16xi1>, vector<16xi32>
        %broadcast_in_dim3A_214 = vector.shape_cast %select_n3A_213 : vector<16xi32> to vector<16x1xi32>
        %gather3A_215 = vector.shape_cast %broadcast_in_dim3A_214 : vector<16x1xi32> to vector<16xi32>
        %gather3A_216 = tpu.dynamic_gather %get3A_41[%gather3A_215] in [0] : vector<16xi32>, vector<16xi32> -> vector<16xi32>
        %eq3A_217 = arith.cmpi eq, %gather3A_216, %get3A_41 : vector<16xi32>
        %jit3A_218 = arith.constant 1.000000e+00 : f32
        %jit3A_219 = arith.constant 0.000000e+00 : f32
        %broadcast_in_dim3A_220 = vector.broadcast %jit3A_218 : f32 to vector<16xf32>
        %broadcast_in_dim3A_221 = vector.broadcast %jit3A_219 : f32 to vector<16xf32>
        %select_n3A_222 = arith.select %eq3A_217, %broadcast_in_dim3A_220, %broadcast_in_dim3A_221 : vector<16xi1>, vector<16xf32>
        %add3A_223 = arith.addf %add3A_191, %select_n3A_222 : vector<16xf32>
        %ge3A_224 = arith.constant 10 : i32
        %ge3A_225 = vector.broadcast %ge3A_224 : i32 to vector<16xi32>
        %ge3A_226 = arith.cmpi sge, %iota3A, %ge3A_225 : vector<16xi32>
        %and3A_227 = arith.andi %eq3A_217, %ge3A_226 : vector<16xi1>
        %or3A_228 = arith.ori %or3A_196, %and3A_227 : vector<16xi1>
        %add3A_229 = arith.constant 7 : i32
        %add3A_230 = vector.broadcast %add3A_229 : i32 to vector<16xi32>
        %add3A_231 = arith.addi %iota3A, %add3A_230 : vector<16xi32>
        %ge3A_232 = arith.constant 16 : i32
        %ge3A_233 = vector.broadcast %ge3A_232 : i32 to vector<16xi32>
        %ge3A_234 = arith.cmpi sge, %add3A_231, %ge3A_233 : vector<16xi32>
        %sub3A_235 = arith.constant 16 : i32
        %sub3A_236 = vector.broadcast %sub3A_235 : i32 to vector<16xi32>
        %sub3A_237 = arith.subi %add3A_231, %sub3A_236 : vector<16xi32>
        %select_n3A_238 = arith.select %ge3A_234, %sub3A_237, %add3A_231 : vector<16xi1>, vector<16xi32>
        %lt3A_239 = arith.constant 0 : i32
        %lt3A_240 = vector.broadcast %lt3A_239 : i32 to vector<16xi32>
        %lt3A_241 = arith.cmpi slt, %select_n3A_238, %lt3A_240 : vector<16xi32>
        %add3A_242 = arith.constant 16 : i32
        %add3A_243 = vector.broadcast %add3A_242 : i32 to vector<16xi32>
        %add3A_244 = arith.addi %select_n3A_238, %add3A_243 : vector<16xi32>
        %select_n3A_245 = arith.select %lt3A_241, %add3A_244, %select_n3A_238 : vector<16xi1>, vector<16xi32>
        %broadcast_in_dim3A_246 = vector.shape_cast %select_n3A_245 : vector<16xi32> to vector<16x1xi32>
        %gather3A_247 = vector.shape_cast %broadcast_in_dim3A_246 : vector<16x1xi32> to vector<16xi32>
        %gather3A_248 = tpu.dynamic_gather %get3A_41[%gather3A_247] in [0] : vector<16xi32>, vector<16xi32> -> vector<16xi32>
        %eq3A_249 = arith.cmpi eq, %gather3A_248, %get3A_41 : vector<16xi32>
        %jit3A_250 = arith.constant 1.000000e+00 : f32
        %jit3A_251 = arith.constant 0.000000e+00 : f32
        %broadcast_in_dim3A_252 = vector.broadcast %jit3A_250 : f32 to vector<16xf32>
        %broadcast_in_dim3A_253 = vector.broadcast %jit3A_251 : f32 to vector<16xf32>
        %select_n3A_254 = arith.select %eq3A_249, %broadcast_in_dim3A_252, %broadcast_in_dim3A_253 : vector<16xi1>, vector<16xf32>
        %add3A_255 = arith.addf %add3A_223, %select_n3A_254 : vector<16xf32>
        %ge3A_256 = arith.constant 9 : i32
        %ge3A_257 = vector.broadcast %ge3A_256 : i32 to vector<16xi32>
        %ge3A_258 = arith.cmpi sge, %iota3A, %ge3A_257 : vector<16xi32>
        %and3A_259 = arith.andi %eq3A_249, %ge3A_258 : vector<16xi1>
        %or3A_260 = arith.ori %or3A_228, %and3A_259 : vector<16xi1>
        %add3A_261 = arith.constant 8 : i32
        %add3A_262 = vector.broadcast %add3A_261 : i32 to vector<16xi32>
        %add3A_263 = arith.addi %iota3A, %add3A_262 : vector<16xi32>
        %ge3A_264 = arith.constant 16 : i32
        %ge3A_265 = vector.broadcast %ge3A_264 : i32 to vector<16xi32>
        %ge3A_266 = arith.cmpi sge, %add3A_263, %ge3A_265 : vector<16xi32>
        %sub3A_267 = arith.constant 16 : i32
        %sub3A_268 = vector.broadcast %sub3A_267 : i32 to vector<16xi32>
        %sub3A_269 = arith.subi %add3A_263, %sub3A_268 : vector<16xi32>
        %select_n3A_270 = arith.select %ge3A_266, %sub3A_269, %add3A_263 : vector<16xi1>, vector<16xi32>
        %lt3A_271 = arith.constant 0 : i32
        %lt3A_272 = vector.broadcast %lt3A_271 : i32 to vector<16xi32>
        %lt3A_273 = arith.cmpi slt, %select_n3A_270, %lt3A_272 : vector<16xi32>
        %add3A_274 = arith.constant 16 : i32
        %add3A_275 = vector.broadcast %add3A_274 : i32 to vector<16xi32>
        %add3A_276 = arith.addi %select_n3A_270, %add3A_275 : vector<16xi32>
        %select_n3A_277 = arith.select %lt3A_273, %add3A_276, %select_n3A_270 : vector<16xi1>, vector<16xi32>
        %broadcast_in_dim3A_278 = vector.shape_cast %select_n3A_277 : vector<16xi32> to vector<16x1xi32>
        %gather3A_279 = vector.shape_cast %broadcast_in_dim3A_278 : vector<16x1xi32> to vector<16xi32>
        %gather3A_280 = tpu.dynamic_gather %get3A_41[%gather3A_279] in [0] : vector<16xi32>, vector<16xi32> -> vector<16xi32>
        %eq3A_281 = arith.cmpi eq, %gather3A_280, %get3A_41 : vector<16xi32>
        %jit3A_282 = arith.constant 1.000000e+00 : f32
        %jit3A_283 = arith.constant 0.000000e+00 : f32
        %broadcast_in_dim3A_284 = vector.broadcast %jit3A_282 : f32 to vector<16xf32>
        %broadcast_in_dim3A_285 = vector.broadcast %jit3A_283 : f32 to vector<16xf32>
        %select_n3A_286 = arith.select %eq3A_281, %broadcast_in_dim3A_284, %broadcast_in_dim3A_285 : vector<16xi1>, vector<16xf32>
        %add3A_287 = arith.addf %add3A_255, %select_n3A_286 : vector<16xf32>
        %ge3A_288 = arith.constant 8 : i32
        %ge3A_289 = vector.broadcast %ge3A_288 : i32 to vector<16xi32>
        %ge3A_290 = arith.cmpi sge, %iota3A, %ge3A_289 : vector<16xi32>
        %and3A_291 = arith.andi %eq3A_281, %ge3A_290 : vector<16xi1>
        %or3A_292 = arith.ori %or3A_260, %and3A_291 : vector<16xi1>
        %add3A_293 = arith.constant 9 : i32
        %add3A_294 = vector.broadcast %add3A_293 : i32 to vector<16xi32>
        %add3A_295 = arith.addi %iota3A, %add3A_294 : vector<16xi32>
        %ge3A_296 = arith.constant 16 : i32
        %ge3A_297 = vector.broadcast %ge3A_296 : i32 to vector<16xi32>
        %ge3A_298 = arith.cmpi sge, %add3A_295, %ge3A_297 : vector<16xi32>
        %sub3A_299 = arith.constant 16 : i32
        %sub3A_300 = vector.broadcast %sub3A_299 : i32 to vector<16xi32>
        %sub3A_301 = arith.subi %add3A_295, %sub3A_300 : vector<16xi32>
        %select_n3A_302 = arith.select %ge3A_298, %sub3A_301, %add3A_295 : vector<16xi1>, vector<16xi32>
        %lt3A_303 = arith.constant 0 : i32
        %lt3A_304 = vector.broadcast %lt3A_303 : i32 to vector<16xi32>
        %lt3A_305 = arith.cmpi slt, %select_n3A_302, %lt3A_304 : vector<16xi32>
        %add3A_306 = arith.constant 16 : i32
        %add3A_307 = vector.broadcast %add3A_306 : i32 to vector<16xi32>
        %add3A_308 = arith.addi %select_n3A_302, %add3A_307 : vector<16xi32>
        %select_n3A_309 = arith.select %lt3A_305, %add3A_308, %select_n3A_302 : vector<16xi1>, vector<16xi32>
        %broadcast_in_dim3A_310 = vector.shape_cast %select_n3A_309 : vector<16xi32> to vector<16x1xi32>
        %gather3A_311 = vector.shape_cast %broadcast_in_dim3A_310 : vector<16x1xi32> to vector<16xi32>
        %gather3A_312 = tpu.dynamic_gather %get3A_41[%gather3A_311] in [0] : vector<16xi32>, vector<16xi32> -> vector<16xi32>
        %eq3A_313 = arith.cmpi eq, %gather3A_312, %get3A_41 : vector<16xi32>
        %jit3A_314 = arith.constant 1.000000e+00 : f32
        %jit3A_315 = arith.constant 0.000000e+00 : f32
        %broadcast_in_dim3A_316 = vector.broadcast %jit3A_314 : f32 to vector<16xf32>
        %broadcast_in_dim3A_317 = vector.broadcast %jit3A_315 : f32 to vector<16xf32>
        %select_n3A_318 = arith.select %eq3A_313, %broadcast_in_dim3A_316, %broadcast_in_dim3A_317 : vector<16xi1>, vector<16xf32>
        %add3A_319 = arith.addf %add3A_287, %select_n3A_318 : vector<16xf32>
        %ge3A_320 = arith.constant 7 : i32
        %ge3A_321 = vector.broadcast %ge3A_320 : i32 to vector<16xi32>
        %ge3A_322 = arith.cmpi sge, %iota3A, %ge3A_321 : vector<16xi32>
        %and3A_323 = arith.andi %eq3A_313, %ge3A_322 : vector<16xi1>
        %or3A_324 = arith.ori %or3A_292, %and3A_323 : vector<16xi1>
        %add3A_325 = arith.constant 10 : i32
        %add3A_326 = vector.broadcast %add3A_325 : i32 to vector<16xi32>
        %add3A_327 = arith.addi %iota3A, %add3A_326 : vector<16xi32>
        %ge3A_328 = arith.constant 16 : i32
        %ge3A_329 = vector.broadcast %ge3A_328 : i32 to vector<16xi32>
        %ge3A_330 = arith.cmpi sge, %add3A_327, %ge3A_329 : vector<16xi32>
        %sub3A_331 = arith.constant 16 : i32
        %sub3A_332 = vector.broadcast %sub3A_331 : i32 to vector<16xi32>
        %sub3A_333 = arith.subi %add3A_327, %sub3A_332 : vector<16xi32>
        %select_n3A_334 = arith.select %ge3A_330, %sub3A_333, %add3A_327 : vector<16xi1>, vector<16xi32>
        %lt3A_335 = arith.constant 0 : i32
        %lt3A_336 = vector.broadcast %lt3A_335 : i32 to vector<16xi32>
        %lt3A_337 = arith.cmpi slt, %select_n3A_334, %lt3A_336 : vector<16xi32>
        %add3A_338 = arith.constant 16 : i32
        %add3A_339 = vector.broadcast %add3A_338 : i32 to vector<16xi32>
        %add3A_340 = arith.addi %select_n3A_334, %add3A_339 : vector<16xi32>
        %select_n3A_341 = arith.select %lt3A_337, %add3A_340, %select_n3A_334 : vector<16xi1>, vector<16xi32>
        %broadcast_in_dim3A_342 = vector.shape_cast %select_n3A_341 : vector<16xi32> to vector<16x1xi32>
        %gather3A_343 = vector.shape_cast %broadcast_in_dim3A_342 : vector<16x1xi32> to vector<16xi32>
        %gather3A_344 = tpu.dynamic_gather %get3A_41[%gather3A_343] in [0] : vector<16xi32>, vector<16xi32> -> vector<16xi32>
        %eq3A_345 = arith.cmpi eq, %gather3A_344, %get3A_41 : vector<16xi32>
        %jit3A_346 = arith.constant 1.000000e+00 : f32
        %jit3A_347 = arith.constant 0.000000e+00 : f32
        %broadcast_in_dim3A_348 = vector.broadcast %jit3A_346 : f32 to vector<16xf32>
        %broadcast_in_dim3A_349 = vector.broadcast %jit3A_347 : f32 to vector<16xf32>
        %select_n3A_350 = arith.select %eq3A_345, %broadcast_in_dim3A_348, %broadcast_in_dim3A_349 : vector<16xi1>, vector<16xf32>
        %add3A_351 = arith.addf %add3A_319, %select_n3A_350 : vector<16xf32>
        %ge3A_352 = arith.constant 6 : i32
        %ge3A_353 = vector.broadcast %ge3A_352 : i32 to vector<16xi32>
        %ge3A_354 = arith.cmpi sge, %iota3A, %ge3A_353 : vector<16xi32>
        %and3A_355 = arith.andi %eq3A_345, %ge3A_354 : vector<16xi1>
        %or3A_356 = arith.ori %or3A_324, %and3A_355 : vector<16xi1>
        %add3A_357 = arith.constant 11 : i32
        %add3A_358 = vector.broadcast %add3A_357 : i32 to vector<16xi32>
        %add3A_359 = arith.addi %iota3A, %add3A_358 : vector<16xi32>
        %ge3A_360 = arith.constant 16 : i32
        %ge3A_361 = vector.broadcast %ge3A_360 : i32 to vector<16xi32>
        %ge3A_362 = arith.cmpi sge, %add3A_359, %ge3A_361 : vector<16xi32>
        %sub3A_363 = arith.constant 16 : i32
        %sub3A_364 = vector.broadcast %sub3A_363 : i32 to vector<16xi32>
        %sub3A_365 = arith.subi %add3A_359, %sub3A_364 : vector<16xi32>
        %select_n3A_366 = arith.select %ge3A_362, %sub3A_365, %add3A_359 : vector<16xi1>, vector<16xi32>
        %lt3A_367 = arith.constant 0 : i32
        %lt3A_368 = vector.broadcast %lt3A_367 : i32 to vector<16xi32>
        %lt3A_369 = arith.cmpi slt, %select_n3A_366, %lt3A_368 : vector<16xi32>
        %add3A_370 = arith.constant 16 : i32
        %add3A_371 = vector.broadcast %add3A_370 : i32 to vector<16xi32>
        %add3A_372 = arith.addi %select_n3A_366, %add3A_371 : vector<16xi32>
        %select_n3A_373 = arith.select %lt3A_369, %add3A_372, %select_n3A_366 : vector<16xi1>, vector<16xi32>
        %broadcast_in_dim3A_374 = vector.shape_cast %select_n3A_373 : vector<16xi32> to vector<16x1xi32>
        %gather3A_375 = vector.shape_cast %broadcast_in_dim3A_374 : vector<16x1xi32> to vector<16xi32>
        %gather3A_376 = tpu.dynamic_gather %get3A_41[%gather3A_375] in [0] : vector<16xi32>, vector<16xi32> -> vector<16xi32>
        %eq3A_377 = arith.cmpi eq, %gather3A_376, %get3A_41 : vector<16xi32>
        %jit3A_378 = arith.constant 1.000000e+00 : f32
        %jit3A_379 = arith.constant 0.000000e+00 : f32
        %broadcast_in_dim3A_380 = vector.broadcast %jit3A_378 : f32 to vector<16xf32>
        %broadcast_in_dim3A_381 = vector.broadcast %jit3A_379 : f32 to vector<16xf32>
        %select_n3A_382 = arith.select %eq3A_377, %broadcast_in_dim3A_380, %broadcast_in_dim3A_381 : vector<16xi1>, vector<16xf32>
        %add3A_383 = arith.addf %add3A_351, %select_n3A_382 : vector<16xf32>
        %ge3A_384 = arith.constant 5 : i32
        %ge3A_385 = vector.broadcast %ge3A_384 : i32 to vector<16xi32>
        %ge3A_386 = arith.cmpi sge, %iota3A, %ge3A_385 : vector<16xi32>
        %and3A_387 = arith.andi %eq3A_377, %ge3A_386 : vector<16xi1>
        %or3A_388 = arith.ori %or3A_356, %and3A_387 : vector<16xi1>
        %add3A_389 = arith.constant 12 : i32
        %add3A_390 = vector.broadcast %add3A_389 : i32 to vector<16xi32>
        %add3A_391 = arith.addi %iota3A, %add3A_390 : vector<16xi32>
        %ge3A_392 = arith.constant 16 : i32
        %ge3A_393 = vector.broadcast %ge3A_392 : i32 to vector<16xi32>
        %ge3A_394 = arith.cmpi sge, %add3A_391, %ge3A_393 : vector<16xi32>
        %sub3A_395 = arith.constant 16 : i32
        %sub3A_396 = vector.broadcast %sub3A_395 : i32 to vector<16xi32>
        %sub3A_397 = arith.subi %add3A_391, %sub3A_396 : vector<16xi32>
        %select_n3A_398 = arith.select %ge3A_394, %sub3A_397, %add3A_391 : vector<16xi1>, vector<16xi32>
        %lt3A_399 = arith.constant 0 : i32
        %lt3A_400 = vector.broadcast %lt3A_399 : i32 to vector<16xi32>
        %lt3A_401 = arith.cmpi slt, %select_n3A_398, %lt3A_400 : vector<16xi32>
        %add3A_402 = arith.constant 16 : i32
        %add3A_403 = vector.broadcast %add3A_402 : i32 to vector<16xi32>
        %add3A_404 = arith.addi %select_n3A_398, %add3A_403 : vector<16xi32>
        %select_n3A_405 = arith.select %lt3A_401, %add3A_404, %select_n3A_398 : vector<16xi1>, vector<16xi32>
        %broadcast_in_dim3A_406 = vector.shape_cast %select_n3A_405 : vector<16xi32> to vector<16x1xi32>
        %gather3A_407 = vector.shape_cast %broadcast_in_dim3A_406 : vector<16x1xi32> to vector<16xi32>
        %gather3A_408 = tpu.dynamic_gather %get3A_41[%gather3A_407] in [0] : vector<16xi32>, vector<16xi32> -> vector<16xi32>
        %eq3A_409 = arith.cmpi eq, %gather3A_408, %get3A_41 : vector<16xi32>
        %jit3A_410 = arith.constant 1.000000e+00 : f32
        %jit3A_411 = arith.constant 0.000000e+00 : f32
        %broadcast_in_dim3A_412 = vector.broadcast %jit3A_410 : f32 to vector<16xf32>
        %broadcast_in_dim3A_413 = vector.broadcast %jit3A_411 : f32 to vector<16xf32>
        %select_n3A_414 = arith.select %eq3A_409, %broadcast_in_dim3A_412, %broadcast_in_dim3A_413 : vector<16xi1>, vector<16xf32>
        %add3A_415 = arith.addf %add3A_383, %select_n3A_414 : vector<16xf32>
        %ge3A_416 = arith.constant 4 : i32
        %ge3A_417 = vector.broadcast %ge3A_416 : i32 to vector<16xi32>
        %ge3A_418 = arith.cmpi sge, %iota3A, %ge3A_417 : vector<16xi32>
        %and3A_419 = arith.andi %eq3A_409, %ge3A_418 : vector<16xi1>
        %or3A_420 = arith.ori %or3A_388, %and3A_419 : vector<16xi1>
        %add3A_421 = arith.constant 13 : i32
        %add3A_422 = vector.broadcast %add3A_421 : i32 to vector<16xi32>
        %add3A_423 = arith.addi %iota3A, %add3A_422 : vector<16xi32>
        %ge3A_424 = arith.constant 16 : i32
        %ge3A_425 = vector.broadcast %ge3A_424 : i32 to vector<16xi32>
        %ge3A_426 = arith.cmpi sge, %add3A_423, %ge3A_425 : vector<16xi32>
        %sub3A_427 = arith.constant 16 : i32
        %sub3A_428 = vector.broadcast %sub3A_427 : i32 to vector<16xi32>
        %sub3A_429 = arith.subi %add3A_423, %sub3A_428 : vector<16xi32>
        %select_n3A_430 = arith.select %ge3A_426, %sub3A_429, %add3A_423 : vector<16xi1>, vector<16xi32>
        %lt3A_431 = arith.constant 0 : i32
        %lt3A_432 = vector.broadcast %lt3A_431 : i32 to vector<16xi32>
        %lt3A_433 = arith.cmpi slt, %select_n3A_430, %lt3A_432 : vector<16xi32>
        %add3A_434 = arith.constant 16 : i32
        %add3A_435 = vector.broadcast %add3A_434 : i32 to vector<16xi32>
        %add3A_436 = arith.addi %select_n3A_430, %add3A_435 : vector<16xi32>
        %select_n3A_437 = arith.select %lt3A_433, %add3A_436, %select_n3A_430 : vector<16xi1>, vector<16xi32>
        %broadcast_in_dim3A_438 = vector.shape_cast %select_n3A_437 : vector<16xi32> to vector<16x1xi32>
        %gather3A_439 = vector.shape_cast %broadcast_in_dim3A_438 : vector<16x1xi32> to vector<16xi32>
        %gather3A_440 = tpu.dynamic_gather %get3A_41[%gather3A_439] in [0] : vector<16xi32>, vector<16xi32> -> vector<16xi32>
        %eq3A_441 = arith.cmpi eq, %gather3A_440, %get3A_41 : vector<16xi32>
        %jit3A_442 = arith.constant 1.000000e+00 : f32
        %jit3A_443 = arith.constant 0.000000e+00 : f32
        %broadcast_in_dim3A_444 = vector.broadcast %jit3A_442 : f32 to vector<16xf32>
        %broadcast_in_dim3A_445 = vector.broadcast %jit3A_443 : f32 to vector<16xf32>
        %select_n3A_446 = arith.select %eq3A_441, %broadcast_in_dim3A_444, %broadcast_in_dim3A_445 : vector<16xi1>, vector<16xf32>
        %add3A_447 = arith.addf %add3A_415, %select_n3A_446 : vector<16xf32>
        %ge3A_448 = arith.constant 3 : i32
        %ge3A_449 = vector.broadcast %ge3A_448 : i32 to vector<16xi32>
        %ge3A_450 = arith.cmpi sge, %iota3A, %ge3A_449 : vector<16xi32>
        %and3A_451 = arith.andi %eq3A_441, %ge3A_450 : vector<16xi1>
        %or3A_452 = arith.ori %or3A_420, %and3A_451 : vector<16xi1>
        %add3A_453 = arith.constant 14 : i32
        %add3A_454 = vector.broadcast %add3A_453 : i32 to vector<16xi32>
        %add3A_455 = arith.addi %iota3A, %add3A_454 : vector<16xi32>
        %ge3A_456 = arith.constant 16 : i32
        %ge3A_457 = vector.broadcast %ge3A_456 : i32 to vector<16xi32>
        %ge3A_458 = arith.cmpi sge, %add3A_455, %ge3A_457 : vector<16xi32>
        %sub3A_459 = arith.constant 16 : i32
        %sub3A_460 = vector.broadcast %sub3A_459 : i32 to vector<16xi32>
        %sub3A_461 = arith.subi %add3A_455, %sub3A_460 : vector<16xi32>
        %select_n3A_462 = arith.select %ge3A_458, %sub3A_461, %add3A_455 : vector<16xi1>, vector<16xi32>
        %lt3A_463 = arith.constant 0 : i32
        %lt3A_464 = vector.broadcast %lt3A_463 : i32 to vector<16xi32>
        %lt3A_465 = arith.cmpi slt, %select_n3A_462, %lt3A_464 : vector<16xi32>
        %add3A_466 = arith.constant 16 : i32
        %add3A_467 = vector.broadcast %add3A_466 : i32 to vector<16xi32>
        %add3A_468 = arith.addi %select_n3A_462, %add3A_467 : vector<16xi32>
        %select_n3A_469 = arith.select %lt3A_465, %add3A_468, %select_n3A_462 : vector<16xi1>, vector<16xi32>
        %broadcast_in_dim3A_470 = vector.shape_cast %select_n3A_469 : vector<16xi32> to vector<16x1xi32>
        %gather3A_471 = vector.shape_cast %broadcast_in_dim3A_470 : vector<16x1xi32> to vector<16xi32>
        %gather3A_472 = tpu.dynamic_gather %get3A_41[%gather3A_471] in [0] : vector<16xi32>, vector<16xi32> -> vector<16xi32>
        %eq3A_473 = arith.cmpi eq, %gather3A_472, %get3A_41 : vector<16xi32>
        %jit3A_474 = arith.constant 1.000000e+00 : f32
        %jit3A_475 = arith.constant 0.000000e+00 : f32
        %broadcast_in_dim3A_476 = vector.broadcast %jit3A_474 : f32 to vector<16xf32>
        %broadcast_in_dim3A_477 = vector.broadcast %jit3A_475 : f32 to vector<16xf32>
        %select_n3A_478 = arith.select %eq3A_473, %broadcast_in_dim3A_476, %broadcast_in_dim3A_477 : vector<16xi1>, vector<16xf32>
        %add3A_479 = arith.addf %add3A_447, %select_n3A_478 : vector<16xf32>
        %ge3A_480 = arith.constant 2 : i32
        %ge3A_481 = vector.broadcast %ge3A_480 : i32 to vector<16xi32>
        %ge3A_482 = arith.cmpi sge, %iota3A, %ge3A_481 : vector<16xi32>
        %and3A_483 = arith.andi %eq3A_473, %ge3A_482 : vector<16xi1>
        %or3A_484 = arith.ori %or3A_452, %and3A_483 : vector<16xi1>
        %add3A_485 = arith.constant 15 : i32
        %add3A_486 = vector.broadcast %add3A_485 : i32 to vector<16xi32>
        %add3A_487 = arith.addi %iota3A, %add3A_486 : vector<16xi32>
        %ge3A_488 = arith.constant 16 : i32
        %ge3A_489 = vector.broadcast %ge3A_488 : i32 to vector<16xi32>
        %ge3A_490 = arith.cmpi sge, %add3A_487, %ge3A_489 : vector<16xi32>
        %sub3A_491 = arith.constant 16 : i32
        %sub3A_492 = vector.broadcast %sub3A_491 : i32 to vector<16xi32>
        %sub3A_493 = arith.subi %add3A_487, %sub3A_492 : vector<16xi32>
        %select_n3A_494 = arith.select %ge3A_490, %sub3A_493, %add3A_487 : vector<16xi1>, vector<16xi32>
        %lt3A_495 = arith.constant 0 : i32
        %lt3A_496 = vector.broadcast %lt3A_495 : i32 to vector<16xi32>
        %lt3A_497 = arith.cmpi slt, %select_n3A_494, %lt3A_496 : vector<16xi32>
        %add3A_498 = arith.constant 16 : i32
        %add3A_499 = vector.broadcast %add3A_498 : i32 to vector<16xi32>
        %add3A_500 = arith.addi %select_n3A_494, %add3A_499 : vector<16xi32>
        %select_n3A_501 = arith.select %lt3A_497, %add3A_500, %select_n3A_494 : vector<16xi1>, vector<16xi32>
        %broadcast_in_dim3A_502 = vector.shape_cast %select_n3A_501 : vector<16xi32> to vector<16x1xi32>
        %gather3A_503 = vector.shape_cast %broadcast_in_dim3A_502 : vector<16x1xi32> to vector<16xi32>
        %gather3A_504 = tpu.dynamic_gather %get3A_41[%gather3A_503] in [0] : vector<16xi32>, vector<16xi32> -> vector<16xi32>
        %eq3A_505 = arith.cmpi eq, %gather3A_504, %get3A_41 : vector<16xi32>
        %jit3A_506 = arith.constant 1.000000e+00 : f32
        %jit3A_507 = arith.constant 0.000000e+00 : f32
        %broadcast_in_dim3A_508 = vector.broadcast %jit3A_506 : f32 to vector<16xf32>
        %broadcast_in_dim3A_509 = vector.broadcast %jit3A_507 : f32 to vector<16xf32>
        %select_n3A_510 = arith.select %eq3A_505, %broadcast_in_dim3A_508, %broadcast_in_dim3A_509 : vector<16xi1>, vector<16xf32>
        %add3A_511 = arith.addf %add3A_479, %select_n3A_510 : vector<16xf32>
        %ge3A_512 = arith.constant 1 : i32
        %ge3A_513 = vector.broadcast %ge3A_512 : i32 to vector<16xi32>
        %ge3A_514 = arith.cmpi sge, %iota3A, %ge3A_513 : vector<16xi32>
        %and3A_515 = arith.andi %eq3A_505, %ge3A_514 : vector<16xi1>
        %or3A_516 = arith.ori %or3A_484, %and3A_515 : vector<16xi1>
        %not3A = arith.constant dense<true> : vector<16xi1>
        %not3A_517 = arith.xori %or3A_516, %not3A : vector<16xi1>
        tpu.vector_store_idx %arg8[%get3A_41], %add3A_511 masked %not3A_517 {add = true} : memref<8192xf32, #tpu.memory_space<vmem>>[vector<16xi32>], vector<16xf32>, vector<16xi1>
      }
      %scan3A_34 = arith.constant 8 : i32
    }
    %scan3A_9 = arith.constant 4 : i32
    "tpu.region"() ({
      %run_scoped3A = tpu.sem_alloc : memref<!tpu.dma_semaphore, #tpu.memory_space<semaphore_mem>>
      %dma_start3A = arith.constant 0 : i32
      %dma_start3A_10 = tpu.memref_slice %arg5[%add3A, %dma_start3A] : memref<32x8192xf32, #tpu.memory_space<hbm>> -> memref<1x8192xf32, #tpu.memory_space<hbm>>
      %dma_start3A_11 = tpu.memref_squeeze %dma_start3A_10 : memref<1x8192xf32, #tpu.memory_space<hbm>> -> memref<8192xf32, #tpu.memory_space<hbm>>
      %dma_start3A_12 = arith.constant 0 : i32
      %dma_start3A_13 = tpu.memref_slice %arg5[%add3A, %dma_start3A_12] : memref<32x8192xf32, #tpu.memory_space<hbm>> -> memref<1x8192xf32, #tpu.memory_space<hbm>>
      %dma_start3A_14 = tpu.memref_squeeze %dma_start3A_13 : memref<1x8192xf32, #tpu.memory_space<hbm>> -> memref<8192xf32, #tpu.memory_space<hbm>>
      tpu.enqueue_dma source(%arg8 : memref<8192xf32, #tpu.memory_space<vmem>>) target(%dma_start3A_14 : memref<8192xf32, #tpu.memory_space<hbm>>) target_semaphore(%run_scoped3A : memref<!tpu.dma_semaphore, #tpu.memory_space<semaphore_mem>>)
      %dma_wait3A = arith.constant 0 : i32
      %dma_wait3A_15 = tpu.memref_slice %arg5[%add3A, %dma_wait3A] : memref<32x8192xf32, #tpu.memory_space<hbm>> -> memref<1x8192xf32, #tpu.memory_space<hbm>>
      %dma_wait3A_16 = tpu.memref_squeeze %dma_wait3A_15 : memref<1x8192xf32, #tpu.memory_space<hbm>> -> memref<8192xf32, #tpu.memory_space<hbm>>
      %dma_wait3A_17 = arith.constant 0 : i32
      %dma_wait3A_18 = tpu.memref_slice %arg5[%add3A, %dma_wait3A_17] : memref<32x8192xf32, #tpu.memory_space<hbm>> -> memref<1x8192xf32, #tpu.memory_space<hbm>>
      %dma_wait3A_19 = tpu.memref_squeeze %dma_wait3A_18 : memref<1x8192xf32, #tpu.memory_space<hbm>> -> memref<8192xf32, #tpu.memory_space<hbm>>
      tpu.wait_dma2 semaphore(%run_scoped3A : memref<!tpu.dma_semaphore, #tpu.memory_space<semaphore_mem>>) src(%arg8 : memref<8192xf32, #tpu.memory_space<vmem>>) dst(%dma_wait3A_19 : memref<8192xf32, #tpu.memory_space<hbm>>)
      tpu.yield
    }) : () -> ()
    return
  }
}

#map = affine_map<(d0, d1) -> (0, 0)>
#map1 = affine_map<(d0, d1) -> (0, 0, 0)>
module attributes {stable_mosaic.version = 14 : i64} {
  func.func @_sc_body(%arg0: i32, %arg1: i32, %arg2: memref<8192x256xf32, #tpu.memory_space<hbm>>, %arg3: memref<32x4x128xi32, #tpu.memory_space<hbm>>, %arg4: memref<16384x256xf32, #tpu.memory_space<hbm>>, %arg5: memref<32x8192xf32, #tpu.memory_space<hbm>>, %arg6: memref<4x128xi32, #tpu.memory_space<vmem>>, %arg7: memref<128x256xf32, #tpu.memory_space<vmem>>, %arg8: memref<8192xf32, #tpu.memory_space<vmem>>, %arg9: memref<!tpu.dma_semaphore, #tpu.memory_space<semaphore_mem>>) attributes {dimension_semantics = [#tpu.dimension_semantics<core_parallel>, #tpu.dimension_semantics<subcore_parallel>], iteration_bounds = array<i64: 2, 16>, scalar_prefetch = 0 : i64, scratch_operands = 4 : i64, tpu.core_type = #tpu.core_type<sc_vector_subcore>, window_params = [{transform_indices = #map}, {transform_indices = #map1}, {transform_indices = #map}, {transform_indices = #map}]} {
    %mul3A = arith.constant 2 : i32
    %mul3A_0 = arith.muli %arg1, %mul3A : i32
    %add3A = arith.addi %mul3A_0, %arg0 : i32
    %scan3A = arith.constant 0 : i32
    %scan3A_1 = arith.constant 512 : i32
    %scan3A_2 = arith.addi %scan3A, %scan3A_1 : i32
    %scan3A_3 = arith.constant 1 : i32
    scf.for %scan3A_10 = %scan3A to %scan3A_2 step %scan3A_3  : i32 {
      %mul3A_11 = arith.constant 16 : i32
      %mul3A_12 = arith.muli %scan3A_10, %mul3A_11 : i32
      %add3A_13 = arith.constant 0 : i32
      %add3A_14 = arith.addi %add3A_13, %mul3A_12 : i32
      %broadcast_in_dim3A = arith.constant 0.000000e+00 : f32
      %broadcast_in_dim3A_15 = vector.broadcast %broadcast_in_dim3A : f32 to vector<16xf32>
      %swap3A = arith.index_cast %add3A_14 : i32 to index
      %swap3A_16 = tpu.vector_load %arg8[%swap3A] {strides = array<i32>} : memref<8192xf32, #tpu.memory_space<vmem>>, vector<16xf32>,
      tpu.vector_store %arg8[%swap3A], %broadcast_in_dim3A_15 {strides = array<i32>} : memref<8192xf32, #tpu.memory_space<vmem>>, vector<16xf32>,
    }
    %scan3A_4 = arith.constant 512 : i32
    "tpu.region"() ({
      %run_scoped3A = tpu.sem_alloc : memref<!tpu.dma_semaphore, #tpu.memory_space<semaphore_mem>>
      %dma_start3A = arith.constant 0 : i32
      %dma_start3A_10 = arith.constant 0 : i32
      %dma_start3A_11 = tpu.memref_slice %arg3[%add3A, %dma_start3A, %dma_start3A_10] : memref<32x4x128xi32, #tpu.memory_space<hbm>> -> memref<1x4x128xi32, #tpu.memory_space<hbm>>
      %dma_start3A_12 = tpu.memref_squeeze %dma_start3A_11 : memref<1x4x128xi32, #tpu.memory_space<hbm>> -> memref<4x128xi32, #tpu.memory_space<hbm>>
      %dma_start3A_13 = arith.constant 0 : i32
      %dma_start3A_14 = arith.constant 0 : i32
      %dma_start3A_15 = tpu.memref_slice %arg3[%add3A, %dma_start3A_13, %dma_start3A_14] : memref<32x4x128xi32, #tpu.memory_space<hbm>> -> memref<1x4x128xi32, #tpu.memory_space<hbm>>
      %dma_start3A_16 = tpu.memref_squeeze %dma_start3A_15 : memref<1x4x128xi32, #tpu.memory_space<hbm>> -> memref<4x128xi32, #tpu.memory_space<hbm>>
      tpu.enqueue_dma source(%dma_start3A_16 : memref<4x128xi32, #tpu.memory_space<hbm>>) target(%arg6 : memref<4x128xi32, #tpu.memory_space<vmem>>) target_semaphore(%run_scoped3A : memref<!tpu.dma_semaphore, #tpu.memory_space<semaphore_mem>>)
      %dma_wait3A = arith.constant 0 : i32
      %dma_wait3A_17 = arith.constant 0 : i32
      %dma_wait3A_18 = tpu.memref_slice %arg3[%add3A, %dma_wait3A, %dma_wait3A_17] : memref<32x4x128xi32, #tpu.memory_space<hbm>> -> memref<1x4x128xi32, #tpu.memory_space<hbm>>
      %dma_wait3A_19 = tpu.memref_squeeze %dma_wait3A_18 : memref<1x4x128xi32, #tpu.memory_space<hbm>> -> memref<4x128xi32, #tpu.memory_space<hbm>>
      %dma_wait3A_20 = arith.constant 0 : i32
      %dma_wait3A_21 = arith.constant 0 : i32
      %dma_wait3A_22 = tpu.memref_slice %arg3[%add3A, %dma_wait3A_20, %dma_wait3A_21] : memref<32x4x128xi32, #tpu.memory_space<hbm>> -> memref<1x4x128xi32, #tpu.memory_space<hbm>>
      %dma_wait3A_23 = tpu.memref_squeeze %dma_wait3A_22 : memref<1x4x128xi32, #tpu.memory_space<hbm>> -> memref<4x128xi32, #tpu.memory_space<hbm>>
      tpu.wait_dma2 semaphore(%run_scoped3A : memref<!tpu.dma_semaphore, #tpu.memory_space<semaphore_mem>>) src(%dma_wait3A_23 : memref<4x128xi32, #tpu.memory_space<hbm>>) dst(%arg6 : memref<4x128xi32, #tpu.memory_space<vmem>>)
      tpu.yield
    }) : () -> ()
    %iota3A = tpu.iota {dimensions = array<i32: 0>} : vector<16xi32>
    %scan3A_5 = arith.constant 0 : i32
    %scan3A_6 = arith.constant 4 : i32
    %scan3A_7 = arith.addi %scan3A_5, %scan3A_6 : i32
    %scan3A_8 = arith.constant 1 : i32
    scf.for %scan3A_10 = %scan3A_5 to %scan3A_7 step %scan3A_8  : i32 {
      %mul3A_11 = arith.constant 1 : i32
      %mul3A_12 = arith.muli %scan3A_10, %mul3A_11 : i32
      %add3A_13 = arith.constant 0 : i32
      %add3A_14 = arith.addi %add3A_13, %mul3A_12 : i32
      %mul3A_15 = arith.constant 512 : i32
      %mul3A_16 = arith.muli %add3A, %mul3A_15 : i32
      %mul3A_17 = arith.constant 128 : i32
      %mul3A_18 = arith.muli %add3A_14, %mul3A_17 : i32
      %add3A_19 = arith.addi %mul3A_16, %mul3A_18 : i32
      %dma_start3A = arith.constant 0 : i32
      %dma_start3A_20 = tpu.memref_slice %arg6[%add3A_14, %dma_start3A] : memref<4x128xi32, #tpu.memory_space<vmem>> -> memref<1x128xi32, #tpu.memory_space<vmem>>
      %dma_start3A_21 = tpu.memref_squeeze %dma_start3A_20 : memref<1x128xi32, #tpu.memory_space<vmem>> -> memref<128xi32, #tpu.memory_space<vmem>>
      %dma_start3A_22 = arith.constant 0 : i32
      %dma_start3A_23 = arith.constant 0 : i32
      %dma_start3A_24 = tpu.memref_slice %arg2[%dma_start3A_22, %dma_start3A_23] : memref<8192x256xf32, #tpu.memory_space<hbm>> -> memref<8192x256xf32, #tpu.memory_space<hbm>>
      tpu.enqueue_indirect_dma source(%dma_start3A_24 : memref<8192x256xf32, #tpu.memory_space<hbm>>) target(%arg7 : memref<128x256xf32, #tpu.memory_space<vmem>>) offsets(%dma_start3A_21 : memref<128xi32, #tpu.memory_space<vmem>>) semaphore(%arg9 : memref<!tpu.dma_semaphore, #tpu.memory_space<semaphore_mem>>)
      %dma_wait3A = arith.constant 0 : i32
      %dma_wait3A_25 = tpu.memref_slice %arg6[%add3A_14, %dma_wait3A] : memref<4x128xi32, #tpu.memory_space<vmem>> -> memref<1x128xi32, #tpu.memory_space<vmem>>
      %dma_wait3A_26 = tpu.memref_squeeze %dma_wait3A_25 : memref<1x128xi32, #tpu.memory_space<vmem>> -> memref<128xi32, #tpu.memory_space<vmem>>
      %dma_wait3A_27 = arith.constant 0 : i32
      %dma_wait3A_28 = arith.constant 0 : i32
      %dma_wait3A_29 = tpu.memref_slice %arg2[%dma_wait3A_27, %dma_wait3A_28] : memref<8192x256xf32, #tpu.memory_space<hbm>> -> memref<8192x256xf32, #tpu.memory_space<hbm>>
      tpu.wait_indirect_dma semaphore(%arg9 : memref<!tpu.dma_semaphore, #tpu.memory_space<semaphore_mem>>) src(%dma_wait3A_29 : memref<8192x256xf32, #tpu.memory_space<hbm>>) dst(%arg7 : memref<128x256xf32, #tpu.memory_space<vmem>>)
      "tpu.region"() ({
        %run_scoped3A = tpu.sem_alloc : memref<!tpu.dma_semaphore, #tpu.memory_space<semaphore_mem>>
        %dma_start3A_35 = arith.constant 0 : i32
        %dma_start3A_36 = tpu.memref_slice %arg4[%add3A_19, %dma_start3A_35] : memref<16384x256xf32, #tpu.memory_space<hbm>> -> memref<128x256xf32, #tpu.memory_space<hbm>>
        %dma_start3A_37 = arith.constant 0 : i32
        %dma_start3A_38 = tpu.memref_slice %arg4[%add3A_19, %dma_start3A_37] : memref<16384x256xf32, #tpu.memory_space<hbm>> -> memref<128x256xf32, #tpu.memory_space<hbm>>
        tpu.enqueue_dma source(%arg7 : memref<128x256xf32, #tpu.memory_space<vmem>>) target(%dma_start3A_38 : memref<128x256xf32, #tpu.memory_space<hbm>>) target_semaphore(%run_scoped3A : memref<!tpu.dma_semaphore, #tpu.memory_space<semaphore_mem>>)
        %dma_wait3A_39 = arith.constant 0 : i32
        %dma_wait3A_40 = tpu.memref_slice %arg4[%add3A_19, %dma_wait3A_39] : memref<16384x256xf32, #tpu.memory_space<hbm>> -> memref<128x256xf32, #tpu.memory_space<hbm>>
        %dma_wait3A_41 = arith.constant 0 : i32
        %dma_wait3A_42 = tpu.memref_slice %arg4[%add3A_19, %dma_wait3A_41] : memref<16384x256xf32, #tpu.memory_space<hbm>> -> memref<128x256xf32, #tpu.memory_space<hbm>>
        tpu.wait_dma2 semaphore(%run_scoped3A : memref<!tpu.dma_semaphore, #tpu.memory_space<semaphore_mem>>) src(%arg7 : memref<128x256xf32, #tpu.memory_space<vmem>>) dst(%dma_wait3A_42 : memref<128x256xf32, #tpu.memory_space<hbm>>)
        tpu.yield
      }) : () -> ()
      %scan3A_30 = arith.constant 0 : i32
      %scan3A_31 = arith.constant 8 : i32
      %scan3A_32 = arith.addi %scan3A_30, %scan3A_31 : i32
      %scan3A_33 = arith.constant 1 : i32
      scf.for %scan3A_35 = %scan3A_30 to %scan3A_32 step %scan3A_33  : i32 {
        %mul3A_36 = arith.constant 16 : i32
        %mul3A_37 = arith.muli %scan3A_35, %mul3A_36 : i32
        %add3A_38 = arith.constant 0 : i32
        %add3A_39 = arith.addi %add3A_38, %mul3A_37 : i32
        %get3A = arith.index_cast %add3A_14 : i32 to index
        %get3A_40 = arith.index_cast %add3A_39 : i32 to index
        %get3A_41 = tpu.vector_load %arg6[%get3A, %get3A_40] {strides = array<i32>} : memref<4x128xi32, #tpu.memory_space<vmem>>, vector<16xi32>,
        %broadcast_in_dim3A = arith.constant 1.000000e+00 : f32
        %broadcast_in_dim3A_42 = vector.broadcast %broadcast_in_dim3A : f32 to vector<16xf32>
        %lt3A = arith.constant 0 : i32
        %lt3A_43 = vector.broadcast %lt3A : i32 to vector<16xi32>
        %lt3A_44 = arith.cmpi slt, %iota3A, %lt3A_43 : vector<16xi32>
        %add3A_45 = arith.constant 1 : i32
        %add3A_46 = vector.broadcast %add3A_45 : i32 to vector<16xi32>
        %add3A_47 = arith.addi %iota3A, %add3A_46 : vector<16xi32>
        %ge3A = arith.constant 16 : i32
        %ge3A_48 = vector.broadcast %ge3A : i32 to vector<16xi32>
        %ge3A_49 = arith.cmpi sge, %add3A_47, %ge3A_48 : vector<16xi32>
        %sub3A = arith.constant 16 : i32
        %sub3A_50 = vector.broadcast %sub3A : i32 to vector<16xi32>
        %sub3A_51 = arith.subi %add3A_47, %sub3A_50 : vector<16xi32>
        %select_n3A = arith.select %ge3A_49, %sub3A_51, %add3A_47 : vector<16xi1>, vector<16xi32>
        %lt3A_52 = arith.constant 0 : i32
        %lt3A_53 = vector.broadcast %lt3A_52 : i32 to vector<16xi32>
        %lt3A_54 = arith.cmpi slt, %select_n3A, %lt3A_53 : vector<16xi32>
        %add3A_55 = arith.constant 16 : i32
        %add3A_56 = vector.broadcast %add3A_55 : i32 to vector<16xi32>
        %add3A_57 = arith.addi %select_n3A, %add3A_56 : vector<16xi32>
        %select_n3A_58 = arith.select %lt3A_54, %add3A_57, %select_n3A : vector<16xi1>, vector<16xi32>
        %broadcast_in_dim3A_59 = vector.shape_cast %select_n3A_58 : vector<16xi32> to vector<16x1xi32>
        %gather3A = vector.shape_cast %broadcast_in_dim3A_59 : vector<16x1xi32> to vector<16xi32>
        %gather3A_60 = tpu.dynamic_gather %get3A_41[%gather3A] in [0] : vector<16xi32>, vector<16xi32> -> vector<16xi32>
        %eq3A = arith.cmpi eq, %gather3A_60, %get3A_41 : vector<16xi32>
        %jit3A = arith.constant 1.000000e+00 : f32
        %jit3A_61 = arith.constant 0.000000e+00 : f32
        %broadcast_in_dim3A_62 = vector.broadcast %jit3A : f32 to vector<16xf32>
        %broadcast_in_dim3A_63 = vector.broadcast %jit3A_61 : f32 to vector<16xf32>
        %select_n3A_64 = arith.select %eq3A, %broadcast_in_dim3A_62, %broadcast_in_dim3A_63 : vector<16xi1>, vector<16xf32>
        %add3A_65 = arith.addf %broadcast_in_dim3A_42, %select_n3A_64 : vector<16xf32>
        %ge3A_66 = arith.constant 15 : i32
        %ge3A_67 = vector.broadcast %ge3A_66 : i32 to vector<16xi32>
        %ge3A_68 = arith.cmpi sge, %iota3A, %ge3A_67 : vector<16xi32>
        %and3A = arith.andi %eq3A, %ge3A_68 : vector<16xi1>
        %or3A = arith.ori %lt3A_44, %and3A : vector<16xi1>
        %add3A_69 = arith.constant 2 : i32
        %add3A_70 = vector.broadcast %add3A_69 : i32 to vector<16xi32>
        %add3A_71 = arith.addi %iota3A, %add3A_70 : vector<16xi32>
        %ge3A_72 = arith.constant 16 : i32
        %ge3A_73 = vector.broadcast %ge3A_72 : i32 to vector<16xi32>
        %ge3A_74 = arith.cmpi sge, %add3A_71, %ge3A_73 : vector<16xi32>
        %sub3A_75 = arith.constant 16 : i32
        %sub3A_76 = vector.broadcast %sub3A_75 : i32 to vector<16xi32>
        %sub3A_77 = arith.subi %add3A_71, %sub3A_76 : vector<16xi32>
        %select_n3A_78 = arith.select %ge3A_74, %sub3A_77, %add3A_71 : vector<16xi1>, vector<16xi32>
        %lt3A_79 = arith.constant 0 : i32
        %lt3A_80 = vector.broadcast %lt3A_79 : i32 to vector<16xi32>
        %lt3A_81 = arith.cmpi slt, %select_n3A_78, %lt3A_80 : vector<16xi32>
        %add3A_82 = arith.constant 16 : i32
        %add3A_83 = vector.broadcast %add3A_82 : i32 to vector<16xi32>
        %add3A_84 = arith.addi %select_n3A_78, %add3A_83 : vector<16xi32>
        %select_n3A_85 = arith.select %lt3A_81, %add3A_84, %select_n3A_78 : vector<16xi1>, vector<16xi32>
        %broadcast_in_dim3A_86 = vector.shape_cast %select_n3A_85 : vector<16xi32> to vector<16x1xi32>
        %gather3A_87 = vector.shape_cast %broadcast_in_dim3A_86 : vector<16x1xi32> to vector<16xi32>
        %gather3A_88 = tpu.dynamic_gather %get3A_41[%gather3A_87] in [0] : vector<16xi32>, vector<16xi32> -> vector<16xi32>
        %eq3A_89 = arith.cmpi eq, %gather3A_88, %get3A_41 : vector<16xi32>
        %jit3A_90 = arith.constant 1.000000e+00 : f32
        %jit3A_91 = arith.constant 0.000000e+00 : f32
        %broadcast_in_dim3A_92 = vector.broadcast %jit3A_90 : f32 to vector<16xf32>
        %broadcast_in_dim3A_93 = vector.broadcast %jit3A_91 : f32 to vector<16xf32>
        %select_n3A_94 = arith.select %eq3A_89, %broadcast_in_dim3A_92, %broadcast_in_dim3A_93 : vector<16xi1>, vector<16xf32>
        %add3A_95 = arith.addf %add3A_65, %select_n3A_94 : vector<16xf32>
        %ge3A_96 = arith.constant 14 : i32
        %ge3A_97 = vector.broadcast %ge3A_96 : i32 to vector<16xi32>
        %ge3A_98 = arith.cmpi sge, %iota3A, %ge3A_97 : vector<16xi32>
        %and3A_99 = arith.andi %eq3A_89, %ge3A_98 : vector<16xi1>
        %or3A_100 = arith.ori %or3A, %and3A_99 : vector<16xi1>
        %add3A_101 = arith.constant 3 : i32
        %add3A_102 = vector.broadcast %add3A_101 : i32 to vector<16xi32>
        %add3A_103 = arith.addi %iota3A, %add3A_102 : vector<16xi32>
        %ge3A_104 = arith.constant 16 : i32
        %ge3A_105 = vector.broadcast %ge3A_104 : i32 to vector<16xi32>
        %ge3A_106 = arith.cmpi sge, %add3A_103, %ge3A_105 : vector<16xi32>
        %sub3A_107 = arith.constant 16 : i32
        %sub3A_108 = vector.broadcast %sub3A_107 : i32 to vector<16xi32>
        %sub3A_109 = arith.subi %add3A_103, %sub3A_108 : vector<16xi32>
        %select_n3A_110 = arith.select %ge3A_106, %sub3A_109, %add3A_103 : vector<16xi1>, vector<16xi32>
        %lt3A_111 = arith.constant 0 : i32
        %lt3A_112 = vector.broadcast %lt3A_111 : i32 to vector<16xi32>
        %lt3A_113 = arith.cmpi slt, %select_n3A_110, %lt3A_112 : vector<16xi32>
        %add3A_114 = arith.constant 16 : i32
        %add3A_115 = vector.broadcast %add3A_114 : i32 to vector<16xi32>
        %add3A_116 = arith.addi %select_n3A_110, %add3A_115 : vector<16xi32>
        %select_n3A_117 = arith.select %lt3A_113, %add3A_116, %select_n3A_110 : vector<16xi1>, vector<16xi32>
        %broadcast_in_dim3A_118 = vector.shape_cast %select_n3A_117 : vector<16xi32> to vector<16x1xi32>
        %gather3A_119 = vector.shape_cast %broadcast_in_dim3A_118 : vector<16x1xi32> to vector<16xi32>
        %gather3A_120 = tpu.dynamic_gather %get3A_41[%gather3A_119] in [0] : vector<16xi32>, vector<16xi32> -> vector<16xi32>
        %eq3A_121 = arith.cmpi eq, %gather3A_120, %get3A_41 : vector<16xi32>
        %jit3A_122 = arith.constant 1.000000e+00 : f32
        %jit3A_123 = arith.constant 0.000000e+00 : f32
        %broadcast_in_dim3A_124 = vector.broadcast %jit3A_122 : f32 to vector<16xf32>
        %broadcast_in_dim3A_125 = vector.broadcast %jit3A_123 : f32 to vector<16xf32>
        %select_n3A_126 = arith.select %eq3A_121, %broadcast_in_dim3A_124, %broadcast_in_dim3A_125 : vector<16xi1>, vector<16xf32>
        %add3A_127 = arith.addf %add3A_95, %select_n3A_126 : vector<16xf32>
        %ge3A_128 = arith.constant 13 : i32
        %ge3A_129 = vector.broadcast %ge3A_128 : i32 to vector<16xi32>
        %ge3A_130 = arith.cmpi sge, %iota3A, %ge3A_129 : vector<16xi32>
        %and3A_131 = arith.andi %eq3A_121, %ge3A_130 : vector<16xi1>
        %or3A_132 = arith.ori %or3A_100, %and3A_131 : vector<16xi1>
        %add3A_133 = arith.constant 4 : i32
        %add3A_134 = vector.broadcast %add3A_133 : i32 to vector<16xi32>
        %add3A_135 = arith.addi %iota3A, %add3A_134 : vector<16xi32>
        %ge3A_136 = arith.constant 16 : i32
        %ge3A_137 = vector.broadcast %ge3A_136 : i32 to vector<16xi32>
        %ge3A_138 = arith.cmpi sge, %add3A_135, %ge3A_137 : vector<16xi32>
        %sub3A_139 = arith.constant 16 : i32
        %sub3A_140 = vector.broadcast %sub3A_139 : i32 to vector<16xi32>
        %sub3A_141 = arith.subi %add3A_135, %sub3A_140 : vector<16xi32>
        %select_n3A_142 = arith.select %ge3A_138, %sub3A_141, %add3A_135 : vector<16xi1>, vector<16xi32>
        %lt3A_143 = arith.constant 0 : i32
        %lt3A_144 = vector.broadcast %lt3A_143 : i32 to vector<16xi32>
        %lt3A_145 = arith.cmpi slt, %select_n3A_142, %lt3A_144 : vector<16xi32>
        %add3A_146 = arith.constant 16 : i32
        %add3A_147 = vector.broadcast %add3A_146 : i32 to vector<16xi32>
        %add3A_148 = arith.addi %select_n3A_142, %add3A_147 : vector<16xi32>
        %select_n3A_149 = arith.select %lt3A_145, %add3A_148, %select_n3A_142 : vector<16xi1>, vector<16xi32>
        %broadcast_in_dim3A_150 = vector.shape_cast %select_n3A_149 : vector<16xi32> to vector<16x1xi32>
        %gather3A_151 = vector.shape_cast %broadcast_in_dim3A_150 : vector<16x1xi32> to vector<16xi32>
        %gather3A_152 = tpu.dynamic_gather %get3A_41[%gather3A_151] in [0] : vector<16xi32>, vector<16xi32> -> vector<16xi32>
        %eq3A_153 = arith.cmpi eq, %gather3A_152, %get3A_41 : vector<16xi32>
        %jit3A_154 = arith.constant 1.000000e+00 : f32
        %jit3A_155 = arith.constant 0.000000e+00 : f32
        %broadcast_in_dim3A_156 = vector.broadcast %jit3A_154 : f32 to vector<16xf32>
        %broadcast_in_dim3A_157 = vector.broadcast %jit3A_155 : f32 to vector<16xf32>
        %select_n3A_158 = arith.select %eq3A_153, %broadcast_in_dim3A_156, %broadcast_in_dim3A_157 : vector<16xi1>, vector<16xf32>
        %add3A_159 = arith.addf %add3A_127, %select_n3A_158 : vector<16xf32>
        %ge3A_160 = arith.constant 12 : i32
        %ge3A_161 = vector.broadcast %ge3A_160 : i32 to vector<16xi32>
        %ge3A_162 = arith.cmpi sge, %iota3A, %ge3A_161 : vector<16xi32>
        %and3A_163 = arith.andi %eq3A_153, %ge3A_162 : vector<16xi1>
        %or3A_164 = arith.ori %or3A_132, %and3A_163 : vector<16xi1>
        %add3A_165 = arith.constant 5 : i32
        %add3A_166 = vector.broadcast %add3A_165 : i32 to vector<16xi32>
        %add3A_167 = arith.addi %iota3A, %add3A_166 : vector<16xi32>
        %ge3A_168 = arith.constant 16 : i32
        %ge3A_169 = vector.broadcast %ge3A_168 : i32 to vector<16xi32>
        %ge3A_170 = arith.cmpi sge, %add3A_167, %ge3A_169 : vector<16xi32>
        %sub3A_171 = arith.constant 16 : i32
        %sub3A_172 = vector.broadcast %sub3A_171 : i32 to vector<16xi32>
        %sub3A_173 = arith.subi %add3A_167, %sub3A_172 : vector<16xi32>
        %select_n3A_174 = arith.select %ge3A_170, %sub3A_173, %add3A_167 : vector<16xi1>, vector<16xi32>
        %lt3A_175 = arith.constant 0 : i32
        %lt3A_176 = vector.broadcast %lt3A_175 : i32 to vector<16xi32>
        %lt3A_177 = arith.cmpi slt, %select_n3A_174, %lt3A_176 : vector<16xi32>
        %add3A_178 = arith.constant 16 : i32
        %add3A_179 = vector.broadcast %add3A_178 : i32 to vector<16xi32>
        %add3A_180 = arith.addi %select_n3A_174, %add3A_179 : vector<16xi32>
        %select_n3A_181 = arith.select %lt3A_177, %add3A_180, %select_n3A_174 : vector<16xi1>, vector<16xi32>
        %broadcast_in_dim3A_182 = vector.shape_cast %select_n3A_181 : vector<16xi32> to vector<16x1xi32>
        %gather3A_183 = vector.shape_cast %broadcast_in_dim3A_182 : vector<16x1xi32> to vector<16xi32>
        %gather3A_184 = tpu.dynamic_gather %get3A_41[%gather3A_183] in [0] : vector<16xi32>, vector<16xi32> -> vector<16xi32>
        %eq3A_185 = arith.cmpi eq, %gather3A_184, %get3A_41 : vector<16xi32>
        %jit3A_186 = arith.constant 1.000000e+00 : f32
        %jit3A_187 = arith.constant 0.000000e+00 : f32
        %broadcast_in_dim3A_188 = vector.broadcast %jit3A_186 : f32 to vector<16xf32>
        %broadcast_in_dim3A_189 = vector.broadcast %jit3A_187 : f32 to vector<16xf32>
        %select_n3A_190 = arith.select %eq3A_185, %broadcast_in_dim3A_188, %broadcast_in_dim3A_189 : vector<16xi1>, vector<16xf32>
        %add3A_191 = arith.addf %add3A_159, %select_n3A_190 : vector<16xf32>
        %ge3A_192 = arith.constant 11 : i32
        %ge3A_193 = vector.broadcast %ge3A_192 : i32 to vector<16xi32>
        %ge3A_194 = arith.cmpi sge, %iota3A, %ge3A_193 : vector<16xi32>
        %and3A_195 = arith.andi %eq3A_185, %ge3A_194 : vector<16xi1>
        %or3A_196 = arith.ori %or3A_164, %and3A_195 : vector<16xi1>
        %add3A_197 = arith.constant 6 : i32
        %add3A_198 = vector.broadcast %add3A_197 : i32 to vector<16xi32>
        %add3A_199 = arith.addi %iota3A, %add3A_198 : vector<16xi32>
        %ge3A_200 = arith.constant 16 : i32
        %ge3A_201 = vector.broadcast %ge3A_200 : i32 to vector<16xi32>
        %ge3A_202 = arith.cmpi sge, %add3A_199, %ge3A_201 : vector<16xi32>
        %sub3A_203 = arith.constant 16 : i32
        %sub3A_204 = vector.broadcast %sub3A_203 : i32 to vector<16xi32>
        %sub3A_205 = arith.subi %add3A_199, %sub3A_204 : vector<16xi32>
        %select_n3A_206 = arith.select %ge3A_202, %sub3A_205, %add3A_199 : vector<16xi1>, vector<16xi32>
        %lt3A_207 = arith.constant 0 : i32
        %lt3A_208 = vector.broadcast %lt3A_207 : i32 to vector<16xi32>
        %lt3A_209 = arith.cmpi slt, %select_n3A_206, %lt3A_208 : vector<16xi32>
        %add3A_210 = arith.constant 16 : i32
        %add3A_211 = vector.broadcast %add3A_210 : i32 to vector<16xi32>
        %add3A_212 = arith.addi %select_n3A_206, %add3A_211 : vector<16xi32>
        %select_n3A_213 = arith.select %lt3A_209, %add3A_212, %select_n3A_206 : vector<16xi1>, vector<16xi32>
        %broadcast_in_dim3A_214 = vector.shape_cast %select_n3A_213 : vector<16xi32> to vector<16x1xi32>
        %gather3A_215 = vector.shape_cast %broadcast_in_dim3A_214 : vector<16x1xi32> to vector<16xi32>
        %gather3A_216 = tpu.dynamic_gather %get3A_41[%gather3A_215] in [0] : vector<16xi32>, vector<16xi32> -> vector<16xi32>
        %eq3A_217 = arith.cmpi eq, %gather3A_216, %get3A_41 : vector<16xi32>
        %jit3A_218 = arith.constant 1.000000e+00 : f32
        %jit3A_219 = arith.constant 0.000000e+00 : f32
        %broadcast_in_dim3A_220 = vector.broadcast %jit3A_218 : f32 to vector<16xf32>
        %broadcast_in_dim3A_221 = vector.broadcast %jit3A_219 : f32 to vector<16xf32>
        %select_n3A_222 = arith.select %eq3A_217, %broadcast_in_dim3A_220, %broadcast_in_dim3A_221 : vector<16xi1>, vector<16xf32>
        %add3A_223 = arith.addf %add3A_191, %select_n3A_222 : vector<16xf32>
        %ge3A_224 = arith.constant 10 : i32
        %ge3A_225 = vector.broadcast %ge3A_224 : i32 to vector<16xi32>
        %ge3A_226 = arith.cmpi sge, %iota3A, %ge3A_225 : vector<16xi32>
        %and3A_227 = arith.andi %eq3A_217, %ge3A_226 : vector<16xi1>
        %or3A_228 = arith.ori %or3A_196, %and3A_227 : vector<16xi1>
        %add3A_229 = arith.constant 7 : i32
        %add3A_230 = vector.broadcast %add3A_229 : i32 to vector<16xi32>
        %add3A_231 = arith.addi %iota3A, %add3A_230 : vector<16xi32>
        %ge3A_232 = arith.constant 16 : i32
        %ge3A_233 = vector.broadcast %ge3A_232 : i32 to vector<16xi32>
        %ge3A_234 = arith.cmpi sge, %add3A_231, %ge3A_233 : vector<16xi32>
        %sub3A_235 = arith.constant 16 : i32
        %sub3A_236 = vector.broadcast %sub3A_235 : i32 to vector<16xi32>
        %sub3A_237 = arith.subi %add3A_231, %sub3A_236 : vector<16xi32>
        %select_n3A_238 = arith.select %ge3A_234, %sub3A_237, %add3A_231 : vector<16xi1>, vector<16xi32>
        %lt3A_239 = arith.constant 0 : i32
        %lt3A_240 = vector.broadcast %lt3A_239 : i32 to vector<16xi32>
        %lt3A_241 = arith.cmpi slt, %select_n3A_238, %lt3A_240 : vector<16xi32>
        %add3A_242 = arith.constant 16 : i32
        %add3A_243 = vector.broadcast %add3A_242 : i32 to vector<16xi32>
        %add3A_244 = arith.addi %select_n3A_238, %add3A_243 : vector<16xi32>
        %select_n3A_245 = arith.select %lt3A_241, %add3A_244, %select_n3A_238 : vector<16xi1>, vector<16xi32>
        %broadcast_in_dim3A_246 = vector.shape_cast %select_n3A_245 : vector<16xi32> to vector<16x1xi32>
        %gather3A_247 = vector.shape_cast %broadcast_in_dim3A_246 : vector<16x1xi32> to vector<16xi32>
        %gather3A_248 = tpu.dynamic_gather %get3A_41[%gather3A_247] in [0] : vector<16xi32>, vector<16xi32> -> vector<16xi32>
        %eq3A_249 = arith.cmpi eq, %gather3A_248, %get3A_41 : vector<16xi32>
        %jit3A_250 = arith.constant 1.000000e+00 : f32
        %jit3A_251 = arith.constant 0.000000e+00 : f32
        %broadcast_in_dim3A_252 = vector.broadcast %jit3A_250 : f32 to vector<16xf32>
        %broadcast_in_dim3A_253 = vector.broadcast %jit3A_251 : f32 to vector<16xf32>
        %select_n3A_254 = arith.select %eq3A_249, %broadcast_in_dim3A_252, %broadcast_in_dim3A_253 : vector<16xi1>, vector<16xf32>
        %add3A_255 = arith.addf %add3A_223, %select_n3A_254 : vector<16xf32>
        %ge3A_256 = arith.constant 9 : i32
        %ge3A_257 = vector.broadcast %ge3A_256 : i32 to vector<16xi32>
        %ge3A_258 = arith.cmpi sge, %iota3A, %ge3A_257 : vector<16xi32>
        %and3A_259 = arith.andi %eq3A_249, %ge3A_258 : vector<16xi1>
        %or3A_260 = arith.ori %or3A_228, %and3A_259 : vector<16xi1>
        %add3A_261 = arith.constant 8 : i32
        %add3A_262 = vector.broadcast %add3A_261 : i32 to vector<16xi32>
        %add3A_263 = arith.addi %iota3A, %add3A_262 : vector<16xi32>
        %ge3A_264 = arith.constant 16 : i32
        %ge3A_265 = vector.broadcast %ge3A_264 : i32 to vector<16xi32>
        %ge3A_266 = arith.cmpi sge, %add3A_263, %ge3A_265 : vector<16xi32>
        %sub3A_267 = arith.constant 16 : i32
        %sub3A_268 = vector.broadcast %sub3A_267 : i32 to vector<16xi32>
        %sub3A_269 = arith.subi %add3A_263, %sub3A_268 : vector<16xi32>
        %select_n3A_270 = arith.select %ge3A_266, %sub3A_269, %add3A_263 : vector<16xi1>, vector<16xi32>
        %lt3A_271 = arith.constant 0 : i32
        %lt3A_272 = vector.broadcast %lt3A_271 : i32 to vector<16xi32>
        %lt3A_273 = arith.cmpi slt, %select_n3A_270, %lt3A_272 : vector<16xi32>
        %add3A_274 = arith.constant 16 : i32
        %add3A_275 = vector.broadcast %add3A_274 : i32 to vector<16xi32>
        %add3A_276 = arith.addi %select_n3A_270, %add3A_275 : vector<16xi32>
        %select_n3A_277 = arith.select %lt3A_273, %add3A_276, %select_n3A_270 : vector<16xi1>, vector<16xi32>
        %broadcast_in_dim3A_278 = vector.shape_cast %select_n3A_277 : vector<16xi32> to vector<16x1xi32>
        %gather3A_279 = vector.shape_cast %broadcast_in_dim3A_278 : vector<16x1xi32> to vector<16xi32>
        %gather3A_280 = tpu.dynamic_gather %get3A_41[%gather3A_279] in [0] : vector<16xi32>, vector<16xi32> -> vector<16xi32>
        %eq3A_281 = arith.cmpi eq, %gather3A_280, %get3A_41 : vector<16xi32>
        %jit3A_282 = arith.constant 1.000000e+00 : f32
        %jit3A_283 = arith.constant 0.000000e+00 : f32
        %broadcast_in_dim3A_284 = vector.broadcast %jit3A_282 : f32 to vector<16xf32>
        %broadcast_in_dim3A_285 = vector.broadcast %jit3A_283 : f32 to vector<16xf32>
        %select_n3A_286 = arith.select %eq3A_281, %broadcast_in_dim3A_284, %broadcast_in_dim3A_285 : vector<16xi1>, vector<16xf32>
        %add3A_287 = arith.addf %add3A_255, %select_n3A_286 : vector<16xf32>
        %ge3A_288 = arith.constant 8 : i32
        %ge3A_289 = vector.broadcast %ge3A_288 : i32 to vector<16xi32>
        %ge3A_290 = arith.cmpi sge, %iota3A, %ge3A_289 : vector<16xi32>
        %and3A_291 = arith.andi %eq3A_281, %ge3A_290 : vector<16xi1>
        %or3A_292 = arith.ori %or3A_260, %and3A_291 : vector<16xi1>
        %add3A_293 = arith.constant 9 : i32
        %add3A_294 = vector.broadcast %add3A_293 : i32 to vector<16xi32>
        %add3A_295 = arith.addi %iota3A, %add3A_294 : vector<16xi32>
        %ge3A_296 = arith.constant 16 : i32
        %ge3A_297 = vector.broadcast %ge3A_296 : i32 to vector<16xi32>
        %ge3A_298 = arith.cmpi sge, %add3A_295, %ge3A_297 : vector<16xi32>
        %sub3A_299 = arith.constant 16 : i32
        %sub3A_300 = vector.broadcast %sub3A_299 : i32 to vector<16xi32>
        %sub3A_301 = arith.subi %add3A_295, %sub3A_300 : vector<16xi32>
        %select_n3A_302 = arith.select %ge3A_298, %sub3A_301, %add3A_295 : vector<16xi1>, vector<16xi32>
        %lt3A_303 = arith.constant 0 : i32
        %lt3A_304 = vector.broadcast %lt3A_303 : i32 to vector<16xi32>
        %lt3A_305 = arith.cmpi slt, %select_n3A_302, %lt3A_304 : vector<16xi32>
        %add3A_306 = arith.constant 16 : i32
        %add3A_307 = vector.broadcast %add3A_306 : i32 to vector<16xi32>
        %add3A_308 = arith.addi %select_n3A_302, %add3A_307 : vector<16xi32>
        %select_n3A_309 = arith.select %lt3A_305, %add3A_308, %select_n3A_302 : vector<16xi1>, vector<16xi32>
        %broadcast_in_dim3A_310 = vector.shape_cast %select_n3A_309 : vector<16xi32> to vector<16x1xi32>
        %gather3A_311 = vector.shape_cast %broadcast_in_dim3A_310 : vector<16x1xi32> to vector<16xi32>
        %gather3A_312 = tpu.dynamic_gather %get3A_41[%gather3A_311] in [0] : vector<16xi32>, vector<16xi32> -> vector<16xi32>
        %eq3A_313 = arith.cmpi eq, %gather3A_312, %get3A_41 : vector<16xi32>
        %jit3A_314 = arith.constant 1.000000e+00 : f32
        %jit3A_315 = arith.constant 0.000000e+00 : f32
        %broadcast_in_dim3A_316 = vector.broadcast %jit3A_314 : f32 to vector<16xf32>
        %broadcast_in_dim3A_317 = vector.broadcast %jit3A_315 : f32 to vector<16xf32>
        %select_n3A_318 = arith.select %eq3A_313, %broadcast_in_dim3A_316, %broadcast_in_dim3A_317 : vector<16xi1>, vector<16xf32>
        %add3A_319 = arith.addf %add3A_287, %select_n3A_318 : vector<16xf32>
        %ge3A_320 = arith.constant 7 : i32
        %ge3A_321 = vector.broadcast %ge3A_320 : i32 to vector<16xi32>
        %ge3A_322 = arith.cmpi sge, %iota3A, %ge3A_321 : vector<16xi32>
        %and3A_323 = arith.andi %eq3A_313, %ge3A_322 : vector<16xi1>
        %or3A_324 = arith.ori %or3A_292, %and3A_323 : vector<16xi1>
        %add3A_325 = arith.constant 10 : i32
        %add3A_326 = vector.broadcast %add3A_325 : i32 to vector<16xi32>
        %add3A_327 = arith.addi %iota3A, %add3A_326 : vector<16xi32>
        %ge3A_328 = arith.constant 16 : i32
        %ge3A_329 = vector.broadcast %ge3A_328 : i32 to vector<16xi32>
        %ge3A_330 = arith.cmpi sge, %add3A_327, %ge3A_329 : vector<16xi32>
        %sub3A_331 = arith.constant 16 : i32
        %sub3A_332 = vector.broadcast %sub3A_331 : i32 to vector<16xi32>
        %sub3A_333 = arith.subi %add3A_327, %sub3A_332 : vector<16xi32>
        %select_n3A_334 = arith.select %ge3A_330, %sub3A_333, %add3A_327 : vector<16xi1>, vector<16xi32>
        %lt3A_335 = arith.constant 0 : i32
        %lt3A_336 = vector.broadcast %lt3A_335 : i32 to vector<16xi32>
        %lt3A_337 = arith.cmpi slt, %select_n3A_334, %lt3A_336 : vector<16xi32>
        %add3A_338 = arith.constant 16 : i32
        %add3A_339 = vector.broadcast %add3A_338 : i32 to vector<16xi32>
        %add3A_340 = arith.addi %select_n3A_334, %add3A_339 : vector<16xi32>
        %select_n3A_341 = arith.select %lt3A_337, %add3A_340, %select_n3A_334 : vector<16xi1>, vector<16xi32>
        %broadcast_in_dim3A_342 = vector.shape_cast %select_n3A_341 : vector<16xi32> to vector<16x1xi32>
        %gather3A_343 = vector.shape_cast %broadcast_in_dim3A_342 : vector<16x1xi32> to vector<16xi32>
        %gather3A_344 = tpu.dynamic_gather %get3A_41[%gather3A_343] in [0] : vector<16xi32>, vector<16xi32> -> vector<16xi32>
        %eq3A_345 = arith.cmpi eq, %gather3A_344, %get3A_41 : vector<16xi32>
        %jit3A_346 = arith.constant 1.000000e+00 : f32
        %jit3A_347 = arith.constant 0.000000e+00 : f32
        %broadcast_in_dim3A_348 = vector.broadcast %jit3A_346 : f32 to vector<16xf32>
        %broadcast_in_dim3A_349 = vector.broadcast %jit3A_347 : f32 to vector<16xf32>
        %select_n3A_350 = arith.select %eq3A_345, %broadcast_in_dim3A_348, %broadcast_in_dim3A_349 : vector<16xi1>, vector<16xf32>
        %add3A_351 = arith.addf %add3A_319, %select_n3A_350 : vector<16xf32>
        %ge3A_352 = arith.constant 6 : i32
        %ge3A_353 = vector.broadcast %ge3A_352 : i32 to vector<16xi32>
        %ge3A_354 = arith.cmpi sge, %iota3A, %ge3A_353 : vector<16xi32>
        %and3A_355 = arith.andi %eq3A_345, %ge3A_354 : vector<16xi1>
        %or3A_356 = arith.ori %or3A_324, %and3A_355 : vector<16xi1>
        %add3A_357 = arith.constant 11 : i32
        %add3A_358 = vector.broadcast %add3A_357 : i32 to vector<16xi32>
        %add3A_359 = arith.addi %iota3A, %add3A_358 : vector<16xi32>
        %ge3A_360 = arith.constant 16 : i32
        %ge3A_361 = vector.broadcast %ge3A_360 : i32 to vector<16xi32>
        %ge3A_362 = arith.cmpi sge, %add3A_359, %ge3A_361 : vector<16xi32>
        %sub3A_363 = arith.constant 16 : i32
        %sub3A_364 = vector.broadcast %sub3A_363 : i32 to vector<16xi32>
        %sub3A_365 = arith.subi %add3A_359, %sub3A_364 : vector<16xi32>
        %select_n3A_366 = arith.select %ge3A_362, %sub3A_365, %add3A_359 : vector<16xi1>, vector<16xi32>
        %lt3A_367 = arith.constant 0 : i32
        %lt3A_368 = vector.broadcast %lt3A_367 : i32 to vector<16xi32>
        %lt3A_369 = arith.cmpi slt, %select_n3A_366, %lt3A_368 : vector<16xi32>
        %add3A_370 = arith.constant 16 : i32
        %add3A_371 = vector.broadcast %add3A_370 : i32 to vector<16xi32>
        %add3A_372 = arith.addi %select_n3A_366, %add3A_371 : vector<16xi32>
        %select_n3A_373 = arith.select %lt3A_369, %add3A_372, %select_n3A_366 : vector<16xi1>, vector<16xi32>
        %broadcast_in_dim3A_374 = vector.shape_cast %select_n3A_373 : vector<16xi32> to vector<16x1xi32>
        %gather3A_375 = vector.shape_cast %broadcast_in_dim3A_374 : vector<16x1xi32> to vector<16xi32>
        %gather3A_376 = tpu.dynamic_gather %get3A_41[%gather3A_375] in [0] : vector<16xi32>, vector<16xi32> -> vector<16xi32>
        %eq3A_377 = arith.cmpi eq, %gather3A_376, %get3A_41 : vector<16xi32>
        %jit3A_378 = arith.constant 1.000000e+00 : f32
        %jit3A_379 = arith.constant 0.000000e+00 : f32
        %broadcast_in_dim3A_380 = vector.broadcast %jit3A_378 : f32 to vector<16xf32>
        %broadcast_in_dim3A_381 = vector.broadcast %jit3A_379 : f32 to vector<16xf32>
        %select_n3A_382 = arith.select %eq3A_377, %broadcast_in_dim3A_380, %broadcast_in_dim3A_381 : vector<16xi1>, vector<16xf32>
        %add3A_383 = arith.addf %add3A_351, %select_n3A_382 : vector<16xf32>
        %ge3A_384 = arith.constant 5 : i32
        %ge3A_385 = vector.broadcast %ge3A_384 : i32 to vector<16xi32>
        %ge3A_386 = arith.cmpi sge, %iota3A, %ge3A_385 : vector<16xi32>
        %and3A_387 = arith.andi %eq3A_377, %ge3A_386 : vector<16xi1>
        %or3A_388 = arith.ori %or3A_356, %and3A_387 : vector<16xi1>
        %add3A_389 = arith.constant 12 : i32
        %add3A_390 = vector.broadcast %add3A_389 : i32 to vector<16xi32>
        %add3A_391 = arith.addi %iota3A, %add3A_390 : vector<16xi32>
        %ge3A_392 = arith.constant 16 : i32
        %ge3A_393 = vector.broadcast %ge3A_392 : i32 to vector<16xi32>
        %ge3A_394 = arith.cmpi sge, %add3A_391, %ge3A_393 : vector<16xi32>
        %sub3A_395 = arith.constant 16 : i32
        %sub3A_396 = vector.broadcast %sub3A_395 : i32 to vector<16xi32>
        %sub3A_397 = arith.subi %add3A_391, %sub3A_396 : vector<16xi32>
        %select_n3A_398 = arith.select %ge3A_394, %sub3A_397, %add3A_391 : vector<16xi1>, vector<16xi32>
        %lt3A_399 = arith.constant 0 : i32
        %lt3A_400 = vector.broadcast %lt3A_399 : i32 to vector<16xi32>
        %lt3A_401 = arith.cmpi slt, %select_n3A_398, %lt3A_400 : vector<16xi32>
        %add3A_402 = arith.constant 16 : i32
        %add3A_403 = vector.broadcast %add3A_402 : i32 to vector<16xi32>
        %add3A_404 = arith.addi %select_n3A_398, %add3A_403 : vector<16xi32>
        %select_n3A_405 = arith.select %lt3A_401, %add3A_404, %select_n3A_398 : vector<16xi1>, vector<16xi32>
        %broadcast_in_dim3A_406 = vector.shape_cast %select_n3A_405 : vector<16xi32> to vector<16x1xi32>
        %gather3A_407 = vector.shape_cast %broadcast_in_dim3A_406 : vector<16x1xi32> to vector<16xi32>
        %gather3A_408 = tpu.dynamic_gather %get3A_41[%gather3A_407] in [0] : vector<16xi32>, vector<16xi32> -> vector<16xi32>
        %eq3A_409 = arith.cmpi eq, %gather3A_408, %get3A_41 : vector<16xi32>
        %jit3A_410 = arith.constant 1.000000e+00 : f32
        %jit3A_411 = arith.constant 0.000000e+00 : f32
        %broadcast_in_dim3A_412 = vector.broadcast %jit3A_410 : f32 to vector<16xf32>
        %broadcast_in_dim3A_413 = vector.broadcast %jit3A_411 : f32 to vector<16xf32>
        %select_n3A_414 = arith.select %eq3A_409, %broadcast_in_dim3A_412, %broadcast_in_dim3A_413 : vector<16xi1>, vector<16xf32>
        %add3A_415 = arith.addf %add3A_383, %select_n3A_414 : vector<16xf32>
        %ge3A_416 = arith.constant 4 : i32
        %ge3A_417 = vector.broadcast %ge3A_416 : i32 to vector<16xi32>
        %ge3A_418 = arith.cmpi sge, %iota3A, %ge3A_417 : vector<16xi32>
        %and3A_419 = arith.andi %eq3A_409, %ge3A_418 : vector<16xi1>
        %or3A_420 = arith.ori %or3A_388, %and3A_419 : vector<16xi1>
        %add3A_421 = arith.constant 13 : i32
        %add3A_422 = vector.broadcast %add3A_421 : i32 to vector<16xi32>
        %add3A_423 = arith.addi %iota3A, %add3A_422 : vector<16xi32>
        %ge3A_424 = arith.constant 16 : i32
        %ge3A_425 = vector.broadcast %ge3A_424 : i32 to vector<16xi32>
        %ge3A_426 = arith.cmpi sge, %add3A_423, %ge3A_425 : vector<16xi32>
        %sub3A_427 = arith.constant 16 : i32
        %sub3A_428 = vector.broadcast %sub3A_427 : i32 to vector<16xi32>
        %sub3A_429 = arith.subi %add3A_423, %sub3A_428 : vector<16xi32>
        %select_n3A_430 = arith.select %ge3A_426, %sub3A_429, %add3A_423 : vector<16xi1>, vector<16xi32>
        %lt3A_431 = arith.constant 0 : i32
        %lt3A_432 = vector.broadcast %lt3A_431 : i32 to vector<16xi32>
        %lt3A_433 = arith.cmpi slt, %select_n3A_430, %lt3A_432 : vector<16xi32>
        %add3A_434 = arith.constant 16 : i32
        %add3A_435 = vector.broadcast %add3A_434 : i32 to vector<16xi32>
        %add3A_436 = arith.addi %select_n3A_430, %add3A_435 : vector<16xi32>
        %select_n3A_437 = arith.select %lt3A_433, %add3A_436, %select_n3A_430 : vector<16xi1>, vector<16xi32>
        %broadcast_in_dim3A_438 = vector.shape_cast %select_n3A_437 : vector<16xi32> to vector<16x1xi32>
        %gather3A_439 = vector.shape_cast %broadcast_in_dim3A_438 : vector<16x1xi32> to vector<16xi32>
        %gather3A_440 = tpu.dynamic_gather %get3A_41[%gather3A_439] in [0] : vector<16xi32>, vector<16xi32> -> vector<16xi32>
        %eq3A_441 = arith.cmpi eq, %gather3A_440, %get3A_41 : vector<16xi32>
        %jit3A_442 = arith.constant 1.000000e+00 : f32
        %jit3A_443 = arith.constant 0.000000e+00 : f32
        %broadcast_in_dim3A_444 = vector.broadcast %jit3A_442 : f32 to vector<16xf32>
        %broadcast_in_dim3A_445 = vector.broadcast %jit3A_443 : f32 to vector<16xf32>
        %select_n3A_446 = arith.select %eq3A_441, %broadcast_in_dim3A_444, %broadcast_in_dim3A_445 : vector<16xi1>, vector<16xf32>
        %add3A_447 = arith.addf %add3A_415, %select_n3A_446 : vector<16xf32>
        %ge3A_448 = arith.constant 3 : i32
        %ge3A_449 = vector.broadcast %ge3A_448 : i32 to vector<16xi32>
        %ge3A_450 = arith.cmpi sge, %iota3A, %ge3A_449 : vector<16xi32>
        %and3A_451 = arith.andi %eq3A_441, %ge3A_450 : vector<16xi1>
        %or3A_452 = arith.ori %or3A_420, %and3A_451 : vector<16xi1>
        %add3A_453 = arith.constant 14 : i32
        %add3A_454 = vector.broadcast %add3A_453 : i32 to vector<16xi32>
        %add3A_455 = arith.addi %iota3A, %add3A_454 : vector<16xi32>
        %ge3A_456 = arith.constant 16 : i32
        %ge3A_457 = vector.broadcast %ge3A_456 : i32 to vector<16xi32>
        %ge3A_458 = arith.cmpi sge, %add3A_455, %ge3A_457 : vector<16xi32>
        %sub3A_459 = arith.constant 16 : i32
        %sub3A_460 = vector.broadcast %sub3A_459 : i32 to vector<16xi32>
        %sub3A_461 = arith.subi %add3A_455, %sub3A_460 : vector<16xi32>
        %select_n3A_462 = arith.select %ge3A_458, %sub3A_461, %add3A_455 : vector<16xi1>, vector<16xi32>
        %lt3A_463 = arith.constant 0 : i32
        %lt3A_464 = vector.broadcast %lt3A_463 : i32 to vector<16xi32>
        %lt3A_465 = arith.cmpi slt, %select_n3A_462, %lt3A_464 : vector<16xi32>
        %add3A_466 = arith.constant 16 : i32
        %add3A_467 = vector.broadcast %add3A_466 : i32 to vector<16xi32>
        %add3A_468 = arith.addi %select_n3A_462, %add3A_467 : vector<16xi32>
        %select_n3A_469 = arith.select %lt3A_465, %add3A_468, %select_n3A_462 : vector<16xi1>, vector<16xi32>
        %broadcast_in_dim3A_470 = vector.shape_cast %select_n3A_469 : vector<16xi32> to vector<16x1xi32>
        %gather3A_471 = vector.shape_cast %broadcast_in_dim3A_470 : vector<16x1xi32> to vector<16xi32>
        %gather3A_472 = tpu.dynamic_gather %get3A_41[%gather3A_471] in [0] : vector<16xi32>, vector<16xi32> -> vector<16xi32>
        %eq3A_473 = arith.cmpi eq, %gather3A_472, %get3A_41 : vector<16xi32>
        %jit3A_474 = arith.constant 1.000000e+00 : f32
        %jit3A_475 = arith.constant 0.000000e+00 : f32
        %broadcast_in_dim3A_476 = vector.broadcast %jit3A_474 : f32 to vector<16xf32>
        %broadcast_in_dim3A_477 = vector.broadcast %jit3A_475 : f32 to vector<16xf32>
        %select_n3A_478 = arith.select %eq3A_473, %broadcast_in_dim3A_476, %broadcast_in_dim3A_477 : vector<16xi1>, vector<16xf32>
        %add3A_479 = arith.addf %add3A_447, %select_n3A_478 : vector<16xf32>
        %ge3A_480 = arith.constant 2 : i32
        %ge3A_481 = vector.broadcast %ge3A_480 : i32 to vector<16xi32>
        %ge3A_482 = arith.cmpi sge, %iota3A, %ge3A_481 : vector<16xi32>
        %and3A_483 = arith.andi %eq3A_473, %ge3A_482 : vector<16xi1>
        %or3A_484 = arith.ori %or3A_452, %and3A_483 : vector<16xi1>
        %add3A_485 = arith.constant 15 : i32
        %add3A_486 = vector.broadcast %add3A_485 : i32 to vector<16xi32>
        %add3A_487 = arith.addi %iota3A, %add3A_486 : vector<16xi32>
        %ge3A_488 = arith.constant 16 : i32
        %ge3A_489 = vector.broadcast %ge3A_488 : i32 to vector<16xi32>
        %ge3A_490 = arith.cmpi sge, %add3A_487, %ge3A_489 : vector<16xi32>
        %sub3A_491 = arith.constant 16 : i32
        %sub3A_492 = vector.broadcast %sub3A_491 : i32 to vector<16xi32>
        %sub3A_493 = arith.subi %add3A_487, %sub3A_492 : vector<16xi32>
        %select_n3A_494 = arith.select %ge3A_490, %sub3A_493, %add3A_487 : vector<16xi1>, vector<16xi32>
        %lt3A_495 = arith.constant 0 : i32
        %lt3A_496 = vector.broadcast %lt3A_495 : i32 to vector<16xi32>
        %lt3A_497 = arith.cmpi slt, %select_n3A_494, %lt3A_496 : vector<16xi32>
        %add3A_498 = arith.constant 16 : i32
        %add3A_499 = vector.broadcast %add3A_498 : i32 to vector<16xi32>
        %add3A_500 = arith.addi %select_n3A_494, %add3A_499 : vector<16xi32>
        %select_n3A_501 = arith.select %lt3A_497, %add3A_500, %select_n3A_494 : vector<16xi1>, vector<16xi32>
        %broadcast_in_dim3A_502 = vector.shape_cast %select_n3A_501 : vector<16xi32> to vector<16x1xi32>
        %gather3A_503 = vector.shape_cast %broadcast_in_dim3A_502 : vector<16x1xi32> to vector<16xi32>
        %gather3A_504 = tpu.dynamic_gather %get3A_41[%gather3A_503] in [0] : vector<16xi32>, vector<16xi32> -> vector<16xi32>
        %eq3A_505 = arith.cmpi eq, %gather3A_504, %get3A_41 : vector<16xi32>
        %jit3A_506 = arith.constant 1.000000e+00 : f32
        %jit3A_507 = arith.constant 0.000000e+00 : f32
        %broadcast_in_dim3A_508 = vector.broadcast %jit3A_506 : f32 to vector<16xf32>
        %broadcast_in_dim3A_509 = vector.broadcast %jit3A_507 : f32 to vector<16xf32>
        %select_n3A_510 = arith.select %eq3A_505, %broadcast_in_dim3A_508, %broadcast_in_dim3A_509 : vector<16xi1>, vector<16xf32>
        %add3A_511 = arith.addf %add3A_479, %select_n3A_510 : vector<16xf32>
        %ge3A_512 = arith.constant 1 : i32
        %ge3A_513 = vector.broadcast %ge3A_512 : i32 to vector<16xi32>
        %ge3A_514 = arith.cmpi sge, %iota3A, %ge3A_513 : vector<16xi32>
        %and3A_515 = arith.andi %eq3A_505, %ge3A_514 : vector<16xi1>
        %or3A_516 = arith.ori %or3A_484, %and3A_515 : vector<16xi1>
        %not3A = arith.constant dense<true> : vector<16xi1>
        %not3A_517 = arith.xori %or3A_516, %not3A : vector<16xi1>
        tpu.vector_store_idx %arg8[%get3A_41], %add3A_511 masked %not3A_517 {add = true} : memref<8192xf32, #tpu.memory_space<vmem>>[vector<16xi32>], vector<16xf32>, vector<16xi1>
      }
      %scan3A_34 = arith.constant 8 : i32
    }
    %scan3A_9 = arith.constant 4 : i32
    "tpu.region"() ({
      %run_scoped3A = tpu.sem_alloc : memref<!tpu.dma_semaphore, #tpu.memory_space<semaphore_mem>>
      %dma_start3A = arith.constant 0 : i32
      %dma_start3A_10 = tpu.memref_slice %arg5[%add3A, %dma_start3A] : memref<32x8192xf32, #tpu.memory_space<hbm>> -> memref<1x8192xf32, #tpu.memory_space<hbm>>
      %dma_start3A_11 = tpu.memref_squeeze %dma_start3A_10 : memref<1x8192xf32, #tpu.memory_space<hbm>> -> memref<8192xf32, #tpu.memory_space<hbm>>
      %dma_start3A_12 = arith.constant 0 : i32
      %dma_start3A_13 = tpu.memref_slice %arg5[%add3A, %dma_start3A_12] : memref<32x8192xf32, #tpu.memory_space<hbm>> -> memref<1x8192xf32, #tpu.memory_space<hbm>>
      %dma_start3A_14 = tpu.memref_squeeze %dma_start3A_13 : memref<1x8192xf32, #tpu.memory_space<hbm>> -> memref<8192xf32, #tpu.memory_space<hbm>>
      tpu.enqueue_dma source(%arg8 : memref<8192xf32, #tpu.memory_space<vmem>>) target(%dma_start3A_14 : memref<8192xf32, #tpu.memory_space<hbm>>) target_semaphore(%run_scoped3A : memref<!tpu.dma_semaphore, #tpu.memory_space<semaphore_mem>>)
      %dma_wait3A = arith.constant 0 : i32
      %dma_wait3A_15 = tpu.memref_slice %arg5[%add3A, %dma_wait3A] : memref<32x8192xf32, #tpu.memory_space<hbm>> -> memref<1x8192xf32, #tpu.memory_space<hbm>>
      %dma_wait3A_16 = tpu.memref_squeeze %dma_wait3A_15 : memref<1x8192xf32, #tpu.memory_space<hbm>> -> memref<8192xf32, #tpu.memory_space<hbm>>
      %dma_wait3A_17 = arith.constant 0 : i32
      %dma_wait3A_18 = tpu.memref_slice %arg5[%add3A, %dma_wait3A_17] : memref<32x8192xf32, #tpu.memory_space<hbm>> -> memref<1x8192xf32, #tpu.memory_space<hbm>>
      %dma_wait3A_19 = tpu.memref_squeeze %dma_wait3A_18 : memref<1x8192xf32, #tpu.memory_space<hbm>> -> memref<8192xf32, #tpu.memory_space<hbm>>
      tpu.wait_dma2 semaphore(%run_scoped3A : memref<!tpu.dma_semaphore, #tpu.memory_space<semaphore_mem>>) src(%arg8 : memref<8192xf32, #tpu.memory_space<vmem>>) dst(%dma_wait3A_19 : memref<8192xf32, #tpu.memory_space<hbm>>)
      tpu.yield
    }) : () -> ()
    return
  }
}

#map = affine_map<(d0, d1) -> (0, 0)>
#map1 = affine_map<(d0, d1) -> (0, 0, 0)>
module attributes {stable_mosaic.version = 14 : i64} {
  func.func @_sc_body(%arg0: i32, %arg1: i32, %arg2: memref<8192x256xf32, #tpu.memory_space<hbm>>, %arg3: memref<32x4x128xi32, #tpu.memory_space<hbm>>, %arg4: memref<16384x256xf32, #tpu.memory_space<hbm>>, %arg5: memref<32x8192xf32, #tpu.memory_space<hbm>>, %arg6: memref<4x128xi32, #tpu.memory_space<vmem>>, %arg7: memref<128x256xf32, #tpu.memory_space<vmem>>, %arg8: memref<8192xf32, #tpu.memory_space<vmem>>, %arg9: memref<!tpu.dma_semaphore, #tpu.memory_space<semaphore_mem>>) attributes {dimension_semantics = [#tpu.dimension_semantics<core_parallel>, #tpu.dimension_semantics<subcore_parallel>], iteration_bounds = array<i64: 2, 16>, scalar_prefetch = 0 : i64, scratch_operands = 4 : i64, tpu.core_type = #tpu.core_type<sc_vector_subcore>, window_params = [{transform_indices = #map}, {transform_indices = #map1}, {transform_indices = #map}, {transform_indices = #map}]} {
    %mul3A = arith.constant 2 : i32
    %mul3A_0 = arith.muli %arg1, %mul3A : i32
    %add3A = arith.addi %mul3A_0, %arg0 : i32
    %scan3A = arith.constant 0 : i32
    %scan3A_1 = arith.constant 512 : i32
    %scan3A_2 = arith.addi %scan3A, %scan3A_1 : i32
    %scan3A_3 = arith.constant 1 : i32
    scf.for %scan3A_10 = %scan3A to %scan3A_2 step %scan3A_3  : i32 {
      %mul3A_11 = arith.constant 16 : i32
      %mul3A_12 = arith.muli %scan3A_10, %mul3A_11 : i32
      %add3A_13 = arith.constant 0 : i32
      %add3A_14 = arith.addi %add3A_13, %mul3A_12 : i32
      %broadcast_in_dim3A = arith.constant 0.000000e+00 : f32
      %broadcast_in_dim3A_15 = vector.broadcast %broadcast_in_dim3A : f32 to vector<16xf32>
      %swap3A = arith.index_cast %add3A_14 : i32 to index
      %swap3A_16 = tpu.vector_load %arg8[%swap3A] {strides = array<i32>} : memref<8192xf32, #tpu.memory_space<vmem>>, vector<16xf32>,
      tpu.vector_store %arg8[%swap3A], %broadcast_in_dim3A_15 {strides = array<i32>} : memref<8192xf32, #tpu.memory_space<vmem>>, vector<16xf32>,
    }
    %scan3A_4 = arith.constant 512 : i32
    "tpu.region"() ({
      %run_scoped3A = tpu.sem_alloc : memref<!tpu.dma_semaphore, #tpu.memory_space<semaphore_mem>>
      %dma_start3A = arith.constant 0 : i32
      %dma_start3A_10 = arith.constant 0 : i32
      %dma_start3A_11 = tpu.memref_slice %arg3[%add3A, %dma_start3A, %dma_start3A_10] : memref<32x4x128xi32, #tpu.memory_space<hbm>> -> memref<1x4x128xi32, #tpu.memory_space<hbm>>
      %dma_start3A_12 = tpu.memref_squeeze %dma_start3A_11 : memref<1x4x128xi32, #tpu.memory_space<hbm>> -> memref<4x128xi32, #tpu.memory_space<hbm>>
      %dma_start3A_13 = arith.constant 0 : i32
      %dma_start3A_14 = arith.constant 0 : i32
      %dma_start3A_15 = tpu.memref_slice %arg3[%add3A, %dma_start3A_13, %dma_start3A_14] : memref<32x4x128xi32, #tpu.memory_space<hbm>> -> memref<1x4x128xi32, #tpu.memory_space<hbm>>
      %dma_start3A_16 = tpu.memref_squeeze %dma_start3A_15 : memref<1x4x128xi32, #tpu.memory_space<hbm>> -> memref<4x128xi32, #tpu.memory_space<hbm>>
      tpu.enqueue_dma source(%dma_start3A_16 : memref<4x128xi32, #tpu.memory_space<hbm>>) target(%arg6 : memref<4x128xi32, #tpu.memory_space<vmem>>) target_semaphore(%run_scoped3A : memref<!tpu.dma_semaphore, #tpu.memory_space<semaphore_mem>>)
      %dma_wait3A = arith.constant 0 : i32
      %dma_wait3A_17 = arith.constant 0 : i32
      %dma_wait3A_18 = tpu.memref_slice %arg3[%add3A, %dma_wait3A, %dma_wait3A_17] : memref<32x4x128xi32, #tpu.memory_space<hbm>> -> memref<1x4x128xi32, #tpu.memory_space<hbm>>
      %dma_wait3A_19 = tpu.memref_squeeze %dma_wait3A_18 : memref<1x4x128xi32, #tpu.memory_space<hbm>> -> memref<4x128xi32, #tpu.memory_space<hbm>>
      %dma_wait3A_20 = arith.constant 0 : i32
      %dma_wait3A_21 = arith.constant 0 : i32
      %dma_wait3A_22 = tpu.memref_slice %arg3[%add3A, %dma_wait3A_20, %dma_wait3A_21] : memref<32x4x128xi32, #tpu.memory_space<hbm>> -> memref<1x4x128xi32, #tpu.memory_space<hbm>>
      %dma_wait3A_23 = tpu.memref_squeeze %dma_wait3A_22 : memref<1x4x128xi32, #tpu.memory_space<hbm>> -> memref<4x128xi32, #tpu.memory_space<hbm>>
      tpu.wait_dma2 semaphore(%run_scoped3A : memref<!tpu.dma_semaphore, #tpu.memory_space<semaphore_mem>>) src(%dma_wait3A_23 : memref<4x128xi32, #tpu.memory_space<hbm>>) dst(%arg6 : memref<4x128xi32, #tpu.memory_space<vmem>>)
      tpu.yield
    }) : () -> ()
    %iota3A = tpu.iota {dimensions = array<i32: 0>} : vector<16xi32>
    %scan3A_5 = arith.constant 0 : i32
    %scan3A_6 = arith.constant 4 : i32
    %scan3A_7 = arith.addi %scan3A_5, %scan3A_6 : i32
    %scan3A_8 = arith.constant 1 : i32
    scf.for %scan3A_10 = %scan3A_5 to %scan3A_7 step %scan3A_8  : i32 {
      %mul3A_11 = arith.constant 1 : i32
      %mul3A_12 = arith.muli %scan3A_10, %mul3A_11 : i32
      %add3A_13 = arith.constant 0 : i32
      %add3A_14 = arith.addi %add3A_13, %mul3A_12 : i32
      %mul3A_15 = arith.constant 512 : i32
      %mul3A_16 = arith.muli %add3A, %mul3A_15 : i32
      %mul3A_17 = arith.constant 128 : i32
      %mul3A_18 = arith.muli %add3A_14, %mul3A_17 : i32
      %add3A_19 = arith.addi %mul3A_16, %mul3A_18 : i32
      %dma_start3A = arith.constant 0 : i32
      %dma_start3A_20 = tpu.memref_slice %arg6[%add3A_14, %dma_start3A] : memref<4x128xi32, #tpu.memory_space<vmem>> -> memref<1x128xi32, #tpu.memory_space<vmem>>
      %dma_start3A_21 = tpu.memref_squeeze %dma_start3A_20 : memref<1x128xi32, #tpu.memory_space<vmem>> -> memref<128xi32, #tpu.memory_space<vmem>>
      %dma_start3A_22 = arith.constant 0 : i32
      %dma_start3A_23 = arith.constant 0 : i32
      %dma_start3A_24 = tpu.memref_slice %arg2[%dma_start3A_22, %dma_start3A_23] : memref<8192x256xf32, #tpu.memory_space<hbm>> -> memref<8192x256xf32, #tpu.memory_space<hbm>>
      tpu.enqueue_indirect_dma source(%dma_start3A_24 : memref<8192x256xf32, #tpu.memory_space<hbm>>) target(%arg7 : memref<128x256xf32, #tpu.memory_space<vmem>>) offsets(%dma_start3A_21 : memref<128xi32, #tpu.memory_space<vmem>>) semaphore(%arg9 : memref<!tpu.dma_semaphore, #tpu.memory_space<semaphore_mem>>)
      %dma_wait3A = arith.constant 0 : i32
      %dma_wait3A_25 = tpu.memref_slice %arg6[%add3A_14, %dma_wait3A] : memref<4x128xi32, #tpu.memory_space<vmem>> -> memref<1x128xi32, #tpu.memory_space<vmem>>
      %dma_wait3A_26 = tpu.memref_squeeze %dma_wait3A_25 : memref<1x128xi32, #tpu.memory_space<vmem>> -> memref<128xi32, #tpu.memory_space<vmem>>
      %dma_wait3A_27 = arith.constant 0 : i32
      %dma_wait3A_28 = arith.constant 0 : i32
      %dma_wait3A_29 = tpu.memref_slice %arg2[%dma_wait3A_27, %dma_wait3A_28] : memref<8192x256xf32, #tpu.memory_space<hbm>> -> memref<8192x256xf32, #tpu.memory_space<hbm>>
      tpu.wait_indirect_dma semaphore(%arg9 : memref<!tpu.dma_semaphore, #tpu.memory_space<semaphore_mem>>) src(%dma_wait3A_29 : memref<8192x256xf32, #tpu.memory_space<hbm>>) dst(%arg7 : memref<128x256xf32, #tpu.memory_space<vmem>>)
      "tpu.region"() ({
        %run_scoped3A = tpu.sem_alloc : memref<!tpu.dma_semaphore, #tpu.memory_space<semaphore_mem>>
        %dma_start3A_35 = arith.constant 0 : i32
        %dma_start3A_36 = tpu.memref_slice %arg4[%add3A_19, %dma_start3A_35] : memref<16384x256xf32, #tpu.memory_space<hbm>> -> memref<128x256xf32, #tpu.memory_space<hbm>>
        %dma_start3A_37 = arith.constant 0 : i32
        %dma_start3A_38 = tpu.memref_slice %arg4[%add3A_19, %dma_start3A_37] : memref<16384x256xf32, #tpu.memory_space<hbm>> -> memref<128x256xf32, #tpu.memory_space<hbm>>
        tpu.enqueue_dma source(%arg7 : memref<128x256xf32, #tpu.memory_space<vmem>>) target(%dma_start3A_38 : memref<128x256xf32, #tpu.memory_space<hbm>>) target_semaphore(%run_scoped3A : memref<!tpu.dma_semaphore, #tpu.memory_space<semaphore_mem>>)
        %dma_wait3A_39 = arith.constant 0 : i32
        %dma_wait3A_40 = tpu.memref_slice %arg4[%add3A_19, %dma_wait3A_39] : memref<16384x256xf32, #tpu.memory_space<hbm>> -> memref<128x256xf32, #tpu.memory_space<hbm>>
        %dma_wait3A_41 = arith.constant 0 : i32
        %dma_wait3A_42 = tpu.memref_slice %arg4[%add3A_19, %dma_wait3A_41] : memref<16384x256xf32, #tpu.memory_space<hbm>> -> memref<128x256xf32, #tpu.memory_space<hbm>>
        tpu.wait_dma2 semaphore(%run_scoped3A : memref<!tpu.dma_semaphore, #tpu.memory_space<semaphore_mem>>) src(%arg7 : memref<128x256xf32, #tpu.memory_space<vmem>>) dst(%dma_wait3A_42 : memref<128x256xf32, #tpu.memory_space<hbm>>)
        tpu.yield
      }) : () -> ()
      %scan3A_30 = arith.constant 0 : i32
      %scan3A_31 = arith.constant 8 : i32
      %scan3A_32 = arith.addi %scan3A_30, %scan3A_31 : i32
      %scan3A_33 = arith.constant 1 : i32
      scf.for %scan3A_35 = %scan3A_30 to %scan3A_32 step %scan3A_33  : i32 {
        %mul3A_36 = arith.constant 16 : i32
        %mul3A_37 = arith.muli %scan3A_35, %mul3A_36 : i32
        %add3A_38 = arith.constant 0 : i32
        %add3A_39 = arith.addi %add3A_38, %mul3A_37 : i32
        %get3A = arith.index_cast %add3A_14 : i32 to index
        %get3A_40 = arith.index_cast %add3A_39 : i32 to index
        %get3A_41 = tpu.vector_load %arg6[%get3A, %get3A_40] {strides = array<i32>} : memref<4x128xi32, #tpu.memory_space<vmem>>, vector<16xi32>,
        %broadcast_in_dim3A = arith.constant 1.000000e+00 : f32
        %broadcast_in_dim3A_42 = vector.broadcast %broadcast_in_dim3A : f32 to vector<16xf32>
        %lt3A = arith.constant 0 : i32
        %lt3A_43 = vector.broadcast %lt3A : i32 to vector<16xi32>
        %lt3A_44 = arith.cmpi slt, %iota3A, %lt3A_43 : vector<16xi32>
        %add3A_45 = arith.constant 1 : i32
        %add3A_46 = vector.broadcast %add3A_45 : i32 to vector<16xi32>
        %add3A_47 = arith.addi %iota3A, %add3A_46 : vector<16xi32>
        %ge3A = arith.constant 16 : i32
        %ge3A_48 = vector.broadcast %ge3A : i32 to vector<16xi32>
        %ge3A_49 = arith.cmpi sge, %add3A_47, %ge3A_48 : vector<16xi32>
        %sub3A = arith.constant 16 : i32
        %sub3A_50 = vector.broadcast %sub3A : i32 to vector<16xi32>
        %sub3A_51 = arith.subi %add3A_47, %sub3A_50 : vector<16xi32>
        %select_n3A = arith.select %ge3A_49, %sub3A_51, %add3A_47 : vector<16xi1>, vector<16xi32>
        %lt3A_52 = arith.constant 0 : i32
        %lt3A_53 = vector.broadcast %lt3A_52 : i32 to vector<16xi32>
        %lt3A_54 = arith.cmpi slt, %select_n3A, %lt3A_53 : vector<16xi32>
        %add3A_55 = arith.constant 16 : i32
        %add3A_56 = vector.broadcast %add3A_55 : i32 to vector<16xi32>
        %add3A_57 = arith.addi %select_n3A, %add3A_56 : vector<16xi32>
        %select_n3A_58 = arith.select %lt3A_54, %add3A_57, %select_n3A : vector<16xi1>, vector<16xi32>
        %broadcast_in_dim3A_59 = vector.shape_cast %select_n3A_58 : vector<16xi32> to vector<16x1xi32>
        %gather3A = vector.shape_cast %broadcast_in_dim3A_59 : vector<16x1xi32> to vector<16xi32>
        %gather3A_60 = tpu.dynamic_gather %get3A_41[%gather3A] in [0] : vector<16xi32>, vector<16xi32> -> vector<16xi32>
        %eq3A = arith.cmpi eq, %gather3A_60, %get3A_41 : vector<16xi32>
        %jit3A = arith.constant 1.000000e+00 : f32
        %jit3A_61 = arith.constant 0.000000e+00 : f32
        %broadcast_in_dim3A_62 = vector.broadcast %jit3A : f32 to vector<16xf32>
        %broadcast_in_dim3A_63 = vector.broadcast %jit3A_61 : f32 to vector<16xf32>
        %select_n3A_64 = arith.select %eq3A, %broadcast_in_dim3A_62, %broadcast_in_dim3A_63 : vector<16xi1>, vector<16xf32>
        %add3A_65 = arith.addf %broadcast_in_dim3A_42, %select_n3A_64 : vector<16xf32>
        %ge3A_66 = arith.constant 15 : i32
        %ge3A_67 = vector.broadcast %ge3A_66 : i32 to vector<16xi32>
        %ge3A_68 = arith.cmpi sge, %iota3A, %ge3A_67 : vector<16xi32>
        %and3A = arith.andi %eq3A, %ge3A_68 : vector<16xi1>
        %or3A = arith.ori %lt3A_44, %and3A : vector<16xi1>
        %add3A_69 = arith.constant 2 : i32
        %add3A_70 = vector.broadcast %add3A_69 : i32 to vector<16xi32>
        %add3A_71 = arith.addi %iota3A, %add3A_70 : vector<16xi32>
        %ge3A_72 = arith.constant 16 : i32
        %ge3A_73 = vector.broadcast %ge3A_72 : i32 to vector<16xi32>
        %ge3A_74 = arith.cmpi sge, %add3A_71, %ge3A_73 : vector<16xi32>
        %sub3A_75 = arith.constant 16 : i32
        %sub3A_76 = vector.broadcast %sub3A_75 : i32 to vector<16xi32>
        %sub3A_77 = arith.subi %add3A_71, %sub3A_76 : vector<16xi32>
        %select_n3A_78 = arith.select %ge3A_74, %sub3A_77, %add3A_71 : vector<16xi1>, vector<16xi32>
        %lt3A_79 = arith.constant 0 : i32
        %lt3A_80 = vector.broadcast %lt3A_79 : i32 to vector<16xi32>
        %lt3A_81 = arith.cmpi slt, %select_n3A_78, %lt3A_80 : vector<16xi32>
        %add3A_82 = arith.constant 16 : i32
        %add3A_83 = vector.broadcast %add3A_82 : i32 to vector<16xi32>
        %add3A_84 = arith.addi %select_n3A_78, %add3A_83 : vector<16xi32>
        %select_n3A_85 = arith.select %lt3A_81, %add3A_84, %select_n3A_78 : vector<16xi1>, vector<16xi32>
        %broadcast_in_dim3A_86 = vector.shape_cast %select_n3A_85 : vector<16xi32> to vector<16x1xi32>
        %gather3A_87 = vector.shape_cast %broadcast_in_dim3A_86 : vector<16x1xi32> to vector<16xi32>
        %gather3A_88 = tpu.dynamic_gather %get3A_41[%gather3A_87] in [0] : vector<16xi32>, vector<16xi32> -> vector<16xi32>
        %eq3A_89 = arith.cmpi eq, %gather3A_88, %get3A_41 : vector<16xi32>
        %jit3A_90 = arith.constant 1.000000e+00 : f32
        %jit3A_91 = arith.constant 0.000000e+00 : f32
        %broadcast_in_dim3A_92 = vector.broadcast %jit3A_90 : f32 to vector<16xf32>
        %broadcast_in_dim3A_93 = vector.broadcast %jit3A_91 : f32 to vector<16xf32>
        %select_n3A_94 = arith.select %eq3A_89, %broadcast_in_dim3A_92, %broadcast_in_dim3A_93 : vector<16xi1>, vector<16xf32>
        %add3A_95 = arith.addf %add3A_65, %select_n3A_94 : vector<16xf32>
        %ge3A_96 = arith.constant 14 : i32
        %ge3A_97 = vector.broadcast %ge3A_96 : i32 to vector<16xi32>
        %ge3A_98 = arith.cmpi sge, %iota3A, %ge3A_97 : vector<16xi32>
        %and3A_99 = arith.andi %eq3A_89, %ge3A_98 : vector<16xi1>
        %or3A_100 = arith.ori %or3A, %and3A_99 : vector<16xi1>
        %add3A_101 = arith.constant 3 : i32
        %add3A_102 = vector.broadcast %add3A_101 : i32 to vector<16xi32>
        %add3A_103 = arith.addi %iota3A, %add3A_102 : vector<16xi32>
        %ge3A_104 = arith.constant 16 : i32
        %ge3A_105 = vector.broadcast %ge3A_104 : i32 to vector<16xi32>
        %ge3A_106 = arith.cmpi sge, %add3A_103, %ge3A_105 : vector<16xi32>
        %sub3A_107 = arith.constant 16 : i32
        %sub3A_108 = vector.broadcast %sub3A_107 : i32 to vector<16xi32>
        %sub3A_109 = arith.subi %add3A_103, %sub3A_108 : vector<16xi32>
        %select_n3A_110 = arith.select %ge3A_106, %sub3A_109, %add3A_103 : vector<16xi1>, vector<16xi32>
        %lt3A_111 = arith.constant 0 : i32
        %lt3A_112 = vector.broadcast %lt3A_111 : i32 to vector<16xi32>
        %lt3A_113 = arith.cmpi slt, %select_n3A_110, %lt3A_112 : vector<16xi32>
        %add3A_114 = arith.constant 16 : i32
        %add3A_115 = vector.broadcast %add3A_114 : i32 to vector<16xi32>
        %add3A_116 = arith.addi %select_n3A_110, %add3A_115 : vector<16xi32>
        %select_n3A_117 = arith.select %lt3A_113, %add3A_116, %select_n3A_110 : vector<16xi1>, vector<16xi32>
        %broadcast_in_dim3A_118 = vector.shape_cast %select_n3A_117 : vector<16xi32> to vector<16x1xi32>
        %gather3A_119 = vector.shape_cast %broadcast_in_dim3A_118 : vector<16x1xi32> to vector<16xi32>
        %gather3A_120 = tpu.dynamic_gather %get3A_41[%gather3A_119] in [0] : vector<16xi32>, vector<16xi32> -> vector<16xi32>
        %eq3A_121 = arith.cmpi eq, %gather3A_120, %get3A_41 : vector<16xi32>
        %jit3A_122 = arith.constant 1.000000e+00 : f32
        %jit3A_123 = arith.constant 0.000000e+00 : f32
        %broadcast_in_dim3A_124 = vector.broadcast %jit3A_122 : f32 to vector<16xf32>
        %broadcast_in_dim3A_125 = vector.broadcast %jit3A_123 : f32 to vector<16xf32>
        %select_n3A_126 = arith.select %eq3A_121, %broadcast_in_dim3A_124, %broadcast_in_dim3A_125 : vector<16xi1>, vector<16xf32>
        %add3A_127 = arith.addf %add3A_95, %select_n3A_126 : vector<16xf32>
        %ge3A_128 = arith.constant 13 : i32
        %ge3A_129 = vector.broadcast %ge3A_128 : i32 to vector<16xi32>
        %ge3A_130 = arith.cmpi sge, %iota3A, %ge3A_129 : vector<16xi32>
        %and3A_131 = arith.andi %eq3A_121, %ge3A_130 : vector<16xi1>
        %or3A_132 = arith.ori %or3A_100, %and3A_131 : vector<16xi1>
        %add3A_133 = arith.constant 4 : i32
        %add3A_134 = vector.broadcast %add3A_133 : i32 to vector<16xi32>
        %add3A_135 = arith.addi %iota3A, %add3A_134 : vector<16xi32>
        %ge3A_136 = arith.constant 16 : i32
        %ge3A_137 = vector.broadcast %ge3A_136 : i32 to vector<16xi32>
        %ge3A_138 = arith.cmpi sge, %add3A_135, %ge3A_137 : vector<16xi32>
        %sub3A_139 = arith.constant 16 : i32
        %sub3A_140 = vector.broadcast %sub3A_139 : i32 to vector<16xi32>
        %sub3A_141 = arith.subi %add3A_135, %sub3A_140 : vector<16xi32>
        %select_n3A_142 = arith.select %ge3A_138, %sub3A_141, %add3A_135 : vector<16xi1>, vector<16xi32>
        %lt3A_143 = arith.constant 0 : i32
        %lt3A_144 = vector.broadcast %lt3A_143 : i32 to vector<16xi32>
        %lt3A_145 = arith.cmpi slt, %select_n3A_142, %lt3A_144 : vector<16xi32>
        %add3A_146 = arith.constant 16 : i32
        %add3A_147 = vector.broadcast %add3A_146 : i32 to vector<16xi32>
        %add3A_148 = arith.addi %select_n3A_142, %add3A_147 : vector<16xi32>
        %select_n3A_149 = arith.select %lt3A_145, %add3A_148, %select_n3A_142 : vector<16xi1>, vector<16xi32>
        %broadcast_in_dim3A_150 = vector.shape_cast %select_n3A_149 : vector<16xi32> to vector<16x1xi32>
        %gather3A_151 = vector.shape_cast %broadcast_in_dim3A_150 : vector<16x1xi32> to vector<16xi32>
        %gather3A_152 = tpu.dynamic_gather %get3A_41[%gather3A_151] in [0] : vector<16xi32>, vector<16xi32> -> vector<16xi32>
        %eq3A_153 = arith.cmpi eq, %gather3A_152, %get3A_41 : vector<16xi32>
        %jit3A_154 = arith.constant 1.000000e+00 : f32
        %jit3A_155 = arith.constant 0.000000e+00 : f32
        %broadcast_in_dim3A_156 = vector.broadcast %jit3A_154 : f32 to vector<16xf32>
        %broadcast_in_dim3A_157 = vector.broadcast %jit3A_155 : f32 to vector<16xf32>
        %select_n3A_158 = arith.select %eq3A_153, %broadcast_in_dim3A_156, %broadcast_in_dim3A_157 : vector<16xi1>, vector<16xf32>
        %add3A_159 = arith.addf %add3A_127, %select_n3A_158 : vector<16xf32>
        %ge3A_160 = arith.constant 12 : i32
        %ge3A_161 = vector.broadcast %ge3A_160 : i32 to vector<16xi32>
        %ge3A_162 = arith.cmpi sge, %iota3A, %ge3A_161 : vector<16xi32>
        %and3A_163 = arith.andi %eq3A_153, %ge3A_162 : vector<16xi1>
        %or3A_164 = arith.ori %or3A_132, %and3A_163 : vector<16xi1>
        %add3A_165 = arith.constant 5 : i32
        %add3A_166 = vector.broadcast %add3A_165 : i32 to vector<16xi32>
        %add3A_167 = arith.addi %iota3A, %add3A_166 : vector<16xi32>
        %ge3A_168 = arith.constant 16 : i32
        %ge3A_169 = vector.broadcast %ge3A_168 : i32 to vector<16xi32>
        %ge3A_170 = arith.cmpi sge, %add3A_167, %ge3A_169 : vector<16xi32>
        %sub3A_171 = arith.constant 16 : i32
        %sub3A_172 = vector.broadcast %sub3A_171 : i32 to vector<16xi32>
        %sub3A_173 = arith.subi %add3A_167, %sub3A_172 : vector<16xi32>
        %select_n3A_174 = arith.select %ge3A_170, %sub3A_173, %add3A_167 : vector<16xi1>, vector<16xi32>
        %lt3A_175 = arith.constant 0 : i32
        %lt3A_176 = vector.broadcast %lt3A_175 : i32 to vector<16xi32>
        %lt3A_177 = arith.cmpi slt, %select_n3A_174, %lt3A_176 : vector<16xi32>
        %add3A_178 = arith.constant 16 : i32
        %add3A_179 = vector.broadcast %add3A_178 : i32 to vector<16xi32>
        %add3A_180 = arith.addi %select_n3A_174, %add3A_179 : vector<16xi32>
        %select_n3A_181 = arith.select %lt3A_177, %add3A_180, %select_n3A_174 : vector<16xi1>, vector<16xi32>
        %broadcast_in_dim3A_182 = vector.shape_cast %select_n3A_181 : vector<16xi32> to vector<16x1xi32>
        %gather3A_183 = vector.shape_cast %broadcast_in_dim3A_182 : vector<16x1xi32> to vector<16xi32>
        %gather3A_184 = tpu.dynamic_gather %get3A_41[%gather3A_183] in [0] : vector<16xi32>, vector<16xi32> -> vector<16xi32>
        %eq3A_185 = arith.cmpi eq, %gather3A_184, %get3A_41 : vector<16xi32>
        %jit3A_186 = arith.constant 1.000000e+00 : f32
        %jit3A_187 = arith.constant 0.000000e+00 : f32
        %broadcast_in_dim3A_188 = vector.broadcast %jit3A_186 : f32 to vector<16xf32>
        %broadcast_in_dim3A_189 = vector.broadcast %jit3A_187 : f32 to vector<16xf32>
        %select_n3A_190 = arith.select %eq3A_185, %broadcast_in_dim3A_188, %broadcast_in_dim3A_189 : vector<16xi1>, vector<16xf32>
        %add3A_191 = arith.addf %add3A_159, %select_n3A_190 : vector<16xf32>
        %ge3A_192 = arith.constant 11 : i32
        %ge3A_193 = vector.broadcast %ge3A_192 : i32 to vector<16xi32>
        %ge3A_194 = arith.cmpi sge, %iota3A, %ge3A_193 : vector<16xi32>
        %and3A_195 = arith.andi %eq3A_185, %ge3A_194 : vector<16xi1>
        %or3A_196 = arith.ori %or3A_164, %and3A_195 : vector<16xi1>
        %add3A_197 = arith.constant 6 : i32
        %add3A_198 = vector.broadcast %add3A_197 : i32 to vector<16xi32>
        %add3A_199 = arith.addi %iota3A, %add3A_198 : vector<16xi32>
        %ge3A_200 = arith.constant 16 : i32
        %ge3A_201 = vector.broadcast %ge3A_200 : i32 to vector<16xi32>
        %ge3A_202 = arith.cmpi sge, %add3A_199, %ge3A_201 : vector<16xi32>
        %sub3A_203 = arith.constant 16 : i32
        %sub3A_204 = vector.broadcast %sub3A_203 : i32 to vector<16xi32>
        %sub3A_205 = arith.subi %add3A_199, %sub3A_204 : vector<16xi32>
        %select_n3A_206 = arith.select %ge3A_202, %sub3A_205, %add3A_199 : vector<16xi1>, vector<16xi32>
        %lt3A_207 = arith.constant 0 : i32
        %lt3A_208 = vector.broadcast %lt3A_207 : i32 to vector<16xi32>
        %lt3A_209 = arith.cmpi slt, %select_n3A_206, %lt3A_208 : vector<16xi32>
        %add3A_210 = arith.constant 16 : i32
        %add3A_211 = vector.broadcast %add3A_210 : i32 to vector<16xi32>
        %add3A_212 = arith.addi %select_n3A_206, %add3A_211 : vector<16xi32>
        %select_n3A_213 = arith.select %lt3A_209, %add3A_212, %select_n3A_206 : vector<16xi1>, vector<16xi32>
        %broadcast_in_dim3A_214 = vector.shape_cast %select_n3A_213 : vector<16xi32> to vector<16x1xi32>
        %gather3A_215 = vector.shape_cast %broadcast_in_dim3A_214 : vector<16x1xi32> to vector<16xi32>
        %gather3A_216 = tpu.dynamic_gather %get3A_41[%gather3A_215] in [0] : vector<16xi32>, vector<16xi32> -> vector<16xi32>
        %eq3A_217 = arith.cmpi eq, %gather3A_216, %get3A_41 : vector<16xi32>
        %jit3A_218 = arith.constant 1.000000e+00 : f32
        %jit3A_219 = arith.constant 0.000000e+00 : f32
        %broadcast_in_dim3A_220 = vector.broadcast %jit3A_218 : f32 to vector<16xf32>
        %broadcast_in_dim3A_221 = vector.broadcast %jit3A_219 : f32 to vector<16xf32>
        %select_n3A_222 = arith.select %eq3A_217, %broadcast_in_dim3A_220, %broadcast_in_dim3A_221 : vector<16xi1>, vector<16xf32>
        %add3A_223 = arith.addf %add3A_191, %select_n3A_222 : vector<16xf32>
        %ge3A_224 = arith.constant 10 : i32
        %ge3A_225 = vector.broadcast %ge3A_224 : i32 to vector<16xi32>
        %ge3A_226 = arith.cmpi sge, %iota3A, %ge3A_225 : vector<16xi32>
        %and3A_227 = arith.andi %eq3A_217, %ge3A_226 : vector<16xi1>
        %or3A_228 = arith.ori %or3A_196, %and3A_227 : vector<16xi1>
        %add3A_229 = arith.constant 7 : i32
        %add3A_230 = vector.broadcast %add3A_229 : i32 to vector<16xi32>
        %add3A_231 = arith.addi %iota3A, %add3A_230 : vector<16xi32>
        %ge3A_232 = arith.constant 16 : i32
        %ge3A_233 = vector.broadcast %ge3A_232 : i32 to vector<16xi32>
        %ge3A_234 = arith.cmpi sge, %add3A_231, %ge3A_233 : vector<16xi32>
        %sub3A_235 = arith.constant 16 : i32
        %sub3A_236 = vector.broadcast %sub3A_235 : i32 to vector<16xi32>
        %sub3A_237 = arith.subi %add3A_231, %sub3A_236 : vector<16xi32>
        %select_n3A_238 = arith.select %ge3A_234, %sub3A_237, %add3A_231 : vector<16xi1>, vector<16xi32>
        %lt3A_239 = arith.constant 0 : i32
        %lt3A_240 = vector.broadcast %lt3A_239 : i32 to vector<16xi32>
        %lt3A_241 = arith.cmpi slt, %select_n3A_238, %lt3A_240 : vector<16xi32>
        %add3A_242 = arith.constant 16 : i32
        %add3A_243 = vector.broadcast %add3A_242 : i32 to vector<16xi32>
        %add3A_244 = arith.addi %select_n3A_238, %add3A_243 : vector<16xi32>
        %select_n3A_245 = arith.select %lt3A_241, %add3A_244, %select_n3A_238 : vector<16xi1>, vector<16xi32>
        %broadcast_in_dim3A_246 = vector.shape_cast %select_n3A_245 : vector<16xi32> to vector<16x1xi32>
        %gather3A_247 = vector.shape_cast %broadcast_in_dim3A_246 : vector<16x1xi32> to vector<16xi32>
        %gather3A_248 = tpu.dynamic_gather %get3A_41[%gather3A_247] in [0] : vector<16xi32>, vector<16xi32> -> vector<16xi32>
        %eq3A_249 = arith.cmpi eq, %gather3A_248, %get3A_41 : vector<16xi32>
        %jit3A_250 = arith.constant 1.000000e+00 : f32
        %jit3A_251 = arith.constant 0.000000e+00 : f32
        %broadcast_in_dim3A_252 = vector.broadcast %jit3A_250 : f32 to vector<16xf32>
        %broadcast_in_dim3A_253 = vector.broadcast %jit3A_251 : f32 to vector<16xf32>
        %select_n3A_254 = arith.select %eq3A_249, %broadcast_in_dim3A_252, %broadcast_in_dim3A_253 : vector<16xi1>, vector<16xf32>
        %add3A_255 = arith.addf %add3A_223, %select_n3A_254 : vector<16xf32>
        %ge3A_256 = arith.constant 9 : i32
        %ge3A_257 = vector.broadcast %ge3A_256 : i32 to vector<16xi32>
        %ge3A_258 = arith.cmpi sge, %iota3A, %ge3A_257 : vector<16xi32>
        %and3A_259 = arith.andi %eq3A_249, %ge3A_258 : vector<16xi1>
        %or3A_260 = arith.ori %or3A_228, %and3A_259 : vector<16xi1>
        %add3A_261 = arith.constant 8 : i32
        %add3A_262 = vector.broadcast %add3A_261 : i32 to vector<16xi32>
        %add3A_263 = arith.addi %iota3A, %add3A_262 : vector<16xi32>
        %ge3A_264 = arith.constant 16 : i32
        %ge3A_265 = vector.broadcast %ge3A_264 : i32 to vector<16xi32>
        %ge3A_266 = arith.cmpi sge, %add3A_263, %ge3A_265 : vector<16xi32>
        %sub3A_267 = arith.constant 16 : i32
        %sub3A_268 = vector.broadcast %sub3A_267 : i32 to vector<16xi32>
        %sub3A_269 = arith.subi %add3A_263, %sub3A_268 : vector<16xi32>
        %select_n3A_270 = arith.select %ge3A_266, %sub3A_269, %add3A_263 : vector<16xi1>, vector<16xi32>
        %lt3A_271 = arith.constant 0 : i32
        %lt3A_272 = vector.broadcast %lt3A_271 : i32 to vector<16xi32>
        %lt3A_273 = arith.cmpi slt, %select_n3A_270, %lt3A_272 : vector<16xi32>
        %add3A_274 = arith.constant 16 : i32
        %add3A_275 = vector.broadcast %add3A_274 : i32 to vector<16xi32>
        %add3A_276 = arith.addi %select_n3A_270, %add3A_275 : vector<16xi32>
        %select_n3A_277 = arith.select %lt3A_273, %add3A_276, %select_n3A_270 : vector<16xi1>, vector<16xi32>
        %broadcast_in_dim3A_278 = vector.shape_cast %select_n3A_277 : vector<16xi32> to vector<16x1xi32>
        %gather3A_279 = vector.shape_cast %broadcast_in_dim3A_278 : vector<16x1xi32> to vector<16xi32>
        %gather3A_280 = tpu.dynamic_gather %get3A_41[%gather3A_279] in [0] : vector<16xi32>, vector<16xi32> -> vector<16xi32>
        %eq3A_281 = arith.cmpi eq, %gather3A_280, %get3A_41 : vector<16xi32>
        %jit3A_282 = arith.constant 1.000000e+00 : f32
        %jit3A_283 = arith.constant 0.000000e+00 : f32
        %broadcast_in_dim3A_284 = vector.broadcast %jit3A_282 : f32 to vector<16xf32>
        %broadcast_in_dim3A_285 = vector.broadcast %jit3A_283 : f32 to vector<16xf32>
        %select_n3A_286 = arith.select %eq3A_281, %broadcast_in_dim3A_284, %broadcast_in_dim3A_285 : vector<16xi1>, vector<16xf32>
        %add3A_287 = arith.addf %add3A_255, %select_n3A_286 : vector<16xf32>
        %ge3A_288 = arith.constant 8 : i32
        %ge3A_289 = vector.broadcast %ge3A_288 : i32 to vector<16xi32>
        %ge3A_290 = arith.cmpi sge, %iota3A, %ge3A_289 : vector<16xi32>
        %and3A_291 = arith.andi %eq3A_281, %ge3A_290 : vector<16xi1>
        %or3A_292 = arith.ori %or3A_260, %and3A_291 : vector<16xi1>
        %add3A_293 = arith.constant 9 : i32
        %add3A_294 = vector.broadcast %add3A_293 : i32 to vector<16xi32>
        %add3A_295 = arith.addi %iota3A, %add3A_294 : vector<16xi32>
        %ge3A_296 = arith.constant 16 : i32
        %ge3A_297 = vector.broadcast %ge3A_296 : i32 to vector<16xi32>
        %ge3A_298 = arith.cmpi sge, %add3A_295, %ge3A_297 : vector<16xi32>
        %sub3A_299 = arith.constant 16 : i32
        %sub3A_300 = vector.broadcast %sub3A_299 : i32 to vector<16xi32>
        %sub3A_301 = arith.subi %add3A_295, %sub3A_300 : vector<16xi32>
        %select_n3A_302 = arith.select %ge3A_298, %sub3A_301, %add3A_295 : vector<16xi1>, vector<16xi32>
        %lt3A_303 = arith.constant 0 : i32
        %lt3A_304 = vector.broadcast %lt3A_303 : i32 to vector<16xi32>
        %lt3A_305 = arith.cmpi slt, %select_n3A_302, %lt3A_304 : vector<16xi32>
        %add3A_306 = arith.constant 16 : i32
        %add3A_307 = vector.broadcast %add3A_306 : i32 to vector<16xi32>
        %add3A_308 = arith.addi %select_n3A_302, %add3A_307 : vector<16xi32>
        %select_n3A_309 = arith.select %lt3A_305, %add3A_308, %select_n3A_302 : vector<16xi1>, vector<16xi32>
        %broadcast_in_dim3A_310 = vector.shape_cast %select_n3A_309 : vector<16xi32> to vector<16x1xi32>
        %gather3A_311 = vector.shape_cast %broadcast_in_dim3A_310 : vector<16x1xi32> to vector<16xi32>
        %gather3A_312 = tpu.dynamic_gather %get3A_41[%gather3A_311] in [0] : vector<16xi32>, vector<16xi32> -> vector<16xi32>
        %eq3A_313 = arith.cmpi eq, %gather3A_312, %get3A_41 : vector<16xi32>
        %jit3A_314 = arith.constant 1.000000e+00 : f32
        %jit3A_315 = arith.constant 0.000000e+00 : f32
        %broadcast_in_dim3A_316 = vector.broadcast %jit3A_314 : f32 to vector<16xf32>
        %broadcast_in_dim3A_317 = vector.broadcast %jit3A_315 : f32 to vector<16xf32>
        %select_n3A_318 = arith.select %eq3A_313, %broadcast_in_dim3A_316, %broadcast_in_dim3A_317 : vector<16xi1>, vector<16xf32>
        %add3A_319 = arith.addf %add3A_287, %select_n3A_318 : vector<16xf32>
        %ge3A_320 = arith.constant 7 : i32
        %ge3A_321 = vector.broadcast %ge3A_320 : i32 to vector<16xi32>
        %ge3A_322 = arith.cmpi sge, %iota3A, %ge3A_321 : vector<16xi32>
        %and3A_323 = arith.andi %eq3A_313, %ge3A_322 : vector<16xi1>
        %or3A_324 = arith.ori %or3A_292, %and3A_323 : vector<16xi1>
        %add3A_325 = arith.constant 10 : i32
        %add3A_326 = vector.broadcast %add3A_325 : i32 to vector<16xi32>
        %add3A_327 = arith.addi %iota3A, %add3A_326 : vector<16xi32>
        %ge3A_328 = arith.constant 16 : i32
        %ge3A_329 = vector.broadcast %ge3A_328 : i32 to vector<16xi32>
        %ge3A_330 = arith.cmpi sge, %add3A_327, %ge3A_329 : vector<16xi32>
        %sub3A_331 = arith.constant 16 : i32
        %sub3A_332 = vector.broadcast %sub3A_331 : i32 to vector<16xi32>
        %sub3A_333 = arith.subi %add3A_327, %sub3A_332 : vector<16xi32>
        %select_n3A_334 = arith.select %ge3A_330, %sub3A_333, %add3A_327 : vector<16xi1>, vector<16xi32>
        %lt3A_335 = arith.constant 0 : i32
        %lt3A_336 = vector.broadcast %lt3A_335 : i32 to vector<16xi32>
        %lt3A_337 = arith.cmpi slt, %select_n3A_334, %lt3A_336 : vector<16xi32>
        %add3A_338 = arith.constant 16 : i32
        %add3A_339 = vector.broadcast %add3A_338 : i32 to vector<16xi32>
        %add3A_340 = arith.addi %select_n3A_334, %add3A_339 : vector<16xi32>
        %select_n3A_341 = arith.select %lt3A_337, %add3A_340, %select_n3A_334 : vector<16xi1>, vector<16xi32>
        %broadcast_in_dim3A_342 = vector.shape_cast %select_n3A_341 : vector<16xi32> to vector<16x1xi32>
        %gather3A_343 = vector.shape_cast %broadcast_in_dim3A_342 : vector<16x1xi32> to vector<16xi32>
        %gather3A_344 = tpu.dynamic_gather %get3A_41[%gather3A_343] in [0] : vector<16xi32>, vector<16xi32> -> vector<16xi32>
        %eq3A_345 = arith.cmpi eq, %gather3A_344, %get3A_41 : vector<16xi32>
        %jit3A_346 = arith.constant 1.000000e+00 : f32
        %jit3A_347 = arith.constant 0.000000e+00 : f32
        %broadcast_in_dim3A_348 = vector.broadcast %jit3A_346 : f32 to vector<16xf32>
        %broadcast_in_dim3A_349 = vector.broadcast %jit3A_347 : f32 to vector<16xf32>
        %select_n3A_350 = arith.select %eq3A_345, %broadcast_in_dim3A_348, %broadcast_in_dim3A_349 : vector<16xi1>, vector<16xf32>
        %add3A_351 = arith.addf %add3A_319, %select_n3A_350 : vector<16xf32>
        %ge3A_352 = arith.constant 6 : i32
        %ge3A_353 = vector.broadcast %ge3A_352 : i32 to vector<16xi32>
        %ge3A_354 = arith.cmpi sge, %iota3A, %ge3A_353 : vector<16xi32>
        %and3A_355 = arith.andi %eq3A_345, %ge3A_354 : vector<16xi1>
        %or3A_356 = arith.ori %or3A_324, %and3A_355 : vector<16xi1>
        %add3A_357 = arith.constant 11 : i32
        %add3A_358 = vector.broadcast %add3A_357 : i32 to vector<16xi32>
        %add3A_359 = arith.addi %iota3A, %add3A_358 : vector<16xi32>
        %ge3A_360 = arith.constant 16 : i32
        %ge3A_361 = vector.broadcast %ge3A_360 : i32 to vector<16xi32>
        %ge3A_362 = arith.cmpi sge, %add3A_359, %ge3A_361 : vector<16xi32>
        %sub3A_363 = arith.constant 16 : i32
        %sub3A_364 = vector.broadcast %sub3A_363 : i32 to vector<16xi32>
        %sub3A_365 = arith.subi %add3A_359, %sub3A_364 : vector<16xi32>
        %select_n3A_366 = arith.select %ge3A_362, %sub3A_365, %add3A_359 : vector<16xi1>, vector<16xi32>
        %lt3A_367 = arith.constant 0 : i32
        %lt3A_368 = vector.broadcast %lt3A_367 : i32 to vector<16xi32>
        %lt3A_369 = arith.cmpi slt, %select_n3A_366, %lt3A_368 : vector<16xi32>
        %add3A_370 = arith.constant 16 : i32
        %add3A_371 = vector.broadcast %add3A_370 : i32 to vector<16xi32>
        %add3A_372 = arith.addi %select_n3A_366, %add3A_371 : vector<16xi32>
        %select_n3A_373 = arith.select %lt3A_369, %add3A_372, %select_n3A_366 : vector<16xi1>, vector<16xi32>
        %broadcast_in_dim3A_374 = vector.shape_cast %select_n3A_373 : vector<16xi32> to vector<16x1xi32>
        %gather3A_375 = vector.shape_cast %broadcast_in_dim3A_374 : vector<16x1xi32> to vector<16xi32>
        %gather3A_376 = tpu.dynamic_gather %get3A_41[%gather3A_375] in [0] : vector<16xi32>, vector<16xi32> -> vector<16xi32>
        %eq3A_377 = arith.cmpi eq, %gather3A_376, %get3A_41 : vector<16xi32>
        %jit3A_378 = arith.constant 1.000000e+00 : f32
        %jit3A_379 = arith.constant 0.000000e+00 : f32
        %broadcast_in_dim3A_380 = vector.broadcast %jit3A_378 : f32 to vector<16xf32>
        %broadcast_in_dim3A_381 = vector.broadcast %jit3A_379 : f32 to vector<16xf32>
        %select_n3A_382 = arith.select %eq3A_377, %broadcast_in_dim3A_380, %broadcast_in_dim3A_381 : vector<16xi1>, vector<16xf32>
        %add3A_383 = arith.addf %add3A_351, %select_n3A_382 : vector<16xf32>
        %ge3A_384 = arith.constant 5 : i32
        %ge3A_385 = vector.broadcast %ge3A_384 : i32 to vector<16xi32>
        %ge3A_386 = arith.cmpi sge, %iota3A, %ge3A_385 : vector<16xi32>
        %and3A_387 = arith.andi %eq3A_377, %ge3A_386 : vector<16xi1>
        %or3A_388 = arith.ori %or3A_356, %and3A_387 : vector<16xi1>
        %add3A_389 = arith.constant 12 : i32
        %add3A_390 = vector.broadcast %add3A_389 : i32 to vector<16xi32>
        %add3A_391 = arith.addi %iota3A, %add3A_390 : vector<16xi32>
        %ge3A_392 = arith.constant 16 : i32
        %ge3A_393 = vector.broadcast %ge3A_392 : i32 to vector<16xi32>
        %ge3A_394 = arith.cmpi sge, %add3A_391, %ge3A_393 : vector<16xi32>
        %sub3A_395 = arith.constant 16 : i32
        %sub3A_396 = vector.broadcast %sub3A_395 : i32 to vector<16xi32>
        %sub3A_397 = arith.subi %add3A_391, %sub3A_396 : vector<16xi32>
        %select_n3A_398 = arith.select %ge3A_394, %sub3A_397, %add3A_391 : vector<16xi1>, vector<16xi32>
        %lt3A_399 = arith.constant 0 : i32
        %lt3A_400 = vector.broadcast %lt3A_399 : i32 to vector<16xi32>
        %lt3A_401 = arith.cmpi slt, %select_n3A_398, %lt3A_400 : vector<16xi32>
        %add3A_402 = arith.constant 16 : i32
        %add3A_403 = vector.broadcast %add3A_402 : i32 to vector<16xi32>
        %add3A_404 = arith.addi %select_n3A_398, %add3A_403 : vector<16xi32>
        %select_n3A_405 = arith.select %lt3A_401, %add3A_404, %select_n3A_398 : vector<16xi1>, vector<16xi32>
        %broadcast_in_dim3A_406 = vector.shape_cast %select_n3A_405 : vector<16xi32> to vector<16x1xi32>
        %gather3A_407 = vector.shape_cast %broadcast_in_dim3A_406 : vector<16x1xi32> to vector<16xi32>
        %gather3A_408 = tpu.dynamic_gather %get3A_41[%gather3A_407] in [0] : vector<16xi32>, vector<16xi32> -> vector<16xi32>
        %eq3A_409 = arith.cmpi eq, %gather3A_408, %get3A_41 : vector<16xi32>
        %jit3A_410 = arith.constant 1.000000e+00 : f32
        %jit3A_411 = arith.constant 0.000000e+00 : f32
        %broadcast_in_dim3A_412 = vector.broadcast %jit3A_410 : f32 to vector<16xf32>
        %broadcast_in_dim3A_413 = vector.broadcast %jit3A_411 : f32 to vector<16xf32>
        %select_n3A_414 = arith.select %eq3A_409, %broadcast_in_dim3A_412, %broadcast_in_dim3A_413 : vector<16xi1>, vector<16xf32>
        %add3A_415 = arith.addf %add3A_383, %select_n3A_414 : vector<16xf32>
        %ge3A_416 = arith.constant 4 : i32
        %ge3A_417 = vector.broadcast %ge3A_416 : i32 to vector<16xi32>
        %ge3A_418 = arith.cmpi sge, %iota3A, %ge3A_417 : vector<16xi32>
        %and3A_419 = arith.andi %eq3A_409, %ge3A_418 : vector<16xi1>
        %or3A_420 = arith.ori %or3A_388, %and3A_419 : vector<16xi1>
        %add3A_421 = arith.constant 13 : i32
        %add3A_422 = vector.broadcast %add3A_421 : i32 to vector<16xi32>
        %add3A_423 = arith.addi %iota3A, %add3A_422 : vector<16xi32>
        %ge3A_424 = arith.constant 16 : i32
        %ge3A_425 = vector.broadcast %ge3A_424 : i32 to vector<16xi32>
        %ge3A_426 = arith.cmpi sge, %add3A_423, %ge3A_425 : vector<16xi32>
        %sub3A_427 = arith.constant 16 : i32
        %sub3A_428 = vector.broadcast %sub3A_427 : i32 to vector<16xi32>
        %sub3A_429 = arith.subi %add3A_423, %sub3A_428 : vector<16xi32>
        %select_n3A_430 = arith.select %ge3A_426, %sub3A_429, %add3A_423 : vector<16xi1>, vector<16xi32>
        %lt3A_431 = arith.constant 0 : i32
        %lt3A_432 = vector.broadcast %lt3A_431 : i32 to vector<16xi32>
        %lt3A_433 = arith.cmpi slt, %select_n3A_430, %lt3A_432 : vector<16xi32>
        %add3A_434 = arith.constant 16 : i32
        %add3A_435 = vector.broadcast %add3A_434 : i32 to vector<16xi32>
        %add3A_436 = arith.addi %select_n3A_430, %add3A_435 : vector<16xi32>
        %select_n3A_437 = arith.select %lt3A_433, %add3A_436, %select_n3A_430 : vector<16xi1>, vector<16xi32>
        %broadcast_in_dim3A_438 = vector.shape_cast %select_n3A_437 : vector<16xi32> to vector<16x1xi32>
        %gather3A_439 = vector.shape_cast %broadcast_in_dim3A_438 : vector<16x1xi32> to vector<16xi32>
        %gather3A_440 = tpu.dynamic_gather %get3A_41[%gather3A_439] in [0] : vector<16xi32>, vector<16xi32> -> vector<16xi32>
        %eq3A_441 = arith.cmpi eq, %gather3A_440, %get3A_41 : vector<16xi32>
        %jit3A_442 = arith.constant 1.000000e+00 : f32
        %jit3A_443 = arith.constant 0.000000e+00 : f32
        %broadcast_in_dim3A_444 = vector.broadcast %jit3A_442 : f32 to vector<16xf32>
        %broadcast_in_dim3A_445 = vector.broadcast %jit3A_443 : f32 to vector<16xf32>
        %select_n3A_446 = arith.select %eq3A_441, %broadcast_in_dim3A_444, %broadcast_in_dim3A_445 : vector<16xi1>, vector<16xf32>
        %add3A_447 = arith.addf %add3A_415, %select_n3A_446 : vector<16xf32>
        %ge3A_448 = arith.constant 3 : i32
        %ge3A_449 = vector.broadcast %ge3A_448 : i32 to vector<16xi32>
        %ge3A_450 = arith.cmpi sge, %iota3A, %ge3A_449 : vector<16xi32>
        %and3A_451 = arith.andi %eq3A_441, %ge3A_450 : vector<16xi1>
        %or3A_452 = arith.ori %or3A_420, %and3A_451 : vector<16xi1>
        %add3A_453 = arith.constant 14 : i32
        %add3A_454 = vector.broadcast %add3A_453 : i32 to vector<16xi32>
        %add3A_455 = arith.addi %iota3A, %add3A_454 : vector<16xi32>
        %ge3A_456 = arith.constant 16 : i32
        %ge3A_457 = vector.broadcast %ge3A_456 : i32 to vector<16xi32>
        %ge3A_458 = arith.cmpi sge, %add3A_455, %ge3A_457 : vector<16xi32>
        %sub3A_459 = arith.constant 16 : i32
        %sub3A_460 = vector.broadcast %sub3A_459 : i32 to vector<16xi32>
        %sub3A_461 = arith.subi %add3A_455, %sub3A_460 : vector<16xi32>
        %select_n3A_462 = arith.select %ge3A_458, %sub3A_461, %add3A_455 : vector<16xi1>, vector<16xi32>
        %lt3A_463 = arith.constant 0 : i32
        %lt3A_464 = vector.broadcast %lt3A_463 : i32 to vector<16xi32>
        %lt3A_465 = arith.cmpi slt, %select_n3A_462, %lt3A_464 : vector<16xi32>
        %add3A_466 = arith.constant 16 : i32
        %add3A_467 = vector.broadcast %add3A_466 : i32 to vector<16xi32>
        %add3A_468 = arith.addi %select_n3A_462, %add3A_467 : vector<16xi32>
        %select_n3A_469 = arith.select %lt3A_465, %add3A_468, %select_n3A_462 : vector<16xi1>, vector<16xi32>
        %broadcast_in_dim3A_470 = vector.shape_cast %select_n3A_469 : vector<16xi32> to vector<16x1xi32>
        %gather3A_471 = vector.shape_cast %broadcast_in_dim3A_470 : vector<16x1xi32> to vector<16xi32>
        %gather3A_472 = tpu.dynamic_gather %get3A_41[%gather3A_471] in [0] : vector<16xi32>, vector<16xi32> -> vector<16xi32>
        %eq3A_473 = arith.cmpi eq, %gather3A_472, %get3A_41 : vector<16xi32>
        %jit3A_474 = arith.constant 1.000000e+00 : f32
        %jit3A_475 = arith.constant 0.000000e+00 : f32
        %broadcast_in_dim3A_476 = vector.broadcast %jit3A_474 : f32 to vector<16xf32>
        %broadcast_in_dim3A_477 = vector.broadcast %jit3A_475 : f32 to vector<16xf32>
        %select_n3A_478 = arith.select %eq3A_473, %broadcast_in_dim3A_476, %broadcast_in_dim3A_477 : vector<16xi1>, vector<16xf32>
        %add3A_479 = arith.addf %add3A_447, %select_n3A_478 : vector<16xf32>
        %ge3A_480 = arith.constant 2 : i32
        %ge3A_481 = vector.broadcast %ge3A_480 : i32 to vector<16xi32>
        %ge3A_482 = arith.cmpi sge, %iota3A, %ge3A_481 : vector<16xi32>
        %and3A_483 = arith.andi %eq3A_473, %ge3A_482 : vector<16xi1>
        %or3A_484 = arith.ori %or3A_452, %and3A_483 : vector<16xi1>
        %add3A_485 = arith.constant 15 : i32
        %add3A_486 = vector.broadcast %add3A_485 : i32 to vector<16xi32>
        %add3A_487 = arith.addi %iota3A, %add3A_486 : vector<16xi32>
        %ge3A_488 = arith.constant 16 : i32
        %ge3A_489 = vector.broadcast %ge3A_488 : i32 to vector<16xi32>
        %ge3A_490 = arith.cmpi sge, %add3A_487, %ge3A_489 : vector<16xi32>
        %sub3A_491 = arith.constant 16 : i32
        %sub3A_492 = vector.broadcast %sub3A_491 : i32 to vector<16xi32>
        %sub3A_493 = arith.subi %add3A_487, %sub3A_492 : vector<16xi32>
        %select_n3A_494 = arith.select %ge3A_490, %sub3A_493, %add3A_487 : vector<16xi1>, vector<16xi32>
        %lt3A_495 = arith.constant 0 : i32
        %lt3A_496 = vector.broadcast %lt3A_495 : i32 to vector<16xi32>
        %lt3A_497 = arith.cmpi slt, %select_n3A_494, %lt3A_496 : vector<16xi32>
        %add3A_498 = arith.constant 16 : i32
        %add3A_499 = vector.broadcast %add3A_498 : i32 to vector<16xi32>
        %add3A_500 = arith.addi %select_n3A_494, %add3A_499 : vector<16xi32>
        %select_n3A_501 = arith.select %lt3A_497, %add3A_500, %select_n3A_494 : vector<16xi1>, vector<16xi32>
        %broadcast_in_dim3A_502 = vector.shape_cast %select_n3A_501 : vector<16xi32> to vector<16x1xi32>
        %gather3A_503 = vector.shape_cast %broadcast_in_dim3A_502 : vector<16x1xi32> to vector<16xi32>
        %gather3A_504 = tpu.dynamic_gather %get3A_41[%gather3A_503] in [0] : vector<16xi32>, vector<16xi32> -> vector<16xi32>
        %eq3A_505 = arith.cmpi eq, %gather3A_504, %get3A_41 : vector<16xi32>
        %jit3A_506 = arith.constant 1.000000e+00 : f32
        %jit3A_507 = arith.constant 0.000000e+00 : f32
        %broadcast_in_dim3A_508 = vector.broadcast %jit3A_506 : f32 to vector<16xf32>
        %broadcast_in_dim3A_509 = vector.broadcast %jit3A_507 : f32 to vector<16xf32>
        %select_n3A_510 = arith.select %eq3A_505, %broadcast_in_dim3A_508, %broadcast_in_dim3A_509 : vector<16xi1>, vector<16xf32>
        %add3A_511 = arith.addf %add3A_479, %select_n3A_510 : vector<16xf32>
        %ge3A_512 = arith.constant 1 : i32
        %ge3A_513 = vector.broadcast %ge3A_512 : i32 to vector<16xi32>
        %ge3A_514 = arith.cmpi sge, %iota3A, %ge3A_513 : vector<16xi32>
        %and3A_515 = arith.andi %eq3A_505, %ge3A_514 : vector<16xi1>
        %or3A_516 = arith.ori %or3A_484, %and3A_515 : vector<16xi1>
        %not3A = arith.constant dense<true> : vector<16xi1>
        %not3A_517 = arith.xori %or3A_516, %not3A : vector<16xi1>
        tpu.vector_store_idx %arg8[%get3A_41], %add3A_511 masked %not3A_517 {add = true} : memref<8192xf32, #tpu.memory_space<vmem>>[vector<16xi32>], vector<16xf32>, vector<16xi1>
      }
      %scan3A_34 = arith.constant 8 : i32
    }
    %scan3A_9 = arith.constant 4 : i32
    "tpu.region"() ({
      %run_scoped3A = tpu.sem_alloc : memref<!tpu.dma_semaphore, #tpu.memory_space<semaphore_mem>>
      %dma_start3A = arith.constant 0 : i32
      %dma_start3A_10 = tpu.memref_slice %arg5[%add3A, %dma_start3A] : memref<32x8192xf32, #tpu.memory_space<hbm>> -> memref<1x8192xf32, #tpu.memory_space<hbm>>
      %dma_start3A_11 = tpu.memref_squeeze %dma_start3A_10 : memref<1x8192xf32, #tpu.memory_space<hbm>> -> memref<8192xf32, #tpu.memory_space<hbm>>
      %dma_start3A_12 = arith.constant 0 : i32
      %dma_start3A_13 = tpu.memref_slice %arg5[%add3A, %dma_start3A_12] : memref<32x8192xf32, #tpu.memory_space<hbm>> -> memref<1x8192xf32, #tpu.memory_space<hbm>>
      %dma_start3A_14 = tpu.memref_squeeze %dma_start3A_13 : memref<1x8192xf32, #tpu.memory_space<hbm>> -> memref<8192xf32, #tpu.memory_space<hbm>>
      tpu.enqueue_dma source(%arg8 : memref<8192xf32, #tpu.memory_space<vmem>>) target(%dma_start3A_14 : memref<8192xf32, #tpu.memory_space<hbm>>) target_semaphore(%run_scoped3A : memref<!tpu.dma_semaphore, #tpu.memory_space<semaphore_mem>>)
      %dma_wait3A = arith.constant 0 : i32
      %dma_wait3A_15 = tpu.memref_slice %arg5[%add3A, %dma_wait3A] : memref<32x8192xf32, #tpu.memory_space<hbm>> -> memref<1x8192xf32, #tpu.memory_space<hbm>>
      %dma_wait3A_16 = tpu.memref_squeeze %dma_wait3A_15 : memref<1x8192xf32, #tpu.memory_space<hbm>> -> memref<8192xf32, #tpu.memory_space<hbm>>
      %dma_wait3A_17 = arith.constant 0 : i32
      %dma_wait3A_18 = tpu.memref_slice %arg5[%add3A, %dma_wait3A_17] : memref<32x8192xf32, #tpu.memory_space<hbm>> -> memref<1x8192xf32, #tpu.memory_space<hbm>>
      %dma_wait3A_19 = tpu.memref_squeeze %dma_wait3A_18 : memref<1x8192xf32, #tpu.memory_space<hbm>> -> memref<8192xf32, #tpu.memory_space<hbm>>
      tpu.wait_dma2 semaphore(%run_scoped3A : memref<!tpu.dma_semaphore, #tpu.memory_space<semaphore_mem>>) src(%arg8 : memref<8192xf32, #tpu.memory_space<vmem>>) dst(%dma_wait3A_19 : memref<8192xf32, #tpu.memory_space<hbm>>)
      tpu.yield
    }) : () -> ()
    return
  }
}

#map = affine_map<(d0, d1) -> (0, 0)>
#map1 = affine_map<(d0, d1) -> (0, 0, 0)>
module attributes {stable_mosaic.version = 14 : i64} {
  func.func @_sc_body(%arg0: i32, %arg1: i32, %arg2: memref<8192x256xf32, #tpu.memory_space<hbm>>, %arg3: memref<32x4x128xi32, #tpu.memory_space<hbm>>, %arg4: memref<16384x256xf32, #tpu.memory_space<hbm>>, %arg5: memref<32x8192xf32, #tpu.memory_space<hbm>>, %arg6: memref<4x128xi32, #tpu.memory_space<vmem>>, %arg7: memref<128x256xf32, #tpu.memory_space<vmem>>, %arg8: memref<8192xf32, #tpu.memory_space<vmem>>, %arg9: memref<!tpu.dma_semaphore, #tpu.memory_space<semaphore_mem>>) attributes {dimension_semantics = [#tpu.dimension_semantics<core_parallel>, #tpu.dimension_semantics<subcore_parallel>], iteration_bounds = array<i64: 2, 16>, scalar_prefetch = 0 : i64, scratch_operands = 4 : i64, tpu.core_type = #tpu.core_type<sc_vector_subcore>, window_params = [{transform_indices = #map}, {transform_indices = #map1}, {transform_indices = #map}, {transform_indices = #map}]} {
    %mul3A = arith.constant 2 : i32
    %mul3A_0 = arith.muli %arg1, %mul3A : i32
    %add3A = arith.addi %mul3A_0, %arg0 : i32
    %scan3A = arith.constant 0 : i32
    %scan3A_1 = arith.constant 512 : i32
    %scan3A_2 = arith.addi %scan3A, %scan3A_1 : i32
    %scan3A_3 = arith.constant 1 : i32
    scf.for %scan3A_10 = %scan3A to %scan3A_2 step %scan3A_3  : i32 {
      %mul3A_11 = arith.constant 16 : i32
      %mul3A_12 = arith.muli %scan3A_10, %mul3A_11 : i32
      %add3A_13 = arith.constant 0 : i32
      %add3A_14 = arith.addi %add3A_13, %mul3A_12 : i32
      %broadcast_in_dim3A = arith.constant 0.000000e+00 : f32
      %broadcast_in_dim3A_15 = vector.broadcast %broadcast_in_dim3A : f32 to vector<16xf32>
      %swap3A = arith.index_cast %add3A_14 : i32 to index
      %swap3A_16 = tpu.vector_load %arg8[%swap3A] {strides = array<i32>} : memref<8192xf32, #tpu.memory_space<vmem>>, vector<16xf32>,
      tpu.vector_store %arg8[%swap3A], %broadcast_in_dim3A_15 {strides = array<i32>} : memref<8192xf32, #tpu.memory_space<vmem>>, vector<16xf32>,
    }
    %scan3A_4 = arith.constant 512 : i32
    "tpu.region"() ({
      %run_scoped3A = tpu.sem_alloc : memref<!tpu.dma_semaphore, #tpu.memory_space<semaphore_mem>>
      %dma_start3A = arith.constant 0 : i32
      %dma_start3A_10 = arith.constant 0 : i32
      %dma_start3A_11 = tpu.memref_slice %arg3[%add3A, %dma_start3A, %dma_start3A_10] : memref<32x4x128xi32, #tpu.memory_space<hbm>> -> memref<1x4x128xi32, #tpu.memory_space<hbm>>
      %dma_start3A_12 = tpu.memref_squeeze %dma_start3A_11 : memref<1x4x128xi32, #tpu.memory_space<hbm>> -> memref<4x128xi32, #tpu.memory_space<hbm>>
      %dma_start3A_13 = arith.constant 0 : i32
      %dma_start3A_14 = arith.constant 0 : i32
      %dma_start3A_15 = tpu.memref_slice %arg3[%add3A, %dma_start3A_13, %dma_start3A_14] : memref<32x4x128xi32, #tpu.memory_space<hbm>> -> memref<1x4x128xi32, #tpu.memory_space<hbm>>
      %dma_start3A_16 = tpu.memref_squeeze %dma_start3A_15 : memref<1x4x128xi32, #tpu.memory_space<hbm>> -> memref<4x128xi32, #tpu.memory_space<hbm>>
      tpu.enqueue_dma source(%dma_start3A_16 : memref<4x128xi32, #tpu.memory_space<hbm>>) target(%arg6 : memref<4x128xi32, #tpu.memory_space<vmem>>) target_semaphore(%run_scoped3A : memref<!tpu.dma_semaphore, #tpu.memory_space<semaphore_mem>>)
      %dma_wait3A = arith.constant 0 : i32
      %dma_wait3A_17 = arith.constant 0 : i32
      %dma_wait3A_18 = tpu.memref_slice %arg3[%add3A, %dma_wait3A, %dma_wait3A_17] : memref<32x4x128xi32, #tpu.memory_space<hbm>> -> memref<1x4x128xi32, #tpu.memory_space<hbm>>
      %dma_wait3A_19 = tpu.memref_squeeze %dma_wait3A_18 : memref<1x4x128xi32, #tpu.memory_space<hbm>> -> memref<4x128xi32, #tpu.memory_space<hbm>>
      %dma_wait3A_20 = arith.constant 0 : i32
      %dma_wait3A_21 = arith.constant 0 : i32
      %dma_wait3A_22 = tpu.memref_slice %arg3[%add3A, %dma_wait3A_20, %dma_wait3A_21] : memref<32x4x128xi32, #tpu.memory_space<hbm>> -> memref<1x4x128xi32, #tpu.memory_space<hbm>>
      %dma_wait3A_23 = tpu.memref_squeeze %dma_wait3A_22 : memref<1x4x128xi32, #tpu.memory_space<hbm>> -> memref<4x128xi32, #tpu.memory_space<hbm>>
      tpu.wait_dma2 semaphore(%run_scoped3A : memref<!tpu.dma_semaphore, #tpu.memory_space<semaphore_mem>>) src(%dma_wait3A_23 : memref<4x128xi32, #tpu.memory_space<hbm>>) dst(%arg6 : memref<4x128xi32, #tpu.memory_space<vmem>>)
      tpu.yield
    }) : () -> ()
    %iota3A = tpu.iota {dimensions = array<i32: 0>} : vector<16xi32>
    %scan3A_5 = arith.constant 0 : i32
    %scan3A_6 = arith.constant 4 : i32
    %scan3A_7 = arith.addi %scan3A_5, %scan3A_6 : i32
    %scan3A_8 = arith.constant 1 : i32
    scf.for %scan3A_10 = %scan3A_5 to %scan3A_7 step %scan3A_8  : i32 {
      %mul3A_11 = arith.constant 1 : i32
      %mul3A_12 = arith.muli %scan3A_10, %mul3A_11 : i32
      %add3A_13 = arith.constant 0 : i32
      %add3A_14 = arith.addi %add3A_13, %mul3A_12 : i32
      %mul3A_15 = arith.constant 512 : i32
      %mul3A_16 = arith.muli %add3A, %mul3A_15 : i32
      %mul3A_17 = arith.constant 128 : i32
      %mul3A_18 = arith.muli %add3A_14, %mul3A_17 : i32
      %add3A_19 = arith.addi %mul3A_16, %mul3A_18 : i32
      %dma_start3A = arith.constant 0 : i32
      %dma_start3A_20 = tpu.memref_slice %arg6[%add3A_14, %dma_start3A] : memref<4x128xi32, #tpu.memory_space<vmem>> -> memref<1x128xi32, #tpu.memory_space<vmem>>
      %dma_start3A_21 = tpu.memref_squeeze %dma_start3A_20 : memref<1x128xi32, #tpu.memory_space<vmem>> -> memref<128xi32, #tpu.memory_space<vmem>>
      %dma_start3A_22 = arith.constant 0 : i32
      %dma_start3A_23 = arith.constant 0 : i32
      %dma_start3A_24 = tpu.memref_slice %arg2[%dma_start3A_22, %dma_start3A_23] : memref<8192x256xf32, #tpu.memory_space<hbm>> -> memref<8192x256xf32, #tpu.memory_space<hbm>>
      tpu.enqueue_indirect_dma source(%dma_start3A_24 : memref<8192x256xf32, #tpu.memory_space<hbm>>) target(%arg7 : memref<128x256xf32, #tpu.memory_space<vmem>>) offsets(%dma_start3A_21 : memref<128xi32, #tpu.memory_space<vmem>>) semaphore(%arg9 : memref<!tpu.dma_semaphore, #tpu.memory_space<semaphore_mem>>)
      %dma_wait3A = arith.constant 0 : i32
      %dma_wait3A_25 = tpu.memref_slice %arg6[%add3A_14, %dma_wait3A] : memref<4x128xi32, #tpu.memory_space<vmem>> -> memref<1x128xi32, #tpu.memory_space<vmem>>
      %dma_wait3A_26 = tpu.memref_squeeze %dma_wait3A_25 : memref<1x128xi32, #tpu.memory_space<vmem>> -> memref<128xi32, #tpu.memory_space<vmem>>
      %dma_wait3A_27 = arith.constant 0 : i32
      %dma_wait3A_28 = arith.constant 0 : i32
      %dma_wait3A_29 = tpu.memref_slice %arg2[%dma_wait3A_27, %dma_wait3A_28] : memref<8192x256xf32, #tpu.memory_space<hbm>> -> memref<8192x256xf32, #tpu.memory_space<hbm>>
      tpu.wait_indirect_dma semaphore(%arg9 : memref<!tpu.dma_semaphore, #tpu.memory_space<semaphore_mem>>) src(%dma_wait3A_29 : memref<8192x256xf32, #tpu.memory_space<hbm>>) dst(%arg7 : memref<128x256xf32, #tpu.memory_space<vmem>>)
      "tpu.region"() ({
        %run_scoped3A = tpu.sem_alloc : memref<!tpu.dma_semaphore, #tpu.memory_space<semaphore_mem>>
        %dma_start3A_35 = arith.constant 0 : i32
        %dma_start3A_36 = tpu.memref_slice %arg4[%add3A_19, %dma_start3A_35] : memref<16384x256xf32, #tpu.memory_space<hbm>> -> memref<128x256xf32, #tpu.memory_space<hbm>>
        %dma_start3A_37 = arith.constant 0 : i32
        %dma_start3A_38 = tpu.memref_slice %arg4[%add3A_19, %dma_start3A_37] : memref<16384x256xf32, #tpu.memory_space<hbm>> -> memref<128x256xf32, #tpu.memory_space<hbm>>
        tpu.enqueue_dma source(%arg7 : memref<128x256xf32, #tpu.memory_space<vmem>>) target(%dma_start3A_38 : memref<128x256xf32, #tpu.memory_space<hbm>>) target_semaphore(%run_scoped3A : memref<!tpu.dma_semaphore, #tpu.memory_space<semaphore_mem>>)
        %dma_wait3A_39 = arith.constant 0 : i32
        %dma_wait3A_40 = tpu.memref_slice %arg4[%add3A_19, %dma_wait3A_39] : memref<16384x256xf32, #tpu.memory_space<hbm>> -> memref<128x256xf32, #tpu.memory_space<hbm>>
        %dma_wait3A_41 = arith.constant 0 : i32
        %dma_wait3A_42 = tpu.memref_slice %arg4[%add3A_19, %dma_wait3A_41] : memref<16384x256xf32, #tpu.memory_space<hbm>> -> memref<128x256xf32, #tpu.memory_space<hbm>>
        tpu.wait_dma2 semaphore(%run_scoped3A : memref<!tpu.dma_semaphore, #tpu.memory_space<semaphore_mem>>) src(%arg7 : memref<128x256xf32, #tpu.memory_space<vmem>>) dst(%dma_wait3A_42 : memref<128x256xf32, #tpu.memory_space<hbm>>)
        tpu.yield
      }) : () -> ()
      %scan3A_30 = arith.constant 0 : i32
      %scan3A_31 = arith.constant 8 : i32
      %scan3A_32 = arith.addi %scan3A_30, %scan3A_31 : i32
      %scan3A_33 = arith.constant 1 : i32
      scf.for %scan3A_35 = %scan3A_30 to %scan3A_32 step %scan3A_33  : i32 {
        %mul3A_36 = arith.constant 16 : i32
        %mul3A_37 = arith.muli %scan3A_35, %mul3A_36 : i32
        %add3A_38 = arith.constant 0 : i32
        %add3A_39 = arith.addi %add3A_38, %mul3A_37 : i32
        %get3A = arith.index_cast %add3A_14 : i32 to index
        %get3A_40 = arith.index_cast %add3A_39 : i32 to index
        %get3A_41 = tpu.vector_load %arg6[%get3A, %get3A_40] {strides = array<i32>} : memref<4x128xi32, #tpu.memory_space<vmem>>, vector<16xi32>,
        %broadcast_in_dim3A = arith.constant 1.000000e+00 : f32
        %broadcast_in_dim3A_42 = vector.broadcast %broadcast_in_dim3A : f32 to vector<16xf32>
        %lt3A = arith.constant 0 : i32
        %lt3A_43 = vector.broadcast %lt3A : i32 to vector<16xi32>
        %lt3A_44 = arith.cmpi slt, %iota3A, %lt3A_43 : vector<16xi32>
        %add3A_45 = arith.constant 1 : i32
        %add3A_46 = vector.broadcast %add3A_45 : i32 to vector<16xi32>
        %add3A_47 = arith.addi %iota3A, %add3A_46 : vector<16xi32>
        %ge3A = arith.constant 16 : i32
        %ge3A_48 = vector.broadcast %ge3A : i32 to vector<16xi32>
        %ge3A_49 = arith.cmpi sge, %add3A_47, %ge3A_48 : vector<16xi32>
        %sub3A = arith.constant 16 : i32
        %sub3A_50 = vector.broadcast %sub3A : i32 to vector<16xi32>
        %sub3A_51 = arith.subi %add3A_47, %sub3A_50 : vector<16xi32>
        %select_n3A = arith.select %ge3A_49, %sub3A_51, %add3A_47 : vector<16xi1>, vector<16xi32>
        %lt3A_52 = arith.constant 0 : i32
        %lt3A_53 = vector.broadcast %lt3A_52 : i32 to vector<16xi32>
        %lt3A_54 = arith.cmpi slt, %select_n3A, %lt3A_53 : vector<16xi32>
        %add3A_55 = arith.constant 16 : i32
        %add3A_56 = vector.broadcast %add3A_55 : i32 to vector<16xi32>
        %add3A_57 = arith.addi %select_n3A, %add3A_56 : vector<16xi32>
        %select_n3A_58 = arith.select %lt3A_54, %add3A_57, %select_n3A : vector<16xi1>, vector<16xi32>
        %broadcast_in_dim3A_59 = vector.shape_cast %select_n3A_58 : vector<16xi32> to vector<16x1xi32>
        %gather3A = vector.shape_cast %broadcast_in_dim3A_59 : vector<16x1xi32> to vector<16xi32>
        %gather3A_60 = tpu.dynamic_gather %get3A_41[%gather3A] in [0] : vector<16xi32>, vector<16xi32> -> vector<16xi32>
        %eq3A = arith.cmpi eq, %gather3A_60, %get3A_41 : vector<16xi32>
        %jit3A = arith.constant 1.000000e+00 : f32
        %jit3A_61 = arith.constant 0.000000e+00 : f32
        %broadcast_in_dim3A_62 = vector.broadcast %jit3A : f32 to vector<16xf32>
        %broadcast_in_dim3A_63 = vector.broadcast %jit3A_61 : f32 to vector<16xf32>
        %select_n3A_64 = arith.select %eq3A, %broadcast_in_dim3A_62, %broadcast_in_dim3A_63 : vector<16xi1>, vector<16xf32>
        %add3A_65 = arith.addf %broadcast_in_dim3A_42, %select_n3A_64 : vector<16xf32>
        %ge3A_66 = arith.constant 15 : i32
        %ge3A_67 = vector.broadcast %ge3A_66 : i32 to vector<16xi32>
        %ge3A_68 = arith.cmpi sge, %iota3A, %ge3A_67 : vector<16xi32>
        %and3A = arith.andi %eq3A, %ge3A_68 : vector<16xi1>
        %or3A = arith.ori %lt3A_44, %and3A : vector<16xi1>
        %add3A_69 = arith.constant 2 : i32
        %add3A_70 = vector.broadcast %add3A_69 : i32 to vector<16xi32>
        %add3A_71 = arith.addi %iota3A, %add3A_70 : vector<16xi32>
        %ge3A_72 = arith.constant 16 : i32
        %ge3A_73 = vector.broadcast %ge3A_72 : i32 to vector<16xi32>
        %ge3A_74 = arith.cmpi sge, %add3A_71, %ge3A_73 : vector<16xi32>
        %sub3A_75 = arith.constant 16 : i32
        %sub3A_76 = vector.broadcast %sub3A_75 : i32 to vector<16xi32>
        %sub3A_77 = arith.subi %add3A_71, %sub3A_76 : vector<16xi32>
        %select_n3A_78 = arith.select %ge3A_74, %sub3A_77, %add3A_71 : vector<16xi1>, vector<16xi32>
        %lt3A_79 = arith.constant 0 : i32
        %lt3A_80 = vector.broadcast %lt3A_79 : i32 to vector<16xi32>
        %lt3A_81 = arith.cmpi slt, %select_n3A_78, %lt3A_80 : vector<16xi32>
        %add3A_82 = arith.constant 16 : i32
        %add3A_83 = vector.broadcast %add3A_82 : i32 to vector<16xi32>
        %add3A_84 = arith.addi %select_n3A_78, %add3A_83 : vector<16xi32>
        %select_n3A_85 = arith.select %lt3A_81, %add3A_84, %select_n3A_78 : vector<16xi1>, vector<16xi32>
        %broadcast_in_dim3A_86 = vector.shape_cast %select_n3A_85 : vector<16xi32> to vector<16x1xi32>
        %gather3A_87 = vector.shape_cast %broadcast_in_dim3A_86 : vector<16x1xi32> to vector<16xi32>
        %gather3A_88 = tpu.dynamic_gather %get3A_41[%gather3A_87] in [0] : vector<16xi32>, vector<16xi32> -> vector<16xi32>
        %eq3A_89 = arith.cmpi eq, %gather3A_88, %get3A_41 : vector<16xi32>
        %jit3A_90 = arith.constant 1.000000e+00 : f32
        %jit3A_91 = arith.constant 0.000000e+00 : f32
        %broadcast_in_dim3A_92 = vector.broadcast %jit3A_90 : f32 to vector<16xf32>
        %broadcast_in_dim3A_93 = vector.broadcast %jit3A_91 : f32 to vector<16xf32>
        %select_n3A_94 = arith.select %eq3A_89, %broadcast_in_dim3A_92, %broadcast_in_dim3A_93 : vector<16xi1>, vector<16xf32>
        %add3A_95 = arith.addf %add3A_65, %select_n3A_94 : vector<16xf32>
        %ge3A_96 = arith.constant 14 : i32
        %ge3A_97 = vector.broadcast %ge3A_96 : i32 to vector<16xi32>
        %ge3A_98 = arith.cmpi sge, %iota3A, %ge3A_97 : vector<16xi32>
        %and3A_99 = arith.andi %eq3A_89, %ge3A_98 : vector<16xi1>
        %or3A_100 = arith.ori %or3A, %and3A_99 : vector<16xi1>
        %add3A_101 = arith.constant 3 : i32
        %add3A_102 = vector.broadcast %add3A_101 : i32 to vector<16xi32>
        %add3A_103 = arith.addi %iota3A, %add3A_102 : vector<16xi32>
        %ge3A_104 = arith.constant 16 : i32
        %ge3A_105 = vector.broadcast %ge3A_104 : i32 to vector<16xi32>
        %ge3A_106 = arith.cmpi sge, %add3A_103, %ge3A_105 : vector<16xi32>
        %sub3A_107 = arith.constant 16 : i32
        %sub3A_108 = vector.broadcast %sub3A_107 : i32 to vector<16xi32>
        %sub3A_109 = arith.subi %add3A_103, %sub3A_108 : vector<16xi32>
        %select_n3A_110 = arith.select %ge3A_106, %sub3A_109, %add3A_103 : vector<16xi1>, vector<16xi32>
        %lt3A_111 = arith.constant 0 : i32
        %lt3A_112 = vector.broadcast %lt3A_111 : i32 to vector<16xi32>
        %lt3A_113 = arith.cmpi slt, %select_n3A_110, %lt3A_112 : vector<16xi32>
        %add3A_114 = arith.constant 16 : i32
        %add3A_115 = vector.broadcast %add3A_114 : i32 to vector<16xi32>
        %add3A_116 = arith.addi %select_n3A_110, %add3A_115 : vector<16xi32>
        %select_n3A_117 = arith.select %lt3A_113, %add3A_116, %select_n3A_110 : vector<16xi1>, vector<16xi32>
        %broadcast_in_dim3A_118 = vector.shape_cast %select_n3A_117 : vector<16xi32> to vector<16x1xi32>
        %gather3A_119 = vector.shape_cast %broadcast_in_dim3A_118 : vector<16x1xi32> to vector<16xi32>
        %gather3A_120 = tpu.dynamic_gather %get3A_41[%gather3A_119] in [0] : vector<16xi32>, vector<16xi32> -> vector<16xi32>
        %eq3A_121 = arith.cmpi eq, %gather3A_120, %get3A_41 : vector<16xi32>
        %jit3A_122 = arith.constant 1.000000e+00 : f32
        %jit3A_123 = arith.constant 0.000000e+00 : f32
        %broadcast_in_dim3A_124 = vector.broadcast %jit3A_122 : f32 to vector<16xf32>
        %broadcast_in_dim3A_125 = vector.broadcast %jit3A_123 : f32 to vector<16xf32>
        %select_n3A_126 = arith.select %eq3A_121, %broadcast_in_dim3A_124, %broadcast_in_dim3A_125 : vector<16xi1>, vector<16xf32>
        %add3A_127 = arith.addf %add3A_95, %select_n3A_126 : vector<16xf32>
        %ge3A_128 = arith.constant 13 : i32
        %ge3A_129 = vector.broadcast %ge3A_128 : i32 to vector<16xi32>
        %ge3A_130 = arith.cmpi sge, %iota3A, %ge3A_129 : vector<16xi32>
        %and3A_131 = arith.andi %eq3A_121, %ge3A_130 : vector<16xi1>
        %or3A_132 = arith.ori %or3A_100, %and3A_131 : vector<16xi1>
        %add3A_133 = arith.constant 4 : i32
        %add3A_134 = vector.broadcast %add3A_133 : i32 to vector<16xi32>
        %add3A_135 = arith.addi %iota3A, %add3A_134 : vector<16xi32>
        %ge3A_136 = arith.constant 16 : i32
        %ge3A_137 = vector.broadcast %ge3A_136 : i32 to vector<16xi32>
        %ge3A_138 = arith.cmpi sge, %add3A_135, %ge3A_137 : vector<16xi32>
        %sub3A_139 = arith.constant 16 : i32
        %sub3A_140 = vector.broadcast %sub3A_139 : i32 to vector<16xi32>
        %sub3A_141 = arith.subi %add3A_135, %sub3A_140 : vector<16xi32>
        %select_n3A_142 = arith.select %ge3A_138, %sub3A_141, %add3A_135 : vector<16xi1>, vector<16xi32>
        %lt3A_143 = arith.constant 0 : i32
        %lt3A_144 = vector.broadcast %lt3A_143 : i32 to vector<16xi32>
        %lt3A_145 = arith.cmpi slt, %select_n3A_142, %lt3A_144 : vector<16xi32>
        %add3A_146 = arith.constant 16 : i32
        %add3A_147 = vector.broadcast %add3A_146 : i32 to vector<16xi32>
        %add3A_148 = arith.addi %select_n3A_142, %add3A_147 : vector<16xi32>
        %select_n3A_149 = arith.select %lt3A_145, %add3A_148, %select_n3A_142 : vector<16xi1>, vector<16xi32>
        %broadcast_in_dim3A_150 = vector.shape_cast %select_n3A_149 : vector<16xi32> to vector<16x1xi32>
        %gather3A_151 = vector.shape_cast %broadcast_in_dim3A_150 : vector<16x1xi32> to vector<16xi32>
        %gather3A_152 = tpu.dynamic_gather %get3A_41[%gather3A_151] in [0] : vector<16xi32>, vector<16xi32> -> vector<16xi32>
        %eq3A_153 = arith.cmpi eq, %gather3A_152, %get3A_41 : vector<16xi32>
        %jit3A_154 = arith.constant 1.000000e+00 : f32
        %jit3A_155 = arith.constant 0.000000e+00 : f32
        %broadcast_in_dim3A_156 = vector.broadcast %jit3A_154 : f32 to vector<16xf32>
        %broadcast_in_dim3A_157 = vector.broadcast %jit3A_155 : f32 to vector<16xf32>
        %select_n3A_158 = arith.select %eq3A_153, %broadcast_in_dim3A_156, %broadcast_in_dim3A_157 : vector<16xi1>, vector<16xf32>
        %add3A_159 = arith.addf %add3A_127, %select_n3A_158 : vector<16xf32>
        %ge3A_160 = arith.constant 12 : i32
        %ge3A_161 = vector.broadcast %ge3A_160 : i32 to vector<16xi32>
        %ge3A_162 = arith.cmpi sge, %iota3A, %ge3A_161 : vector<16xi32>
        %and3A_163 = arith.andi %eq3A_153, %ge3A_162 : vector<16xi1>
        %or3A_164 = arith.ori %or3A_132, %and3A_163 : vector<16xi1>
        %add3A_165 = arith.constant 5 : i32
        %add3A_166 = vector.broadcast %add3A_165 : i32 to vector<16xi32>
        %add3A_167 = arith.addi %iota3A, %add3A_166 : vector<16xi32>
        %ge3A_168 = arith.constant 16 : i32
        %ge3A_169 = vector.broadcast %ge3A_168 : i32 to vector<16xi32>
        %ge3A_170 = arith.cmpi sge, %add3A_167, %ge3A_169 : vector<16xi32>
        %sub3A_171 = arith.constant 16 : i32
        %sub3A_172 = vector.broadcast %sub3A_171 : i32 to vector<16xi32>
        %sub3A_173 = arith.subi %add3A_167, %sub3A_172 : vector<16xi32>
        %select_n3A_174 = arith.select %ge3A_170, %sub3A_173, %add3A_167 : vector<16xi1>, vector<16xi32>
        %lt3A_175 = arith.constant 0 : i32
        %lt3A_176 = vector.broadcast %lt3A_175 : i32 to vector<16xi32>
        %lt3A_177 = arith.cmpi slt, %select_n3A_174, %lt3A_176 : vector<16xi32>
        %add3A_178 = arith.constant 16 : i32
        %add3A_179 = vector.broadcast %add3A_178 : i32 to vector<16xi32>
        %add3A_180 = arith.addi %select_n3A_174, %add3A_179 : vector<16xi32>
        %select_n3A_181 = arith.select %lt3A_177, %add3A_180, %select_n3A_174 : vector<16xi1>, vector<16xi32>
        %broadcast_in_dim3A_182 = vector.shape_cast %select_n3A_181 : vector<16xi32> to vector<16x1xi32>
        %gather3A_183 = vector.shape_cast %broadcast_in_dim3A_182 : vector<16x1xi32> to vector<16xi32>
        %gather3A_184 = tpu.dynamic_gather %get3A_41[%gather3A_183] in [0] : vector<16xi32>, vector<16xi32> -> vector<16xi32>
        %eq3A_185 = arith.cmpi eq, %gather3A_184, %get3A_41 : vector<16xi32>
        %jit3A_186 = arith.constant 1.000000e+00 : f32
        %jit3A_187 = arith.constant 0.000000e+00 : f32
        %broadcast_in_dim3A_188 = vector.broadcast %jit3A_186 : f32 to vector<16xf32>
        %broadcast_in_dim3A_189 = vector.broadcast %jit3A_187 : f32 to vector<16xf32>
        %select_n3A_190 = arith.select %eq3A_185, %broadcast_in_dim3A_188, %broadcast_in_dim3A_189 : vector<16xi1>, vector<16xf32>
        %add3A_191 = arith.addf %add3A_159, %select_n3A_190 : vector<16xf32>
        %ge3A_192 = arith.constant 11 : i32
        %ge3A_193 = vector.broadcast %ge3A_192 : i32 to vector<16xi32>
        %ge3A_194 = arith.cmpi sge, %iota3A, %ge3A_193 : vector<16xi32>
        %and3A_195 = arith.andi %eq3A_185, %ge3A_194 : vector<16xi1>
        %or3A_196 = arith.ori %or3A_164, %and3A_195 : vector<16xi1>
        %add3A_197 = arith.constant 6 : i32
        %add3A_198 = vector.broadcast %add3A_197 : i32 to vector<16xi32>
        %add3A_199 = arith.addi %iota3A, %add3A_198 : vector<16xi32>
        %ge3A_200 = arith.constant 16 : i32
        %ge3A_201 = vector.broadcast %ge3A_200 : i32 to vector<16xi32>
        %ge3A_202 = arith.cmpi sge, %add3A_199, %ge3A_201 : vector<16xi32>
        %sub3A_203 = arith.constant 16 : i32
        %sub3A_204 = vector.broadcast %sub3A_203 : i32 to vector<16xi32>
        %sub3A_205 = arith.subi %add3A_199, %sub3A_204 : vector<16xi32>
        %select_n3A_206 = arith.select %ge3A_202, %sub3A_205, %add3A_199 : vector<16xi1>, vector<16xi32>
        %lt3A_207 = arith.constant 0 : i32
        %lt3A_208 = vector.broadcast %lt3A_207 : i32 to vector<16xi32>
        %lt3A_209 = arith.cmpi slt, %select_n3A_206, %lt3A_208 : vector<16xi32>
        %add3A_210 = arith.constant 16 : i32
        %add3A_211 = vector.broadcast %add3A_210 : i32 to vector<16xi32>
        %add3A_212 = arith.addi %select_n3A_206, %add3A_211 : vector<16xi32>
        %select_n3A_213 = arith.select %lt3A_209, %add3A_212, %select_n3A_206 : vector<16xi1>, vector<16xi32>
        %broadcast_in_dim3A_214 = vector.shape_cast %select_n3A_213 : vector<16xi32> to vector<16x1xi32>
        %gather3A_215 = vector.shape_cast %broadcast_in_dim3A_214 : vector<16x1xi32> to vector<16xi32>
        %gather3A_216 = tpu.dynamic_gather %get3A_41[%gather3A_215] in [0] : vector<16xi32>, vector<16xi32> -> vector<16xi32>
        %eq3A_217 = arith.cmpi eq, %gather3A_216, %get3A_41 : vector<16xi32>
        %jit3A_218 = arith.constant 1.000000e+00 : f32
        %jit3A_219 = arith.constant 0.000000e+00 : f32
        %broadcast_in_dim3A_220 = vector.broadcast %jit3A_218 : f32 to vector<16xf32>
        %broadcast_in_dim3A_221 = vector.broadcast %jit3A_219 : f32 to vector<16xf32>
        %select_n3A_222 = arith.select %eq3A_217, %broadcast_in_dim3A_220, %broadcast_in_dim3A_221 : vector<16xi1>, vector<16xf32>
        %add3A_223 = arith.addf %add3A_191, %select_n3A_222 : vector<16xf32>
        %ge3A_224 = arith.constant 10 : i32
        %ge3A_225 = vector.broadcast %ge3A_224 : i32 to vector<16xi32>
        %ge3A_226 = arith.cmpi sge, %iota3A, %ge3A_225 : vector<16xi32>
        %and3A_227 = arith.andi %eq3A_217, %ge3A_226 : vector<16xi1>
        %or3A_228 = arith.ori %or3A_196, %and3A_227 : vector<16xi1>
        %add3A_229 = arith.constant 7 : i32
        %add3A_230 = vector.broadcast %add3A_229 : i32 to vector<16xi32>
        %add3A_231 = arith.addi %iota3A, %add3A_230 : vector<16xi32>
        %ge3A_232 = arith.constant 16 : i32
        %ge3A_233 = vector.broadcast %ge3A_232 : i32 to vector<16xi32>
        %ge3A_234 = arith.cmpi sge, %add3A_231, %ge3A_233 : vector<16xi32>
        %sub3A_235 = arith.constant 16 : i32
        %sub3A_236 = vector.broadcast %sub3A_235 : i32 to vector<16xi32>
        %sub3A_237 = arith.subi %add3A_231, %sub3A_236 : vector<16xi32>
        %select_n3A_238 = arith.select %ge3A_234, %sub3A_237, %add3A_231 : vector<16xi1>, vector<16xi32>
        %lt3A_239 = arith.constant 0 : i32
        %lt3A_240 = vector.broadcast %lt3A_239 : i32 to vector<16xi32>
        %lt3A_241 = arith.cmpi slt, %select_n3A_238, %lt3A_240 : vector<16xi32>
        %add3A_242 = arith.constant 16 : i32
        %add3A_243 = vector.broadcast %add3A_242 : i32 to vector<16xi32>
        %add3A_244 = arith.addi %select_n3A_238, %add3A_243 : vector<16xi32>
        %select_n3A_245 = arith.select %lt3A_241, %add3A_244, %select_n3A_238 : vector<16xi1>, vector<16xi32>
        %broadcast_in_dim3A_246 = vector.shape_cast %select_n3A_245 : vector<16xi32> to vector<16x1xi32>
        %gather3A_247 = vector.shape_cast %broadcast_in_dim3A_246 : vector<16x1xi32> to vector<16xi32>
        %gather3A_248 = tpu.dynamic_gather %get3A_41[%gather3A_247] in [0] : vector<16xi32>, vector<16xi32> -> vector<16xi32>
        %eq3A_249 = arith.cmpi eq, %gather3A_248, %get3A_41 : vector<16xi32>
        %jit3A_250 = arith.constant 1.000000e+00 : f32
        %jit3A_251 = arith.constant 0.000000e+00 : f32
        %broadcast_in_dim3A_252 = vector.broadcast %jit3A_250 : f32 to vector<16xf32>
        %broadcast_in_dim3A_253 = vector.broadcast %jit3A_251 : f32 to vector<16xf32>
        %select_n3A_254 = arith.select %eq3A_249, %broadcast_in_dim3A_252, %broadcast_in_dim3A_253 : vector<16xi1>, vector<16xf32>
        %add3A_255 = arith.addf %add3A_223, %select_n3A_254 : vector<16xf32>
        %ge3A_256 = arith.constant 9 : i32
        %ge3A_257 = vector.broadcast %ge3A_256 : i32 to vector<16xi32>
        %ge3A_258 = arith.cmpi sge, %iota3A, %ge3A_257 : vector<16xi32>
        %and3A_259 = arith.andi %eq3A_249, %ge3A_258 : vector<16xi1>
        %or3A_260 = arith.ori %or3A_228, %and3A_259 : vector<16xi1>
        %add3A_261 = arith.constant 8 : i32
        %add3A_262 = vector.broadcast %add3A_261 : i32 to vector<16xi32>
        %add3A_263 = arith.addi %iota3A, %add3A_262 : vector<16xi32>
        %ge3A_264 = arith.constant 16 : i32
        %ge3A_265 = vector.broadcast %ge3A_264 : i32 to vector<16xi32>
        %ge3A_266 = arith.cmpi sge, %add3A_263, %ge3A_265 : vector<16xi32>
        %sub3A_267 = arith.constant 16 : i32
        %sub3A_268 = vector.broadcast %sub3A_267 : i32 to vector<16xi32>
        %sub3A_269 = arith.subi %add3A_263, %sub3A_268 : vector<16xi32>
        %select_n3A_270 = arith.select %ge3A_266, %sub3A_269, %add3A_263 : vector<16xi1>, vector<16xi32>
        %lt3A_271 = arith.constant 0 : i32
        %lt3A_272 = vector.broadcast %lt3A_271 : i32 to vector<16xi32>
        %lt3A_273 = arith.cmpi slt, %select_n3A_270, %lt3A_272 : vector<16xi32>
        %add3A_274 = arith.constant 16 : i32
        %add3A_275 = vector.broadcast %add3A_274 : i32 to vector<16xi32>
        %add3A_276 = arith.addi %select_n3A_270, %add3A_275 : vector<16xi32>
        %select_n3A_277 = arith.select %lt3A_273, %add3A_276, %select_n3A_270 : vector<16xi1>, vector<16xi32>
        %broadcast_in_dim3A_278 = vector.shape_cast %select_n3A_277 : vector<16xi32> to vector<16x1xi32>
        %gather3A_279 = vector.shape_cast %broadcast_in_dim3A_278 : vector<16x1xi32> to vector<16xi32>
        %gather3A_280 = tpu.dynamic_gather %get3A_41[%gather3A_279] in [0] : vector<16xi32>, vector<16xi32> -> vector<16xi32>
        %eq3A_281 = arith.cmpi eq, %gather3A_280, %get3A_41 : vector<16xi32>
        %jit3A_282 = arith.constant 1.000000e+00 : f32
        %jit3A_283 = arith.constant 0.000000e+00 : f32
        %broadcast_in_dim3A_284 = vector.broadcast %jit3A_282 : f32 to vector<16xf32>
        %broadcast_in_dim3A_285 = vector.broadcast %jit3A_283 : f32 to vector<16xf32>
        %select_n3A_286 = arith.select %eq3A_281, %broadcast_in_dim3A_284, %broadcast_in_dim3A_285 : vector<16xi1>, vector<16xf32>
        %add3A_287 = arith.addf %add3A_255, %select_n3A_286 : vector<16xf32>
        %ge3A_288 = arith.constant 8 : i32
        %ge3A_289 = vector.broadcast %ge3A_288 : i32 to vector<16xi32>
        %ge3A_290 = arith.cmpi sge, %iota3A, %ge3A_289 : vector<16xi32>
        %and3A_291 = arith.andi %eq3A_281, %ge3A_290 : vector<16xi1>
        %or3A_292 = arith.ori %or3A_260, %and3A_291 : vector<16xi1>
        %add3A_293 = arith.constant 9 : i32
        %add3A_294 = vector.broadcast %add3A_293 : i32 to vector<16xi32>
        %add3A_295 = arith.addi %iota3A, %add3A_294 : vector<16xi32>
        %ge3A_296 = arith.constant 16 : i32
        %ge3A_297 = vector.broadcast %ge3A_296 : i32 to vector<16xi32>
        %ge3A_298 = arith.cmpi sge, %add3A_295, %ge3A_297 : vector<16xi32>
        %sub3A_299 = arith.constant 16 : i32
        %sub3A_300 = vector.broadcast %sub3A_299 : i32 to vector<16xi32>
        %sub3A_301 = arith.subi %add3A_295, %sub3A_300 : vector<16xi32>
        %select_n3A_302 = arith.select %ge3A_298, %sub3A_301, %add3A_295 : vector<16xi1>, vector<16xi32>
        %lt3A_303 = arith.constant 0 : i32
        %lt3A_304 = vector.broadcast %lt3A_303 : i32 to vector<16xi32>
        %lt3A_305 = arith.cmpi slt, %select_n3A_302, %lt3A_304 : vector<16xi32>
        %add3A_306 = arith.constant 16 : i32
        %add3A_307 = vector.broadcast %add3A_306 : i32 to vector<16xi32>
        %add3A_308 = arith.addi %select_n3A_302, %add3A_307 : vector<16xi32>
        %select_n3A_309 = arith.select %lt3A_305, %add3A_308, %select_n3A_302 : vector<16xi1>, vector<16xi32>
        %broadcast_in_dim3A_310 = vector.shape_cast %select_n3A_309 : vector<16xi32> to vector<16x1xi32>
        %gather3A_311 = vector.shape_cast %broadcast_in_dim3A_310 : vector<16x1xi32> to vector<16xi32>
        %gather3A_312 = tpu.dynamic_gather %get3A_41[%gather3A_311] in [0] : vector<16xi32>, vector<16xi32> -> vector<16xi32>
        %eq3A_313 = arith.cmpi eq, %gather3A_312, %get3A_41 : vector<16xi32>
        %jit3A_314 = arith.constant 1.000000e+00 : f32
        %jit3A_315 = arith.constant 0.000000e+00 : f32
        %broadcast_in_dim3A_316 = vector.broadcast %jit3A_314 : f32 to vector<16xf32>
        %broadcast_in_dim3A_317 = vector.broadcast %jit3A_315 : f32 to vector<16xf32>
        %select_n3A_318 = arith.select %eq3A_313, %broadcast_in_dim3A_316, %broadcast_in_dim3A_317 : vector<16xi1>, vector<16xf32>
        %add3A_319 = arith.addf %add3A_287, %select_n3A_318 : vector<16xf32>
        %ge3A_320 = arith.constant 7 : i32
        %ge3A_321 = vector.broadcast %ge3A_320 : i32 to vector<16xi32>
        %ge3A_322 = arith.cmpi sge, %iota3A, %ge3A_321 : vector<16xi32>
        %and3A_323 = arith.andi %eq3A_313, %ge3A_322 : vector<16xi1>
        %or3A_324 = arith.ori %or3A_292, %and3A_323 : vector<16xi1>
        %add3A_325 = arith.constant 10 : i32
        %add3A_326 = vector.broadcast %add3A_325 : i32 to vector<16xi32>
        %add3A_327 = arith.addi %iota3A, %add3A_326 : vector<16xi32>
        %ge3A_328 = arith.constant 16 : i32
        %ge3A_329 = vector.broadcast %ge3A_328 : i32 to vector<16xi32>
        %ge3A_330 = arith.cmpi sge, %add3A_327, %ge3A_329 : vector<16xi32>
        %sub3A_331 = arith.constant 16 : i32
        %sub3A_332 = vector.broadcast %sub3A_331 : i32 to vector<16xi32>
        %sub3A_333 = arith.subi %add3A_327, %sub3A_332 : vector<16xi32>
        %select_n3A_334 = arith.select %ge3A_330, %sub3A_333, %add3A_327 : vector<16xi1>, vector<16xi32>
        %lt3A_335 = arith.constant 0 : i32
        %lt3A_336 = vector.broadcast %lt3A_335 : i32 to vector<16xi32>
        %lt3A_337 = arith.cmpi slt, %select_n3A_334, %lt3A_336 : vector<16xi32>
        %add3A_338 = arith.constant 16 : i32
        %add3A_339 = vector.broadcast %add3A_338 : i32 to vector<16xi32>
        %add3A_340 = arith.addi %select_n3A_334, %add3A_339 : vector<16xi32>
        %select_n3A_341 = arith.select %lt3A_337, %add3A_340, %select_n3A_334 : vector<16xi1>, vector<16xi32>
        %broadcast_in_dim3A_342 = vector.shape_cast %select_n3A_341 : vector<16xi32> to vector<16x1xi32>
        %gather3A_343 = vector.shape_cast %broadcast_in_dim3A_342 : vector<16x1xi32> to vector<16xi32>
        %gather3A_344 = tpu.dynamic_gather %get3A_41[%gather3A_343] in [0] : vector<16xi32>, vector<16xi32> -> vector<16xi32>
        %eq3A_345 = arith.cmpi eq, %gather3A_344, %get3A_41 : vector<16xi32>
        %jit3A_346 = arith.constant 1.000000e+00 : f32
        %jit3A_347 = arith.constant 0.000000e+00 : f32
        %broadcast_in_dim3A_348 = vector.broadcast %jit3A_346 : f32 to vector<16xf32>
        %broadcast_in_dim3A_349 = vector.broadcast %jit3A_347 : f32 to vector<16xf32>
        %select_n3A_350 = arith.select %eq3A_345, %broadcast_in_dim3A_348, %broadcast_in_dim3A_349 : vector<16xi1>, vector<16xf32>
        %add3A_351 = arith.addf %add3A_319, %select_n3A_350 : vector<16xf32>
        %ge3A_352 = arith.constant 6 : i32
        %ge3A_353 = vector.broadcast %ge3A_352 : i32 to vector<16xi32>
        %ge3A_354 = arith.cmpi sge, %iota3A, %ge3A_353 : vector<16xi32>
        %and3A_355 = arith.andi %eq3A_345, %ge3A_354 : vector<16xi1>
        %or3A_356 = arith.ori %or3A_324, %and3A_355 : vector<16xi1>
        %add3A_357 = arith.constant 11 : i32
        %add3A_358 = vector.broadcast %add3A_357 : i32 to vector<16xi32>
        %add3A_359 = arith.addi %iota3A, %add3A_358 : vector<16xi32>
        %ge3A_360 = arith.constant 16 : i32
        %ge3A_361 = vector.broadcast %ge3A_360 : i32 to vector<16xi32>
        %ge3A_362 = arith.cmpi sge, %add3A_359, %ge3A_361 : vector<16xi32>
        %sub3A_363 = arith.constant 16 : i32
        %sub3A_364 = vector.broadcast %sub3A_363 : i32 to vector<16xi32>
        %sub3A_365 = arith.subi %add3A_359, %sub3A_364 : vector<16xi32>
        %select_n3A_366 = arith.select %ge3A_362, %sub3A_365, %add3A_359 : vector<16xi1>, vector<16xi32>
        %lt3A_367 = arith.constant 0 : i32
        %lt3A_368 = vector.broadcast %lt3A_367 : i32 to vector<16xi32>
        %lt3A_369 = arith.cmpi slt, %select_n3A_366, %lt3A_368 : vector<16xi32>
        %add3A_370 = arith.constant 16 : i32
        %add3A_371 = vector.broadcast %add3A_370 : i32 to vector<16xi32>
        %add3A_372 = arith.addi %select_n3A_366, %add3A_371 : vector<16xi32>
        %select_n3A_373 = arith.select %lt3A_369, %add3A_372, %select_n3A_366 : vector<16xi1>, vector<16xi32>
        %broadcast_in_dim3A_374 = vector.shape_cast %select_n3A_373 : vector<16xi32> to vector<16x1xi32>
        %gather3A_375 = vector.shape_cast %broadcast_in_dim3A_374 : vector<16x1xi32> to vector<16xi32>
        %gather3A_376 = tpu.dynamic_gather %get3A_41[%gather3A_375] in [0] : vector<16xi32>, vector<16xi32> -> vector<16xi32>
        %eq3A_377 = arith.cmpi eq, %gather3A_376, %get3A_41 : vector<16xi32>
        %jit3A_378 = arith.constant 1.000000e+00 : f32
        %jit3A_379 = arith.constant 0.000000e+00 : f32
        %broadcast_in_dim3A_380 = vector.broadcast %jit3A_378 : f32 to vector<16xf32>
        %broadcast_in_dim3A_381 = vector.broadcast %jit3A_379 : f32 to vector<16xf32>
        %select_n3A_382 = arith.select %eq3A_377, %broadcast_in_dim3A_380, %broadcast_in_dim3A_381 : vector<16xi1>, vector<16xf32>
        %add3A_383 = arith.addf %add3A_351, %select_n3A_382 : vector<16xf32>
        %ge3A_384 = arith.constant 5 : i32
        %ge3A_385 = vector.broadcast %ge3A_384 : i32 to vector<16xi32>
        %ge3A_386 = arith.cmpi sge, %iota3A, %ge3A_385 : vector<16xi32>
        %and3A_387 = arith.andi %eq3A_377, %ge3A_386 : vector<16xi1>
        %or3A_388 = arith.ori %or3A_356, %and3A_387 : vector<16xi1>
        %add3A_389 = arith.constant 12 : i32
        %add3A_390 = vector.broadcast %add3A_389 : i32 to vector<16xi32>
        %add3A_391 = arith.addi %iota3A, %add3A_390 : vector<16xi32>
        %ge3A_392 = arith.constant 16 : i32
        %ge3A_393 = vector.broadcast %ge3A_392 : i32 to vector<16xi32>
        %ge3A_394 = arith.cmpi sge, %add3A_391, %ge3A_393 : vector<16xi32>
        %sub3A_395 = arith.constant 16 : i32
        %sub3A_396 = vector.broadcast %sub3A_395 : i32 to vector<16xi32>
        %sub3A_397 = arith.subi %add3A_391, %sub3A_396 : vector<16xi32>
        %select_n3A_398 = arith.select %ge3A_394, %sub3A_397, %add3A_391 : vector<16xi1>, vector<16xi32>
        %lt3A_399 = arith.constant 0 : i32
        %lt3A_400 = vector.broadcast %lt3A_399 : i32 to vector<16xi32>
        %lt3A_401 = arith.cmpi slt, %select_n3A_398, %lt3A_400 : vector<16xi32>
        %add3A_402 = arith.constant 16 : i32
        %add3A_403 = vector.broadcast %add3A_402 : i32 to vector<16xi32>
        %add3A_404 = arith.addi %select_n3A_398, %add3A_403 : vector<16xi32>
        %select_n3A_405 = arith.select %lt3A_401, %add3A_404, %select_n3A_398 : vector<16xi1>, vector<16xi32>
        %broadcast_in_dim3A_406 = vector.shape_cast %select_n3A_405 : vector<16xi32> to vector<16x1xi32>
        %gather3A_407 = vector.shape_cast %broadcast_in_dim3A_406 : vector<16x1xi32> to vector<16xi32>
        %gather3A_408 = tpu.dynamic_gather %get3A_41[%gather3A_407] in [0] : vector<16xi32>, vector<16xi32> -> vector<16xi32>
        %eq3A_409 = arith.cmpi eq, %gather3A_408, %get3A_41 : vector<16xi32>
        %jit3A_410 = arith.constant 1.000000e+00 : f32
        %jit3A_411 = arith.constant 0.000000e+00 : f32
        %broadcast_in_dim3A_412 = vector.broadcast %jit3A_410 : f32 to vector<16xf32>
        %broadcast_in_dim3A_413 = vector.broadcast %jit3A_411 : f32 to vector<16xf32>
        %select_n3A_414 = arith.select %eq3A_409, %broadcast_in_dim3A_412, %broadcast_in_dim3A_413 : vector<16xi1>, vector<16xf32>
        %add3A_415 = arith.addf %add3A_383, %select_n3A_414 : vector<16xf32>
        %ge3A_416 = arith.constant 4 : i32
        %ge3A_417 = vector.broadcast %ge3A_416 : i32 to vector<16xi32>
        %ge3A_418 = arith.cmpi sge, %iota3A, %ge3A_417 : vector<16xi32>
        %and3A_419 = arith.andi %eq3A_409, %ge3A_418 : vector<16xi1>
        %or3A_420 = arith.ori %or3A_388, %and3A_419 : vector<16xi1>
        %add3A_421 = arith.constant 13 : i32
        %add3A_422 = vector.broadcast %add3A_421 : i32 to vector<16xi32>
        %add3A_423 = arith.addi %iota3A, %add3A_422 : vector<16xi32>
        %ge3A_424 = arith.constant 16 : i32
        %ge3A_425 = vector.broadcast %ge3A_424 : i32 to vector<16xi32>
        %ge3A_426 = arith.cmpi sge, %add3A_423, %ge3A_425 : vector<16xi32>
        %sub3A_427 = arith.constant 16 : i32
        %sub3A_428 = vector.broadcast %sub3A_427 : i32 to vector<16xi32>
        %sub3A_429 = arith.subi %add3A_423, %sub3A_428 : vector<16xi32>
        %select_n3A_430 = arith.select %ge3A_426, %sub3A_429, %add3A_423 : vector<16xi1>, vector<16xi32>
        %lt3A_431 = arith.constant 0 : i32
        %lt3A_432 = vector.broadcast %lt3A_431 : i32 to vector<16xi32>
        %lt3A_433 = arith.cmpi slt, %select_n3A_430, %lt3A_432 : vector<16xi32>
        %add3A_434 = arith.constant 16 : i32
        %add3A_435 = vector.broadcast %add3A_434 : i32 to vector<16xi32>
        %add3A_436 = arith.addi %select_n3A_430, %add3A_435 : vector<16xi32>
        %select_n3A_437 = arith.select %lt3A_433, %add3A_436, %select_n3A_430 : vector<16xi1>, vector<16xi32>
        %broadcast_in_dim3A_438 = vector.shape_cast %select_n3A_437 : vector<16xi32> to vector<16x1xi32>
        %gather3A_439 = vector.shape_cast %broadcast_in_dim3A_438 : vector<16x1xi32> to vector<16xi32>
        %gather3A_440 = tpu.dynamic_gather %get3A_41[%gather3A_439] in [0] : vector<16xi32>, vector<16xi32> -> vector<16xi32>
        %eq3A_441 = arith.cmpi eq, %gather3A_440, %get3A_41 : vector<16xi32>
        %jit3A_442 = arith.constant 1.000000e+00 : f32
        %jit3A_443 = arith.constant 0.000000e+00 : f32
        %broadcast_in_dim3A_444 = vector.broadcast %jit3A_442 : f32 to vector<16xf32>
        %broadcast_in_dim3A_445 = vector.broadcast %jit3A_443 : f32 to vector<16xf32>
        %select_n3A_446 = arith.select %eq3A_441, %broadcast_in_dim3A_444, %broadcast_in_dim3A_445 : vector<16xi1>, vector<16xf32>
        %add3A_447 = arith.addf %add3A_415, %select_n3A_446 : vector<16xf32>
        %ge3A_448 = arith.constant 3 : i32
        %ge3A_449 = vector.broadcast %ge3A_448 : i32 to vector<16xi32>
        %ge3A_450 = arith.cmpi sge, %iota3A, %ge3A_449 : vector<16xi32>
        %and3A_451 = arith.andi %eq3A_441, %ge3A_450 : vector<16xi1>
        %or3A_452 = arith.ori %or3A_420, %and3A_451 : vector<16xi1>
        %add3A_453 = arith.constant 14 : i32
        %add3A_454 = vector.broadcast %add3A_453 : i32 to vector<16xi32>
        %add3A_455 = arith.addi %iota3A, %add3A_454 : vector<16xi32>
        %ge3A_456 = arith.constant 16 : i32
        %ge3A_457 = vector.broadcast %ge3A_456 : i32 to vector<16xi32>
        %ge3A_458 = arith.cmpi sge, %add3A_455, %ge3A_457 : vector<16xi32>
        %sub3A_459 = arith.constant 16 : i32
        %sub3A_460 = vector.broadcast %sub3A_459 : i32 to vector<16xi32>
        %sub3A_461 = arith.subi %add3A_455, %sub3A_460 : vector<16xi32>
        %select_n3A_462 = arith.select %ge3A_458, %sub3A_461, %add3A_455 : vector<16xi1>, vector<16xi32>
        %lt3A_463 = arith.constant 0 : i32
        %lt3A_464 = vector.broadcast %lt3A_463 : i32 to vector<16xi32>
        %lt3A_465 = arith.cmpi slt, %select_n3A_462, %lt3A_464 : vector<16xi32>
        %add3A_466 = arith.constant 16 : i32
        %add3A_467 = vector.broadcast %add3A_466 : i32 to vector<16xi32>
        %add3A_468 = arith.addi %select_n3A_462, %add3A_467 : vector<16xi32>
        %select_n3A_469 = arith.select %lt3A_465, %add3A_468, %select_n3A_462 : vector<16xi1>, vector<16xi32>
        %broadcast_in_dim3A_470 = vector.shape_cast %select_n3A_469 : vector<16xi32> to vector<16x1xi32>
        %gather3A_471 = vector.shape_cast %broadcast_in_dim3A_470 : vector<16x1xi32> to vector<16xi32>
        %gather3A_472 = tpu.dynamic_gather %get3A_41[%gather3A_471] in [0] : vector<16xi32>, vector<16xi32> -> vector<16xi32>
        %eq3A_473 = arith.cmpi eq, %gather3A_472, %get3A_41 : vector<16xi32>
        %jit3A_474 = arith.constant 1.000000e+00 : f32
        %jit3A_475 = arith.constant 0.000000e+00 : f32
        %broadcast_in_dim3A_476 = vector.broadcast %jit3A_474 : f32 to vector<16xf32>
        %broadcast_in_dim3A_477 = vector.broadcast %jit3A_475 : f32 to vector<16xf32>
        %select_n3A_478 = arith.select %eq3A_473, %broadcast_in_dim3A_476, %broadcast_in_dim3A_477 : vector<16xi1>, vector<16xf32>
        %add3A_479 = arith.addf %add3A_447, %select_n3A_478 : vector<16xf32>
        %ge3A_480 = arith.constant 2 : i32
        %ge3A_481 = vector.broadcast %ge3A_480 : i32 to vector<16xi32>
        %ge3A_482 = arith.cmpi sge, %iota3A, %ge3A_481 : vector<16xi32>
        %and3A_483 = arith.andi %eq3A_473, %ge3A_482 : vector<16xi1>
        %or3A_484 = arith.ori %or3A_452, %and3A_483 : vector<16xi1>
        %add3A_485 = arith.constant 15 : i32
        %add3A_486 = vector.broadcast %add3A_485 : i32 to vector<16xi32>
        %add3A_487 = arith.addi %iota3A, %add3A_486 : vector<16xi32>
        %ge3A_488 = arith.constant 16 : i32
        %ge3A_489 = vector.broadcast %ge3A_488 : i32 to vector<16xi32>
        %ge3A_490 = arith.cmpi sge, %add3A_487, %ge3A_489 : vector<16xi32>
        %sub3A_491 = arith.constant 16 : i32
        %sub3A_492 = vector.broadcast %sub3A_491 : i32 to vector<16xi32>
        %sub3A_493 = arith.subi %add3A_487, %sub3A_492 : vector<16xi32>
        %select_n3A_494 = arith.select %ge3A_490, %sub3A_493, %add3A_487 : vector<16xi1>, vector<16xi32>
        %lt3A_495 = arith.constant 0 : i32
        %lt3A_496 = vector.broadcast %lt3A_495 : i32 to vector<16xi32>
        %lt3A_497 = arith.cmpi slt, %select_n3A_494, %lt3A_496 : vector<16xi32>
        %add3A_498 = arith.constant 16 : i32
        %add3A_499 = vector.broadcast %add3A_498 : i32 to vector<16xi32>
        %add3A_500 = arith.addi %select_n3A_494, %add3A_499 : vector<16xi32>
        %select_n3A_501 = arith.select %lt3A_497, %add3A_500, %select_n3A_494 : vector<16xi1>, vector<16xi32>
        %broadcast_in_dim3A_502 = vector.shape_cast %select_n3A_501 : vector<16xi32> to vector<16x1xi32>
        %gather3A_503 = vector.shape_cast %broadcast_in_dim3A_502 : vector<16x1xi32> to vector<16xi32>
        %gather3A_504 = tpu.dynamic_gather %get3A_41[%gather3A_503] in [0] : vector<16xi32>, vector<16xi32> -> vector<16xi32>
        %eq3A_505 = arith.cmpi eq, %gather3A_504, %get3A_41 : vector<16xi32>
        %jit3A_506 = arith.constant 1.000000e+00 : f32
        %jit3A_507 = arith.constant 0.000000e+00 : f32
        %broadcast_in_dim3A_508 = vector.broadcast %jit3A_506 : f32 to vector<16xf32>
        %broadcast_in_dim3A_509 = vector.broadcast %jit3A_507 : f32 to vector<16xf32>
        %select_n3A_510 = arith.select %eq3A_505, %broadcast_in_dim3A_508, %broadcast_in_dim3A_509 : vector<16xi1>, vector<16xf32>
        %add3A_511 = arith.addf %add3A_479, %select_n3A_510 : vector<16xf32>
        %ge3A_512 = arith.constant 1 : i32
        %ge3A_513 = vector.broadcast %ge3A_512 : i32 to vector<16xi32>
        %ge3A_514 = arith.cmpi sge, %iota3A, %ge3A_513 : vector<16xi32>
        %and3A_515 = arith.andi %eq3A_505, %ge3A_514 : vector<16xi1>
        %or3A_516 = arith.ori %or3A_484, %and3A_515 : vector<16xi1>
        %not3A = arith.constant dense<true> : vector<16xi1>
        %not3A_517 = arith.xori %or3A_516, %not3A : vector<16xi1>
        tpu.vector_store_idx %arg8[%get3A_41], %add3A_511 masked %not3A_517 {add = true} : memref<8192xf32, #tpu.memory_space<vmem>>[vector<16xi32>], vector<16xf32>, vector<16xi1>
      }
      %scan3A_34 = arith.constant 8 : i32
    }
    %scan3A_9 = arith.constant 4 : i32
    "tpu.region"() ({
      %run_scoped3A = tpu.sem_alloc : memref<!tpu.dma_semaphore, #tpu.memory_space<semaphore_mem>>
      %dma_start3A = arith.constant 0 : i32
      %dma_start3A_10 = tpu.memref_slice %arg5[%add3A, %dma_start3A] : memref<32x8192xf32, #tpu.memory_space<hbm>> -> memref<1x8192xf32, #tpu.memory_space<hbm>>
      %dma_start3A_11 = tpu.memref_squeeze %dma_start3A_10 : memref<1x8192xf32, #tpu.memory_space<hbm>> -> memref<8192xf32, #tpu.memory_space<hbm>>
      %dma_start3A_12 = arith.constant 0 : i32
      %dma_start3A_13 = tpu.memref_slice %arg5[%add3A, %dma_start3A_12] : memref<32x8192xf32, #tpu.memory_space<hbm>> -> memref<1x8192xf32, #tpu.memory_space<hbm>>
      %dma_start3A_14 = tpu.memref_squeeze %dma_start3A_13 : memref<1x8192xf32, #tpu.memory_space<hbm>> -> memref<8192xf32, #tpu.memory_space<hbm>>
      tpu.enqueue_dma source(%arg8 : memref<8192xf32, #tpu.memory_space<vmem>>) target(%dma_start3A_14 : memref<8192xf32, #tpu.memory_space<hbm>>) target_semaphore(%run_scoped3A : memref<!tpu.dma_semaphore, #tpu.memory_space<semaphore_mem>>)
      %dma_wait3A = arith.constant 0 : i32
      %dma_wait3A_15 = tpu.memref_slice %arg5[%add3A, %dma_wait3A] : memref<32x8192xf32, #tpu.memory_space<hbm>> -> memref<1x8192xf32, #tpu.memory_space<hbm>>
      %dma_wait3A_16 = tpu.memref_squeeze %dma_wait3A_15 : memref<1x8192xf32, #tpu.memory_space<hbm>> -> memref<8192xf32, #tpu.memory_space<hbm>>
      %dma_wait3A_17 = arith.constant 0 : i32
      %dma_wait3A_18 = tpu.memref_slice %arg5[%add3A, %dma_wait3A_17] : memref<32x8192xf32, #tpu.memory_space<hbm>> -> memref<1x8192xf32, #tpu.memory_space<hbm>>
      %dma_wait3A_19 = tpu.memref_squeeze %dma_wait3A_18 : memref<1x8192xf32, #tpu.memory_space<hbm>> -> memref<8192xf32, #tpu.memory_space<hbm>>
      tpu.wait_dma2 semaphore(%run_scoped3A : memref<!tpu.dma_semaphore, #tpu.memory_space<semaphore_mem>>) src(%arg8 : memref<8192xf32, #tpu.memory_space<vmem>>) dst(%dma_wait3A_19 : memref<8192xf32, #tpu.memory_space<hbm>>)
      tpu.yield
    }) : () -> ()
    return
  }
}

module attributes {stable_mosaic.version = 14 : i64} {
  func.func @_argmin_body(%arg0: i32, %arg1: i32, %arg2: memref<1024x256xf32, #tpu.memory_space<vmem>>, %arg3: memref<1024x256xf32, #tpu.memory_space<vmem>>, %arg4: memref<2048x256xf32, #tpu.memory_space<vmem>>, %arg5: memref<1x1x1024xi32, #tpu.memory_space<vmem>>, %arg6: memref<1024x256xf32, #tpu.memory_space<vmem>>, %arg7: memref<1x1024xf32, #tpu.memory_space<vmem>>, %arg8: memref<1x1024xi32, #tpu.memory_space<vmem>>, %arg9: memref<1024x1xf32, #tpu.memory_space<vmem>>) attributes {dimension_semantics = [#tpu.dimension_semantics<arbitrary>, #tpu.dimension_semantics<arbitrary>], iteration_bounds = array<i64: 16, 4>, scalar_prefetch = 0 : i64, scratch_operands = 3 : i64, tpu.core_type = #tpu.core_type<tc>, window_params = [{transform_indices = @transform_0, window_bounds = array<i64: 1024, 256>}, {transform_indices = @transform_1, window_bounds = array<i64: 1024, 256>}, {transform_indices = @transform_2, window_bounds = array<i64: 2048, 256>}, {transform_indices = @transform_3, window_bounds = array<i64: 1, 1, 1024>}, {transform_indices = @transform_4, window_bounds = array<i64: 1024, 256>}]} {
    %eq3A = arith.constant 0 : i32
    %eq3A_0 = arith.cmpi eq, %arg1, %eq3A : i32
    %convert_element_type3A = arith.extui %eq3A_0 : i1 to i32
    %cond3A = arith.constant 0 : i32
    %cond3A_1 = arith.cmpi ne, %convert_element_type3A, %cond3A : i32
    scf.if %cond3A_1 {
      %get3A_46 = arith.constant 0 : index
      %get3A_47 = arith.constant 0 : index
      %get3A_48 = vector.load %arg2[%get3A_46, %get3A_47] : memref<1024x256xf32, #tpu.memory_space<vmem>>, vector<1024x256xf32>
      %swap3A = arith.constant 0 : index
      %swap3A_49 = arith.constant 0 : index
      %swap3A_50 = vector.load %arg6[%swap3A, %swap3A_49] : memref<1024x256xf32, #tpu.memory_space<vmem>>, vector<1024x256xf32>
      tpu.vector_store %arg6[%swap3A, %swap3A_49], %get3A_48 {strides = array<i32>} : memref<1024x256xf32, #tpu.memory_space<vmem>>, vector<1024x256xf32>,
      %get3A_51 = arith.constant 0 : index
      %get3A_52 = arith.constant 0 : index
      %get3A_53 = vector.load %arg6[%get3A_51, %get3A_52] : memref<1024x256xf32, #tpu.memory_space<vmem>>, vector<1024x256xf32>
      %mul3A_54 = arith.mulf %get3A_53, %get3A_53 : vector<1024x256xf32>
      %reduce_sum3A_55 = arith.constant dense<0.000000e+00> : vector<1024xf32>
      %reduce_sum3A_56 = vector.multi_reduction <add>, %mul3A_54, %reduce_sum3A_55 [1] : vector<1024x256xf32> to vector<1024xf32>
      %broadcast_in_dim3A_57 = vector.shape_cast %reduce_sum3A_56 : vector<1024xf32> to vector<1024x1xf32>
      %swap3A_58 = arith.constant 0 : index
      %swap3A_59 = arith.constant 0 : index
      %swap3A_60 = vector.load %arg9[%swap3A_58, %swap3A_59] : memref<1024x1xf32, #tpu.memory_space<vmem>>, vector<1024x1xf32>
      tpu.vector_store %arg9[%swap3A_58, %swap3A_59], %broadcast_in_dim3A_57 {strides = array<i32>} : memref<1024x1xf32, #tpu.memory_space<vmem>>, vector<1024x1xf32>,
    } else {
    }
    %get3A = arith.constant 0 : index
    %get3A_2 = arith.constant 0 : index
    %get3A_3 = vector.load %arg6[%get3A, %get3A_2] : memref<1024x256xf32, #tpu.memory_space<vmem>>, vector<1024x256xf32>
    %get3A_4 = arith.constant 0 : index
    %get3A_5 = arith.constant 0 : index
    %get3A_6 = vector.load %arg4[%get3A_4, %get3A_5] : memref<2048x256xf32, #tpu.memory_space<vmem>>, vector<2048x256xf32>
    %mul3A = arith.mulf %get3A_6, %get3A_6 : vector<2048x256xf32>
    %reduce_sum3A = arith.constant dense<0.000000e+00> : vector<2048xf32>
    %reduce_sum3A_7 = vector.multi_reduction <add>, %mul3A, %reduce_sum3A [1] : vector<2048x256xf32> to vector<2048xf32>
    %convert_element_type3A_8 = arith.truncf %get3A_3 : vector<1024x256xf32> to vector<1024x256xbf16>
    %convert_element_type3A_9 = arith.truncf %get3A_6 : vector<2048x256xf32> to vector<2048x256xbf16>
    %dot_general3A = arith.constant dense<0.000000e+00> : vector<1024x2048xf32>
    %dot_general3A_10 = tpu.matmul %convert_element_type3A_8, %convert_element_type3A_9, %dot_general3A {dimension_numbers = #tpu.dot_dimension_numbers<[1], [1], [0], [0], [0, 0, 1, 0], [], []>, transpose_lhs_hint = false} : vector<1024x256xbf16>, vector<2048x256xbf16>, vector<1024x2048xf32> -> vector<1024x2048xf32>
    %get3A_11 = arith.constant 0 : index
    %get3A_12 = arith.constant 0 : index
    %get3A_13 = vector.load %arg9[%get3A_11, %get3A_12] : memref<1024x1xf32, #tpu.memory_space<vmem>>, vector<1024x1xf32>
    %mul3A_14 = arith.constant 2.000000e+00 : f32
    %mul3A_15 = vector.broadcast %mul3A_14 : f32 to vector<1024x2048xf32>
    %mul3A_16 = arith.mulf %mul3A_15, %dot_general3A_10 : vector<1024x2048xf32>
    %sub3A = vector.broadcast %get3A_13 : vector<1024x1xf32> to vector<1024x2048xf32>
    %sub3A_17 = arith.subf %sub3A, %mul3A_16 : vector<1024x2048xf32>
    %broadcast_in_dim3A = vector.shape_cast %reduce_sum3A_7 : vector<2048xf32> to vector<1x2048xf32>
    %add3A = vector.broadcast %broadcast_in_dim3A : vector<1x2048xf32> to vector<1024x2048xf32>
    %add3A_18 = arith.addf %sub3A_17, %add3A : vector<1024x2048xf32>
    %reduce_min3A = arith.constant dense<0x7F800000> : vector<1024xf32>
    %reduce_min3A_19 = vector.multi_reduction <minimumf>, %add3A_18, %reduce_min3A [1] : vector<1024x2048xf32> to vector<1024xf32>
    %iota3A = tpu.iota {dimensions = array<i32: 1>} : vector<1024x2048xi32>
    %broadcast_in_dim3A_20 = vector.shape_cast %reduce_min3A_19 : vector<1024xf32> to vector<1024x1xf32>
    %eq3A_21 = vector.broadcast %broadcast_in_dim3A_20 : vector<1024x1xf32> to vector<1024x2048xf32>
    %eq3A_22 = arith.cmpf oeq, %add3A_18, %eq3A_21 : vector<1024x2048xf32>
    %jit3A = arith.constant 8192 : i32
    %broadcast_in_dim3A_23 = vector.broadcast %jit3A : i32 to vector<1024x2048xi32>
    %select_n3A = arith.select %eq3A_22, %iota3A, %broadcast_in_dim3A_23 : vector<1024x2048xi1>, vector<1024x2048xi32>
    %reduce_min3A_24 = arith.constant dense<2147483647> : vector<1024xi32>
    %reduce_min3A_25 = vector.multi_reduction <minsi>, %select_n3A, %reduce_min3A_24 [1] : vector<1024x2048xi32> to vector<1024xi32>
    %mul3A_26 = arith.constant 2048 : i32
    %mul3A_27 = arith.muli %arg1, %mul3A_26 : i32
    %add3A_28 = vector.broadcast %mul3A_27 : i32 to vector<1024xi32>
    %add3A_29 = arith.addi %reduce_min3A_25, %add3A_28 : vector<1024xi32>
    %convert_element_type3A_30 = arith.truncf %reduce_min3A_19 : vector<1024xf32> to vector<1024xbf16>
    %convert_element_type3A_31 = arith.extf %convert_element_type3A_30 : vector<1024xbf16> to vector<1024xf32>
    %eq3A_32 = arith.constant 0 : i32
    %eq3A_33 = arith.cmpi eq, %arg1, %eq3A_32 : i32
    %convert_element_type3A_34 = arith.extui %eq3A_33 : i1 to i32
    %cond3A_35 = arith.constant 0 : i32
    %cond3A_36 = arith.cmpi ne, %convert_element_type3A_34, %cond3A_35 : i32
    scf.if %cond3A_36 {
      %swap3A = arith.constant 0 : index
      %swap3A_46 = arith.constant 0 : index
      %swap3A_47 = vector.load %arg7[%swap3A, %swap3A_46] : memref<1x1024xf32, #tpu.memory_space<vmem>>, vector<1x1024xf32>
      %swap3A_48 = vector.shape_cast %swap3A_47 : vector<1x1024xf32> to vector<1024xf32>
      %swap3A_49 = vector.shape_cast %convert_element_type3A_31 : vector<1024xf32> to vector<1x1024xf32>
      tpu.vector_store %arg7[%swap3A, %swap3A_46], %swap3A_49 {strides = array<i32>} : memref<1x1024xf32, #tpu.memory_space<vmem>>, vector<1x1024xf32>,
      %swap3A_50 = arith.constant 0 : index
      %swap3A_51 = arith.constant 0 : index
      %swap3A_52 = vector.load %arg8[%swap3A_50, %swap3A_51] : memref<1x1024xi32, #tpu.memory_space<vmem>>, vector<1x1024xi32>
      %swap3A_53 = vector.shape_cast %swap3A_52 : vector<1x1024xi32> to vector<1024xi32>
      %swap3A_54 = vector.shape_cast %add3A_29 : vector<1024xi32> to vector<1x1024xi32>
      tpu.vector_store %arg8[%swap3A_50, %swap3A_51], %swap3A_54 {strides = array<i32>} : memref<1x1024xi32, #tpu.memory_space<vmem>>, vector<1x1024xi32>,
    } else {
    }
    %gt3A = arith.constant 0 : i32
    %gt3A_37 = arith.cmpi sgt, %arg1, %gt3A : i32
    %convert_element_type3A_38 = arith.extui %gt3A_37 : i1 to i32
    %cond3A_39 = arith.constant 0 : i32
    %cond3A_40 = arith.cmpi ne, %convert_element_type3A_38, %cond3A_39 : i32
    scf.if %cond3A_40 {
      %get3A_46 = arith.constant 0 : index
      %get3A_47 = arith.constant 0 : index
      %get3A_48 = vector.load %arg7[%get3A_46, %get3A_47] : memref<1x1024xf32, #tpu.memory_space<vmem>>, vector<1x1024xf32>
      %get3A_49 = vector.shape_cast %get3A_48 : vector<1x1024xf32> to vector<1024xf32>
      %lt3A = arith.cmpf olt, %reduce_min3A_19, %get3A_49 : vector<1024xf32>
      %get3A_50 = arith.constant 0 : index
      %get3A_51 = arith.constant 0 : index
      %get3A_52 = vector.load %arg7[%get3A_50, %get3A_51] : memref<1x1024xf32, #tpu.memory_space<vmem>>, vector<1x1024xf32>
      %get3A_53 = vector.shape_cast %get3A_52 : vector<1x1024xf32> to vector<1024xf32>
      %select_n3A_54 = arith.select %lt3A, %convert_element_type3A_31, %get3A_53 : vector<1024xi1>, vector<1024xf32>
      %swap3A = arith.constant 0 : index
      %swap3A_55 = arith.constant 0 : index
      %swap3A_56 = vector.load %arg7[%swap3A, %swap3A_55] : memref<1x1024xf32, #tpu.memory_space<vmem>>, vector<1x1024xf32>
      %swap3A_57 = vector.shape_cast %swap3A_56 : vector<1x1024xf32> to vector<1024xf32>
      %swap3A_58 = vector.shape_cast %select_n3A_54 : vector<1024xf32> to vector<1x1024xf32>
      tpu.vector_store %arg7[%swap3A, %swap3A_55], %swap3A_58 {strides = array<i32>} : memref<1x1024xf32, #tpu.memory_space<vmem>>, vector<1x1024xf32>,
      %get3A_59 = arith.constant 0 : index
      %get3A_60 = arith.constant 0 : index
      %get3A_61 = vector.load %arg8[%get3A_59, %get3A_60] : memref<1x1024xi32, #tpu.memory_space<vmem>>, vector<1x1024xi32>
      %get3A_62 = vector.shape_cast %get3A_61 : vector<1x1024xi32> to vector<1024xi32>
      %select_n3A_63 = arith.select %lt3A, %add3A_29, %get3A_62 : vector<1024xi1>, vector<1024xi32>
      %swap3A_64 = arith.constant 0 : index
      %swap3A_65 = arith.constant 0 : index
      %swap3A_66 = vector.load %arg8[%swap3A_64, %swap3A_65] : memref<1x1024xi32, #tpu.memory_space<vmem>>, vector<1x1024xi32>
      %swap3A_67 = vector.shape_cast %swap3A_66 : vector<1x1024xi32> to vector<1024xi32>
      %swap3A_68 = vector.shape_cast %select_n3A_63 : vector<1024xi32> to vector<1x1024xi32>
      tpu.vector_store %arg8[%swap3A_64, %swap3A_65], %swap3A_68 {strides = array<i32>} : memref<1x1024xi32, #tpu.memory_space<vmem>>, vector<1x1024xi32>,
    } else {
    }
    %eq3A_41 = arith.constant 3 : i32
    %eq3A_42 = arith.cmpi eq, %arg1, %eq3A_41 : i32
    %convert_element_type3A_43 = arith.extui %eq3A_42 : i1 to i32
    %cond3A_44 = arith.constant 0 : i32
    %cond3A_45 = arith.cmpi ne, %convert_element_type3A_43, %cond3A_44 : i32
    scf.if %cond3A_45 {
      %get3A_46 = arith.constant 0 : index
      %get3A_47 = arith.constant 0 : index
      %get3A_48 = vector.load %arg8[%get3A_46, %get3A_47] : memref<1x1024xi32, #tpu.memory_space<vmem>>, vector<1x1024xi32>
      %get3A_49 = vector.shape_cast %get3A_48 : vector<1x1024xi32> to vector<1024xi32>
      %swap3A = arith.constant 0 : index
      %swap3A_50 = arith.constant 0 : index
      %swap3A_51 = arith.constant 0 : index
      %swap3A_52 = vector.load %arg5[%swap3A, %swap3A_50, %swap3A_51] : memref<1x1x1024xi32, #tpu.memory_space<vmem>>, vector<1x1x1024xi32>
      %swap3A_53 = vector.shape_cast %swap3A_52 : vector<1x1x1024xi32> to vector<1024xi32>
      %swap3A_54 = vector.shape_cast %get3A_49 : vector<1024xi32> to vector<1x1x1024xi32>
      tpu.vector_store %arg5[%swap3A, %swap3A_50, %swap3A_51], %swap3A_54 {strides = array<i32>} : memref<1x1x1024xi32, #tpu.memory_space<vmem>>, vector<1x1x1024xi32>,
    } else {
    }
    return
  }
  func.func @transform_0(%arg0: i32, %arg1: i32) -> (i32, i32) {
    %c0_i32 = arith.constant 0 : i32
    %c0_i32_0 = arith.constant 0 : i32
    return %arg0, %c0_i32 : i32, i32
  }
  func.func @transform_1(%arg0: i32, %arg1: i32) -> (i32, i32) {
    %c0_i32 = arith.constant 0 : i32
    %c0_i32_0 = arith.constant 0 : i32
    return %arg0, %c0_i32 : i32, i32
  }
  func.func @transform_2(%arg0: i32, %arg1: i32) -> (i32, i32) {
    %c0_i32 = arith.constant 0 : i32
    %c0_i32_0 = arith.constant 0 : i32
    return %arg1, %c0_i32 : i32, i32
  }
  func.func @transform_3(%arg0: i32, %arg1: i32) -> (i32, i32, i32) {
    %c0_i32 = arith.constant 0 : i32
    %c0_i32_0 = arith.constant 0 : i32
    %c0_i32_1 = arith.constant 0 : i32
    return %arg0, %c0_i32, %c0_i32_0 : i32, i32, i32
  }
  func.func @transform_4(%arg0: i32, %arg1: i32) -> (i32, i32) {
    %c0_i32 = arith.constant 0 : i32
    %c0_i32_0 = arith.constant 0 : i32
    return %arg0, %c0_i32 : i32, i32
  }
}

module attributes {stable_mosaic.version = 14 : i64} {
  func.func @_argmin_body(%arg0: i32, %arg1: i32, %arg2: memref<1024x256xf32, #tpu.memory_space<vmem>>, %arg3: memref<1024x256xf32, #tpu.memory_space<vmem>>, %arg4: memref<2048x256xf32, #tpu.memory_space<vmem>>, %arg5: memref<1x1x1024xi32, #tpu.memory_space<vmem>>, %arg6: memref<1024x256xf32, #tpu.memory_space<vmem>>, %arg7: memref<1x1024xf32, #tpu.memory_space<vmem>>, %arg8: memref<1x1024xi32, #tpu.memory_space<vmem>>, %arg9: memref<1024x1xf32, #tpu.memory_space<vmem>>) attributes {dimension_semantics = [#tpu.dimension_semantics<arbitrary>, #tpu.dimension_semantics<arbitrary>], iteration_bounds = array<i64: 16, 4>, scalar_prefetch = 0 : i64, scratch_operands = 3 : i64, tpu.core_type = #tpu.core_type<tc>, window_params = [{transform_indices = @transform_0, window_bounds = array<i64: 1024, 256>}, {transform_indices = @transform_1, window_bounds = array<i64: 1024, 256>}, {transform_indices = @transform_2, window_bounds = array<i64: 2048, 256>}, {transform_indices = @transform_3, window_bounds = array<i64: 1, 1, 1024>}, {transform_indices = @transform_4, window_bounds = array<i64: 1024, 256>}]} {
    %eq3A = arith.constant 0 : i32
    %eq3A_0 = arith.cmpi eq, %arg1, %eq3A : i32
    %convert_element_type3A = arith.extui %eq3A_0 : i1 to i32
    %cond3A = arith.constant 0 : i32
    %cond3A_1 = arith.cmpi ne, %convert_element_type3A, %cond3A : i32
    scf.if %cond3A_1 {
      %get3A_46 = arith.constant 0 : index
      %get3A_47 = arith.constant 0 : index
      %get3A_48 = vector.load %arg2[%get3A_46, %get3A_47] : memref<1024x256xf32, #tpu.memory_space<vmem>>, vector<1024x256xf32>
      %get3A_49 = arith.constant 0 : index
      %get3A_50 = arith.constant 0 : index
      %get3A_51 = vector.load %arg3[%get3A_49, %get3A_50] : memref<1024x256xf32, #tpu.memory_space<vmem>>, vector<1024x256xf32>
      %sub3A_52 = arith.subf %get3A_48, %get3A_51 : vector<1024x256xf32>
      %swap3A = arith.constant 0 : index
      %swap3A_53 = arith.constant 0 : index
      %swap3A_54 = vector.load %arg6[%swap3A, %swap3A_53] : memref<1024x256xf32, #tpu.memory_space<vmem>>, vector<1024x256xf32>
      tpu.vector_store %arg6[%swap3A, %swap3A_53], %sub3A_52 {strides = array<i32>} : memref<1024x256xf32, #tpu.memory_space<vmem>>, vector<1024x256xf32>,
      %get3A_55 = arith.constant 0 : index
      %get3A_56 = arith.constant 0 : index
      %get3A_57 = vector.load %arg6[%get3A_55, %get3A_56] : memref<1024x256xf32, #tpu.memory_space<vmem>>, vector<1024x256xf32>
      %mul3A_58 = arith.mulf %get3A_57, %get3A_57 : vector<1024x256xf32>
      %reduce_sum3A_59 = arith.constant dense<0.000000e+00> : vector<1024xf32>
      %reduce_sum3A_60 = vector.multi_reduction <add>, %mul3A_58, %reduce_sum3A_59 [1] : vector<1024x256xf32> to vector<1024xf32>
      %broadcast_in_dim3A_61 = vector.shape_cast %reduce_sum3A_60 : vector<1024xf32> to vector<1024x1xf32>
      %swap3A_62 = arith.constant 0 : index
      %swap3A_63 = arith.constant 0 : index
      %swap3A_64 = vector.load %arg9[%swap3A_62, %swap3A_63] : memref<1024x1xf32, #tpu.memory_space<vmem>>, vector<1024x1xf32>
      tpu.vector_store %arg9[%swap3A_62, %swap3A_63], %broadcast_in_dim3A_61 {strides = array<i32>} : memref<1024x1xf32, #tpu.memory_space<vmem>>, vector<1024x1xf32>,
    } else {
    }
    %get3A = arith.constant 0 : index
    %get3A_2 = arith.constant 0 : index
    %get3A_3 = vector.load %arg6[%get3A, %get3A_2] : memref<1024x256xf32, #tpu.memory_space<vmem>>, vector<1024x256xf32>
    %get3A_4 = arith.constant 0 : index
    %get3A_5 = arith.constant 0 : index
    %get3A_6 = vector.load %arg4[%get3A_4, %get3A_5] : memref<2048x256xf32, #tpu.memory_space<vmem>>, vector<2048x256xf32>
    %mul3A = arith.mulf %get3A_6, %get3A_6 : vector<2048x256xf32>
    %reduce_sum3A = arith.constant dense<0.000000e+00> : vector<2048xf32>
    %reduce_sum3A_7 = vector.multi_reduction <add>, %mul3A, %reduce_sum3A [1] : vector<2048x256xf32> to vector<2048xf32>
    %convert_element_type3A_8 = arith.truncf %get3A_3 : vector<1024x256xf32> to vector<1024x256xbf16>
    %convert_element_type3A_9 = arith.truncf %get3A_6 : vector<2048x256xf32> to vector<2048x256xbf16>
    %dot_general3A = arith.constant dense<0.000000e+00> : vector<1024x2048xf32>
    %dot_general3A_10 = tpu.matmul %convert_element_type3A_8, %convert_element_type3A_9, %dot_general3A {dimension_numbers = #tpu.dot_dimension_numbers<[1], [1], [0], [0], [0, 0, 1, 0], [], []>, transpose_lhs_hint = false} : vector<1024x256xbf16>, vector<2048x256xbf16>, vector<1024x2048xf32> -> vector<1024x2048xf32>
    %get3A_11 = arith.constant 0 : index
    %get3A_12 = arith.constant 0 : index
    %get3A_13 = vector.load %arg9[%get3A_11, %get3A_12] : memref<1024x1xf32, #tpu.memory_space<vmem>>, vector<1024x1xf32>
    %mul3A_14 = arith.constant 2.000000e+00 : f32
    %mul3A_15 = vector.broadcast %mul3A_14 : f32 to vector<1024x2048xf32>
    %mul3A_16 = arith.mulf %mul3A_15, %dot_general3A_10 : vector<1024x2048xf32>
    %sub3A = vector.broadcast %get3A_13 : vector<1024x1xf32> to vector<1024x2048xf32>
    %sub3A_17 = arith.subf %sub3A, %mul3A_16 : vector<1024x2048xf32>
    %broadcast_in_dim3A = vector.shape_cast %reduce_sum3A_7 : vector<2048xf32> to vector<1x2048xf32>
    %add3A = vector.broadcast %broadcast_in_dim3A : vector<1x2048xf32> to vector<1024x2048xf32>
    %add3A_18 = arith.addf %sub3A_17, %add3A : vector<1024x2048xf32>
    %reduce_min3A = arith.constant dense<0x7F800000> : vector<1024xf32>
    %reduce_min3A_19 = vector.multi_reduction <minimumf>, %add3A_18, %reduce_min3A [1] : vector<1024x2048xf32> to vector<1024xf32>
    %iota3A = tpu.iota {dimensions = array<i32: 1>} : vector<1024x2048xi32>
    %broadcast_in_dim3A_20 = vector.shape_cast %reduce_min3A_19 : vector<1024xf32> to vector<1024x1xf32>
    %eq3A_21 = vector.broadcast %broadcast_in_dim3A_20 : vector<1024x1xf32> to vector<1024x2048xf32>
    %eq3A_22 = arith.cmpf oeq, %add3A_18, %eq3A_21 : vector<1024x2048xf32>
    %jit3A = arith.constant 8192 : i32
    %broadcast_in_dim3A_23 = vector.broadcast %jit3A : i32 to vector<1024x2048xi32>
    %select_n3A = arith.select %eq3A_22, %iota3A, %broadcast_in_dim3A_23 : vector<1024x2048xi1>, vector<1024x2048xi32>
    %reduce_min3A_24 = arith.constant dense<2147483647> : vector<1024xi32>
    %reduce_min3A_25 = vector.multi_reduction <minsi>, %select_n3A, %reduce_min3A_24 [1] : vector<1024x2048xi32> to vector<1024xi32>
    %mul3A_26 = arith.constant 2048 : i32
    %mul3A_27 = arith.muli %arg1, %mul3A_26 : i32
    %add3A_28 = vector.broadcast %mul3A_27 : i32 to vector<1024xi32>
    %add3A_29 = arith.addi %reduce_min3A_25, %add3A_28 : vector<1024xi32>
    %convert_element_type3A_30 = arith.truncf %reduce_min3A_19 : vector<1024xf32> to vector<1024xbf16>
    %convert_element_type3A_31 = arith.extf %convert_element_type3A_30 : vector<1024xbf16> to vector<1024xf32>
    %eq3A_32 = arith.constant 0 : i32
    %eq3A_33 = arith.cmpi eq, %arg1, %eq3A_32 : i32
    %convert_element_type3A_34 = arith.extui %eq3A_33 : i1 to i32
    %cond3A_35 = arith.constant 0 : i32
    %cond3A_36 = arith.cmpi ne, %convert_element_type3A_34, %cond3A_35 : i32
    scf.if %cond3A_36 {
      %swap3A = arith.constant 0 : index
      %swap3A_46 = arith.constant 0 : index
      %swap3A_47 = vector.load %arg7[%swap3A, %swap3A_46] : memref<1x1024xf32, #tpu.memory_space<vmem>>, vector<1x1024xf32>
      %swap3A_48 = vector.shape_cast %swap3A_47 : vector<1x1024xf32> to vector<1024xf32>
      %swap3A_49 = vector.shape_cast %convert_element_type3A_31 : vector<1024xf32> to vector<1x1024xf32>
      tpu.vector_store %arg7[%swap3A, %swap3A_46], %swap3A_49 {strides = array<i32>} : memref<1x1024xf32, #tpu.memory_space<vmem>>, vector<1x1024xf32>,
      %swap3A_50 = arith.constant 0 : index
      %swap3A_51 = arith.constant 0 : index
      %swap3A_52 = vector.load %arg8[%swap3A_50, %swap3A_51] : memref<1x1024xi32, #tpu.memory_space<vmem>>, vector<1x1024xi32>
      %swap3A_53 = vector.shape_cast %swap3A_52 : vector<1x1024xi32> to vector<1024xi32>
      %swap3A_54 = vector.shape_cast %add3A_29 : vector<1024xi32> to vector<1x1024xi32>
      tpu.vector_store %arg8[%swap3A_50, %swap3A_51], %swap3A_54 {strides = array<i32>} : memref<1x1024xi32, #tpu.memory_space<vmem>>, vector<1x1024xi32>,
    } else {
    }
    %gt3A = arith.constant 0 : i32
    %gt3A_37 = arith.cmpi sgt, %arg1, %gt3A : i32
    %convert_element_type3A_38 = arith.extui %gt3A_37 : i1 to i32
    %cond3A_39 = arith.constant 0 : i32
    %cond3A_40 = arith.cmpi ne, %convert_element_type3A_38, %cond3A_39 : i32
    scf.if %cond3A_40 {
      %get3A_46 = arith.constant 0 : index
      %get3A_47 = arith.constant 0 : index
      %get3A_48 = vector.load %arg7[%get3A_46, %get3A_47] : memref<1x1024xf32, #tpu.memory_space<vmem>>, vector<1x1024xf32>
      %get3A_49 = vector.shape_cast %get3A_48 : vector<1x1024xf32> to vector<1024xf32>
      %lt3A = arith.cmpf olt, %reduce_min3A_19, %get3A_49 : vector<1024xf32>
      %get3A_50 = arith.constant 0 : index
      %get3A_51 = arith.constant 0 : index
      %get3A_52 = vector.load %arg7[%get3A_50, %get3A_51] : memref<1x1024xf32, #tpu.memory_space<vmem>>, vector<1x1024xf32>
      %get3A_53 = vector.shape_cast %get3A_52 : vector<1x1024xf32> to vector<1024xf32>
      %select_n3A_54 = arith.select %lt3A, %convert_element_type3A_31, %get3A_53 : vector<1024xi1>, vector<1024xf32>
      %swap3A = arith.constant 0 : index
      %swap3A_55 = arith.constant 0 : index
      %swap3A_56 = vector.load %arg7[%swap3A, %swap3A_55] : memref<1x1024xf32, #tpu.memory_space<vmem>>, vector<1x1024xf32>
      %swap3A_57 = vector.shape_cast %swap3A_56 : vector<1x1024xf32> to vector<1024xf32>
      %swap3A_58 = vector.shape_cast %select_n3A_54 : vector<1024xf32> to vector<1x1024xf32>
      tpu.vector_store %arg7[%swap3A, %swap3A_55], %swap3A_58 {strides = array<i32>} : memref<1x1024xf32, #tpu.memory_space<vmem>>, vector<1x1024xf32>,
      %get3A_59 = arith.constant 0 : index
      %get3A_60 = arith.constant 0 : index
      %get3A_61 = vector.load %arg8[%get3A_59, %get3A_60] : memref<1x1024xi32, #tpu.memory_space<vmem>>, vector<1x1024xi32>
      %get3A_62 = vector.shape_cast %get3A_61 : vector<1x1024xi32> to vector<1024xi32>
      %select_n3A_63 = arith.select %lt3A, %add3A_29, %get3A_62 : vector<1024xi1>, vector<1024xi32>
      %swap3A_64 = arith.constant 0 : index
      %swap3A_65 = arith.constant 0 : index
      %swap3A_66 = vector.load %arg8[%swap3A_64, %swap3A_65] : memref<1x1024xi32, #tpu.memory_space<vmem>>, vector<1x1024xi32>
      %swap3A_67 = vector.shape_cast %swap3A_66 : vector<1x1024xi32> to vector<1024xi32>
      %swap3A_68 = vector.shape_cast %select_n3A_63 : vector<1024xi32> to vector<1x1024xi32>
      tpu.vector_store %arg8[%swap3A_64, %swap3A_65], %swap3A_68 {strides = array<i32>} : memref<1x1024xi32, #tpu.memory_space<vmem>>, vector<1x1024xi32>,
    } else {
    }
    %eq3A_41 = arith.constant 3 : i32
    %eq3A_42 = arith.cmpi eq, %arg1, %eq3A_41 : i32
    %convert_element_type3A_43 = arith.extui %eq3A_42 : i1 to i32
    %cond3A_44 = arith.constant 0 : i32
    %cond3A_45 = arith.cmpi ne, %convert_element_type3A_43, %cond3A_44 : i32
    scf.if %cond3A_45 {
      %get3A_46 = arith.constant 0 : index
      %get3A_47 = arith.constant 0 : index
      %get3A_48 = vector.load %arg8[%get3A_46, %get3A_47] : memref<1x1024xi32, #tpu.memory_space<vmem>>, vector<1x1024xi32>
      %get3A_49 = vector.shape_cast %get3A_48 : vector<1x1024xi32> to vector<1024xi32>
      %swap3A = arith.constant 0 : index
      %swap3A_50 = arith.constant 0 : index
      %swap3A_51 = arith.constant 0 : index
      %swap3A_52 = vector.load %arg5[%swap3A, %swap3A_50, %swap3A_51] : memref<1x1x1024xi32, #tpu.memory_space<vmem>>, vector<1x1x1024xi32>
      %swap3A_53 = vector.shape_cast %swap3A_52 : vector<1x1x1024xi32> to vector<1024xi32>
      %swap3A_54 = vector.shape_cast %get3A_49 : vector<1024xi32> to vector<1x1x1024xi32>
      tpu.vector_store %arg5[%swap3A, %swap3A_50, %swap3A_51], %swap3A_54 {strides = array<i32>} : memref<1x1x1024xi32, #tpu.memory_space<vmem>>, vector<1x1x1024xi32>,
    } else {
    }
    return
  }
  func.func @transform_0(%arg0: i32, %arg1: i32) -> (i32, i32) {
    %c0_i32 = arith.constant 0 : i32
    %c0_i32_0 = arith.constant 0 : i32
    return %arg0, %c0_i32 : i32, i32
  }
  func.func @transform_1(%arg0: i32, %arg1: i32) -> (i32, i32) {
    %c0_i32 = arith.constant 0 : i32
    %c0_i32_0 = arith.constant 0 : i32
    return %arg0, %c0_i32 : i32, i32
  }
  func.func @transform_2(%arg0: i32, %arg1: i32) -> (i32, i32) {
    %c0_i32 = arith.constant 0 : i32
    %c0_i32_0 = arith.constant 0 : i32
    return %arg1, %c0_i32 : i32, i32
  }
  func.func @transform_3(%arg0: i32, %arg1: i32) -> (i32, i32, i32) {
    %c0_i32 = arith.constant 0 : i32
    %c0_i32_0 = arith.constant 0 : i32
    %c0_i32_1 = arith.constant 0 : i32
    return %arg0, %c0_i32, %c0_i32_0 : i32, i32, i32
  }
  func.func @transform_4(%arg0: i32, %arg1: i32) -> (i32, i32) {
    %c0_i32 = arith.constant 0 : i32
    %c0_i32_0 = arith.constant 0 : i32
    return %arg0, %c0_i32 : i32, i32
  }
}

module attributes {stable_mosaic.version = 14 : i64} {
  func.func @_final_body(%arg0: i32, %arg1: memref<1024x256xf32, #tpu.memory_space<vmem>>, %arg2: memref<1024x256xf32, #tpu.memory_space<vmem>>, %arg3: memref<1024x256xf32, #tpu.memory_space<vmem>>, %arg4: memref<4x32x8192xf32, #tpu.memory_space<vmem>>, %arg5: memref<1024x256xf32, #tpu.memory_space<vmem>>, %arg6: memref<1x1xf32, #tpu.memory_space<vmem>>, %arg7: memref<1x1xf32, #tpu.memory_space<vmem>>, %arg8: memref<1xf32, #tpu.memory_space<smem>>) attributes {dimension_semantics = [#tpu.dimension_semantics<arbitrary>], iteration_bounds = array<i64: 16>, scalar_prefetch = 0 : i64, scratch_operands = 1 : i64, tpu.core_type = #tpu.core_type<tc>, window_params = [{transform_indices = @transform_0, window_bounds = array<i64: 1024, 256>}, {transform_indices = @transform_1, window_bounds = array<i64: 1024, 256>}, {transform_indices = @transform_2, window_bounds = array<i64: 1024, 256>}, {pipeline_mode = #tpu.pipeline_mode<synchronous>, transform_indices = @transform_3, window_bounds = array<i64: 4, 32, 8192>}, {transform_indices = @transform_4, window_bounds = array<i64: 1024, 256>}, {pipeline_mode = #tpu.pipeline_mode<synchronous>, transform_indices = @transform_5, window_bounds = array<i64: 1, 1>}, {pipeline_mode = #tpu.pipeline_mode<synchronous>, transform_indices = @transform_6, window_bounds = array<i64: 1, 1>}]} {
    %eq3A = arith.constant 0 : i32
    %eq3A_0 = arith.cmpi eq, %arg0, %eq3A : i32
    %convert_element_type3A = arith.extui %eq3A_0 : i1 to i32
    %cond3A = arith.constant 0 : i32
    %cond3A_1 = arith.cmpi ne, %convert_element_type3A, %cond3A : i32
    scf.if %cond3A_1 {
      %swap3A_26 = arith.constant 0.000000e+00 : f32
      %swap3A_27 = arith.constant 0 : index
      %swap3A_28 = memref.load %arg8[%swap3A_27] : memref<1xf32, #tpu.memory_space<smem>>
      memref.store %swap3A_26, %arg8[%swap3A_27] : memref<1xf32, #tpu.memory_space<smem>>
    } else {
    }
    %get3A = arith.constant 0 : index
    %get3A_2 = arith.constant 0 : index
    %get3A_3 = vector.load %arg2[%get3A, %get3A_2] : memref<1024x256xf32, #tpu.memory_space<vmem>>, vector<1024x256xf32>
    %get3A_4 = arith.constant 0 : index
    %get3A_5 = arith.constant 0 : index
    %get3A_6 = vector.load %arg3[%get3A_4, %get3A_5] : memref<1024x256xf32, #tpu.memory_space<vmem>>, vector<1024x256xf32>
    %sub3A = arith.subf %get3A_3, %get3A_6 : vector<1024x256xf32>
    %get3A_7 = arith.constant 0 : index
    %get3A_8 = arith.constant 0 : index
    %get3A_9 = vector.load %arg1[%get3A_7, %get3A_8] : memref<1024x256xf32, #tpu.memory_space<vmem>>, vector<1024x256xf32>
    %sub3A_10 = arith.subf %get3A_9, %sub3A : vector<1024x256xf32>
    %swap3A = arith.constant 0 : index
    %swap3A_11 = arith.constant 0 : index
    %swap3A_12 = vector.load %arg5[%swap3A, %swap3A_11] : memref<1024x256xf32, #tpu.memory_space<vmem>>, vector<1024x256xf32>
    tpu.vector_store %arg5[%swap3A, %swap3A_11], %sub3A_10 {strides = array<i32>} : memref<1024x256xf32, #tpu.memory_space<vmem>>, vector<1024x256xf32>,
    %get3A_13 = arith.constant 0 : index
    %get3A_14 = memref.load %arg8[%get3A_13] : memref<1xf32, #tpu.memory_space<smem>>
    %mul3A = arith.mulf %sub3A, %sub3A : vector<1024x256xf32>
    %reduce_sum3A = vector.shape_cast %mul3A : vector<1024x256xf32> to vector<1x1024x256xf32>
    %reduce_sum3A_15 = arith.constant dense<0.000000e+00> : vector<1xf32>
    %reduce_sum3A_16 = vector.multi_reduction <add>, %reduce_sum3A, %reduce_sum3A_15 [1, 2] : vector<1x1024x256xf32> to vector<1xf32>
    %reduce_sum3A_17 = vector.shape_cast %reduce_sum3A_16 : vector<1xf32> to vector<1x1x1xf32>
    %reduce_sum3A_18 = vector.extract %reduce_sum3A_17[0, 0, 0] : f32 from vector<1x1x1xf32>
    %add3A = arith.addf %get3A_14, %reduce_sum3A_18 : f32
    %swap3A_19 = arith.constant 0 : index
    %swap3A_20 = memref.load %arg8[%swap3A_19] : memref<1xf32, #tpu.memory_space<smem>>
    memref.store %add3A, %arg8[%swap3A_19] : memref<1xf32, #tpu.memory_space<smem>>
    %eq3A_21 = arith.constant 15 : i32
    %eq3A_22 = arith.cmpi eq, %arg0, %eq3A_21 : i32
    %convert_element_type3A_23 = arith.extui %eq3A_22 : i1 to i32
    %cond3A_24 = arith.constant 0 : i32
    %cond3A_25 = arith.cmpi ne, %convert_element_type3A_23, %cond3A_24 : i32
    scf.if %cond3A_25 {
      %get3A_26 = arith.constant 0 : index
      %get3A_27 = memref.load %arg8[%get3A_26] : memref<1xf32, #tpu.memory_space<smem>>
      %mul3A_28 = arith.constant 2.500000e-01 : f32
      %mul3A_29 = arith.mulf %mul3A_28, %get3A_27 : f32
      %div3A = arith.constant 0x4A800000 : f32
      %div3A_30 = arith.divf %mul3A_29, %div3A : f32
      %broadcast_in_dim3A = vector.broadcast %div3A_30 : f32 to vector<1x1xf32>
      %swap3A_31 = arith.constant 0 : index
      %swap3A_32 = arith.constant 0 : index
      %swap3A_33 = vector.load %arg6[%swap3A_31, %swap3A_32] : memref<1x1xf32, #tpu.memory_space<vmem>>, vector<1x1xf32>
      tpu.vector_store %arg6[%swap3A_31, %swap3A_32], %broadcast_in_dim3A {strides = array<i32>} : memref<1x1xf32, #tpu.memory_space<vmem>>, vector<1x1xf32>,
      %get3A_34 = arith.constant 0 : index
      %get3A_35 = arith.constant 0 : index
      %get3A_36 = arith.constant 0 : index
      %get3A_37 = vector.load %arg4[%get3A_34, %get3A_35, %get3A_36] : memref<4x32x8192xf32, #tpu.memory_space<vmem>>, vector<1x32x8192xf32>
      %get3A_38 = vector.shape_cast %get3A_37 : vector<1x32x8192xf32> to vector<32x8192xf32>
      %reduce_sum3A_39 = arith.constant dense<0.000000e+00> : vector<8192xf32>
      %reduce_sum3A_40 = vector.multi_reduction <add>, %get3A_38, %reduce_sum3A_39 [0] : vector<32x8192xf32> to vector<8192xf32>
      %reduce_sum3A_41 = vector.shape_cast %reduce_sum3A_40 : vector<8192xf32> to vector<1x8192xf32>
      %reduce_sum3A_42 = arith.constant dense<0.000000e+00> : vector<1xf32>
      %reduce_sum3A_43 = vector.multi_reduction <add>, %reduce_sum3A_41, %reduce_sum3A_42 [1] : vector<1x8192xf32> to vector<1xf32>
      %reduce_sum3A_44 = vector.shape_cast %reduce_sum3A_43 : vector<1xf32> to vector<1x1xf32>
      %reduce_sum3A_45 = vector.extract %reduce_sum3A_44[0, 0] : f32 from vector<1x1xf32>
      %max3A = arith.constant 9.99999971E-10 : f32
      %max3A_46 = arith.maximumf %reduce_sum3A_45, %max3A : f32
      %div3A_47 = vector.broadcast %max3A_46 : f32 to vector<8192xf32>
      %div3A_48 = arith.divf %reduce_sum3A_40, %div3A_47 : vector<8192xf32>
      %max3A_49 = arith.constant 9.99999971E-10 : f32
      %max3A_50 = vector.broadcast %max3A_49 : f32 to vector<8192xf32>
      %max3A_51 = arith.maximumf %div3A_48, %max3A_50 : vector<8192xf32>
      %log3A = math.log %max3A_51 : vector<8192xf32>
      %mul3A_52 = arith.mulf %div3A_48, %log3A : vector<8192xf32>
      %reduce_sum3A_53 = vector.shape_cast %mul3A_52 : vector<8192xf32> to vector<1x8192xf32>
      %reduce_sum3A_54 = arith.constant dense<0.000000e+00> : vector<1xf32>
      %reduce_sum3A_55 = vector.multi_reduction <add>, %reduce_sum3A_53, %reduce_sum3A_54 [1] : vector<1x8192xf32> to vector<1xf32>
      %reduce_sum3A_56 = vector.shape_cast %reduce_sum3A_55 : vector<1xf32> to vector<1x1xf32>
      %reduce_sum3A_57 = vector.extract %reduce_sum3A_56[0, 0] : f32 from vector<1x1xf32>
      %neg3A = arith.constant 0.000000e+00 : f32
      %neg3A_58 = arith.subf %neg3A, %reduce_sum3A_57 : f32
      %add3A_59 = arith.constant 0.000000e+00 : f32
      %add3A_60 = arith.addf %add3A_59, %neg3A_58 : f32
      %get3A_61 = arith.constant 1 : index
      %get3A_62 = arith.constant 0 : index
      %get3A_63 = arith.constant 0 : index
      %get3A_64 = vector.load %arg4[%get3A_61, %get3A_62, %get3A_63] : memref<4x32x8192xf32, #tpu.memory_space<vmem>>, vector<1x32x8192xf32>
      %get3A_65 = vector.shape_cast %get3A_64 : vector<1x32x8192xf32> to vector<32x8192xf32>
      %reduce_sum3A_66 = arith.constant dense<0.000000e+00> : vector<8192xf32>
      %reduce_sum3A_67 = vector.multi_reduction <add>, %get3A_65, %reduce_sum3A_66 [0] : vector<32x8192xf32> to vector<8192xf32>
      %reduce_sum3A_68 = vector.shape_cast %reduce_sum3A_67 : vector<8192xf32> to vector<1x8192xf32>
      %reduce_sum3A_69 = arith.constant dense<0.000000e+00> : vector<1xf32>
      %reduce_sum3A_70 = vector.multi_reduction <add>, %reduce_sum3A_68, %reduce_sum3A_69 [1] : vector<1x8192xf32> to vector<1xf32>
      %reduce_sum3A_71 = vector.shape_cast %reduce_sum3A_70 : vector<1xf32> to vector<1x1xf32>
      %reduce_sum3A_72 = vector.extract %reduce_sum3A_71[0, 0] : f32 from vector<1x1xf32>
      %max3A_73 = arith.constant 9.99999971E-10 : f32
      %max3A_74 = arith.maximumf %reduce_sum3A_72, %max3A_73 : f32
      %div3A_75 = vector.broadcast %max3A_74 : f32 to vector<8192xf32>
      %div3A_76 = arith.divf %reduce_sum3A_67, %div3A_75 : vector<8192xf32>
      %max3A_77 = arith.constant 9.99999971E-10 : f32
      %max3A_78 = vector.broadcast %max3A_77 : f32 to vector<8192xf32>
      %max3A_79 = arith.maximumf %div3A_76, %max3A_78 : vector<8192xf32>
      %log3A_80 = math.log %max3A_79 : vector<8192xf32>
      %mul3A_81 = arith.mulf %div3A_76, %log3A_80 : vector<8192xf32>
      %reduce_sum3A_82 = vector.shape_cast %mul3A_81 : vector<8192xf32> to vector<1x8192xf32>
      %reduce_sum3A_83 = arith.constant dense<0.000000e+00> : vector<1xf32>
      %reduce_sum3A_84 = vector.multi_reduction <add>, %reduce_sum3A_82, %reduce_sum3A_83 [1] : vector<1x8192xf32> to vector<1xf32>
      %reduce_sum3A_85 = vector.shape_cast %reduce_sum3A_84 : vector<1xf32> to vector<1x1xf32>
      %reduce_sum3A_86 = vector.extract %reduce_sum3A_85[0, 0] : f32 from vector<1x1xf32>
      %neg3A_87 = arith.constant 0.000000e+00 : f32
      %neg3A_88 = arith.subf %neg3A_87, %reduce_sum3A_86 : f32
      %add3A_89 = arith.addf %add3A_60, %neg3A_88 : f32
      %get3A_90 = arith.constant 2 : index
      %get3A_91 = arith.constant 0 : index
      %get3A_92 = arith.constant 0 : index
      %get3A_93 = vector.load %arg4[%get3A_90, %get3A_91, %get3A_92] : memref<4x32x8192xf32, #tpu.memory_space<vmem>>, vector<1x32x8192xf32>
      %get3A_94 = vector.shape_cast %get3A_93 : vector<1x32x8192xf32> to vector<32x8192xf32>
      %reduce_sum3A_95 = arith.constant dense<0.000000e+00> : vector<8192xf32>
      %reduce_sum3A_96 = vector.multi_reduction <add>, %get3A_94, %reduce_sum3A_95 [0] : vector<32x8192xf32> to vector<8192xf32>
      %reduce_sum3A_97 = vector.shape_cast %reduce_sum3A_96 : vector<8192xf32> to vector<1x8192xf32>
      %reduce_sum3A_98 = arith.constant dense<0.000000e+00> : vector<1xf32>
      %reduce_sum3A_99 = vector.multi_reduction <add>, %reduce_sum3A_97, %reduce_sum3A_98 [1] : vector<1x8192xf32> to vector<1xf32>
      %reduce_sum3A_100 = vector.shape_cast %reduce_sum3A_99 : vector<1xf32> to vector<1x1xf32>
      %reduce_sum3A_101 = vector.extract %reduce_sum3A_100[0, 0] : f32 from vector<1x1xf32>
      %max3A_102 = arith.constant 9.99999971E-10 : f32
      %max3A_103 = arith.maximumf %reduce_sum3A_101, %max3A_102 : f32
      %div3A_104 = vector.broadcast %max3A_103 : f32 to vector<8192xf32>
      %div3A_105 = arith.divf %reduce_sum3A_96, %div3A_104 : vector<8192xf32>
      %max3A_106 = arith.constant 9.99999971E-10 : f32
      %max3A_107 = vector.broadcast %max3A_106 : f32 to vector<8192xf32>
      %max3A_108 = arith.maximumf %div3A_105, %max3A_107 : vector<8192xf32>
      %log3A_109 = math.log %max3A_108 : vector<8192xf32>
      %mul3A_110 = arith.mulf %div3A_105, %log3A_109 : vector<8192xf32>
      %reduce_sum3A_111 = vector.shape_cast %mul3A_110 : vector<8192xf32> to vector<1x8192xf32>
      %reduce_sum3A_112 = arith.constant dense<0.000000e+00> : vector<1xf32>
      %reduce_sum3A_113 = vector.multi_reduction <add>, %reduce_sum3A_111, %reduce_sum3A_112 [1] : vector<1x8192xf32> to vector<1xf32>
      %reduce_sum3A_114 = vector.shape_cast %reduce_sum3A_113 : vector<1xf32> to vector<1x1xf32>
      %reduce_sum3A_115 = vector.extract %reduce_sum3A_114[0, 0] : f32 from vector<1x1xf32>
      %neg3A_116 = arith.constant 0.000000e+00 : f32
      %neg3A_117 = arith.subf %neg3A_116, %reduce_sum3A_115 : f32
      %add3A_118 = arith.addf %add3A_89, %neg3A_117 : f32
      %get3A_119 = arith.constant 3 : index
      %get3A_120 = arith.constant 0 : index
      %get3A_121 = arith.constant 0 : index
      %get3A_122 = vector.load %arg4[%get3A_119, %get3A_120, %get3A_121] : memref<4x32x8192xf32, #tpu.memory_space<vmem>>, vector<1x32x8192xf32>
      %get3A_123 = vector.shape_cast %get3A_122 : vector<1x32x8192xf32> to vector<32x8192xf32>
      %reduce_sum3A_124 = arith.constant dense<0.000000e+00> : vector<8192xf32>
      %reduce_sum3A_125 = vector.multi_reduction <add>, %get3A_123, %reduce_sum3A_124 [0] : vector<32x8192xf32> to vector<8192xf32>
      %reduce_sum3A_126 = vector.shape_cast %reduce_sum3A_125 : vector<8192xf32> to vector<1x8192xf32>
      %reduce_sum3A_127 = arith.constant dense<0.000000e+00> : vector<1xf32>
      %reduce_sum3A_128 = vector.multi_reduction <add>, %reduce_sum3A_126, %reduce_sum3A_127 [1] : vector<1x8192xf32> to vector<1xf32>
      %reduce_sum3A_129 = vector.shape_cast %reduce_sum3A_128 : vector<1xf32> to vector<1x1xf32>
      %reduce_sum3A_130 = vector.extract %reduce_sum3A_129[0, 0] : f32 from vector<1x1xf32>
      %max3A_131 = arith.constant 9.99999971E-10 : f32
      %max3A_132 = arith.maximumf %reduce_sum3A_130, %max3A_131 : f32
      %div3A_133 = vector.broadcast %max3A_132 : f32 to vector<8192xf32>
      %div3A_134 = arith.divf %reduce_sum3A_125, %div3A_133 : vector<8192xf32>
      %max3A_135 = arith.constant 9.99999971E-10 : f32
      %max3A_136 = vector.broadcast %max3A_135 : f32 to vector<8192xf32>
      %max3A_137 = arith.maximumf %div3A_134, %max3A_136 : vector<8192xf32>
      %log3A_138 = math.log %max3A_137 : vector<8192xf32>
      %mul3A_139 = arith.mulf %div3A_134, %log3A_138 : vector<8192xf32>
      %reduce_sum3A_140 = vector.shape_cast %mul3A_139 : vector<8192xf32> to vector<1x8192xf32>
      %reduce_sum3A_141 = arith.constant dense<0.000000e+00> : vector<1xf32>
      %reduce_sum3A_142 = vector.multi_reduction <add>, %reduce_sum3A_140, %reduce_sum3A_141 [1] : vector<1x8192xf32> to vector<1xf32>
      %reduce_sum3A_143 = vector.shape_cast %reduce_sum3A_142 : vector<1xf32> to vector<1x1xf32>
      %reduce_sum3A_144 = vector.extract %reduce_sum3A_143[0, 0] : f32 from vector<1x1xf32>
      %neg3A_145 = arith.constant 0.000000e+00 : f32
      %neg3A_146 = arith.subf %neg3A_145, %reduce_sum3A_144 : f32
      %add3A_147 = arith.addf %add3A_118, %neg3A_146 : f32
      %div3A_148 = arith.constant 4.000000e+00 : f32
      %div3A_149 = arith.divf %add3A_147, %div3A_148 : f32
      %mul3A_150 = arith.constant -9.99999974E-5 : f32
      %mul3A_151 = arith.mulf %mul3A_150, %div3A_149 : f32
      %broadcast_in_dim3A_152 = vector.broadcast %mul3A_151 : f32 to vector<1x1xf32>
      %swap3A_153 = arith.constant 0 : index
      %swap3A_154 = arith.constant 0 : index
      %swap3A_155 = vector.load %arg7[%swap3A_153, %swap3A_154] : memref<1x1xf32, #tpu.memory_space<vmem>>, vector<1x1xf32>
      tpu.vector_store %arg7[%swap3A_153, %swap3A_154], %broadcast_in_dim3A_152 {strides = array<i32>} : memref<1x1xf32, #tpu.memory_space<vmem>>, vector<1x1xf32>,
    } else {
    }
    return
  }
  func.func @transform_0(%arg0: i32) -> (i32, i32) {
    %c0_i32 = arith.constant 0 : i32
    %c0_i32_0 = arith.constant 0 : i32
    return %arg0, %c0_i32 : i32, i32
  }
  func.func @transform_1(%arg0: i32) -> (i32, i32) {
    %c0_i32 = arith.constant 0 : i32
    %c0_i32_0 = arith.constant 0 : i32
    return %arg0, %c0_i32 : i32, i32
  }
  func.func @transform_2(%arg0: i32) -> (i32, i32) {
    %c0_i32 = arith.constant 0 : i32
    %c0_i32_0 = arith.constant 0 : i32
    return %arg0, %c0_i32 : i32, i32
  }
  func.func @transform_3(%arg0: i32) -> (i32, i32, i32) {
    %c0_i32 = arith.constant 0 : i32
    %c0_i32_0 = arith.constant 0 : i32
    %c0_i32_1 = arith.constant 0 : i32
    %c0_i32_2 = arith.constant 0 : i32
    return %c0_i32, %c0_i32_0, %c0_i32_1 : i32, i32, i32
  }
  func.func @transform_4(%arg0: i32) -> (i32, i32) {
    %c0_i32 = arith.constant 0 : i32
    %c0_i32_0 = arith.constant 0 : i32
    return %arg0, %c0_i32 : i32, i32
  }
  func.func @transform_5(%arg0: i32) -> (i32, i32) {
    %c0_i32 = arith.constant 0 : i32
    %c0_i32_0 = arith.constant 0 : i32
    %c0_i32_1 = arith.constant 0 : i32
    return %c0_i32, %c0_i32_0 : i32, i32
  }
  func.func @transform_6(%arg0: i32) -> (i32, i32) {
    %c0_i32 = arith.constant 0 : i32
    %c0_i32_0 = arith.constant 0 : i32
    %c0_i32_1 = arith.constant 0 : i32
    return %c0_i32, %c0_i32_0 : i32, i32
  }
}

</mosaic_0001>

<sc_bundles>
// kernel: kernel.11.cloned.1.call-start
scs
__scs_entry_jumppad:
0x0: {  	(pc) =	sbr.rel $0x88, $3  }
0x1: {  	(tag) =	ssettag $0x0;
	lr =	simm.s32 $0x1  }
0x2: {  	[smem:$0x3F9F] =	sst lr;
	_ =	strace $0xD0000000  }
0x3: {  	_ = 	snop  }
0x4: {  	_ = 	snop  }
0x5: {  	_ = 	snop  }
0x6: {  	_ = 	snop  }
0x7: {  	_ = 	snop  }
__scs_overlays_trampoline_lowered:
0x8: {  	[smem:$0x3FAE] =	sst s0  }
0x9: {  	[smem:$0x3FAF] =	sst s1  }
0xa: {  	[smem:$0x3FB0] =	sst s2  }
0xb: {  	[smem:$0x3FB1] =	sst s3  }
0xc: {  	[smem:$0x3FB2] =	sst s4  }
0xd: {  	[smem:$0x3FB3] =	sst s5  }
0xe: {  	[smem:$0x3FB4] =	sst s6  }
0xf: {  	[smem:$0x3FB5] =	sst s7  }
0x10: {  	[smem:$0x3FB6] =	sst s8  }
0x11: {  	[smem:$0x3FB7] =	sst s9;
	s0 =	simm.s32 @!p0 $0x0  }
0x12: {  	s1 =	sld [smem:$0x3F9D];
	s0 =	simm.s32 @p0 $0x1  }
0x13: {  	[smem:$0x3FB8] =	sst s0;
	s0 =	simm.s32 @!p1 $0x0  }
0x14: {  	s2 =	sld [smem:$0x3F9C];
	s0 =	simm.s32 @p1 $0x1  }
0x15: {  	[smem:$0x3FB9] =	sst s0;
	s0 =	simm.s32 @!p2 $0x0  }
0x16: {  	s3 =	sld [smem:$0x3FDB];
	s0 =	simm.s32 @p2 $0x1  }
0x17: {  	s4 =	simm.s32 $0x1BF5;
	[smem:$0x3FBB] =	sst s0  }
0x18: {  	s0 =	sld [smem:$0x3F9E];
	_ =	swait.ge [sflag:s4], $0x0  }
0x19: {  	s7 =	sld [smem:$0x3F9F]  }
0x1a: {  	s8 =	sadd.s32 $0xFFFFE003, lr  }
0x1b: {  	s9 =	sadd.s32 $0xFFFFFEF7, lr;
	s5 =	simm.s32 $0xFFFFFFFF;
	p2 =	slt.u32 s8, $0xFFFFF086  }
0x1c: {  	p1 =	slt.u32 s9, $0xF7A;
	s5 =	simm.s32 @!p2 $0x0  }
0x1d: {  	s5 =	simm.s32 @p1 $0x1;
	p0 =	seq.s32 s7, s2  }
0x1e: {  	s7 =	smul.u32 @!p0 $0xF7A, s2;
	p2 =	seq.s32 @!p0 s5, $0x0  }
0x1f: {  	s9 =	smul.u32 $0xF7A, s1;
	s8 =	simm.s32 @!p0 $0x1BF5;
	p2 =	por !p2, p0  }
0x20: {  	[sflag:s8] =	ssyncset.s32 @!p0 $0xFFFFF086;
	s6 =	sadd.s32 @!p0 s3, s7;
	s7 =	simm.s32 @!p0 $0x108  }
0x21: {  	s3 =	sadd.s32 s3, s9;
	s6 =	sadd.s32 @!p0 $0x88, s6;
	s7 =	simm.s32 @p2 $0x1082  }
0x22: {  	[simem:s7], [sflag:s8] =	dma.local @!p0 [hbm:s6], $0xF7A  }
0x23: {  	s9 =	sor.u32 $0xD0000000, s2;
	s6 =	simm.s32 $0x108;
	_ =	swait.ge @!p0 [sflag:s8], $0x0  }
0x24: {  	s3 =	sadd.s32 $0x88, s3;
	s6 =	simm.s32 @!p1 $0x1082;
	[sflag:s4] =	ssyncset.s32 $0xFFFFF086  }
0x25: {  	[simem:s6], [sflag:s4] =	dma.local [hbm:s3], $0xF7A  }
0x26: {  	[smem:$0x3F9F] =	sst s1;
	(tag) =	ssettag s2;
	_ =	strace s9  }
0x27: {  	s1 =	sld [smem:$0x3FAF]  }
0x28: {  	s2 =	sld [smem:$0x3FB0]  }
0x29: {  	s4 =	sld [smem:$0x3FB2]  }
0x2a: {  	p0 =	seq.s32 s5, $0x0;
	s5 =	sld [smem:$0x3FB3]  }
0x2b: {  	s6 =	sld [smem:$0x3FB4]  }
0x2c: {  	s7 =	sld [smem:$0x3FB5]  }
0x2d: {  	s3 =	simm.s32 $0x108;
	s8 =	sld [smem:$0x3FB6]  }
0x2e: {  	s3 =	simm.s32 @!p0 $0x1082;
	s9 =	sld [smem:$0x3FB7]  }
0x2f: {  	lr =	sadd.s32 s0, s3;
	s0 =	sld [smem:$0x3FAE]  }
0x30: {  	s3 =	sld [smem:$0x3FB1]  }
0x31: {  	[smem:$0x3FBA] =	sst s10  }
0x32: {  	s10 =	sld [smem:$0x3FB8];
	_ =	sdelay $0x3  }
0x33: {  	p0 =	seq.s32 s10, $0x1;
	s10 =	sld [smem:$0x3FBA];
	_ =	sdelay $0x3  }
0x34: {  	[smem:$0x3FBA] =	sst s10  }
0x35: {  	s10 =	sld [smem:$0x3FB9];
	_ =	sdelay $0x3  }
0x36: {  	p1 =	seq.s32 s10, $0x1;
	s10 =	sld [smem:$0x3FBA];
	_ =	sdelay $0x3  }
0x37: {  	[smem:$0x3FBA] =	sst s10  }
0x38: {  	s10 =	sld [smem:$0x3FBB]  }
0x39: {  	_ = 	snop;
	(pc) =	sbr.ind lr, $3  }
0x3a: {  	_ = 	snop  }
0x3b: {  	_ = 	snop  }
0x3c: {  	p2 =	seq.s32 s10, $0x1;
	s10 =	sld [smem:$0x3FBA]  }
0x3d: {  	_ =	shalt  }
0x3e: {  	_ =	shalt  }
0x3f: {  	_ =	shalt  }
0x40: {  	_ =	shalt  }
0x41: {  	_ =	shalt  }
0x42: {  	_ =	shalt  }
0x43: {  	_ =	shalt  }
0x44: {  	_ =	shalt  }
0x45: {  	_ =	shalt  }
0x46: {  	_ =	shalt  }
0x47: {  	_ =	shalt  }
0x48: {  	_ =	shalt  }
0x49: {  	_ =	shalt  }
0x4a: {  	_ =	shalt  }
0x4b: {  	_ =	shalt  }
0x4c: {  	_ =	shalt  }
0x4d: {  	_ =	shalt  }
0x4e: {  	_ =	shalt  }
0x4f: {  	_ =	shalt  }
0x50: {  	_ =	shalt  }
0x51: {  	_ =	shalt  }
0x52: {  	_ =	shalt  }
0x53: {  	_ =	shalt  }
0x54: {  	_ =	shalt  }
0x55: {  	_ =	shalt  }
0x56: {  	_ =	shalt  }
0x57: {  	_ =	shalt  }
0x58: {  	_ =	shalt  }
0x59: {  	_ =	shalt  }
0x5a: {  	_ =	shalt  }
0x5b: {  	_ =	shalt  }
0x5c: {  	_ =	shalt  }
0x5d: {  	_ =	shalt  }
0x5e: {  	_ =	shalt  }
0x5f: {  	_ =	shalt  }
0x60: {  	_ =	shalt  }
0x61: {  	_ =	shalt  }
0x62: {  	_ =	shalt  }
0x63: {  	_ =	shalt  }
0x64: {  	_ =	shalt  }
0x65: {  	_ =	shalt  }
0x66: {  	_ =	shalt  }
0x67: {  	_ =	shalt  }
0x68: {  	_ =	shalt  }
0x69: {  	_ =	shalt  }
0x6a: {  	_ =	shalt  }
0x6b: {  	_ =	shalt  }
0x6c: {  	_ =	shalt  }
0x6d: {  	_ =	shalt  }
0x6e: {  	_ =	shalt  }
0x6f: {  	_ =	shalt  }
0x70: {  	_ =	shalt  }
0x71: {  	_ =	shalt  }
0x72: {  	_ =	shalt  }
0x73: {  	_ =	shalt  }
0x74: {  	_ =	shalt  }
0x75: {  	_ =	shalt  }
0x76: {  	_ =	shalt  }
0x77: {  	_ =	shalt  }
0x78: {  	_ =	shalt  }
0x79: {  	_ =	shalt  }
0x7a: {  	_ =	shalt  }
0x7b: {  	_ =	shalt  }
0x7c: {  	_ =	shalt  }
0x7d: {  	_ =	shalt  }
0x7e: {  	_ =	shalt  }
0x7f: {  	_ =	shalt  }
0x80: {  	_ =	shalt  }
0x81: {  	_ =	shalt  }
0x82: {  	_ =	shalt  }
0x83: {  	_ =	shalt  }
0x84: {  	_ =	shalt  }
0x85: {  	_ =	shalt  }
0x86: {  	_ =	shalt  }
0x87: {  	_ =	shalt  }
.Lfunc_end0:
.L_simem_size_0:
called_computation_lowered:
.L_overlay_start_0:
0x88: {  	s2 =	sld [smem:$0x3FD9]  }
0x89: {  	s3 =	sld [smem:$0x3FFE];
	_ =	sdelay $0x1  }
0x8a: {  	s1 =	srdreg.scid  }
0x8b: {  	s0 =	sand.u32 $0x1, s1  }
0x8c: {  	s14 =	sshll.u32 s0, $0xA;
	s2 =	sadd.s32 s3, s2  }
0x8d: {  	s2 =	sadd.s32 s2, s14  }
0x8e: {  	[smem:$0x3FC6] =	sst s2  }
0x8f: {  	_ = 	snop  }
0x90: {  	s2 =	sld [smem:$0x3FD0];
	_ =	sdelay $0x2  }
0x91: {  	s15 =	simm.s32 $0xA;
	s4 =	simm.s32 $0x10  }
0x92: {  	[smem:s4], [sflag:s15] =	dma.local [hbm:s2], $0x1  }
0x93: {  	_ =	swait.eq [sflag:s15], $0x1  }
0x94: {  	[sflag:s15] =	ssyncset.done $0x0  }
0x95: {  	[sflag:s15] =	ssyncadd.s32 $0xFFFFFFFF  }
0x96: {  	s16 =	sld [smem:$0x11];
	(tm) =	ssettm $0x1  }
0x97: {  	s17 =	sld [smem:$0x3FFB];
	_ =	sdelay $0x3  }
0x98: {  	_ =	strace s17  }
0x99: {  	s3 =	sld [smem:$0x3FFC];
	_ =	sdelay $0x3  }
0x9a: {  	_ =	strace s3  }
0x9b: {  	s3 =	sld [smem:$0x3FFD];
	_ =	sdelay $0x3  }
0x9c: {  	_ =	strace s3  }
0x9d: {  	_ =	strace $0x8FFFFFFF  }
0x9e: {  	s18 =	sld [smem:$0x3FDB];
	_ =	sdelay $0x1  }
0x9f: {  	s19 =	simm.s32 $_scs_section_size  }
0xa0: {  	s5 =	simm.s32 $_size__tile_overlayer_lowered;
	s6 =	simm.s32 $_tile_overlayer_lowered  }
0xa1: {  	s22 =	simm.s32 $0x1BFF;
	s21 =	sshll.u32 s6, $0x1;
	s3 =	sadd.s32 s19, s18  }
0xa2: {  	s7 =	simm.s32 $0x0;
	s20 =	sshll.u32 s5, $0x1;
	s5 =	sadd.s32 s21, s3  }
0xa3: {  	[timem:s7], [sflag:s22] =	dma.local [hbm:s5], s20  }
0xa4: {  	_ =	swait.ge [sflag:s22], s20  }
0xa5: {  	s4 =	ssub.s32 $0x0, s20;
	[sflag:s22] =	ssyncset.done $0x0  }
0xa6: {  	[sflag:s22] =	ssyncadd.s32 s4;
	_ =	sdelay $0x1  }
0xa7: {  	s23 =	simm.s32 $0x1B8B  }
0xa8: {  	_ =	swait.ge [sflag:s23], $0x1  }
0xa9: {  	[sflag:s23] =	ssyncset.done $0x0  }
0xaa: {  	s25 =	simm.s32 $0x1B8E;
	s24 =	sld [smem:$0x3FFE];
	[sflag:s23] =	ssyncadd.s32 $0xFFFFFFFF  }
0xab: {  	s26 =	simm.s32 $execute0_lowered;
	[smem:$0x3FD2] =	sst s25  }
0xac: {  	s5 =	sshll.u32 s26, $0x1;
	_ =	strace $0x80000046;
	[dreg:$0x1] =	wrdreg $0xFFFFFFFF  }
0xad: {  	s28 =	simm.s32 $_size_execute0_lowered;
	s3 =	sadd.s32 s3, s5;
	[dreg:$0x0] =	wrdreg $0x0  }
0xae: {  	s5 =	sshll.u32 s28, $0x1;
	[dreg:$0x2] =	wrdreg s3  }
0xaf: {  	[dreg:$0x3] =	wrdreg s5  }
0xb0: {  	[dreg:$0x4] =	wrdreg $0xC0  }
0xb1: {  	_ =	task [dreg:s7], $0x5FFFF  }
0xb2: {  	[dreg:$0x1] =	wrdreg $0xFFFFFFFF  }
0xb3: {  	[dreg:$0x0] =	wrdreg $0x60  }
0xb4: {  	[dreg:$0x2] =	wrdreg s24  }
0xb5: {  	[dreg:$0x3] =	wrdreg s16  }
0xb6: {  	[dreg:$0x4] =	wrdreg $0x9  }
0xb7: {  	_ =	task.clear_ibuf [dreg:s7], $0x5FFFF;
	_ =	strace $0x90000046  }
0xb8: {  	s29 =	simm.s32 $0x9;
	_ =	strace $0x80000048  }
0xb9: {  	_ =	swait.ge [sflag:s29], $0x1  }
0xba: {  	[sflag:s29] =	ssyncadd.s32 $0xFFFFFFFF  }
0xbb: {  	_ =	strace $0x90000048  }
0xbc: {  	_ =	sfence  }
0xbd: {  	s30 =	sld [smem:$0x0];
	_ =	sdelay $0x2  }
0xbe: {  	s31 =	sshll.u32 s1, $0xD;
	s1 =	sshrl.u32 s1, $0x2  }
0xbf: {  	s3 =	sand.u32 $0x4000, s31;
	s1 =	sadd.s32 s1, s30  }
0xc0: {  	s0 =	sor.u32 s3, s0;
	s1 =	sshll.u32 s1, $0x11  }
0xc1: {  	s0 =	sor.u32 s1, s0  }
0xc2: {  	s0 =	sadd.s32 $0x8F2B, s0  }
0xc3: {  	[sflag:s0] =	ssyncadd.remote.s32 $0x1  }
0xc4: {  	_ =	sfence.sel $0xFFFF  }
0xc5: {  	[dreg:$0x0] =	wrdreg $0xFFFFFFFF;
	(pc) =	sbr.abs _section_cstart, $3  }
0xc6: {  	[dreg:$0x1] =	wrdreg $0xFFFFFFFF  }
0xc7: {  	_ =	task.clear_ibuf [dreg:s7], $0x2FFFF;
	_ =	strace $0x9FFFFFFF  }
0xc8: {  	(tm) =	ssettm $0x7FFFFFFF  }
0xc9: {  	_ =	shalt  }
tec
execute0_lowered:
.L_overlay_start_1:
0x0: {  	(tag) =	ssettag $0x1  }
0x1: {  	v0 =	vimm.f32 $0.0e+00;
	v3 =	vlaneseq.u32;
	v2 =	vimm.s32 $0xFEDCBA9  }
0x2: {  	v6 =	vimm.s32 $0x98765432;
	vm0 =	vmmov $0xffff;
	vm9 =	vcmask $0x3F3C  }
0x3: {  	v9 =	vimm.s32 $0x3210FEDC;
	v10 =	vimm.s32 $0xBA987654;
	v11 =	vimm.s32 $0x43210FED  }
0x4: {  	v12 =	vimm.s32 $0xCBA98765;
	vm10 =	vcmask $0x3F38;
	vm11 =	vcmask $0x3F34  }
0x5: {  	vm12 =	vcmask $0x3F30;
	vm13 =	vcmask $0x3F2C;
	v23 =	vimm.s32 $0xFEDCBA98  }
0x6: {  	v24 =	vimm.s32 $0xEDCBA987;
	v25 =	vimm.s32 $0x76543210;
	vm14 =	vcmask $0x3F28  }
0x7: {  	vm15 =	vcmask $0x3F24;
	v1 =	vand.u32 $0x7, v3;
	v4 =	vunpack.c.l.s4.s8 v2  }
0x8: {  	v2 =	vimm.s32 $0x87654321;
	v7 =	vshrl.u32 v3, $0x3;
	v6 =	vunpack.c.l.s4.s8 v6  }
0x9: {  	v3 =	vor.u32 $0x8, v3;
	v9 =	vunpack.c.l.s4.s8 v9;
	v10 =	vunpack.c.l.s4.s8 v10  }
0xa: {  	v23 =	vunpack.c.l.s4.s8 v23;
	v5 =	vunpack.c.l.s4.s8 v2;
	v2 =	vimm.s32 $0x10FEDCBA  }
0xb: {  	s0 =	rddreg [dreg:$0x0];
	v24 =	vunpack.c.l.s4.s8 v24;
	v25 =	vunpack.c.l.s4.s8 v25;
	v8 =	vunpack.c.l.s4.s8 v2  }
0xc: {  	s1 =	rddreg [dreg:$0x1];
	s2 =	simm.s32 $0x0;
	v2 =	vmul.u32 $0x8, v7;
	v13 =	vunpack.c.0.s8.s32 v4;
	v4 =	vimm.s32 $0x0  }
0xd: {  	s3 =	srdreg.scid;
	s7 =	stileid.u32;
	s9 =	simm.s32 $0x200;
	v16 =	vunpack.c.0.s8.s32 v6;
	v7 =	vimm.s32 $0x210FEDCB;
	v19 =	vunpack.c.0.s8.s32 v9  }
0xe: {  	s10 =	simm.s32 $0xA00;
	s11 =	simm.s32 $0x1200;
	s12 =	simm.s32 $0x1A00;
	v20 =	vunpack.c.0.s8.s32 v10;
	v10 =	vimm.s32 $0x543210FE;
	v24 =	vunpack.c.0.s8.s32 v24  }
0xf: {  	s13 =	simm.s32 $0x2200;
	s14 =	simm.s32 $0x2A00;
	s15 =	simm.s32 $0x3200;
	v14 =	vunpack.c.0.s8.s32 v5;
	v4 =	vsel vm0, $0xFFFFFFFF, v4;
	v7 =	vunpack.c.l.s4.s8 v7  }
0x10: {  	s16 =	simm.s32 $0x3A00;
	s17 =	simm.s32 $0x4200;
	s18 =	simm.s32 $0x4A00;
	v10 =	vunpack.c.l.s4.s8 v10;
	v15 =	vunpack.c.0.s8.s32 v8;
	v8 =	vimm.s32 $0xA9876543  }
0x11: {  	s19 =	simm.s32 $0x5200;
	s20 =	simm.s32 $0x5A00;
	s21 =	simm.s32 $0x6200;
	[tilespmem:$0x1FFF0] =	vst v4;
	v4 =	vcombine.low v14, v13;
	v8 =	vunpack.c.l.s4.s8 v8;
	v17 =	vunpack.c.0.s8.s32 v7  }
0x12: {  	s22 =	simm.s32 $0x6A00;
	s23 =	simm.s32 $0x7200;
	s24 =	simm.s32 $0x7A00;
	v7 =	vunpack.c.l.s4.s8 v11;
	v11 =	vunpack.c.l.s4.s8 v12;
	v12 =	vimm.s32 $0x6543210F  }
0x13: {  	s25 =	simm.s32 $0x1;
	s26 =	simm.s32 $0x8200;
	s29 =	simm.s32 $0x400;
	v26 =	vunpack.c.0.s8.s32 v10;
	v13 =	vcombine.low v13, v14;
	v6 =	vcombine.low v16, v15  }
0x14: {  	s30 =	simm.s32 $0x0;
	[smem:$0x7FF] =	sst s2;
	s4 =	sand.u32 $0x1, s3;
	v12 =	vunpack.c.l.s4.s8 v12;
	v14 =	vcombine.low v15, v16;
	v18 =	vunpack.c.0.s8.s32 v8  }
0x15: {  	s28 =	sshll.u32 s7, $0x1;
	s7 =	sshll.u32 s7, $0xB;
	s3 =	sadd.s32 $0x45A00, s0;
	v21 =	vunpack.c.0.s8.s32 v7;
	v22 =	vunpack.c.0.s8.s32 v11;
	v11 =	vimm.s32 $0xDCBA9876  }
0x16: {  	s5 =	sor.u32 s4, s28;
	s7 =	sand.u32 $0x6000, s7;
	s4 =	ssub.s32 $0x2, s4;
	v16 =	vcombine.low v19, v20;
	v8 =	vcombine.low v20, v19;
	v11 =	vunpack.c.l.s4.s8 v11  }
0x17: {  	s6 =	sshll.u32 s5, $0xE;
	s31 =	sshll.u32 s5, $0x4;
	s8 =	sshrl.u32 s4, $0x1;
	v62 =	vunpack.c.0.s8.s32 v12;
	v7 =	vcombine.low v18, v17;
	v9 =	vcombine.low v22, v21  }
0x18: {  	s5 =	sshll.u32 s5, $0x6;
	s6 =	sadd.s32 s6, s0;
	s0 =	sadd.s32 s7, s0;
	v15 =	vcombine.low v17, v18;
	v27 =	vunpack.c.0.s8.s32 v11;
	v11 =	vunpack.c.0.s8.s32 v23  }
0x19: {  	s7 =	sand.u32 $0x70, s31;
	s8 =	ssub.s32 s4, s8;
	s4 =	sadd.s32 s1, s5;
	v12 =	vunpack.c.0.s8.s32 v25;
	v17 =	vcombine.low v21, v22;
	v19 =	vcombine.low v62, v24  }
0x1a: {  	s0 =	sadd.s32 s7, s0;
	s5 =	sadd.s32 $0x105A00, s6;
	s7 =	smax.u32 s8, $0x1;
	v10 =	vcombine.low v27, v26;
	v63 =	vand.u32 $0xF, v11;
	v11 =	vcombine.low v24, v62  }
0x1b: {  	v5 =	vimm.f32 $1.000000000e+00;
	s8 =	simm.s32 $0x2;
	_ =	strace $0x80000047;
	s6 =	sadd.s32 $0x185A00, s0;
	v18 =	vcombine.low v26, v27;
	v12 =	vcombine.low v63, v12  }
.LBB2_1:
0x1c: {  	s0 =	simm.s32 $0x40;
	s1 =	simm.s32 $0x0  }
.LBB2_2:
0x1d: {  	p0 =	sne.s32 s0, $0x7FC0;
	[tilespmem:s1+$0x8200] =	vst v0;
	s1 =	smov.u32 s0;
	s0 =	sadd.s32 $0x40, s0  }
.Ltmp0:
0x1e: {  	(pc) =	sbr.rel @p0 .LBB2_2-.Ltmp0, $2  }
0x1f: {  	_ =	sdelay $0x2  }
0x20: {  	s1 =	sshra.s32 s1, $0x2  }
0x21: {  	[tilespmem:s1+$0x8200] =	vst v0  }
0x22: {  	[tilespmem:s30], [sflag:$0x2] =	stream.linear.gather [hbm4b:s4+s30], $0x200, $0x38;
	[tilespmem:$0xA200] =	vst v63  }
0x23: {  	_ =	swait.ge [sflag:s8], $0x200  }
0x24: {  	[sflag:s8] =	ssyncset.done $0x0  }
0x25: {  	s31 =	simm.s32 $0x0;
	s0 =	simm.s32 $0x0;
	[sflag:s8] =	ssyncadd.s32 $0xFFFFFE00  }
.LBB2_4:
0x26: {  	s1 =	sshll.u32 s0, $0x7  }
0x27: {  	s1 =	sand.u32 $0x3FFFFF80, s1  }
0x28: {  	v20 =	vld [tilespmem:s1+$0x0];
	_ =	sdelay $0x4  }
0x29: {  	v21 =	vshll.u32 v20, $0x1  }
0x2a: {  	v20 =	vand.u32 $0x7, v20;
	v21 =	vand.u32 $0xFFFFFFF0, v21  }
0x2b: {  	v20 =	vor.u32 v20, v21  }
0x2c: {  	v21 =	vperm.xlane v20, v1  }
0x2d: {  	v22 =	vld [tilespmem:$0x1FFF0]  }
0x2e: {  	v20 =	vperm.xlane v20, v3;
	v21 =	vadd.s32 v2, v21;
	_ =	sdelay $0x1  }
0x2f: {  	v20 =	vadd.s32 v2, v20;
	_ =	sdelay $0x1  }
0x30: {  	vm0 =	vnez.u8 v22  }
0x31: {  	[tilespmem:s9], [sflag:$0x1] =	stream.indirect_vreg.gather [hbm4b:s3+s30], $0x80, v21, vm0, $0xb8;
	[tilespmem:$0xA200] =	vst v63  }
0x32: {  	_ = 	snop  }
0x33: {  	[tilespmem:s10], [sflag:$0x1] =	stream.indirect_vreg.gather [hbm4b:s3+s30], $0x80, v20, vm0, $0xb8;
	[tilespmem:$0xA200] =	vst v63  }
0x34: {  	v20 =	vld [tilespmem:s1+$0x10];
	_ =	sdelay $0x4  }
0x35: {  	v21 =	vshll.u32 v20, $0x1  }
0x36: {  	v20 =	vand.u32 $0x7, v20;
	v21 =	vand.u32 $0xFFFFFFF0, v21  }
0x37: {  	v20 =	vor.u32 v20, v21  }
0x38: {  	v21 =	vperm.xlane v20, v1;
	_ =	sdelay $0x1  }
0x39: {  	v20 =	vperm.xlane v20, v3;
	v21 =	vadd.s32 v2, v21;
	_ =	sdelay $0x1  }
0x3a: {  	v20 =	vadd.s32 v2, v20;
	_ =	sdelay $0x2  }
0x3b: {  	[tilespmem:s11], [sflag:$0x1] =	stream.indirect_vreg.gather [hbm4b:s3+s30], $0x80, v21, vm0, $0xb8;
	[tilespmem:$0xA200] =	vst v63  }
0x3c: {  	_ = 	snop  }
0x3d: {  	[tilespmem:s12], [sflag:$0x1] =	stream.indirect_vreg.gather [hbm4b:s3+s30], $0x80, v20, vm0, $0xb8;
	[tilespmem:$0xA200] =	vst v63  }
0x3e: {  	v20 =	vld [tilespmem:s1+$0x20];
	_ =	sdelay $0x4  }
0x3f: {  	v21 =	vshll.u32 v20, $0x1  }
0x40: {  	v20 =	vand.u32 $0x7, v20;
	v21 =	vand.u32 $0xFFFFFFF0, v21  }
0x41: {  	v20 =	vor.u32 v20, v21  }
0x42: {  	v21 =	vperm.xlane v20, v1;
	_ =	sdelay $0x1  }
0x43: {  	v20 =	vperm.xlane v20, v3;
	v21 =	vadd.s32 v2, v21;
	_ =	sdelay $0x1  }
0x44: {  	v20 =	vadd.s32 v2, v20;
	_ =	sdelay $0x2  }
0x45: {  	[tilespmem:s13], [sflag:$0x1] =	stream.indirect_vreg.gather [hbm4b:s3+s30], $0x80, v21, vm0, $0xb8;
	[tilespmem:$0xA200] =	vst v63  }
0x46: {  	_ = 	snop  }
0x47: {  	[tilespmem:s14], [sflag:$0x1] =	stream.indirect_vreg.gather [hbm4b:s3+s30], $0x80, v20, vm0, $0xb8;
	[tilespmem:$0xA200] =	vst v63  }
0x48: {  	v20 =	vld [tilespmem:s1+$0x30];
	_ =	sdelay $0x4  }
0x49: {  	v21 =	vshll.u32 v20, $0x1  }
0x4a: {  	v20 =	vand.u32 $0x7, v20;
	v21 =	vand.u32 $0xFFFFFFF0, v21  }
0x4b: {  	v20 =	vor.u32 v20, v21  }
0x4c: {  	v21 =	vperm.xlane v20, v1;
	_ =	sdelay $0x1  }
0x4d: {  	v20 =	vperm.xlane v20, v3;
	v21 =	vadd.s32 v2, v21;
	_ =	sdelay $0x1  }
0x4e: {  	v20 =	vadd.s32 v2, v20;
	_ =	sdelay $0x2  }
0x4f: {  	[tilespmem:s15], [sflag:$0x1] =	stream.indirect_vreg.gather [hbm4b:s3+s30], $0x80, v21, vm0, $0xb8;
	[tilespmem:$0xA200] =	vst v63  }
0x50: {  	_ = 	snop  }
0x51: {  	[tilespmem:s16], [sflag:$0x1] =	stream.indirect_vreg.gather [hbm4b:s3+s30], $0x80, v20, vm0, $0xb8;
	[tilespmem:$0xA200] =	vst v63  }
0x52: {  	v20 =	vld [tilespmem:s1+$0x40];
	_ =	sdelay $0x4  }
0x53: {  	v21 =	vshll.u32 v20, $0x1  }
0x54: {  	v20 =	vand.u32 $0x7, v20;
	v21 =	vand.u32 $0xFFFFFFF0, v21  }
0x55: {  	v20 =	vor.u32 v20, v21  }
0x56: {  	v21 =	vperm.xlane v20, v1;
	_ =	sdelay $0x1  }
0x57: {  	v20 =	vperm.xlane v20, v3;
	v21 =	vadd.s32 v2, v21;
	_ =	sdelay $0x1  }
0x58: {  	v20 =	vadd.s32 v2, v20;
	_ =	sdelay $0x2  }
0x59: {  	[tilespmem:s17], [sflag:$0x1] =	stream.indirect_vreg.gather [hbm4b:s3+s30], $0x80, v21, vm0, $0xb8;
	[tilespmem:$0xA200] =	vst v63  }
0x5a: {  	_ = 	snop  }
0x5b: {  	[tilespmem:s18], [sflag:$0x1] =	stream.indirect_vreg.gather [hbm4b:s3+s30], $0x80, v20, vm0, $0xb8;
	[tilespmem:$0xA200] =	vst v63  }
0x5c: {  	v20 =	vld [tilespmem:s1+$0x50];
	_ =	sdelay $0x4  }
0x5d: {  	v21 =	vshll.u32 v20, $0x1  }
0x5e: {  	v20 =	vand.u32 $0x7, v20;
	v21 =	vand.u32 $0xFFFFFFF0, v21  }
0x5f: {  	v20 =	vor.u32 v20, v21  }
0x60: {  	v21 =	vperm.xlane v20, v1;
	_ =	sdelay $0x1  }
0x61: {  	v20 =	vperm.xlane v20, v3;
	v21 =	vadd.s32 v2, v21;
	_ =	sdelay $0x1  }
0x62: {  	v20 =	vadd.s32 v2, v20;
	_ =	sdelay $0x2  }
0x63: {  	[tilespmem:s19], [sflag:$0x1] =	stream.indirect_vreg.gather [hbm4b:s3+s30], $0x80, v21, vm0, $0xb8;
	[tilespmem:$0xA200] =	vst v63  }
0x64: {  	_ = 	snop  }
0x65: {  	[tilespmem:s20], [sflag:$0x1] =	stream.indirect_vreg.gather [hbm4b:s3+s30], $0x80, v20, vm0, $0xb8;
	[tilespmem:$0xA200] =	vst v63  }
0x66: {  	v20 =	vld [tilespmem:s1+$0x60];
	_ =	sdelay $0x4  }
0x67: {  	v21 =	vshll.u32 v20, $0x1  }
0x68: {  	v20 =	vand.u32 $0x7, v20;
	v21 =	vand.u32 $0xFFFFFFF0, v21  }
0x69: {  	v20 =	vor.u32 v20, v21  }
0x6a: {  	v21 =	vperm.xlane v20, v1;
	_ =	sdelay $0x1  }
0x6b: {  	v20 =	vperm.xlane v20, v3;
	v21 =	vadd.s32 v2, v21;
	_ =	sdelay $0x1  }
0x6c: {  	v20 =	vadd.s32 v2, v20;
	_ =	sdelay $0x2  }
0x6d: {  	[tilespmem:s21], [sflag:$0x1] =	stream.indirect_vreg.gather [hbm4b:s3+s30], $0x80, v21, vm0, $0xb8;
	[tilespmem:$0xA200] =	vst v63  }
0x6e: {  	_ = 	snop  }
0x6f: {  	[tilespmem:s22], [sflag:$0x1] =	stream.indirect_vreg.gather [hbm4b:s3+s30], $0x80, v20, vm0, $0xb8;
	[tilespmem:$0xA200] =	vst v63  }
0x70: {  	v20 =	vld [tilespmem:s1+$0x70];
	_ =	sdelay $0x4  }
0x71: {  	v21 =	vshll.u32 v20, $0x1  }
0x72: {  	v20 =	vand.u32 $0x7, v20;
	v21 =	vand.u32 $0xFFFFFFF0, v21  }
0x73: {  	v20 =	vor.u32 v20, v21  }
0x74: {  	v21 =	vperm.xlane v20, v1;
	_ =	sdelay $0x1  }
0x75: {  	v20 =	vperm.xlane v20, v3;
	v21 =	vadd.s32 v2, v21;
	_ =	sdelay $0x1  }
0x76: {  	v20 =	vadd.s32 v2, v20;
	_ =	sdelay $0x2  }
0x77: {  	[tilespmem:s23], [sflag:$0x1] =	stream.indirect_vreg.gather [hbm4b:s3+s30], $0x80, v21, vm0, $0xb8;
	[tilespmem:$0xA200] =	vst v63  }
0x78: {  	_ = 	snop  }
0x79: {  	[tilespmem:s24], [sflag:$0x1] =	stream.indirect_vreg.gather [hbm4b:s3+s30], $0x80, v20, vm0, $0xb8;
	[tilespmem:$0xA200] =	vst v63  }
0x7a: {  	_ =	swait.ge [sflag:s25], $0x8000  }
0x7b: {  	s28 =	sshll.u32 s0, $0xC;
	[sflag:s25] =	ssyncset.done $0x0  }
0x7c: {  	s1 =	sadd.s32 s28, s5;
	v21 =	vmov s31;
	[sflag:s25] =	ssyncadd.s32 $0xFFFF8000  }
0x7d: {  	[hbm4b:s1+s30] =	stream.linear.scatter [tilespmem:s9], [sflag:$0x2], $0x8000, $0x38;
	[tilespmem:$0xA200] =	vst v63  }
0x7e: {  	_ =	swait.ge [sflag:s8], $0x8000  }
0x7f: {  	[sflag:s8] =	ssyncset.done $0x0  }
0x80: {  	s28 =	simm.s32 $0x0;
	[sflag:s8] =	ssyncadd.s32 $0xFFFF8000  }
0x81: {  	v20 =	vld.idx.msk [tilespmem:v21+s28+$0x0 ss:$0x1], $0xffff;
	_ =	sdelay $0x4  }
0x82: {  	v22 =	vperm.xlane v20, v6;
	v23 =	vperm.xlane v20, v9  }
0x83: {  	v24 =	vperm.xlane v20, v8;
	v25 =	vperm.xlane v20, v18  }
0x84: {  	v26 =	vperm.xlane v20, v4;
	v27 =	vperm.xlane v20, v14  }
0x85: {  	v28 =	vperm.xlane v20, v17;
	vm1 =	veq.s32 v22, v20;
	vm7 =	veq.s32 v23, v20  }
0x86: {  	v23 =	vperm.xlane v20, v7;
	vm4 =	veq.s32 v24, v20;
	v24 =	vperm.xlane v20, v10  }
0x87: {  	vm5 =	veq.s32 v26, v20;
	vm3 =	veq.s32 v27, v20;
	vm0 =	veq.s32 v28, v20  }
0x88: {  	v26 =	vimm.s32 $0x0;
	v22 =	vsel vm1, $0x3F800000, v0;
	vm8 =	vmand vm4, vm12  }
0x89: {  	v26 =	vsel vm0, $0xFFFFFFFF, v26;
	vm2 =	vmand vm1, vm10;
	vm1 =	veq.s32 v25, v20  }
0x8a: {  	v25 =	vperm.xlane v20, v19;
	vm6 =	veq.s32 v23, v20;
	v23 =	vsel vm5, $0x40000000, v5  }
0x8b: {  	vm0 =	vmand vm7, vm13;
	vm5 =	vmand vm5, vm9;
	v22 =	vadd.f32 v22, v23  }
0x8c: {  	[tilespmem:$0x1FFE0] =	vst v26;
	v26 =	vperm.xlane v20, v11;
	v23 =	vsel vm6, $0x3F800000, v0;
	vm6 =	vmand vm6, vm11  }
0x8d: {  	vm2 =	vmor vm5, vm2;
	vm5 =	veq.s32 v24, v20;
	v22 =	vadd.f32 v23, v22  }
0x8e: {  	vm6 =	vmor vm2, vm6;
	vm2 =	veq.s32 v25, v20;
	v23 =	vsel vm4, $0x3F800000, v0  }
0x8f: {  	v24 =	vsel vm5, $0x3F800000, v0;
	vm4 =	veq.s32 v26, v20;
	v22 =	vadd.f32 v23, v22  }
0x90: {  	vm6 =	vmor vm6, vm8;
	v26 =	vperm.xlane v20, v12;
	v23 =	vsel vm7, $0x3F800000, v0  }
0x91: {  	vm5 =	vmand vm5, vm14;
	vm6 =	vmor vm6, vm0;
	v22 =	vadd.f32 v23, v22  }
0x92: {  	v25 =	vsel vm4, $0x3F800000, v0;
	vm6 =	vmor vm6, vm5;
	vm5 =	veq.s32 v26, v20  }
0x93: {  	s1 =	simm.s32 $0x40;
	v23 =	vperm.xlane v20, v13;
	v24 =	vadd.f32 v24, v22;
	v22 =	vperm.xlane v20, v15  }
.LBB2_5:
0x94: {  	vm4 =	vmand vm4, vm15  }
0x95: {  	vm0 =	vmmov vm15;
	vm15 =	vmmov vm14;
	vm14 =	vmmov vm13  }
0x96: {  	vm13 =	vmmov vm12;
	vm12 =	vmmov vm11;
	vm11 =	vmmov vm10  }
0x97: {  	vm10 =	vmmov vm9;
	v24 =	vadd.f32 v25, v24;
	vm7 =	veq.s32 v23, v20  }
0x98: {  	v23 =	vperm.xlane v20, v16;
	v25 =	vsel vm5, $0x3F800000, v0;
	vm8 =	veq.s32 v22, v20  }
0x99: {  	vm4 =	vmor vm6, vm4;
	vm6 =	vcmask $0x3F20;
	v22 =	vadd.f32 v25, v24  }
0x9a: {  	vm5 =	vmand vm5, vm6;
	vm9 =	veq.s32 v23, v20;
	v23 =	vsel vm7, $0x3F800000, v0  }
0x9b: {  	vm4 =	vmor vm4, vm5;
	vm5 =	vcmask $0x3F1C;
	v22 =	vadd.f32 v23, v22  }
0x9c: {  	vm5 =	vmand vm7, vm5;
	v23 =	vsel vm3, $0x3F800000, v0  }
0x9d: {  	vm4 =	vmor vm4, vm5;
	vm5 =	vcmask $0x3F18;
	v22 =	vadd.f32 v23, v22  }
0x9e: {  	vm3 =	vmand vm3, vm5;
	v23 =	vsel vm8, $0x3F800000, v0  }
0x9f: {  	vm3 =	vmor vm4, vm3;
	vm4 =	vcmask $0x3F14;
	v22 =	vadd.f32 v23, v22;
	v23 =	vld [tilespmem:$0x1FFE0]  }
0xa0: {  	vm4 =	vmand vm8, vm4  }
0xa1: {  	vm3 =	vmor vm3, vm4;
	vm4 =	vcmask $0x3F10  }
0xa2: {  	vm4 =	vmand vm9, vm4  }
0xa3: {  	vm3 =	vmor vm3, vm4  }
0xa4: {  	vm4 =	vcmask $0x3F0C;
	vm5 =	vnez.u8 v23;
	v23 =	vsel vm9, $0x3F800000, v0  }
0xa5: {  	vm9 =	vmmov vm10;
	vm10 =	vmmov vm11;
	vm11 =	vmmov vm12  }
0xa6: {  	vm12 =	vmmov vm13;
	vm13 =	vmmov vm14;
	vm14 =	vmmov vm15  }
0xa7: {  	vm15 =	vmmov vm0;
	vm0 =	vcmask $0x3F08;
	vm4 =	vmand vm5, vm4  }
0xa8: {  	vm3 =	vmor vm3, vm4;
	vm4 =	vmand vm1, vm0;
	vm0 =	vcmask $0x3F04  }
0xa9: {  	v22 =	vadd.f32 v23, v22;
	vm3 =	vmor vm3, vm4;
	vm4 =	vmand vm2, vm0  }
0xaa: {  	v23 =	vsel vm5, $0x3F800000, v0;
	vm0 =	vmor vm3, vm4  }
0xab: {  	v22 =	vadd.f32 v23, v22;
	vm0 =	vmneg vm0  }
0xac: {  	v23 =	vsel vm1, $0x3F800000, v0  }
0xad: {  	v22 =	vadd.f32 v23, v22  }
0xae: {  	v23 =	vsel vm2, $0x3F800000, v0  }
0xaf: {  	v22 =	vadd.f32 v23, v22  }
0xb0: {  	s28 =	smov.u32 s1  }
0xb1: {  	s28 =	sshra.s32 s28, $0x2;
	[tilespmem:v20+s26+$0x0] =	vst.idx.add.f32.msk vm0, v22  }
0xb2: {  	v20 =	vld.idx.msk [tilespmem:v21+s28+$0x0 ss:$0x1], $0xffff;
	_ =	sdelay $0x4  }
0xb3: {  	v22 =	vperm.xlane v20, v6;
	v23 =	vperm.xlane v20, v9  }
0xb4: {  	v24 =	vperm.xlane v20, v8;
	v25 =	vperm.xlane v20, v18  }
0xb5: {  	v26 =	vperm.xlane v20, v4;
	v27 =	vperm.xlane v20, v14  }
0xb6: {  	v28 =	vperm.xlane v20, v17;
	vm1 =	veq.s32 v22, v20;
	vm2 =	veq.s32 v23, v20  }
0xb7: {  	v23 =	vperm.xlane v20, v7;
	vm4 =	veq.s32 v24, v20;
	v24 =	vperm.xlane v20, v10  }
0xb8: {  	vm5 =	veq.s32 v26, v20;
	vm3 =	veq.s32 v27, v20;
	vm0 =	veq.s32 v28, v20  }
0xb9: {  	v26 =	vimm.s32 $0x0;
	v22 =	vsel vm1, $0x3F800000, v0;
	vm7 =	vmand vm4, vm12  }
0xba: {  	v26 =	vsel vm0, $0xFFFFFFFF, v26;
	vm8 =	vmand vm1, vm10;
	vm1 =	veq.s32 v25, v20  }
0xbb: {  	v25 =	vperm.xlane v20, v19;
	vm6 =	veq.s32 v23, v20;
	v23 =	vsel vm5, $0x40000000, v5  }
0xbc: {  	[tilespmem:$0x1FFE0] =	vst v26;
	vm5 =	vmand vm5, vm9;
	v26 =	vperm.xlane v20, v11;
	v22 =	vadd.f32 v22, v23  }
0xbd: {  	v23 =	vsel vm6, $0x3F800000, v0;
	vm6 =	vmand vm6, vm11;
	vm5 =	vmor vm5, vm8  }
0xbe: {  	vm8 =	vmand vm2, vm13;
	vm5 =	vmor vm5, vm6;
	v22 =	vadd.f32 v23, v22  }
0xbf: {  	p0 =	sne.s32 s1, $0x1C0;
	vm6 =	veq.s32 v24, v20;
	v23 =	vsel vm4, $0x3F800000, v0;
	vm4 =	veq.s32 v26, v20  }
.Ltmp1:
0xc0: {  	v24 =	vsel vm6, $0x3F800000, v0;
	vm6 =	vmand vm6, vm14;
	v22 =	vadd.f32 v23, v22;
	(pc) =	sbr.rel @p0 .LBB2_5-.Ltmp1, $4  }
0xc1: {  	vm5 =	vmor vm5, vm7;
	v26 =	vperm.xlane v20, v12;
	v23 =	vsel vm2, $0x3F800000, v0  }
0xc2: {  	vm5 =	vmor vm5, vm8;
	vm2 =	veq.s32 v25, v20;
	v22 =	vadd.f32 v23, v22  }
0xc3: {  	vm6 =	vmor vm5, vm6;
	v25 =	vsel vm4, $0x3F800000, v0;
	vm5 =	veq.s32 v26, v20  }
0xc4: {  	s1 =	sadd.s32 $0x40, s1;
	v23 =	vperm.xlane v20, v13;
	v24 =	vadd.f32 v24, v22;
	v22 =	vperm.xlane v20, v15  }
0xc5: {  	vm4 =	vmand vm4, vm15;
	v54 =	vsel vm5, $0x3F800000, v0  }
0xc6: {  	v55 =	vperm.xlane v20, v16;
	vm0 =	vcmask $0x3F20;
	vm7 =	vcmask $0x3F1C  }
0xc7: {  	v57 =	vsel vm3, $0x3F800000, v0;
	vm4 =	vmor vm6, vm4;
	vm6 =	veq.s32 v23, v20  }
0xc8: {  	v21 =	vadd.f32 v25, v24;
	vm0 =	vmand vm5, vm0;
	v56 =	vsel vm6, $0x3F800000, v0  }
0xc9: {  	vm4 =	vmor vm4, vm0;
	vm0 =	vmand vm6, vm7;
	vm6 =	veq.s32 v22, v20  }
0xca: {  	v59 =	vld [tilespmem:$0x1FFE0];
	vm5 =	veq.s32 v55, v20;
	vm7 =	vcmask $0x3F18;
	v21 =	vadd.f32 v54, v21  }
0xcb: {  	vm4 =	vmor vm4, vm0;
	vm7 =	vmand vm3, vm7;
	v58 =	vsel vm6, $0x3F800000, v0  }
0xcc: {  	vm3 =	vmor vm4, vm7;
	vm7 =	vcmask $0x3F14;
	v21 =	vadd.f32 v56, v21  }
0xcd: {  	v60 =	vsel vm5, $0x3F800000, v0;
	vm0 =	vmand vm6, vm7;
	vm7 =	vcmask $0x3F10  }
0xce: {  	vm3 =	vmor vm3, vm0;
	vm0 =	vmand vm5, vm7;
	v21 =	vadd.f32 v57, v21  }
0xcf: {  	vm6 =	vnez.u8 v59;
	vm3 =	vmor vm3, vm0;
	vm0 =	vcmask $0x3F0C  }
0xd0: {  	vm7 =	vcmask $0x3F08;
	vm0 =	vmand vm6, vm0;
	v21 =	vadd.f32 v58, v21  }
0xd1: {  	vm3 =	vmor vm3, vm0;
	vm0 =	vmand vm1, vm7;
	vm7 =	vcmask $0x3F04  }
0xd2: {  	vm3 =	vmor vm3, vm0;
	vm0 =	vmand vm2, vm7;
	v21 =	vadd.f32 v60, v21  }
0xd3: {  	v61 =	vsel vm6, $0x3F800000, v0;
	vm0 =	vmor vm3, vm0  }
0xd4: {  	s0 =	sadd.s32 $0x1, s0;
	vm0 =	vmneg vm0;
	v21 =	vadd.f32 v61, v21  }
0xd5: {  	v62 =	vsel vm1, $0x3F800000, v0;
	p0 =	sne.s32 s0, $0x4  }
.Ltmp2:
0xd6: {  	v21 =	vadd.f32 v62, v21;
	(pc) =	sbr.rel @p0 .LBB2_4-.Ltmp2, $3  }
0xd7: {  	v63 =	vsel vm2, $0x3F800000, v0  }
0xd8: {  	v21 =	vadd.f32 v63, v21;
	_ =	sdelay $0x1  }
0xd9: {  	s31 =	sadd.s32 $0x80, s31;
	[tilespmem:v20+s26+$0x0] =	vst.idx.add.f32.msk vm0, v21  }
0xda: {  	s2 =	sadd.s32 $0x1, s2  }
0xdb: {  	p0 =	sne.s32 s2, s7  }
.Ltmp3:
0xdc: {  	s0 =	simm.s32 $0x80;
	(pc) =	sbr.rel @p0 .LBB2_1-.Ltmp3, $4  }
0xdd: {  	[hbm4b:s6+s0] =	stream.strided.scatter [tilespmem:s26], [sflag:$0x2], $0x2000, s29, s0, $0x38;
	[tilespmem:$0xA200] =	vst v63  }
0xde: {  	_ =	swait.ge [sflag:s8], $0x2000  }
0xdf: {  	[sflag:s8] =	ssyncset.done $0x0  }
0xe0: {  	[sflag:s8] =	ssyncadd.s32 $0xFFFFE000  }
0xe1: {  	_ =	sfence.sel $0x180000  }
0xe2: {  	[bflag:$0x0] =	sbarrier.arrive $0xFFFF  }
0xe3: {  	_ =	strace $0x90000047  }
0xe4: {  	s0 =	stileid.u32;
	[bflag:$0x2] =	sbarrier.arrive $0xFFFF  }
0xe5: {  	p0 =	sne.s32 s0, $0x0;
	s0 =	rddreg [dreg:$0x2]  }
0xe6: {  	s0 =	sadd.s32 @!p0 $0x100000, s0  }
0xe7: {  	[sflag:s0] =	ssyncadd.tile.s32 @!p0 $0x1;
	_ =	shalt  }
.Lfunc_end2:
_tile_overlayer_lowered:
.L_overlay_start_2:
0xe8: {  	(tag) =	ssettag $0x2  }
0xe9: {  	s0 =	rddreg [dreg:$0x0];
	s2 =	stileid.u32  }
0xea: {  	s1 =	rddreg [dreg:$0x1];
	p0 =	sne.s32 s2, $0x0  }
0xeb: {  	s3 =	rddreg [dreg:$0x2];
	[bflag:$0x3] =	sbarrier.arrive $0xFFFF;
	s2 =	simm.s32 @!p0 $0x1C02  }
0xec: {  	[timem:s3], [sflag:s2] =	dma.local @!p0 [hbm:s0], s1  }
0xed: {  	s0 =	simm.s32 @!p0 $0x2  }
0xee: {  	_ =	swait.ge @!p0 [sflag:s0], s1  }
0xef: {  	s1 =	ssub.s32 @!p0 $0x0, s1;
	[sflag:s0] =	ssyncset.done @!p0 $0x0  }
0xf0: {  	[sflag:s0] =	ssyncadd.s32 @!p0 s1  }
0xf1: {  	[bflag:$0x3] =	sbarrier.arrive $0xFFFF  }
0xf2: {  	_ =	shalt  }

// kernel: kernel.14.cloned.1.call-start
scs
__scs_entry_jumppad:
0x0: {  	(pc) =	sbr.rel $0x88, $3  }
0x1: {  	(tag) =	ssettag $0x0;
	lr =	simm.s32 $0x1  }
0x2: {  	[smem:$0x3F9F] =	sst lr;
	_ =	strace $0xD0000000  }
0x3: {  	_ = 	snop  }
0x4: {  	_ = 	snop  }
0x5: {  	_ = 	snop  }
0x6: {  	_ = 	snop  }
0x7: {  	_ = 	snop  }
__scs_overlays_trampoline_lowered:
0x8: {  	[smem:$0x3FAE] =	sst s0  }
0x9: {  	[smem:$0x3FAF] =	sst s1  }
0xa: {  	[smem:$0x3FB0] =	sst s2  }
0xb: {  	[smem:$0x3FB1] =	sst s3  }
0xc: {  	[smem:$0x3FB2] =	sst s4  }
0xd: {  	[smem:$0x3FB3] =	sst s5  }
0xe: {  	[smem:$0x3FB4] =	sst s6  }
0xf: {  	[smem:$0x3FB5] =	sst s7  }
0x10: {  	[smem:$0x3FB6] =	sst s8  }
0x11: {  	[smem:$0x3FB7] =	sst s9;
	s0 =	simm.s32 @!p0 $0x0  }
0x12: {  	s1 =	sld [smem:$0x3F9D];
	s0 =	simm.s32 @p0 $0x1  }
0x13: {  	[smem:$0x3FB8] =	sst s0;
	s0 =	simm.s32 @!p1 $0x0  }
0x14: {  	s2 =	sld [smem:$0x3F9C];
	s0 =	simm.s32 @p1 $0x1  }
0x15: {  	[smem:$0x3FB9] =	sst s0;
	s0 =	simm.s32 @!p2 $0x0  }
0x16: {  	s3 =	sld [smem:$0x3FDB];
	s0 =	simm.s32 @p2 $0x1  }
0x17: {  	s4 =	simm.s32 $0x1BF5;
	[smem:$0x3FBB] =	sst s0  }
0x18: {  	s0 =	sld [smem:$0x3F9E];
	_ =	swait.ge [sflag:s4], $0x0  }
0x19: {  	s7 =	sld [smem:$0x3F9F]  }
0x1a: {  	s8 =	sadd.s32 $0xFFFFE003, lr  }
0x1b: {  	s9 =	sadd.s32 $0xFFFFFEF7, lr;
	s5 =	simm.s32 $0xFFFFFFFF;
	p2 =	slt.u32 s8, $0xFFFFF086  }
0x1c: {  	p1 =	slt.u32 s9, $0xF7A;
	s5 =	simm.s32 @!p2 $0x0  }
0x1d: {  	s5 =	simm.s32 @p1 $0x1;
	p0 =	seq.s32 s7, s2  }
0x1e: {  	s7 =	smul.u32 @!p0 $0xF7A, s2;
	p2 =	seq.s32 @!p0 s5, $0x0  }
0x1f: {  	s9 =	smul.u32 $0xF7A, s1;
	s8 =	simm.s32 @!p0 $0x1BF5;
	p2 =	por !p2, p0  }
0x20: {  	[sflag:s8] =	ssyncset.s32 @!p0 $0xFFFFF086;
	s6 =	sadd.s32 @!p0 s3, s7;
	s7 =	simm.s32 @!p0 $0x108  }
0x21: {  	s3 =	sadd.s32 s3, s9;
	s6 =	sadd.s32 @!p0 $0x88, s6;
	s7 =	simm.s32 @p2 $0x1082  }
0x22: {  	[simem:s7], [sflag:s8] =	dma.local @!p0 [hbm:s6], $0xF7A  }
0x23: {  	s9 =	sor.u32 $0xD0000000, s2;
	s6 =	simm.s32 $0x108;
	_ =	swait.ge @!p0 [sflag:s8], $0x0  }
0x24: {  	s3 =	sadd.s32 $0x88, s3;
	s6 =	simm.s32 @!p1 $0x1082;
	[sflag:s4] =	ssyncset.s32 $0xFFFFF086  }
0x25: {  	[simem:s6], [sflag:s4] =	dma.local [hbm:s3], $0xF7A  }
0x26: {  	[smem:$0x3F9F] =	sst s1;
	(tag) =	ssettag s2;
	_ =	strace s9  }
0x27: {  	s1 =	sld [smem:$0x3FAF]  }
0x28: {  	s2 =	sld [smem:$0x3FB0]  }
0x29: {  	s4 =	sld [smem:$0x3FB2]  }
0x2a: {  	p0 =	seq.s32 s5, $0x0;
	s5 =	sld [smem:$0x3FB3]  }
0x2b: {  	s6 =	sld [smem:$0x3FB4]  }
0x2c: {  	s7 =	sld [smem:$0x3FB5]  }
0x2d: {  	s3 =	simm.s32 $0x108;
	s8 =	sld [smem:$0x3FB6]  }
0x2e: {  	s3 =	simm.s32 @!p0 $0x1082;
	s9 =	sld [smem:$0x3FB7]  }
0x2f: {  	lr =	sadd.s32 s0, s3;
	s0 =	sld [smem:$0x3FAE]  }
0x30: {  	s3 =	sld [smem:$0x3FB1]  }
0x31: {  	[smem:$0x3FBA] =	sst s10  }
0x32: {  	s10 =	sld [smem:$0x3FB8];
	_ =	sdelay $0x3  }
0x33: {  	p0 =	seq.s32 s10, $0x1;
	s10 =	sld [smem:$0x3FBA];
	_ =	sdelay $0x3  }
0x34: {  	[smem:$0x3FBA] =	sst s10  }
0x35: {  	s10 =	sld [smem:$0x3FB9];
	_ =	sdelay $0x3  }
0x36: {  	p1 =	seq.s32 s10, $0x1;
	s10 =	sld [smem:$0x3FBA];
	_ =	sdelay $0x3  }
0x37: {  	[smem:$0x3FBA] =	sst s10  }
0x38: {  	s10 =	sld [smem:$0x3FBB]  }
0x39: {  	_ = 	snop;
	(pc) =	sbr.ind lr, $3  }
0x3a: {  	_ = 	snop  }
0x3b: {  	_ = 	snop  }
0x3c: {  	p2 =	seq.s32 s10, $0x1;
	s10 =	sld [smem:$0x3FBA]  }
0x3d: {  	_ =	shalt  }
0x3e: {  	_ =	shalt  }
0x3f: {  	_ =	shalt  }
0x40: {  	_ =	shalt  }
0x41: {  	_ =	shalt  }
0x42: {  	_ =	shalt  }
0x43: {  	_ =	shalt  }
0x44: {  	_ =	shalt  }
0x45: {  	_ =	shalt  }
0x46: {  	_ =	shalt  }
0x47: {  	_ =	shalt  }
0x48: {  	_ =	shalt  }
0x49: {  	_ =	shalt  }
0x4a: {  	_ =	shalt  }
0x4b: {  	_ =	shalt  }
0x4c: {  	_ =	shalt  }
0x4d: {  	_ =	shalt  }
0x4e: {  	_ =	shalt  }
0x4f: {  	_ =	shalt  }
0x50: {  	_ =	shalt  }
0x51: {  	_ =	shalt  }
0x52: {  	_ =	shalt  }
0x53: {  	_ =	shalt  }
0x54: {  	_ =	shalt  }
0x55: {  	_ =	shalt  }
0x56: {  	_ =	shalt  }
0x57: {  	_ =	shalt  }
0x58: {  	_ =	shalt  }
0x59: {  	_ =	shalt  }
0x5a: {  	_ =	shalt  }
0x5b: {  	_ =	shalt  }
0x5c: {  	_ =	shalt  }
0x5d: {  	_ =	shalt  }
0x5e: {  	_ =	shalt  }
0x5f: {  	_ =	shalt  }
0x60: {  	_ =	shalt  }
0x61: {  	_ =	shalt  }
0x62: {  	_ =	shalt  }
0x63: {  	_ =	shalt  }
0x64: {  	_ =	shalt  }
0x65: {  	_ =	shalt  }
0x66: {  	_ =	shalt  }
0x67: {  	_ =	shalt  }
0x68: {  	_ =	shalt  }
0x69: {  	_ =	shalt  }
0x6a: {  	_ =	shalt  }
0x6b: {  	_ =	shalt  }
0x6c: {  	_ =	shalt  }
0x6d: {  	_ =	shalt  }
0x6e: {  	_ =	shalt  }
0x6f: {  	_ =	shalt  }
0x70: {  	_ =	shalt  }
0x71: {  	_ =	shalt  }
0x72: {  	_ =	shalt  }
0x73: {  	_ =	shalt  }
0x74: {  	_ =	shalt  }
0x75: {  	_ =	shalt  }
0x76: {  	_ =	shalt  }
0x77: {  	_ =	shalt  }
0x78: {  	_ =	shalt  }
0x79: {  	_ =	shalt  }
0x7a: {  	_ =	shalt  }
0x7b: {  	_ =	shalt  }
0x7c: {  	_ =	shalt  }
0x7d: {  	_ =	shalt  }
0x7e: {  	_ =	shalt  }
0x7f: {  	_ =	shalt  }
0x80: {  	_ =	shalt  }
0x81: {  	_ =	shalt  }
0x82: {  	_ =	shalt  }
0x83: {  	_ =	shalt  }
0x84: {  	_ =	shalt  }
0x85: {  	_ =	shalt  }
0x86: {  	_ =	shalt  }
0x87: {  	_ =	shalt  }
.Lfunc_end0:
.L_simem_size_0:
called_computation.1_lowered:
.L_overlay_start_0:
0x88: {  	s2 =	sld [smem:$0x3FD9]  }
0x89: {  	s3 =	sld [smem:$0x3FFE];
	_ =	sdelay $0x1  }
0x8a: {  	s1 =	srdreg.scid  }
0x8b: {  	s0 =	sand.u32 $0x1, s1  }
0x8c: {  	s16 =	sshll.u32 s0, $0xA;
	s2 =	sadd.s32 s3, s2  }
0x8d: {  	s2 =	sadd.s32 s2, s16  }
0x8e: {  	[smem:$0x3FC6] =	sst s2  }
0x8f: {  	_ = 	snop  }
0x90: {  	(tm) =	ssettm $0x1  }
0x91: {  	s17 =	sld [smem:$0x3FFB];
	_ =	sdelay $0x3  }
0x92: {  	_ =	strace s17  }
0x93: {  	s2 =	sld [smem:$0x3FFC];
	_ =	sdelay $0x3  }
0x94: {  	_ =	strace s2  }
0x95: {  	s2 =	sld [smem:$0x3FFD];
	_ =	sdelay $0x3  }
0x96: {  	_ =	strace s2  }
0x97: {  	_ =	strace $0x8FFFFFFF  }
0x98: {  	s18 =	sld [smem:$0x3FDB];
	_ =	sdelay $0x1  }
0x99: {  	s19 =	simm.s32 $_scs_section_size  }
0x9a: {  	s4 =	simm.s32 $_size__tile_overlayer_lowered;
	s5 =	simm.s32 $_tile_overlayer_lowered  }
0x9b: {  	s22 =	simm.s32 $0x1BFF;
	s21 =	sshll.u32 s5, $0x1;
	s2 =	sadd.s32 s19, s18  }
0x9c: {  	s6 =	simm.s32 $0x0;
	s20 =	sshll.u32 s4, $0x1;
	s4 =	sadd.s32 s21, s2  }
0x9d: {  	[timem:s6], [sflag:s22] =	dma.local [hbm:s4], s20  }
0x9e: {  	_ =	swait.ge [sflag:s22], s20  }
0x9f: {  	s3 =	ssub.s32 $0x0, s20;
	[sflag:s22] =	ssyncset.done $0x0  }
0xa0: {  	[sflag:s22] =	ssyncadd.s32 s3;
	_ =	sdelay $0x1  }
0xa1: {  	s23 =	simm.s32 $0x1B8B  }
0xa2: {  	_ =	swait.ge [sflag:s23], $0x1  }
0xa3: {  	[sflag:s23] =	ssyncset.done $0x0  }
0xa4: {  	s25 =	simm.s32 $0x1B8E;
	s24 =	sld [smem:$0x3FFE];
	[sflag:s23] =	ssyncadd.s32 $0xFFFFFFFF  }
0xa5: {  	s26 =	simm.s32 $execute0_lowered;
	[smem:$0x3FD2] =	sst s25  }
0xa6: {  	s4 =	sshll.u32 s26, $0x1;
	_ =	strace $0x80000049;
	[dreg:$0x1] =	wrdreg $0xFFFFFFFF  }
0xa7: {  	s28 =	simm.s32 $_size_execute0_lowered;
	s2 =	sadd.s32 s2, s4;
	[dreg:$0x0] =	wrdreg $0x0  }
0xa8: {  	s4 =	sshll.u32 s28, $0x1;
	[dreg:$0x2] =	wrdreg s2  }
0xa9: {  	[dreg:$0x3] =	wrdreg s4  }
0xaa: {  	[dreg:$0x4] =	wrdreg $0xC0  }
0xab: {  	_ =	task [dreg:s6], $0x5FFFF  }
0xac: {  	[dreg:$0x1] =	wrdreg $0xFFFFFFFF  }
0xad: {  	[dreg:$0x0] =	wrdreg $0x60  }
0xae: {  	[dreg:$0x2] =	wrdreg s24  }
0xaf: {  	[dreg:$0x3] =	wrdreg $0x9  }
0xb0: {  	_ =	task.clear_ibuf [dreg:s6], $0x4FFFF;
	_ =	strace $0x90000049  }
0xb1: {  	s29 =	simm.s32 $0x9;
	_ =	strace $0x8000004B  }
0xb2: {  	_ =	swait.ge [sflag:s29], $0x1  }
0xb3: {  	[sflag:s29] =	ssyncadd.s32 $0xFFFFFFFF  }
0xb4: {  	_ =	strace $0x9000004B  }
0xb5: {  	_ =	sfence  }
0xb6: {  	s30 =	sld [smem:$0x0];
	_ =	sdelay $0x2  }
0xb7: {  	s31 =	sshll.u32 s1, $0xD;
	s1 =	sshrl.u32 s1, $0x2  }
0xb8: {  	s3 =	sand.u32 $0x4000, s31;
	s1 =	sadd.s32 s1, s30  }
0xb9: {  	s0 =	sor.u32 s3, s0;
	s1 =	sshll.u32 s1, $0x11  }
0xba: {  	s0 =	sor.u32 s1, s0  }
0xbb: {  	s0 =	sadd.s32 $0x8F2B, s0  }
0xbc: {  	[sflag:s0] =	ssyncadd.remote.s32 $0x1  }
0xbd: {  	_ =	sfence.sel $0xFFFF  }
0xbe: {  	[dreg:$0x0] =	wrdreg $0xFFFFFFFF;
	(pc) =	sbr.abs _section_cstart, $3  }
0xbf: {  	[dreg:$0x1] =	wrdreg $0xFFFFFFFF  }
0xc0: {  	_ =	task.clear_ibuf [dreg:s6], $0x2FFFF;
	_ =	strace $0x9FFFFFFF  }
0xc1: {  	(tm) =	ssettm $0x7FFFFFFF  }
tec
execute0_lowered:
.L_overlay_start_1:
0x0: {  	(tag) =	ssettag $0x1  }
0x1: {  	v0 =	vimm.f32 $0.0e+00;
	v3 =	vlaneseq.u32;
	v2 =	vimm.s32 $0xFEDCBA9  }
0x2: {  	v6 =	vimm.s32 $0x98765432;
	vm0 =	vmmov $0xffff;
	vm9 =	vcmask $0x3F3C  }
0x3: {  	v9 =	vimm.s32 $0x3210FEDC;
	v10 =	vimm.s32 $0xBA987654;
	v11 =	vimm.s32 $0x43210FED  }
0x4: {  	v12 =	vimm.s32 $0xCBA98765;
	vm10 =	vcmask $0x3F38;
	vm11 =	vcmask $0x3F34  }
0x5: {  	vm12 =	vcmask $0x3F30;
	vm13 =	vcmask $0x3F2C;
	v23 =	vimm.s32 $0xFEDCBA98  }
0x6: {  	v24 =	vimm.s32 $0xEDCBA987;
	v25 =	vimm.s32 $0x76543210;
	vm14 =	vcmask $0x3F28  }
0x7: {  	vm15 =	vcmask $0x3F24;
	v1 =	vand.u32 $0x7, v3;
	v4 =	vunpack.c.l.s4.s8 v2  }
0x8: {  	v2 =	vimm.s32 $0x87654321;
	v7 =	vshrl.u32 v3, $0x3;
	v6 =	vunpack.c.l.s4.s8 v6  }
0x9: {  	v3 =	vor.u32 $0x8, v3;
	v9 =	vunpack.c.l.s4.s8 v9;
	v10 =	vunpack.c.l.s4.s8 v10  }
0xa: {  	v23 =	vunpack.c.l.s4.s8 v23;
	v5 =	vunpack.c.l.s4.s8 v2;
	v2 =	vimm.s32 $0x10FEDCBA  }
0xb: {  	v24 =	vunpack.c.l.s4.s8 v24;
	v25 =	vunpack.c.l.s4.s8 v25;
	v8 =	vunpack.c.l.s4.s8 v2  }
0xc: {  	s0 =	rddreg [dreg:$0x0];
	s2 =	simm.s32 $0x0;
	s1 =	srdreg.scid;
	v2 =	vmul.u32 $0x8, v7;
	v13 =	vunpack.c.0.s8.s32 v4;
	v4 =	vimm.s32 $0x0  }
0xd: {  	s7 =	stileid.u32;
	s9 =	simm.s32 $0x200;
	s10 =	simm.s32 $0xA00;
	v16 =	vunpack.c.0.s8.s32 v6;
	v7 =	vimm.s32 $0x210FEDCB;
	v19 =	vunpack.c.0.s8.s32 v9  }
0xe: {  	s11 =	simm.s32 $0x1200;
	s12 =	simm.s32 $0x1A00;
	s13 =	simm.s32 $0x2200;
	v20 =	vunpack.c.0.s8.s32 v10;
	v10 =	vimm.s32 $0x543210FE;
	v24 =	vunpack.c.0.s8.s32 v24  }
0xf: {  	s14 =	simm.s32 $0x2A00;
	s15 =	simm.s32 $0x3200;
	s16 =	simm.s32 $0x3A00;
	v14 =	vunpack.c.0.s8.s32 v5;
	v4 =	vsel vm0, $0xFFFFFFFF, v4;
	v7 =	vunpack.c.l.s4.s8 v7  }
0x10: {  	s17 =	simm.s32 $0x4200;
	s18 =	simm.s32 $0x4A00;
	s19 =	simm.s32 $0x5200;
	v10 =	vunpack.c.l.s4.s8 v10;
	v15 =	vunpack.c.0.s8.s32 v8;
	v8 =	vimm.s32 $0xA9876543  }
0x11: {  	s20 =	simm.s32 $0x5A00;
	s21 =	simm.s32 $0x6200;
	s22 =	simm.s32 $0x6A00;
	[tilespmem:$0x1FFF0] =	vst v4;
	v4 =	vcombine.low v14, v13;
	v8 =	vunpack.c.l.s4.s8 v8;
	v17 =	vunpack.c.0.s8.s32 v7  }
0x12: {  	s23 =	simm.s32 $0x7200;
	s24 =	simm.s32 $0x7A00;
	s25 =	simm.s32 $0x1;
	v7 =	vunpack.c.l.s4.s8 v11;
	v11 =	vunpack.c.l.s4.s8 v12;
	v12 =	vimm.s32 $0x6543210F  }
0x13: {  	s26 =	simm.s32 $0x8200;
	s29 =	simm.s32 $0x400;
	s30 =	simm.s32 $0x0;
	v26 =	vunpack.c.0.s8.s32 v10;
	v13 =	vcombine.low v13, v14;
	v6 =	vcombine.low v16, v15  }
0x14: {  	[smem:$0x7FF] =	sst s2;
	s1 =	sand.u32 $0x1, s1;
	s3 =	sshll.u32 s7, $0x1;
	v12 =	vunpack.c.l.s4.s8 v12;
	v14 =	vcombine.low v15, v16;
	v18 =	vunpack.c.0.s8.s32 v8  }
0x15: {  	s7 =	sshll.u32 s7, $0xB;
	s4 =	sor.u32 s1, s3;
	s3 =	sadd.s32 $0x5A00, s0;
	v21 =	vunpack.c.0.s8.s32 v7;
	v22 =	vunpack.c.0.s8.s32 v11;
	v11 =	vimm.s32 $0xDCBA9876  }
0x16: {  	s7 =	sand.u32 $0x6000, s7;
	s1 =	ssub.s32 $0x2, s1;
	s5 =	sshll.u32 s4, $0x6;
	v16 =	vcombine.low v19, v20;
	v8 =	vcombine.low v20, v19;
	v11 =	vunpack.c.l.s4.s8 v11  }
0x17: {  	s6 =	sshll.u32 s4, $0xE;
	s4 =	sshll.u32 s4, $0x4;
	s31 =	sshrl.u32 s1, $0x1;
	v62 =	vunpack.c.0.s8.s32 v12;
	v7 =	vcombine.low v18, v17;
	v9 =	vcombine.low v22, v21  }
0x18: {  	s5 =	sadd.s32 s5, s0;
	s6 =	sadd.s32 s6, s0;
	s0 =	sadd.s32 s7, s0;
	v15 =	vcombine.low v17, v18;
	v27 =	vunpack.c.0.s8.s32 v11;
	v11 =	vunpack.c.0.s8.s32 v23  }
0x19: {  	s8 =	sand.u32 $0x70, s4;
	s1 =	ssub.s32 s1, s31;
	s4 =	sadd.s32 $0x45A00, s5;
	v12 =	vunpack.c.0.s8.s32 v25;
	v17 =	vcombine.low v21, v22;
	v19 =	vcombine.low v62, v24  }
0x1a: {  	s0 =	sadd.s32 s8, s0;
	s5 =	sadd.s32 $0x105A00, s6;
	s7 =	smax.u32 s1, $0x1;
	v10 =	vcombine.low v27, v26;
	v63 =	vand.u32 $0xF, v11;
	v11 =	vcombine.low v24, v62  }
0x1b: {  	v5 =	vimm.f32 $1.000000000e+00;
	s8 =	simm.s32 $0x2;
	_ =	strace $0x8000004A;
	s6 =	sadd.s32 $0x46200, s0;
	v18 =	vcombine.low v26, v27;
	v12 =	vcombine.low v63, v12  }
.LBB2_1:
0x1c: {  	s0 =	simm.s32 $0x40;
	s1 =	simm.s32 $0x0  }
.LBB2_2:
0x1d: {  	p0 =	sne.s32 s0, $0x7FC0;
	[tilespmem:s1+$0x8200] =	vst v0;
	s1 =	smov.u32 s0;
	s0 =	sadd.s32 $0x40, s0  }
.Ltmp0:
0x1e: {  	(pc) =	sbr.rel @p0 .LBB2_2-.Ltmp0, $2  }
0x1f: {  	_ =	sdelay $0x2  }
0x20: {  	s1 =	sshra.s32 s1, $0x2  }
0x21: {  	[tilespmem:s1+$0x8200] =	vst v0  }
0x22: {  	[tilespmem:s30], [sflag:$0x2] =	stream.linear.gather [hbm4b:s4+s30], $0x200, $0x38;
	[tilespmem:$0xA200] =	vst v63  }
0x23: {  	_ =	swait.ge [sflag:s8], $0x200  }
0x24: {  	[sflag:s8] =	ssyncset.done $0x0  }
0x25: {  	s31 =	simm.s32 $0x0;
	s0 =	simm.s32 $0x0;
	[sflag:s8] =	ssyncadd.s32 $0xFFFFFE00  }
.LBB2_4:
0x26: {  	s1 =	sshll.u32 s0, $0x7  }
0x27: {  	s1 =	sand.u32 $0x3FFFFF80, s1  }
0x28: {  	v20 =	vld [tilespmem:s1+$0x0];
	_ =	sdelay $0x4  }
0x29: {  	v21 =	vshll.u32 v20, $0x1  }
0x2a: {  	v20 =	vand.u32 $0x7, v20;
	v21 =	vand.u32 $0xFFFFFFF0, v21  }
0x2b: {  	v20 =	vor.u32 v20, v21  }
0x2c: {  	v21 =	vperm.xlane v20, v1  }
0x2d: {  	v22 =	vld [tilespmem:$0x1FFF0]  }
0x2e: {  	v20 =	vperm.xlane v20, v3;
	v21 =	vadd.s32 v2, v21;
	_ =	sdelay $0x1  }
0x2f: {  	v20 =	vadd.s32 v2, v20;
	_ =	sdelay $0x1  }
0x30: {  	vm0 =	vnez.u8 v22  }
0x31: {  	[tilespmem:s9], [sflag:$0x1] =	stream.indirect_vreg.gather [hbm4b:s3+s30], $0x80, v21, vm0, $0xb8;
	[tilespmem:$0xA200] =	vst v63  }
0x32: {  	_ = 	snop  }
0x33: {  	[tilespmem:s10], [sflag:$0x1] =	stream.indirect_vreg.gather [hbm4b:s3+s30], $0x80, v20, vm0, $0xb8;
	[tilespmem:$0xA200] =	vst v63  }
0x34: {  	v20 =	vld [tilespmem:s1+$0x10];
	_ =	sdelay $0x4  }
0x35: {  	v21 =	vshll.u32 v20, $0x1  }
0x36: {  	v20 =	vand.u32 $0x7, v20;
	v21 =	vand.u32 $0xFFFFFFF0, v21  }
0x37: {  	v20 =	vor.u32 v20, v21  }
0x38: {  	v21 =	vperm.xlane v20, v1;
	_ =	sdelay $0x1  }
0x39: {  	v20 =	vperm.xlane v20, v3;
	v21 =	vadd.s32 v2, v21;
	_ =	sdelay $0x1  }
0x3a: {  	v20 =	vadd.s32 v2, v20;
	_ =	sdelay $0x2  }
0x3b: {  	[tilespmem:s11], [sflag:$0x1] =	stream.indirect_vreg.gather [hbm4b:s3+s30], $0x80, v21, vm0, $0xb8;
	[tilespmem:$0xA200] =	vst v63  }
0x3c: {  	_ = 	snop  }
0x3d: {  	[tilespmem:s12], [sflag:$0x1] =	stream.indirect_vreg.gather [hbm4b:s3+s30], $0x80, v20, vm0, $0xb8;
	[tilespmem:$0xA200] =	vst v63  }
0x3e: {  	v20 =	vld [tilespmem:s1+$0x20];
	_ =	sdelay $0x4  }
0x3f: {  	v21 =	vshll.u32 v20, $0x1  }
0x40: {  	v20 =	vand.u32 $0x7, v20;
	v21 =	vand.u32 $0xFFFFFFF0, v21  }
0x41: {  	v20 =	vor.u32 v20, v21  }
0x42: {  	v21 =	vperm.xlane v20, v1;
	_ =	sdelay $0x1  }
0x43: {  	v20 =	vperm.xlane v20, v3;
	v21 =	vadd.s32 v2, v21;
	_ =	sdelay $0x1  }
0x44: {  	v20 =	vadd.s32 v2, v20;
	_ =	sdelay $0x2  }
0x45: {  	[tilespmem:s13], [sflag:$0x1] =	stream.indirect_vreg.gather [hbm4b:s3+s30], $0x80, v21, vm0, $0xb8;
	[tilespmem:$0xA200] =	vst v63  }
0x46: {  	_ = 	snop  }
0x47: {  	[tilespmem:s14], [sflag:$0x1] =	stream.indirect_vreg.gather [hbm4b:s3+s30], $0x80, v20, vm0, $0xb8;
	[tilespmem:$0xA200] =	vst v63  }
0x48: {  	v20 =	vld [tilespmem:s1+$0x30];
	_ =	sdelay $0x4  }
0x49: {  	v21 =	vshll.u32 v20, $0x1  }
0x4a: {  	v20 =	vand.u32 $0x7, v20;
	v21 =	vand.u32 $0xFFFFFFF0, v21  }
0x4b: {  	v20 =	vor.u32 v20, v21  }
0x4c: {  	v21 =	vperm.xlane v20, v1;
	_ =	sdelay $0x1  }
0x4d: {  	v20 =	vperm.xlane v20, v3;
	v21 =	vadd.s32 v2, v21;
	_ =	sdelay $0x1  }
0x4e: {  	v20 =	vadd.s32 v2, v20;
	_ =	sdelay $0x2  }
0x4f: {  	[tilespmem:s15], [sflag:$0x1] =	stream.indirect_vreg.gather [hbm4b:s3+s30], $0x80, v21, vm0, $0xb8;
	[tilespmem:$0xA200] =	vst v63  }
0x50: {  	_ = 	snop  }
0x51: {  	[tilespmem:s16], [sflag:$0x1] =	stream.indirect_vreg.gather [hbm4b:s3+s30], $0x80, v20, vm0, $0xb8;
	[tilespmem:$0xA200] =	vst v63  }
0x52: {  	v20 =	vld [tilespmem:s1+$0x40];
	_ =	sdelay $0x4  }
0x53: {  	v21 =	vshll.u32 v20, $0x1  }
0x54: {  	v20 =	vand.u32 $0x7, v20;
	v21 =	vand.u32 $0xFFFFFFF0, v21  }
0x55: {  	v20 =	vor.u32 v20, v21  }
0x56: {  	v21 =	vperm.xlane v20, v1;
	_ =	sdelay $0x1  }
0x57: {  	v20 =	vperm.xlane v20, v3;
	v21 =	vadd.s32 v2, v21;
	_ =	sdelay $0x1  }
0x58: {  	v20 =	vadd.s32 v2, v20;
	_ =	sdelay $0x2  }
0x59: {  	[tilespmem:s17], [sflag:$0x1] =	stream.indirect_vreg.gather [hbm4b:s3+s30], $0x80, v21, vm0, $0xb8;
	[tilespmem:$0xA200] =	vst v63  }
0x5a: {  	_ = 	snop  }
0x5b: {  	[tilespmem:s18], [sflag:$0x1] =	stream.indirect_vreg.gather [hbm4b:s3+s30], $0x80, v20, vm0, $0xb8;
	[tilespmem:$0xA200] =	vst v63  }
0x5c: {  	v20 =	vld [tilespmem:s1+$0x50];
	_ =	sdelay $0x4  }
0x5d: {  	v21 =	vshll.u32 v20, $0x1  }
0x5e: {  	v20 =	vand.u32 $0x7, v20;
	v21 =	vand.u32 $0xFFFFFFF0, v21  }
0x5f: {  	v20 =	vor.u32 v20, v21  }
0x60: {  	v21 =	vperm.xlane v20, v1;
	_ =	sdelay $0x1  }
0x61: {  	v20 =	vperm.xlane v20, v3;
	v21 =	vadd.s32 v2, v21;
	_ =	sdelay $0x1  }
0x62: {  	v20 =	vadd.s32 v2, v20;
	_ =	sdelay $0x2  }
0x63: {  	[tilespmem:s19], [sflag:$0x1] =	stream.indirect_vreg.gather [hbm4b:s3+s30], $0x80, v21, vm0, $0xb8;
	[tilespmem:$0xA200] =	vst v63  }
0x64: {  	_ = 	snop  }
0x65: {  	[tilespmem:s20], [sflag:$0x1] =	stream.indirect_vreg.gather [hbm4b:s3+s30], $0x80, v20, vm0, $0xb8;
	[tilespmem:$0xA200] =	vst v63  }
0x66: {  	v20 =	vld [tilespmem:s1+$0x60];
	_ =	sdelay $0x4  }
0x67: {  	v21 =	vshll.u32 v20, $0x1  }
0x68: {  	v20 =	vand.u32 $0x7, v20;
	v21 =	vand.u32 $0xFFFFFFF0, v21  }
0x69: {  	v20 =	vor.u32 v20, v21  }
0x6a: {  	v21 =	vperm.xlane v20, v1;
	_ =	sdelay $0x1  }
0x6b: {  	v20 =	vperm.xlane v20, v3;
	v21 =	vadd.s32 v2, v21;
	_ =	sdelay $0x1  }
0x6c: {  	v20 =	vadd.s32 v2, v20;
	_ =	sdelay $0x2  }
0x6d: {  	[tilespmem:s21], [sflag:$0x1] =	stream.indirect_vreg.gather [hbm4b:s3+s30], $0x80, v21, vm0, $0xb8;
	[tilespmem:$0xA200] =	vst v63  }
0x6e: {  	_ = 	snop  }
0x6f: {  	[tilespmem:s22], [sflag:$0x1] =	stream.indirect_vreg.gather [hbm4b:s3+s30], $0x80, v20, vm0, $0xb8;
	[tilespmem:$0xA200] =	vst v63  }
0x70: {  	v20 =	vld [tilespmem:s1+$0x70];
	_ =	sdelay $0x4  }
0x71: {  	v21 =	vshll.u32 v20, $0x1  }
0x72: {  	v20 =	vand.u32 $0x7, v20;
	v21 =	vand.u32 $0xFFFFFFF0, v21  }
0x73: {  	v20 =	vor.u32 v20, v21  }
0x74: {  	v21 =	vperm.xlane v20, v1;
	_ =	sdelay $0x1  }
0x75: {  	v20 =	vperm.xlane v20, v3;
	v21 =	vadd.s32 v2, v21;
	_ =	sdelay $0x1  }
0x76: {  	v20 =	vadd.s32 v2, v20;
	_ =	sdelay $0x2  }
0x77: {  	[tilespmem:s23], [sflag:$0x1] =	stream.indirect_vreg.gather [hbm4b:s3+s30], $0x80, v21, vm0, $0xb8;
	[tilespmem:$0xA200] =	vst v63  }
0x78: {  	_ = 	snop  }
0x79: {  	[tilespmem:s24], [sflag:$0x1] =	stream.indirect_vreg.gather [hbm4b:s3+s30], $0x80, v20, vm0, $0xb8;
	[tilespmem:$0xA200] =	vst v63  }
0x7a: {  	_ =	swait.ge [sflag:s25], $0x8000  }
0x7b: {  	s28 =	sshll.u32 s0, $0xC;
	[sflag:s25] =	ssyncset.done $0x0  }
0x7c: {  	s1 =	sadd.s32 s28, s5;
	v21 =	vmov s31;
	[sflag:s25] =	ssyncadd.s32 $0xFFFF8000  }
0x7d: {  	[hbm4b:s1+s30] =	stream.linear.scatter [tilespmem:s9], [sflag:$0x2], $0x8000, $0x38;
	[tilespmem:$0xA200] =	vst v63  }
0x7e: {  	_ =	swait.ge [sflag:s8], $0x8000  }
0x7f: {  	[sflag:s8] =	ssyncset.done $0x0  }
0x80: {  	s28 =	simm.s32 $0x0;
	[sflag:s8] =	ssyncadd.s32 $0xFFFF8000  }
0x81: {  	v20 =	vld.idx.msk [tilespmem:v21+s28+$0x0 ss:$0x1], $0xffff;
	_ =	sdelay $0x4  }
0x82: {  	v22 =	vperm.xlane v20, v6;
	v23 =	vperm.xlane v20, v9  }
0x83: {  	v24 =	vperm.xlane v20, v8;
	v25 =	vperm.xlane v20, v18  }
0x84: {  	v26 =	vperm.xlane v20, v4;
	v27 =	vperm.xlane v20, v14  }
0x85: {  	v28 =	vperm.xlane v20, v17;
	vm1 =	veq.s32 v22, v20;
	vm7 =	veq.s32 v23, v20  }
0x86: {  	v23 =	vperm.xlane v20, v7;
	vm4 =	veq.s32 v24, v20;
	v24 =	vperm.xlane v20, v10  }
0x87: {  	vm5 =	veq.s32 v26, v20;
	vm3 =	veq.s32 v27, v20;
	vm0 =	veq.s32 v28, v20  }
0x88: {  	v26 =	vimm.s32 $0x0;
	v22 =	vsel vm1, $0x3F800000, v0;
	vm8 =	vmand vm4, vm12  }
0x89: {  	v26 =	vsel vm0, $0xFFFFFFFF, v26;
	vm2 =	vmand vm1, vm10;
	vm1 =	veq.s32 v25, v20  }
0x8a: {  	v25 =	vperm.xlane v20, v19;
	vm6 =	veq.s32 v23, v20;
	v23 =	vsel vm5, $0x40000000, v5  }
0x8b: {  	vm0 =	vmand vm7, vm13;
	vm5 =	vmand vm5, vm9;
	v22 =	vadd.f32 v22, v23  }
0x8c: {  	[tilespmem:$0x1FFE0] =	vst v26;
	v26 =	vperm.xlane v20, v11;
	v23 =	vsel vm6, $0x3F800000, v0;
	vm6 =	vmand vm6, vm11  }
0x8d: {  	vm2 =	vmor vm5, vm2;
	vm5 =	veq.s32 v24, v20;
	v22 =	vadd.f32 v23, v22  }
0x8e: {  	vm6 =	vmor vm2, vm6;
	vm2 =	veq.s32 v25, v20;
	v23 =	vsel vm4, $0x3F800000, v0  }
0x8f: {  	v24 =	vsel vm5, $0x3F800000, v0;
	vm4 =	veq.s32 v26, v20;
	v22 =	vadd.f32 v23, v22  }
0x90: {  	vm6 =	vmor vm6, vm8;
	v26 =	vperm.xlane v20, v12;
	v23 =	vsel vm7, $0x3F800000, v0  }
0x91: {  	vm5 =	vmand vm5, vm14;
	vm6 =	vmor vm6, vm0;
	v22 =	vadd.f32 v23, v22  }
0x92: {  	v25 =	vsel vm4, $0x3F800000, v0;
	vm6 =	vmor vm6, vm5;
	vm5 =	veq.s32 v26, v20  }
0x93: {  	s1 =	simm.s32 $0x40;
	v23 =	vperm.xlane v20, v13;
	v24 =	vadd.f32 v24, v22;
	v22 =	vperm.xlane v20, v15  }
.LBB2_5:
0x94: {  	vm4 =	vmand vm4, vm15  }
0x95: {  	vm0 =	vmmov vm15;
	vm15 =	vmmov vm14;
	vm14 =	vmmov vm13  }
0x96: {  	vm13 =	vmmov vm12;
	vm12 =	vmmov vm11;
	vm11 =	vmmov vm10  }
0x97: {  	vm10 =	vmmov vm9;
	v24 =	vadd.f32 v25, v24;
	vm7 =	veq.s32 v23, v20  }
0x98: {  	v23 =	vperm.xlane v20, v16;
	v25 =	vsel vm5, $0x3F800000, v0;
	vm8 =	veq.s32 v22, v20  }
0x99: {  	vm4 =	vmor vm6, vm4;
	vm6 =	vcmask $0x3F20;
	v22 =	vadd.f32 v25, v24  }
0x9a: {  	vm5 =	vmand vm5, vm6;
	vm9 =	veq.s32 v23, v20;
	v23 =	vsel vm7, $0x3F800000, v0  }
0x9b: {  	vm4 =	vmor vm4, vm5;
	vm5 =	vcmask $0x3F1C;
	v22 =	vadd.f32 v23, v22  }
0x9c: {  	vm5 =	vmand vm7, vm5;
	v23 =	vsel vm3, $0x3F800000, v0  }
0x9d: {  	vm4 =	vmor vm4, vm5;
	vm5 =	vcmask $0x3F18;
	v22 =	vadd.f32 v23, v22  }
0x9e: {  	vm3 =	vmand vm3, vm5;
	v23 =	vsel vm8, $0x3F800000, v0  }
0x9f: {  	vm3 =	vmor vm4, vm3;
	vm4 =	vcmask $0x3F14;
	v22 =	vadd.f32 v23, v22;
	v23 =	vld [tilespmem:$0x1FFE0]  }
0xa0: {  	vm4 =	vmand vm8, vm4  }
0xa1: {  	vm3 =	vmor vm3, vm4;
	vm4 =	vcmask $0x3F10  }
0xa2: {  	vm4 =	vmand vm9, vm4  }
0xa3: {  	vm3 =	vmor vm3, vm4  }
0xa4: {  	vm4 =	vcmask $0x3F0C;
	vm5 =	vnez.u8 v23;
	v23 =	vsel vm9, $0x3F800000, v0  }
0xa5: {  	vm9 =	vmmov vm10;
	vm10 =	vmmov vm11;
	vm11 =	vmmov vm12  }
0xa6: {  	vm12 =	vmmov vm13;
	vm13 =	vmmov vm14;
	vm14 =	vmmov vm15  }
0xa7: {  	vm15 =	vmmov vm0;
	vm0 =	vcmask $0x3F08;
	vm4 =	vmand vm5, vm4  }
0xa8: {  	vm3 =	vmor vm3, vm4;
	vm4 =	vmand vm1, vm0;
	vm0 =	vcmask $0x3F04  }
0xa9: {  	v22 =	vadd.f32 v23, v22;
	vm3 =	vmor vm3, vm4;
	vm4 =	vmand vm2, vm0  }
0xaa: {  	v23 =	vsel vm5, $0x3F800000, v0;
	vm0 =	vmor vm3, vm4  }
0xab: {  	v22 =	vadd.f32 v23, v22;
	vm0 =	vmneg vm0  }
0xac: {  	v23 =	vsel vm1, $0x3F800000, v0  }
0xad: {  	v22 =	vadd.f32 v23, v22  }
0xae: {  	v23 =	vsel vm2, $0x3F800000, v0  }
0xaf: {  	v22 =	vadd.f32 v23, v22  }
0xb0: {  	s28 =	smov.u32 s1  }
0xb1: {  	s28 =	sshra.s32 s28, $0x2;
	[tilespmem:v20+s26+$0x0] =	vst.idx.add.f32.msk vm0, v22  }
0xb2: {  	v20 =	vld.idx.msk [tilespmem:v21+s28+$0x0 ss:$0x1], $0xffff;
	_ =	sdelay $0x4  }
0xb3: {  	v22 =	vperm.xlane v20, v6;
	v23 =	vperm.xlane v20, v9  }
0xb4: {  	v24 =	vperm.xlane v20, v8;
	v25 =	vperm.xlane v20, v18  }
0xb5: {  	v26 =	vperm.xlane v20, v4;
	v27 =	vperm.xlane v20, v14  }
0xb6: {  	v28 =	vperm.xlane v20, v17;
	vm1 =	veq.s32 v22, v20;
	vm2 =	veq.s32 v23, v20  }
0xb7: {  	v23 =	vperm.xlane v20, v7;
	vm4 =	veq.s32 v24, v20;
	v24 =	vperm.xlane v20, v10  }
0xb8: {  	vm5 =	veq.s32 v26, v20;
	vm3 =	veq.s32 v27, v20;
	vm0 =	veq.s32 v28, v20  }
0xb9: {  	v26 =	vimm.s32 $0x0;
	v22 =	vsel vm1, $0x3F800000, v0;
	vm7 =	vmand vm4, vm12  }
0xba: {  	v26 =	vsel vm0, $0xFFFFFFFF, v26;
	vm8 =	vmand vm1, vm10;
	vm1 =	veq.s32 v25, v20  }
0xbb: {  	v25 =	vperm.xlane v20, v19;
	vm6 =	veq.s32 v23, v20;
	v23 =	vsel vm5, $0x40000000, v5  }
0xbc: {  	[tilespmem:$0x1FFE0] =	vst v26;
	vm5 =	vmand vm5, vm9;
	v26 =	vperm.xlane v20, v11;
	v22 =	vadd.f32 v22, v23  }
0xbd: {  	v23 =	vsel vm6, $0x3F800000, v0;
	vm6 =	vmand vm6, vm11;
	vm5 =	vmor vm5, vm8  }
0xbe: {  	vm8 =	vmand vm2, vm13;
	vm5 =	vmor vm5, vm6;
	v22 =	vadd.f32 v23, v22  }
0xbf: {  	p0 =	sne.s32 s1, $0x1C0;
	vm6 =	veq.s32 v24, v20;
	v23 =	vsel vm4, $0x3F800000, v0;
	vm4 =	veq.s32 v26, v20  }
.Ltmp1:
0xc0: {  	v24 =	vsel vm6, $0x3F800000, v0;
	vm6 =	vmand vm6, vm14;
	v22 =	vadd.f32 v23, v22;
	(pc) =	sbr.rel @p0 .LBB2_5-.Ltmp1, $4  }
0xc1: {  	vm5 =	vmor vm5, vm7;
	v26 =	vperm.xlane v20, v12;
	v23 =	vsel vm2, $0x3F800000, v0  }
0xc2: {  	vm5 =	vmor vm5, vm8;
	vm2 =	veq.s32 v25, v20;
	v22 =	vadd.f32 v23, v22  }
0xc3: {  	vm6 =	vmor vm5, vm6;
	v25 =	vsel vm4, $0x3F800000, v0;
	vm5 =	veq.s32 v26, v20  }
0xc4: {  	s1 =	sadd.s32 $0x40, s1;
	v23 =	vperm.xlane v20, v13;
	v24 =	vadd.f32 v24, v22;
	v22 =	vperm.xlane v20, v15  }
0xc5: {  	vm4 =	vmand vm4, vm15;
	v54 =	vsel vm5, $0x3F800000, v0  }
0xc6: {  	v55 =	vperm.xlane v20, v16;
	vm0 =	vcmask $0x3F20;
	vm7 =	vcmask $0x3F1C  }
0xc7: {  	v57 =	vsel vm3, $0x3F800000, v0;
	vm4 =	vmor vm6, vm4;
	vm6 =	veq.s32 v23, v20  }
0xc8: {  	v21 =	vadd.f32 v25, v24;
	vm0 =	vmand vm5, vm0;
	v56 =	vsel vm6, $0x3F800000, v0  }
0xc9: {  	vm4 =	vmor vm4, vm0;
	vm0 =	vmand vm6, vm7;
	vm6 =	veq.s32 v22, v20  }
0xca: {  	v59 =	vld [tilespmem:$0x1FFE0];
	vm5 =	veq.s32 v55, v20;
	vm7 =	vcmask $0x3F18;
	v21 =	vadd.f32 v54, v21  }
0xcb: {  	vm4 =	vmor vm4, vm0;
	vm7 =	vmand vm3, vm7;
	v58 =	vsel vm6, $0x3F800000, v0  }
0xcc: {  	vm3 =	vmor vm4, vm7;
	vm7 =	vcmask $0x3F14;
	v21 =	vadd.f32 v56, v21  }
0xcd: {  	v60 =	vsel vm5, $0x3F800000, v0;
	vm0 =	vmand vm6, vm7;
	vm7 =	vcmask $0x3F10  }
0xce: {  	vm3 =	vmor vm3, vm0;
	vm0 =	vmand vm5, vm7;
	v21 =	vadd.f32 v57, v21  }
0xcf: {  	vm6 =	vnez.u8 v59;
	vm3 =	vmor vm3, vm0;
	vm0 =	vcmask $0x3F0C  }
0xd0: {  	vm7 =	vcmask $0x3F08;
	vm0 =	vmand vm6, vm0;
	v21 =	vadd.f32 v58, v21  }
0xd1: {  	vm3 =	vmor vm3, vm0;
	vm0 =	vmand vm1, vm7;
	vm7 =	vcmask $0x3F04  }
0xd2: {  	vm3 =	vmor vm3, vm0;
	vm0 =	vmand vm2, vm7;
	v21 =	vadd.f32 v60, v21  }
0xd3: {  	v61 =	vsel vm6, $0x3F800000, v0;
	vm0 =	vmor vm3, vm0  }
0xd4: {  	s0 =	sadd.s32 $0x1, s0;
	vm0 =	vmneg vm0;
	v21 =	vadd.f32 v61, v21  }
0xd5: {  	v62 =	vsel vm1, $0x3F800000, v0;
	p0 =	sne.s32 s0, $0x4  }
.Ltmp2:
0xd6: {  	v21 =	vadd.f32 v62, v21;
	(pc) =	sbr.rel @p0 .LBB2_4-.Ltmp2, $3  }
0xd7: {  	v63 =	vsel vm2, $0x3F800000, v0  }
0xd8: {  	v21 =	vadd.f32 v63, v21;
	_ =	sdelay $0x1  }
0xd9: {  	s31 =	sadd.s32 $0x80, s31;
	[tilespmem:v20+s26+$0x0] =	vst.idx.add.f32.msk vm0, v21  }
0xda: {  	s2 =	sadd.s32 $0x1, s2  }
0xdb: {  	p0 =	sne.s32 s2, s7  }
.Ltmp3:
0xdc: {  	s0 =	simm.s32 $0x80;
	(pc) =	sbr.rel @p0 .LBB2_1-.Ltmp3, $4  }
0xdd: {  	[hbm4b:s6+s0] =	stream.strided.scatter [tilespmem:s26], [sflag:$0x2], $0x2000, s29, s0, $0x38;
	[tilespmem:$0xA200] =	vst v63  }
0xde: {  	_ =	swait.ge [sflag:s8], $0x2000  }
0xdf: {  	[sflag:s8] =	ssyncset.done $0x0  }
0xe0: {  	[sflag:s8] =	ssyncadd.s32 $0xFFFFE000  }
0xe1: {  	_ =	sfence.sel $0x180000  }
0xe2: {  	[bflag:$0x0] =	sbarrier.arrive $0xFFFF  }
0xe3: {  	_ =	strace $0x9000004A  }
0xe4: {  	s0 =	stileid.u32;
	[bflag:$0x2] =	sbarrier.arrive $0xFFFF  }
0xe5: {  	p0 =	sne.s32 s0, $0x0;
	s0 =	rddreg [dreg:$0x1]  }
0xe6: {  	s0 =	sadd.s32 @!p0 $0x100000, s0  }
0xe7: {  	[sflag:s0] =	ssyncadd.tile.s32 @!p0 $0x1;
	_ =	shalt  }
.Lfunc_end2:
_tile_overlayer_lowered:
.L_overlay_start_2:
0xe8: {  	(tag) =	ssettag $0x2  }
0xe9: {  	s0 =	rddreg [dreg:$0x0];
	s2 =	stileid.u32  }
0xea: {  	s1 =	rddreg [dreg:$0x1];
	p0 =	sne.s32 s2, $0x0  }
0xeb: {  	s3 =	rddreg [dreg:$0x2];
	[bflag:$0x3] =	sbarrier.arrive $0xFFFF;
	s2 =	simm.s32 @!p0 $0x1C02  }
0xec: {  	[timem:s3], [sflag:s2] =	dma.local @!p0 [hbm:s0], s1  }
0xed: {  	s0 =	simm.s32 @!p0 $0x2  }
0xee: {  	_ =	swait.ge @!p0 [sflag:s0], s1  }
0xef: {  	s1 =	ssub.s32 @!p0 $0x0, s1;
	[sflag:s0] =	ssyncset.done @!p0 $0x0  }
0xf0: {  	[sflag:s0] =	ssyncadd.s32 @!p0 s1  }
0xf1: {  	[bflag:$0x3] =	sbarrier.arrive $0xFFFF  }
0xf2: {  	_ =	shalt  }

// kernel: kernel.17.cloned.1.call-start
scs
__scs_entry_jumppad:
0x0: {  	(pc) =	sbr.rel $0x88, $3  }
0x1: {  	(tag) =	ssettag $0x0;
	lr =	simm.s32 $0x1  }
0x2: {  	[smem:$0x3F9F] =	sst lr;
	_ =	strace $0xD0000000  }
0x3: {  	_ = 	snop  }
0x4: {  	_ = 	snop  }
0x5: {  	_ = 	snop  }
0x6: {  	_ = 	snop  }
0x7: {  	_ = 	snop  }
__scs_overlays_trampoline_lowered:
0x8: {  	[smem:$0x3FAE] =	sst s0  }
0x9: {  	[smem:$0x3FAF] =	sst s1  }
0xa: {  	[smem:$0x3FB0] =	sst s2  }
0xb: {  	[smem:$0x3FB1] =	sst s3  }
0xc: {  	[smem:$0x3FB2] =	sst s4  }
0xd: {  	[smem:$0x3FB3] =	sst s5  }
0xe: {  	[smem:$0x3FB4] =	sst s6  }
0xf: {  	[smem:$0x3FB5] =	sst s7  }
0x10: {  	[smem:$0x3FB6] =	sst s8  }
0x11: {  	[smem:$0x3FB7] =	sst s9;
	s0 =	simm.s32 @!p0 $0x0  }
0x12: {  	s1 =	sld [smem:$0x3F9D];
	s0 =	simm.s32 @p0 $0x1  }
0x13: {  	[smem:$0x3FB8] =	sst s0;
	s0 =	simm.s32 @!p1 $0x0  }
0x14: {  	s2 =	sld [smem:$0x3F9C];
	s0 =	simm.s32 @p1 $0x1  }
0x15: {  	[smem:$0x3FB9] =	sst s0;
	s0 =	simm.s32 @!p2 $0x0  }
0x16: {  	s3 =	sld [smem:$0x3FDB];
	s0 =	simm.s32 @p2 $0x1  }
0x17: {  	s4 =	simm.s32 $0x1BF5;
	[smem:$0x3FBB] =	sst s0  }
0x18: {  	s0 =	sld [smem:$0x3F9E];
	_ =	swait.ge [sflag:s4], $0x0  }
0x19: {  	s7 =	sld [smem:$0x3F9F]  }
0x1a: {  	s8 =	sadd.s32 $0xFFFFE003, lr  }
0x1b: {  	s9 =	sadd.s32 $0xFFFFFEF7, lr;
	s5 =	simm.s32 $0xFFFFFFFF;
	p2 =	slt.u32 s8, $0xFFFFF086  }
0x1c: {  	p1 =	slt.u32 s9, $0xF7A;
	s5 =	simm.s32 @!p2 $0x0  }
0x1d: {  	s5 =	simm.s32 @p1 $0x1;
	p0 =	seq.s32 s7, s2  }
0x1e: {  	s7 =	smul.u32 @!p0 $0xF7A, s2;
	p2 =	seq.s32 @!p0 s5, $0x0  }
0x1f: {  	s9 =	smul.u32 $0xF7A, s1;
	s8 =	simm.s32 @!p0 $0x1BF5;
	p2 =	por !p2, p0  }
0x20: {  	[sflag:s8] =	ssyncset.s32 @!p0 $0xFFFFF086;
	s6 =	sadd.s32 @!p0 s3, s7;
	s7 =	simm.s32 @!p0 $0x108  }
0x21: {  	s3 =	sadd.s32 s3, s9;
	s6 =	sadd.s32 @!p0 $0x88, s6;
	s7 =	simm.s32 @p2 $0x1082  }
0x22: {  	[simem:s7], [sflag:s8] =	dma.local @!p0 [hbm:s6], $0xF7A  }
0x23: {  	s9 =	sor.u32 $0xD0000000, s2;
	s6 =	simm.s32 $0x108;
	_ =	swait.ge @!p0 [sflag:s8], $0x0  }
0x24: {  	s3 =	sadd.s32 $0x88, s3;
	s6 =	simm.s32 @!p1 $0x1082;
	[sflag:s4] =	ssyncset.s32 $0xFFFFF086  }
0x25: {  	[simem:s6], [sflag:s4] =	dma.local [hbm:s3], $0xF7A  }
0x26: {  	[smem:$0x3F9F] =	sst s1;
	(tag) =	ssettag s2;
	_ =	strace s9  }
0x27: {  	s1 =	sld [smem:$0x3FAF]  }
0x28: {  	s2 =	sld [smem:$0x3FB0]  }
0x29: {  	s4 =	sld [smem:$0x3FB2]  }
0x2a: {  	p0 =	seq.s32 s5, $0x0;
	s5 =	sld [smem:$0x3FB3]  }
0x2b: {  	s6 =	sld [smem:$0x3FB4]  }
0x2c: {  	s7 =	sld [smem:$0x3FB5]  }
0x2d: {  	s3 =	simm.s32 $0x108;
	s8 =	sld [smem:$0x3FB6]  }
0x2e: {  	s3 =	simm.s32 @!p0 $0x1082;
	s9 =	sld [smem:$0x3FB7]  }
0x2f: {  	lr =	sadd.s32 s0, s3;
	s0 =	sld [smem:$0x3FAE]  }
0x30: {  	s3 =	sld [smem:$0x3FB1]  }
0x31: {  	[smem:$0x3FBA] =	sst s10  }
0x32: {  	s10 =	sld [smem:$0x3FB8];
	_ =	sdelay $0x3  }
0x33: {  	p0 =	seq.s32 s10, $0x1;
	s10 =	sld [smem:$0x3FBA];
	_ =	sdelay $0x3  }
0x34: {  	[smem:$0x3FBA] =	sst s10  }
0x35: {  	s10 =	sld [smem:$0x3FB9];
	_ =	sdelay $0x3  }
0x36: {  	p1 =	seq.s32 s10, $0x1;
	s10 =	sld [smem:$0x3FBA];
	_ =	sdelay $0x3  }
0x37: {  	[smem:$0x3FBA] =	sst s10  }
0x38: {  	s10 =	sld [smem:$0x3FBB]  }
0x39: {  	_ = 	snop;
	(pc) =	sbr.ind lr, $3  }
0x3a: {  	_ = 	snop  }
0x3b: {  	_ = 	snop  }
0x3c: {  	p2 =	seq.s32 s10, $0x1;
	s10 =	sld [smem:$0x3FBA]  }
0x3d: {  	_ =	shalt  }
0x3e: {  	_ =	shalt  }
0x3f: {  	_ =	shalt  }
0x40: {  	_ =	shalt  }
0x41: {  	_ =	shalt  }
0x42: {  	_ =	shalt  }
0x43: {  	_ =	shalt  }
0x44: {  	_ =	shalt  }
0x45: {  	_ =	shalt  }
0x46: {  	_ =	shalt  }
0x47: {  	_ =	shalt  }
0x48: {  	_ =	shalt  }
0x49: {  	_ =	shalt  }
0x4a: {  	_ =	shalt  }
0x4b: {  	_ =	shalt  }
0x4c: {  	_ =	shalt  }
0x4d: {  	_ =	shalt  }
0x4e: {  	_ =	shalt  }
0x4f: {  	_ =	shalt  }
0x50: {  	_ =	shalt  }
0x51: {  	_ =	shalt  }
0x52: {  	_ =	shalt  }
0x53: {  	_ =	shalt  }
0x54: {  	_ =	shalt  }
0x55: {  	_ =	shalt  }
0x56: {  	_ =	shalt  }
0x57: {  	_ =	shalt  }
0x58: {  	_ =	shalt  }
0x59: {  	_ =	shalt  }
0x5a: {  	_ =	shalt  }
0x5b: {  	_ =	shalt  }
0x5c: {  	_ =	shalt  }
0x5d: {  	_ =	shalt  }
0x5e: {  	_ =	shalt  }
0x5f: {  	_ =	shalt  }
0x60: {  	_ =	shalt  }
0x61: {  	_ =	shalt  }
0x62: {  	_ =	shalt  }
0x63: {  	_ =	shalt  }
0x64: {  	_ =	shalt  }
0x65: {  	_ =	shalt  }
0x66: {  	_ =	shalt  }
0x67: {  	_ =	shalt  }
0x68: {  	_ =	shalt  }
0x69: {  	_ =	shalt  }
0x6a: {  	_ =	shalt  }
0x6b: {  	_ =	shalt  }
0x6c: {  	_ =	shalt  }
0x6d: {  	_ =	shalt  }
0x6e: {  	_ =	shalt  }
0x6f: {  	_ =	shalt  }
0x70: {  	_ =	shalt  }
0x71: {  	_ =	shalt  }
0x72: {  	_ =	shalt  }
0x73: {  	_ =	shalt  }
0x74: {  	_ =	shalt  }
0x75: {  	_ =	shalt  }
0x76: {  	_ =	shalt  }
0x77: {  	_ =	shalt  }
0x78: {  	_ =	shalt  }
0x79: {  	_ =	shalt  }
0x7a: {  	_ =	shalt  }
0x7b: {  	_ =	shalt  }
0x7c: {  	_ =	shalt  }
0x7d: {  	_ =	shalt  }
0x7e: {  	_ =	shalt  }
0x7f: {  	_ =	shalt  }
0x80: {  	_ =	shalt  }
0x81: {  	_ =	shalt  }
0x82: {  	_ =	shalt  }
0x83: {  	_ =	shalt  }
0x84: {  	_ =	shalt  }
0x85: {  	_ =	shalt  }
0x86: {  	_ =	shalt  }
0x87: {  	_ =	shalt  }
.Lfunc_end0:
.L_simem_size_0:
called_computation.2_lowered:
.L_overlay_start_0:
0x88: {  	s2 =	sld [smem:$0x3FD9]  }
0x89: {  	s3 =	sld [smem:$0x3FFE];
	_ =	sdelay $0x1  }
0x8a: {  	s1 =	srdreg.scid  }
0x8b: {  	s0 =	sand.u32 $0x1, s1  }
0x8c: {  	s16 =	sshll.u32 s0, $0xA;
	s2 =	sadd.s32 s3, s2  }
0x8d: {  	s2 =	sadd.s32 s2, s16  }
0x8e: {  	[smem:$0x3FC6] =	sst s2  }
0x8f: {  	_ = 	snop  }
0x90: {  	(tm) =	ssettm $0x1  }
0x91: {  	s17 =	sld [smem:$0x3FFB];
	_ =	sdelay $0x3  }
0x92: {  	_ =	strace s17  }
0x93: {  	s2 =	sld [smem:$0x3FFC];
	_ =	sdelay $0x3  }
0x94: {  	_ =	strace s2  }
0x95: {  	s2 =	sld [smem:$0x3FFD];
	_ =	sdelay $0x3  }
0x96: {  	_ =	strace s2  }
0x97: {  	_ =	strace $0x8FFFFFFF  }
0x98: {  	s18 =	sld [smem:$0x3FDB];
	_ =	sdelay $0x1  }
0x99: {  	s19 =	simm.s32 $_scs_section_size  }
0x9a: {  	s4 =	simm.s32 $_size__tile_overlayer_lowered;
	s5 =	simm.s32 $_tile_overlayer_lowered  }
0x9b: {  	s22 =	simm.s32 $0x1BFF;
	s21 =	sshll.u32 s5, $0x1;
	s2 =	sadd.s32 s19, s18  }
0x9c: {  	s6 =	simm.s32 $0x0;
	s20 =	sshll.u32 s4, $0x1;
	s4 =	sadd.s32 s21, s2  }
0x9d: {  	[timem:s6], [sflag:s22] =	dma.local [hbm:s4], s20  }
0x9e: {  	_ =	swait.ge [sflag:s22], s20  }
0x9f: {  	s3 =	ssub.s32 $0x0, s20;
	[sflag:s22] =	ssyncset.done $0x0  }
0xa0: {  	[sflag:s22] =	ssyncadd.s32 s3;
	_ =	sdelay $0x1  }
0xa1: {  	s23 =	simm.s32 $0x1B8B  }
0xa2: {  	_ =	swait.ge [sflag:s23], $0x1  }
0xa3: {  	[sflag:s23] =	ssyncset.done $0x0  }
0xa4: {  	s25 =	simm.s32 $0x1B8E;
	s24 =	sld [smem:$0x3FFE];
	[sflag:s23] =	ssyncadd.s32 $0xFFFFFFFF  }
0xa5: {  	s26 =	simm.s32 $execute0_lowered;
	[smem:$0x3FD2] =	sst s25  }
0xa6: {  	s4 =	sshll.u32 s26, $0x1;
	_ =	strace $0x8000004C;
	[dreg:$0x1] =	wrdreg $0xFFFFFFFF  }
0xa7: {  	s28 =	simm.s32 $_size_execute0_lowered;
	s2 =	sadd.s32 s2, s4;
	[dreg:$0x0] =	wrdreg $0x0  }
0xa8: {  	s4 =	sshll.u32 s28, $0x1;
	[dreg:$0x2] =	wrdreg s2  }
0xa9: {  	[dreg:$0x3] =	wrdreg s4  }
0xaa: {  	[dreg:$0x4] =	wrdreg $0xC0  }
0xab: {  	_ =	task [dreg:s6], $0x5FFFF  }
0xac: {  	[dreg:$0x1] =	wrdreg $0xFFFFFFFF  }
0xad: {  	[dreg:$0x0] =	wrdreg $0x60  }
0xae: {  	[dreg:$0x2] =	wrdreg s24  }
0xaf: {  	[dreg:$0x3] =	wrdreg $0x9  }
0xb0: {  	_ =	task.clear_ibuf [dreg:s6], $0x4FFFF;
	_ =	strace $0x9000004C  }
0xb1: {  	s29 =	simm.s32 $0x9;
	_ =	strace $0x8000004E  }
0xb2: {  	_ =	swait.ge [sflag:s29], $0x1  }
0xb3: {  	[sflag:s29] =	ssyncadd.s32 $0xFFFFFFFF  }
0xb4: {  	_ =	strace $0x9000004E  }
0xb5: {  	_ =	sfence  }
0xb6: {  	s30 =	sld [smem:$0x0];
	_ =	sdelay $0x2  }
0xb7: {  	s31 =	sshll.u32 s1, $0xD;
	s1 =	sshrl.u32 s1, $0x2  }
0xb8: {  	s3 =	sand.u32 $0x4000, s31;
	s1 =	sadd.s32 s1, s30  }
0xb9: {  	s0 =	sor.u32 s3, s0;
	s1 =	sshll.u32 s1, $0x11  }
0xba: {  	s0 =	sor.u32 s1, s0  }
0xbb: {  	s0 =	sadd.s32 $0x8F2B, s0  }
0xbc: {  	[sflag:s0] =	ssyncadd.remote.s32 $0x1  }
0xbd: {  	_ =	sfence.sel $0xFFFF  }
0xbe: {  	[dreg:$0x0] =	wrdreg $0xFFFFFFFF;
	(pc) =	sbr.abs _section_cstart, $3  }
0xbf: {  	[dreg:$0x1] =	wrdreg $0xFFFFFFFF  }
0xc0: {  	_ =	task.clear_ibuf [dreg:s6], $0x2FFFF;
	_ =	strace $0x9FFFFFFF  }
0xc1: {  	(tm) =	ssettm $0x7FFFFFFF  }
tec
execute0_lowered:
.L_overlay_start_1:
0x0: {  	(tag) =	ssettag $0x1  }
0x1: {  	v0 =	vimm.f32 $0.0e+00;
	v3 =	vlaneseq.u32;
	v2 =	vimm.s32 $0xFEDCBA9  }
0x2: {  	v6 =	vimm.s32 $0x98765432;
	vm0 =	vmmov $0xffff;
	vm9 =	vcmask $0x3F3C  }
0x3: {  	v9 =	vimm.s32 $0x3210FEDC;
	v10 =	vimm.s32 $0xBA987654;
	v11 =	vimm.s32 $0x43210FED  }
0x4: {  	v12 =	vimm.s32 $0xCBA98765;
	vm10 =	vcmask $0x3F38;
	vm11 =	vcmask $0x3F34  }
0x5: {  	vm12 =	vcmask $0x3F30;
	vm13 =	vcmask $0x3F2C;
	v23 =	vimm.s32 $0xFEDCBA98  }
0x6: {  	v24 =	vimm.s32 $0xEDCBA987;
	v25 =	vimm.s32 $0x76543210;
	vm14 =	vcmask $0x3F28  }
0x7: {  	vm15 =	vcmask $0x3F24;
	v1 =	vand.u32 $0x7, v3;
	v4 =	vunpack.c.l.s4.s8 v2  }
0x8: {  	v2 =	vimm.s32 $0x87654321;
	v7 =	vshrl.u32 v3, $0x3;
	v6 =	vunpack.c.l.s4.s8 v6  }
0x9: {  	v3 =	vor.u32 $0x8, v3;
	v9 =	vunpack.c.l.s4.s8 v9;
	v10 =	vunpack.c.l.s4.s8 v10  }
0xa: {  	v23 =	vunpack.c.l.s4.s8 v23;
	v5 =	vunpack.c.l.s4.s8 v2;
	v2 =	vimm.s32 $0x10FEDCBA  }
0xb: {  	v24 =	vunpack.c.l.s4.s8 v24;
	v25 =	vunpack.c.l.s4.s8 v25;
	v8 =	vunpack.c.l.s4.s8 v2  }
0xc: {  	s0 =	rddreg [dreg:$0x0];
	s2 =	simm.s32 $0x0;
	s1 =	srdreg.scid;
	v2 =	vmul.u32 $0x8, v7;
	v13 =	vunpack.c.0.s8.s32 v4;
	v4 =	vimm.s32 $0x0  }
0xd: {  	s7 =	stileid.u32;
	s9 =	simm.s32 $0x200;
	s10 =	simm.s32 $0xA00;
	v16 =	vunpack.c.0.s8.s32 v6;
	v7 =	vimm.s32 $0x210FEDCB;
	v19 =	vunpack.c.0.s8.s32 v9  }
0xe: {  	s11 =	simm.s32 $0x1200;
	s12 =	simm.s32 $0x1A00;
	s13 =	simm.s32 $0x2200;
	v20 =	vunpack.c.0.s8.s32 v10;
	v10 =	vimm.s32 $0x543210FE;
	v24 =	vunpack.c.0.s8.s32 v24  }
0xf: {  	s14 =	simm.s32 $0x2A00;
	s15 =	simm.s32 $0x3200;
	s16 =	simm.s32 $0x3A00;
	v14 =	vunpack.c.0.s8.s32 v5;
	v4 =	vsel vm0, $0xFFFFFFFF, v4;
	v7 =	vunpack.c.l.s4.s8 v7  }
0x10: {  	s17 =	simm.s32 $0x4200;
	s18 =	simm.s32 $0x4A00;
	s19 =	simm.s32 $0x5200;
	v10 =	vunpack.c.l.s4.s8 v10;
	v15 =	vunpack.c.0.s8.s32 v8;
	v8 =	vimm.s32 $0xA9876543  }
0x11: {  	s20 =	simm.s32 $0x5A00;
	s21 =	simm.s32 $0x6200;
	s22 =	simm.s32 $0x6A00;
	[tilespmem:$0x1FFF0] =	vst v4;
	v4 =	vcombine.low v14, v13;
	v8 =	vunpack.c.l.s4.s8 v8;
	v17 =	vunpack.c.0.s8.s32 v7  }
0x12: {  	s23 =	simm.s32 $0x7200;
	s24 =	simm.s32 $0x7A00;
	s25 =	simm.s32 $0x1;
	v7 =	vunpack.c.l.s4.s8 v11;
	v11 =	vunpack.c.l.s4.s8 v12;
	v12 =	vimm.s32 $0x6543210F  }
0x13: {  	s26 =	simm.s32 $0x8200;
	s29 =	simm.s32 $0x400;
	s30 =	simm.s32 $0x0;
	v26 =	vunpack.c.0.s8.s32 v10;
	v13 =	vcombine.low v13, v14;
	v6 =	vcombine.low v16, v15  }
0x14: {  	[smem:$0x7FF] =	sst s2;
	s1 =	sand.u32 $0x1, s1;
	s3 =	sshll.u32 s7, $0x1;
	v12 =	vunpack.c.l.s4.s8 v12;
	v14 =	vcombine.low v15, v16;
	v18 =	vunpack.c.0.s8.s32 v8  }
0x15: {  	s7 =	sshll.u32 s7, $0xB;
	s4 =	sor.u32 s1, s3;
	s3 =	sadd.s32 $0x85A00, s0;
	v21 =	vunpack.c.0.s8.s32 v7;
	v22 =	vunpack.c.0.s8.s32 v11;
	v11 =	vimm.s32 $0xDCBA9876  }
0x16: {  	s7 =	sand.u32 $0x6000, s7;
	s1 =	ssub.s32 $0x2, s1;
	s5 =	sshll.u32 s4, $0x6;
	v16 =	vcombine.low v19, v20;
	v8 =	vcombine.low v20, v19;
	v11 =	vunpack.c.l.s4.s8 v11  }
0x17: {  	s6 =	sshll.u32 s4, $0xE;
	s4 =	sshll.u32 s4, $0x4;
	s31 =	sshrl.u32 s1, $0x1;
	v62 =	vunpack.c.0.s8.s32 v12;
	v7 =	vcombine.low v18, v17;
	v9 =	vcombine.low v22, v21  }
0x18: {  	s5 =	sadd.s32 s5, s0;
	s6 =	sadd.s32 s6, s0;
	s0 =	sadd.s32 s7, s0;
	v15 =	vcombine.low v17, v18;
	v27 =	vunpack.c.0.s8.s32 v11;
	v11 =	vunpack.c.0.s8.s32 v23  }
0x19: {  	s8 =	sand.u32 $0x70, s4;
	s1 =	ssub.s32 s1, s31;
	s4 =	sadd.s32 $0x4E200, s5;
	v12 =	vunpack.c.0.s8.s32 v25;
	v17 =	vcombine.low v21, v22;
	v19 =	vcombine.low v62, v24  }
0x1a: {  	s0 =	sadd.s32 s8, s0;
	s5 =	sadd.s32 $0x105A00, s6;
	s7 =	smax.u32 s1, $0x1;
	v10 =	vcombine.low v27, v26;
	v63 =	vand.u32 $0xF, v11;
	v11 =	vcombine.low v24, v62  }
0x1b: {  	v5 =	vimm.f32 $1.000000000e+00;
	s8 =	simm.s32 $0x2;
	_ =	strace $0x8000004D;
	s6 =	sadd.s32 $0x4EA00, s0;
	v18 =	vcombine.low v26, v27;
	v12 =	vcombine.low v63, v12  }
.LBB2_1:
0x1c: {  	s0 =	simm.s32 $0x40;
	s1 =	simm.s32 $0x0  }
.LBB2_2:
0x1d: {  	p0 =	sne.s32 s0, $0x7FC0;
	[tilespmem:s1+$0x8200] =	vst v0;
	s1 =	smov.u32 s0;
	s0 =	sadd.s32 $0x40, s0  }
.Ltmp0:
0x1e: {  	(pc) =	sbr.rel @p0 .LBB2_2-.Ltmp0, $2  }
0x1f: {  	_ =	sdelay $0x2  }
0x20: {  	s1 =	sshra.s32 s1, $0x2  }
0x21: {  	[tilespmem:s1+$0x8200] =	vst v0  }
0x22: {  	[tilespmem:s30], [sflag:$0x2] =	stream.linear.gather [hbm4b:s4+s30], $0x200, $0x38;
	[tilespmem:$0xA200] =	vst v63  }
0x23: {  	_ =	swait.ge [sflag:s8], $0x200  }
0x24: {  	[sflag:s8] =	ssyncset.done $0x0  }
0x25: {  	s31 =	simm.s32 $0x0;
	s0 =	simm.s32 $0x0;
	[sflag:s8] =	ssyncadd.s32 $0xFFFFFE00  }
.LBB2_4:
0x26: {  	s1 =	sshll.u32 s0, $0x7  }
0x27: {  	s1 =	sand.u32 $0x3FFFFF80, s1  }
0x28: {  	v20 =	vld [tilespmem:s1+$0x0];
	_ =	sdelay $0x4  }
0x29: {  	v21 =	vshll.u32 v20, $0x1  }
0x2a: {  	v20 =	vand.u32 $0x7, v20;
	v21 =	vand.u32 $0xFFFFFFF0, v21  }
0x2b: {  	v20 =	vor.u32 v20, v21  }
0x2c: {  	v21 =	vperm.xlane v20, v1  }
0x2d: {  	v22 =	vld [tilespmem:$0x1FFF0]  }
0x2e: {  	v20 =	vperm.xlane v20, v3;
	v21 =	vadd.s32 v2, v21;
	_ =	sdelay $0x1  }
0x2f: {  	v20 =	vadd.s32 v2, v20;
	_ =	sdelay $0x1  }
0x30: {  	vm0 =	vnez.u8 v22  }
0x31: {  	[tilespmem:s9], [sflag:$0x1] =	stream.indirect_vreg.gather [hbm4b:s3+s30], $0x80, v21, vm0, $0xb8;
	[tilespmem:$0xA200] =	vst v63  }
0x32: {  	_ = 	snop  }
0x33: {  	[tilespmem:s10], [sflag:$0x1] =	stream.indirect_vreg.gather [hbm4b:s3+s30], $0x80, v20, vm0, $0xb8;
	[tilespmem:$0xA200] =	vst v63  }
0x34: {  	v20 =	vld [tilespmem:s1+$0x10];
	_ =	sdelay $0x4  }
0x35: {  	v21 =	vshll.u32 v20, $0x1  }
0x36: {  	v20 =	vand.u32 $0x7, v20;
	v21 =	vand.u32 $0xFFFFFFF0, v21  }
0x37: {  	v20 =	vor.u32 v20, v21  }
0x38: {  	v21 =	vperm.xlane v20, v1;
	_ =	sdelay $0x1  }
0x39: {  	v20 =	vperm.xlane v20, v3;
	v21 =	vadd.s32 v2, v21;
	_ =	sdelay $0x1  }
0x3a: {  	v20 =	vadd.s32 v2, v20;
	_ =	sdelay $0x2  }
0x3b: {  	[tilespmem:s11], [sflag:$0x1] =	stream.indirect_vreg.gather [hbm4b:s3+s30], $0x80, v21, vm0, $0xb8;
	[tilespmem:$0xA200] =	vst v63  }
0x3c: {  	_ = 	snop  }
0x3d: {  	[tilespmem:s12], [sflag:$0x1] =	stream.indirect_vreg.gather [hbm4b:s3+s30], $0x80, v20, vm0, $0xb8;
	[tilespmem:$0xA200] =	vst v63  }
0x3e: {  	v20 =	vld [tilespmem:s1+$0x20];
	_ =	sdelay $0x4  }
0x3f: {  	v21 =	vshll.u32 v20, $0x1  }
0x40: {  	v20 =	vand.u32 $0x7, v20;
	v21 =	vand.u32 $0xFFFFFFF0, v21  }
0x41: {  	v20 =	vor.u32 v20, v21  }
0x42: {  	v21 =	vperm.xlane v20, v1;
	_ =	sdelay $0x1  }
0x43: {  	v20 =	vperm.xlane v20, v3;
	v21 =	vadd.s32 v2, v21;
	_ =	sdelay $0x1  }
0x44: {  	v20 =	vadd.s32 v2, v20;
	_ =	sdelay $0x2  }
0x45: {  	[tilespmem:s13], [sflag:$0x1] =	stream.indirect_vreg.gather [hbm4b:s3+s30], $0x80, v21, vm0, $0xb8;
	[tilespmem:$0xA200] =	vst v63  }
0x46: {  	_ = 	snop  }
0x47: {  	[tilespmem:s14], [sflag:$0x1] =	stream.indirect_vreg.gather [hbm4b:s3+s30], $0x80, v20, vm0, $0xb8;
	[tilespmem:$0xA200] =	vst v63  }
0x48: {  	v20 =	vld [tilespmem:s1+$0x30];
	_ =	sdelay $0x4  }
0x49: {  	v21 =	vshll.u32 v20, $0x1  }
0x4a: {  	v20 =	vand.u32 $0x7, v20;
	v21 =	vand.u32 $0xFFFFFFF0, v21  }
0x4b: {  	v20 =	vor.u32 v20, v21  }
0x4c: {  	v21 =	vperm.xlane v20, v1;
	_ =	sdelay $0x1  }
0x4d: {  	v20 =	vperm.xlane v20, v3;
	v21 =	vadd.s32 v2, v21;
	_ =	sdelay $0x1  }
0x4e: {  	v20 =	vadd.s32 v2, v20;
	_ =	sdelay $0x2  }
0x4f: {  	[tilespmem:s15], [sflag:$0x1] =	stream.indirect_vreg.gather [hbm4b:s3+s30], $0x80, v21, vm0, $0xb8;
	[tilespmem:$0xA200] =	vst v63  }
0x50: {  	_ = 	snop  }
0x51: {  	[tilespmem:s16], [sflag:$0x1] =	stream.indirect_vreg.gather [hbm4b:s3+s30], $0x80, v20, vm0, $0xb8;
	[tilespmem:$0xA200] =	vst v63  }
0x52: {  	v20 =	vld [tilespmem:s1+$0x40];
	_ =	sdelay $0x4  }
0x53: {  	v21 =	vshll.u32 v20, $0x1  }
0x54: {  	v20 =	vand.u32 $0x7, v20;
	v21 =	vand.u32 $0xFFFFFFF0, v21  }
0x55: {  	v20 =	vor.u32 v20, v21  }
0x56: {  	v21 =	vperm.xlane v20, v1;
	_ =	sdelay $0x1  }
0x57: {  	v20 =	vperm.xlane v20, v3;
	v21 =	vadd.s32 v2, v21;
	_ =	sdelay $0x1  }
0x58: {  	v20 =	vadd.s32 v2, v20;
	_ =	sdelay $0x2  }
0x59: {  	[tilespmem:s17], [sflag:$0x1] =	stream.indirect_vreg.gather [hbm4b:s3+s30], $0x80, v21, vm0, $0xb8;
	[tilespmem:$0xA200] =	vst v63  }
0x5a: {  	_ = 	snop  }
0x5b: {  	[tilespmem:s18], [sflag:$0x1] =	stream.indirect_vreg.gather [hbm4b:s3+s30], $0x80, v20, vm0, $0xb8;
	[tilespmem:$0xA200] =	vst v63  }
0x5c: {  	v20 =	vld [tilespmem:s1+$0x50];
	_ =	sdelay $0x4  }
0x5d: {  	v21 =	vshll.u32 v20, $0x1  }
0x5e: {  	v20 =	vand.u32 $0x7, v20;
	v21 =	vand.u32 $0xFFFFFFF0, v21  }
0x5f: {  	v20 =	vor.u32 v20, v21  }
0x60: {  	v21 =	vperm.xlane v20, v1;
	_ =	sdelay $0x1  }
0x61: {  	v20 =	vperm.xlane v20, v3;
	v21 =	vadd.s32 v2, v21;
	_ =	sdelay $0x1  }
0x62: {  	v20 =	vadd.s32 v2, v20;
	_ =	sdelay $0x2  }
0x63: {  	[tilespmem:s19], [sflag:$0x1] =	stream.indirect_vreg.gather [hbm4b:s3+s30], $0x80, v21, vm0, $0xb8;
	[tilespmem:$0xA200] =	vst v63  }
0x64: {  	_ = 	snop  }
0x65: {  	[tilespmem:s20], [sflag:$0x1] =	stream.indirect_vreg.gather [hbm4b:s3+s30], $0x80, v20, vm0, $0xb8;
	[tilespmem:$0xA200] =	vst v63  }
0x66: {  	v20 =	vld [tilespmem:s1+$0x60];
	_ =	sdelay $0x4  }
0x67: {  	v21 =	vshll.u32 v20, $0x1  }
0x68: {  	v20 =	vand.u32 $0x7, v20;
	v21 =	vand.u32 $0xFFFFFFF0, v21  }
0x69: {  	v20 =	vor.u32 v20, v21  }
0x6a: {  	v21 =	vperm.xlane v20, v1;
	_ =	sdelay $0x1  }
0x6b: {  	v20 =	vperm.xlane v20, v3;
	v21 =	vadd.s32 v2, v21;
	_ =	sdelay $0x1  }
0x6c: {  	v20 =	vadd.s32 v2, v20;
	_ =	sdelay $0x2  }
0x6d: {  	[tilespmem:s21], [sflag:$0x1] =	stream.indirect_vreg.gather [hbm4b:s3+s30], $0x80, v21, vm0, $0xb8;
	[tilespmem:$0xA200] =	vst v63  }
0x6e: {  	_ = 	snop  }
0x6f: {  	[tilespmem:s22], [sflag:$0x1] =	stream.indirect_vreg.gather [hbm4b:s3+s30], $0x80, v20, vm0, $0xb8;
	[tilespmem:$0xA200] =	vst v63  }
0x70: {  	v20 =	vld [tilespmem:s1+$0x70];
	_ =	sdelay $0x4  }
0x71: {  	v21 =	vshll.u32 v20, $0x1  }
0x72: {  	v20 =	vand.u32 $0x7, v20;
	v21 =	vand.u32 $0xFFFFFFF0, v21  }
0x73: {  	v20 =	vor.u32 v20, v21  }
0x74: {  	v21 =	vperm.xlane v20, v1;
	_ =	sdelay $0x1  }
0x75: {  	v20 =	vperm.xlane v20, v3;
	v21 =	vadd.s32 v2, v21;
	_ =	sdelay $0x1  }
0x76: {  	v20 =	vadd.s32 v2, v20;
	_ =	sdelay $0x2  }
0x77: {  	[tilespmem:s23], [sflag:$0x1] =	stream.indirect_vreg.gather [hbm4b:s3+s30], $0x80, v21, vm0, $0xb8;
	[tilespmem:$0xA200] =	vst v63  }
0x78: {  	_ = 	snop  }
0x79: {  	[tilespmem:s24], [sflag:$0x1] =	stream.indirect_vreg.gather [hbm4b:s3+s30], $0x80, v20, vm0, $0xb8;
	[tilespmem:$0xA200] =	vst v63  }
0x7a: {  	_ =	swait.ge [sflag:s25], $0x8000  }
0x7b: {  	s28 =	sshll.u32 s0, $0xC;
	[sflag:s25] =	ssyncset.done $0x0  }
0x7c: {  	s1 =	sadd.s32 s28, s5;
	v21 =	vmov s31;
	[sflag:s25] =	ssyncadd.s32 $0xFFFF8000  }
0x7d: {  	[hbm4b:s1+s30] =	stream.linear.scatter [tilespmem:s9], [sflag:$0x2], $0x8000, $0x38;
	[tilespmem:$0xA200] =	vst v63  }
0x7e: {  	_ =	swait.ge [sflag:s8], $0x8000  }
0x7f: {  	[sflag:s8] =	ssyncset.done $0x0  }
0x80: {  	s28 =	simm.s32 $0x0;
	[sflag:s8] =	ssyncadd.s32 $0xFFFF8000  }
0x81: {  	v20 =	vld.idx.msk [tilespmem:v21+s28+$0x0 ss:$0x1], $0xffff;
	_ =	sdelay $0x4  }
0x82: {  	v22 =	vperm.xlane v20, v6;
	v23 =	vperm.xlane v20, v9  }
0x83: {  	v24 =	vperm.xlane v20, v8;
	v25 =	vperm.xlane v20, v18  }
0x84: {  	v26 =	vperm.xlane v20, v4;
	v27 =	vperm.xlane v20, v14  }
0x85: {  	v28 =	vperm.xlane v20, v17;
	vm1 =	veq.s32 v22, v20;
	vm7 =	veq.s32 v23, v20  }
0x86: {  	v23 =	vperm.xlane v20, v7;
	vm4 =	veq.s32 v24, v20;
	v24 =	vperm.xlane v20, v10  }
0x87: {  	vm5 =	veq.s32 v26, v20;
	vm3 =	veq.s32 v27, v20;
	vm0 =	veq.s32 v28, v20  }
0x88: {  	v26 =	vimm.s32 $0x0;
	v22 =	vsel vm1, $0x3F800000, v0;
	vm8 =	vmand vm4, vm12  }
0x89: {  	v26 =	vsel vm0, $0xFFFFFFFF, v26;
	vm2 =	vmand vm1, vm10;
	vm1 =	veq.s32 v25, v20  }
0x8a: {  	v25 =	vperm.xlane v20, v19;
	vm6 =	veq.s32 v23, v20;
	v23 =	vsel vm5, $0x40000000, v5  }
0x8b: {  	vm0 =	vmand vm7, vm13;
	vm5 =	vmand vm5, vm9;
	v22 =	vadd.f32 v22, v23  }
0x8c: {  	[tilespmem:$0x1FFE0] =	vst v26;
	v26 =	vperm.xlane v20, v11;
	v23 =	vsel vm6, $0x3F800000, v0;
	vm6 =	vmand vm6, vm11  }
0x8d: {  	vm2 =	vmor vm5, vm2;
	vm5 =	veq.s32 v24, v20;
	v22 =	vadd.f32 v23, v22  }
0x8e: {  	vm6 =	vmor vm2, vm6;
	vm2 =	veq.s32 v25, v20;
	v23 =	vsel vm4, $0x3F800000, v0  }
0x8f: {  	v24 =	vsel vm5, $0x3F800000, v0;
	vm4 =	veq.s32 v26, v20;
	v22 =	vadd.f32 v23, v22  }
0x90: {  	vm6 =	vmor vm6, vm8;
	v26 =	vperm.xlane v20, v12;
	v23 =	vsel vm7, $0x3F800000, v0  }
0x91: {  	vm5 =	vmand vm5, vm14;
	vm6 =	vmor vm6, vm0;
	v22 =	vadd.f32 v23, v22  }
0x92: {  	v25 =	vsel vm4, $0x3F800000, v0;
	vm6 =	vmor vm6, vm5;
	vm5 =	veq.s32 v26, v20  }
0x93: {  	s1 =	simm.s32 $0x40;
	v23 =	vperm.xlane v20, v13;
	v24 =	vadd.f32 v24, v22;
	v22 =	vperm.xlane v20, v15  }
.LBB2_5:
0x94: {  	vm4 =	vmand vm4, vm15  }
0x95: {  	vm0 =	vmmov vm15;
	vm15 =	vmmov vm14;
	vm14 =	vmmov vm13  }
0x96: {  	vm13 =	vmmov vm12;
	vm12 =	vmmov vm11;
	vm11 =	vmmov vm10  }
0x97: {  	vm10 =	vmmov vm9;
	v24 =	vadd.f32 v25, v24;
	vm7 =	veq.s32 v23, v20  }
0x98: {  	v23 =	vperm.xlane v20, v16;
	v25 =	vsel vm5, $0x3F800000, v0;
	vm8 =	veq.s32 v22, v20  }
0x99: {  	vm4 =	vmor vm6, vm4;
	vm6 =	vcmask $0x3F20;
	v22 =	vadd.f32 v25, v24  }
0x9a: {  	vm5 =	vmand vm5, vm6;
	vm9 =	veq.s32 v23, v20;
	v23 =	vsel vm7, $0x3F800000, v0  }
0x9b: {  	vm4 =	vmor vm4, vm5;
	vm5 =	vcmask $0x3F1C;
	v22 =	vadd.f32 v23, v22  }
0x9c: {  	vm5 =	vmand vm7, vm5;
	v23 =	vsel vm3, $0x3F800000, v0  }
0x9d: {  	vm4 =	vmor vm4, vm5;
	vm5 =	vcmask $0x3F18;
	v22 =	vadd.f32 v23, v22  }
0x9e: {  	vm3 =	vmand vm3, vm5;
	v23 =	vsel vm8, $0x3F800000, v0  }
0x9f: {  	vm3 =	vmor vm4, vm3;
	vm4 =	vcmask $0x3F14;
	v22 =	vadd.f32 v23, v22;
	v23 =	vld [tilespmem:$0x1FFE0]  }
0xa0: {  	vm4 =	vmand vm8, vm4  }
0xa1: {  	vm3 =	vmor vm3, vm4;
	vm4 =	vcmask $0x3F10  }
0xa2: {  	vm4 =	vmand vm9, vm4  }
0xa3: {  	vm3 =	vmor vm3, vm4  }
0xa4: {  	vm4 =	vcmask $0x3F0C;
	vm5 =	vnez.u8 v23;
	v23 =	vsel vm9, $0x3F800000, v0  }
0xa5: {  	vm9 =	vmmov vm10;
	vm10 =	vmmov vm11;
	vm11 =	vmmov vm12  }
0xa6: {  	vm12 =	vmmov vm13;
	vm13 =	vmmov vm14;
	vm14 =	vmmov vm15  }
0xa7: {  	vm15 =	vmmov vm0;
	vm0 =	vcmask $0x3F08;
	vm4 =	vmand vm5, vm4  }
0xa8: {  	vm3 =	vmor vm3, vm4;
	vm4 =	vmand vm1, vm0;
	vm0 =	vcmask $0x3F04  }
0xa9: {  	v22 =	vadd.f32 v23, v22;
	vm3 =	vmor vm3, vm4;
	vm4 =	vmand vm2, vm0  }
0xaa: {  	v23 =	vsel vm5, $0x3F800000, v0;
	vm0 =	vmor vm3, vm4  }
0xab: {  	v22 =	vadd.f32 v23, v22;
	vm0 =	vmneg vm0  }
0xac: {  	v23 =	vsel vm1, $0x3F800000, v0  }
0xad: {  	v22 =	vadd.f32 v23, v22  }
0xae: {  	v23 =	vsel vm2, $0x3F800000, v0  }
0xaf: {  	v22 =	vadd.f32 v23, v22  }
0xb0: {  	s28 =	smov.u32 s1  }
0xb1: {  	s28 =	sshra.s32 s28, $0x2;
	[tilespmem:v20+s26+$0x0] =	vst.idx.add.f32.msk vm0, v22  }
0xb2: {  	v20 =	vld.idx.msk [tilespmem:v21+s28+$0x0 ss:$0x1], $0xffff;
	_ =	sdelay $0x4  }
0xb3: {  	v22 =	vperm.xlane v20, v6;
	v23 =	vperm.xlane v20, v9  }
0xb4: {  	v24 =	vperm.xlane v20, v8;
	v25 =	vperm.xlane v20, v18  }
0xb5: {  	v26 =	vperm.xlane v20, v4;
	v27 =	vperm.xlane v20, v14  }
0xb6: {  	v28 =	vperm.xlane v20, v17;
	vm1 =	veq.s32 v22, v20;
	vm2 =	veq.s32 v23, v20  }
0xb7: {  	v23 =	vperm.xlane v20, v7;
	vm4 =	veq.s32 v24, v20;
	v24 =	vperm.xlane v20, v10  }
0xb8: {  	vm5 =	veq.s32 v26, v20;
	vm3 =	veq.s32 v27, v20;
	vm0 =	veq.s32 v28, v20  }
0xb9: {  	v26 =	vimm.s32 $0x0;
	v22 =	vsel vm1, $0x3F800000, v0;
	vm7 =	vmand vm4, vm12  }
0xba: {  	v26 =	vsel vm0, $0xFFFFFFFF, v26;
	vm8 =	vmand vm1, vm10;
	vm1 =	veq.s32 v25, v20  }
0xbb: {  	v25 =	vperm.xlane v20, v19;
	vm6 =	veq.s32 v23, v20;
	v23 =	vsel vm5, $0x40000000, v5  }
0xbc: {  	[tilespmem:$0x1FFE0] =	vst v26;
	vm5 =	vmand vm5, vm9;
	v26 =	vperm.xlane v20, v11;
	v22 =	vadd.f32 v22, v23  }
0xbd: {  	v23 =	vsel vm6, $0x3F800000, v0;
	vm6 =	vmand vm6, vm11;
	vm5 =	vmor vm5, vm8  }
0xbe: {  	vm8 =	vmand vm2, vm13;
	vm5 =	vmor vm5, vm6;
	v22 =	vadd.f32 v23, v22  }
0xbf: {  	p0 =	sne.s32 s1, $0x1C0;
	vm6 =	veq.s32 v24, v20;
	v23 =	vsel vm4, $0x3F800000, v0;
	vm4 =	veq.s32 v26, v20  }
.Ltmp1:
0xc0: {  	v24 =	vsel vm6, $0x3F800000, v0;
	vm6 =	vmand vm6, vm14;
	v22 =	vadd.f32 v23, v22;
	(pc) =	sbr.rel @p0 .LBB2_5-.Ltmp1, $4  }
0xc1: {  	vm5 =	vmor vm5, vm7;
	v26 =	vperm.xlane v20, v12;
	v23 =	vsel vm2, $0x3F800000, v0  }
0xc2: {  	vm5 =	vmor vm5, vm8;
	vm2 =	veq.s32 v25, v20;
	v22 =	vadd.f32 v23, v22  }
0xc3: {  	vm6 =	vmor vm5, vm6;
	v25 =	vsel vm4, $0x3F800000, v0;
	vm5 =	veq.s32 v26, v20  }
0xc4: {  	s1 =	sadd.s32 $0x40, s1;
	v23 =	vperm.xlane v20, v13;
	v24 =	vadd.f32 v24, v22;
	v22 =	vperm.xlane v20, v15  }
0xc5: {  	vm4 =	vmand vm4, vm15;
	v54 =	vsel vm5, $0x3F800000, v0  }
0xc6: {  	v55 =	vperm.xlane v20, v16;
	vm0 =	vcmask $0x3F20;
	vm7 =	vcmask $0x3F1C  }
0xc7: {  	v57 =	vsel vm3, $0x3F800000, v0;
	vm4 =	vmor vm6, vm4;
	vm6 =	veq.s32 v23, v20  }
0xc8: {  	v21 =	vadd.f32 v25, v24;
	vm0 =	vmand vm5, vm0;
	v56 =	vsel vm6, $0x3F800000, v0  }
0xc9: {  	vm4 =	vmor vm4, vm0;
	vm0 =	vmand vm6, vm7;
	vm6 =	veq.s32 v22, v20  }
0xca: {  	v59 =	vld [tilespmem:$0x1FFE0];
	vm5 =	veq.s32 v55, v20;
	vm7 =	vcmask $0x3F18;
	v21 =	vadd.f32 v54, v21  }
0xcb: {  	vm4 =	vmor vm4, vm0;
	vm7 =	vmand vm3, vm7;
	v58 =	vsel vm6, $0x3F800000, v0  }
0xcc: {  	vm3 =	vmor vm4, vm7;
	vm7 =	vcmask $0x3F14;
	v21 =	vadd.f32 v56, v21  }
0xcd: {  	v60 =	vsel vm5, $0x3F800000, v0;
	vm0 =	vmand vm6, vm7;
	vm7 =	vcmask $0x3F10  }
0xce: {  	vm3 =	vmor vm3, vm0;
	vm0 =	vmand vm5, vm7;
	v21 =	vadd.f32 v57, v21  }
0xcf: {  	vm6 =	vnez.u8 v59;
	vm3 =	vmor vm3, vm0;
	vm0 =	vcmask $0x3F0C  }
0xd0: {  	vm7 =	vcmask $0x3F08;
	vm0 =	vmand vm6, vm0;
	v21 =	vadd.f32 v58, v21  }
0xd1: {  	vm3 =	vmor vm3, vm0;
	vm0 =	vmand vm1, vm7;
	vm7 =	vcmask $0x3F04  }
0xd2: {  	vm3 =	vmor vm3, vm0;
	vm0 =	vmand vm2, vm7;
	v21 =	vadd.f32 v60, v21  }
0xd3: {  	v61 =	vsel vm6, $0x3F800000, v0;
	vm0 =	vmor vm3, vm0  }
0xd4: {  	s0 =	sadd.s32 $0x1, s0;
	vm0 =	vmneg vm0;
	v21 =	vadd.f32 v61, v21  }
0xd5: {  	v62 =	vsel vm1, $0x3F800000, v0;
	p0 =	sne.s32 s0, $0x4  }
.Ltmp2:
0xd6: {  	v21 =	vadd.f32 v62, v21;
	(pc) =	sbr.rel @p0 .LBB2_4-.Ltmp2, $3  }
0xd7: {  	v63 =	vsel vm2, $0x3F800000, v0  }
0xd8: {  	v21 =	vadd.f32 v63, v21;
	_ =	sdelay $0x1  }
0xd9: {  	s31 =	sadd.s32 $0x80, s31;
	[tilespmem:v20+s26+$0x0] =	vst.idx.add.f32.msk vm0, v21  }
0xda: {  	s2 =	sadd.s32 $0x1, s2  }
0xdb: {  	p0 =	sne.s32 s2, s7  }
.Ltmp3:
0xdc: {  	s0 =	simm.s32 $0x80;
	(pc) =	sbr.rel @p0 .LBB2_1-.Ltmp3, $4  }
0xdd: {  	[hbm4b:s6+s0] =	stream.strided.scatter [tilespmem:s26], [sflag:$0x2], $0x2000, s29, s0, $0x38;
	[tilespmem:$0xA200] =	vst v63  }
0xde: {  	_ =	swait.ge [sflag:s8], $0x2000  }
0xdf: {  	[sflag:s8] =	ssyncset.done $0x0  }
0xe0: {  	[sflag:s8] =	ssyncadd.s32 $0xFFFFE000  }
0xe1: {  	_ =	sfence.sel $0x180000  }
0xe2: {  	[bflag:$0x0] =	sbarrier.arrive $0xFFFF  }
0xe3: {  	_ =	strace $0x9000004D  }
0xe4: {  	s0 =	stileid.u32;
	[bflag:$0x2] =	sbarrier.arrive $0xFFFF  }
0xe5: {  	p0 =	sne.s32 s0, $0x0;
	s0 =	rddreg [dreg:$0x1]  }
0xe6: {  	s0 =	sadd.s32 @!p0 $0x100000, s0  }
0xe7: {  	[sflag:s0] =	ssyncadd.tile.s32 @!p0 $0x1;
	_ =	shalt  }
.Lfunc_end2:
_tile_overlayer_lowered:
.L_overlay_start_2:
0xe8: {  	(tag) =	ssettag $0x2  }
0xe9: {  	s0 =	rddreg [dreg:$0x0];
	s2 =	stileid.u32  }
0xea: {  	s1 =	rddreg [dreg:$0x1];
	p0 =	sne.s32 s2, $0x0  }
0xeb: {  	s3 =	rddreg [dreg:$0x2];
	[bflag:$0x3] =	sbarrier.arrive $0xFFFF;
	s2 =	simm.s32 @!p0 $0x1C02  }
0xec: {  	[timem:s3], [sflag:s2] =	dma.local @!p0 [hbm:s0], s1  }
0xed: {  	s0 =	simm.s32 @!p0 $0x2  }
0xee: {  	_ =	swait.ge @!p0 [sflag:s0], s1  }
0xef: {  	s1 =	ssub.s32 @!p0 $0x0, s1;
	[sflag:s0] =	ssyncset.done @!p0 $0x0  }
0xf0: {  	[sflag:s0] =	ssyncadd.s32 @!p0 s1  }
0xf1: {  	[bflag:$0x3] =	sbarrier.arrive $0xFFFF  }
0xf2: {  	_ =	shalt  }

// kernel: kernel.20.cloned.1.call-start
scs
__scs_entry_jumppad:
0x0: {  	(pc) =	sbr.rel $0x88, $3  }
0x1: {  	(tag) =	ssettag $0x0;
	lr =	simm.s32 $0x1  }
0x2: {  	[smem:$0x3F9F] =	sst lr;
	_ =	strace $0xD0000000  }
0x3: {  	_ = 	snop  }
0x4: {  	_ = 	snop  }
0x5: {  	_ = 	snop  }
0x6: {  	_ = 	snop  }
0x7: {  	_ = 	snop  }
__scs_overlays_trampoline_lowered:
0x8: {  	[smem:$0x3FAE] =	sst s0  }
0x9: {  	[smem:$0x3FAF] =	sst s1  }
0xa: {  	[smem:$0x3FB0] =	sst s2  }
0xb: {  	[smem:$0x3FB1] =	sst s3  }
0xc: {  	[smem:$0x3FB2] =	sst s4  }
0xd: {  	[smem:$0x3FB3] =	sst s5  }
0xe: {  	[smem:$0x3FB4] =	sst s6  }
0xf: {  	[smem:$0x3FB5] =	sst s7  }
0x10: {  	[smem:$0x3FB6] =	sst s8  }
0x11: {  	[smem:$0x3FB7] =	sst s9;
	s0 =	simm.s32 @!p0 $0x0  }
0x12: {  	s1 =	sld [smem:$0x3F9D];
	s0 =	simm.s32 @p0 $0x1  }
0x13: {  	[smem:$0x3FB8] =	sst s0;
	s0 =	simm.s32 @!p1 $0x0  }
0x14: {  	s2 =	sld [smem:$0x3F9C];
	s0 =	simm.s32 @p1 $0x1  }
0x15: {  	[smem:$0x3FB9] =	sst s0;
	s0 =	simm.s32 @!p2 $0x0  }
0x16: {  	s3 =	sld [smem:$0x3FDB];
	s0 =	simm.s32 @p2 $0x1  }
0x17: {  	s4 =	simm.s32 $0x1BF5;
	[smem:$0x3FBB] =	sst s0  }
0x18: {  	s0 =	sld [smem:$0x3F9E];
	_ =	swait.ge [sflag:s4], $0x0  }
0x19: {  	s7 =	sld [smem:$0x3F9F]  }
0x1a: {  	s8 =	sadd.s32 $0xFFFFE003, lr  }
0x1b: {  	s9 =	sadd.s32 $0xFFFFFEF7, lr;
	s5 =	simm.s32 $0xFFFFFFFF;
	p2 =	slt.u32 s8, $0xFFFFF086  }
0x1c: {  	p1 =	slt.u32 s9, $0xF7A;
	s5 =	simm.s32 @!p2 $0x0  }
0x1d: {  	s5 =	simm.s32 @p1 $0x1;
	p0 =	seq.s32 s7, s2  }
0x1e: {  	s7 =	smul.u32 @!p0 $0xF7A, s2;
	p2 =	seq.s32 @!p0 s5, $0x0  }
0x1f: {  	s9 =	smul.u32 $0xF7A, s1;
	s8 =	simm.s32 @!p0 $0x1BF5;
	p2 =	por !p2, p0  }
0x20: {  	[sflag:s8] =	ssyncset.s32 @!p0 $0xFFFFF086;
	s6 =	sadd.s32 @!p0 s3, s7;
	s7 =	simm.s32 @!p0 $0x108  }
0x21: {  	s3 =	sadd.s32 s3, s9;
	s6 =	sadd.s32 @!p0 $0x88, s6;
	s7 =	simm.s32 @p2 $0x1082  }
0x22: {  	[simem:s7], [sflag:s8] =	dma.local @!p0 [hbm:s6], $0xF7A  }
0x23: {  	s9 =	sor.u32 $0xD0000000, s2;
	s6 =	simm.s32 $0x108;
	_ =	swait.ge @!p0 [sflag:s8], $0x0  }
0x24: {  	s3 =	sadd.s32 $0x88, s3;
	s6 =	simm.s32 @!p1 $0x1082;
	[sflag:s4] =	ssyncset.s32 $0xFFFFF086  }
0x25: {  	[simem:s6], [sflag:s4] =	dma.local [hbm:s3], $0xF7A  }
0x26: {  	[smem:$0x3F9F] =	sst s1;
	(tag) =	ssettag s2;
	_ =	strace s9  }
0x27: {  	s1 =	sld [smem:$0x3FAF]  }
0x28: {  	s2 =	sld [smem:$0x3FB0]  }
0x29: {  	s4 =	sld [smem:$0x3FB2]  }
0x2a: {  	p0 =	seq.s32 s5, $0x0;
	s5 =	sld [smem:$0x3FB3]  }
0x2b: {  	s6 =	sld [smem:$0x3FB4]  }
0x2c: {  	s7 =	sld [smem:$0x3FB5]  }
0x2d: {  	s3 =	simm.s32 $0x108;
	s8 =	sld [smem:$0x3FB6]  }
0x2e: {  	s3 =	simm.s32 @!p0 $0x1082;
	s9 =	sld [smem:$0x3FB7]  }
0x2f: {  	lr =	sadd.s32 s0, s3;
	s0 =	sld [smem:$0x3FAE]  }
0x30: {  	s3 =	sld [smem:$0x3FB1]  }
0x31: {  	[smem:$0x3FBA] =	sst s10  }
0x32: {  	s10 =	sld [smem:$0x3FB8];
	_ =	sdelay $0x3  }
0x33: {  	p0 =	seq.s32 s10, $0x1;
	s10 =	sld [smem:$0x3FBA];
	_ =	sdelay $0x3  }
0x34: {  	[smem:$0x3FBA] =	sst s10  }
0x35: {  	s10 =	sld [smem:$0x3FB9];
	_ =	sdelay $0x3  }
0x36: {  	p1 =	seq.s32 s10, $0x1;
	s10 =	sld [smem:$0x3FBA];
	_ =	sdelay $0x3  }
0x37: {  	[smem:$0x3FBA] =	sst s10  }
0x38: {  	s10 =	sld [smem:$0x3FBB]  }
0x39: {  	_ = 	snop;
	(pc) =	sbr.ind lr, $3  }
0x3a: {  	_ = 	snop  }
0x3b: {  	_ = 	snop  }
0x3c: {  	p2 =	seq.s32 s10, $0x1;
	s10 =	sld [smem:$0x3FBA]  }
0x3d: {  	_ =	shalt  }
0x3e: {  	_ =	shalt  }
0x3f: {  	_ =	shalt  }
0x40: {  	_ =	shalt  }
0x41: {  	_ =	shalt  }
0x42: {  	_ =	shalt  }
0x43: {  	_ =	shalt  }
0x44: {  	_ =	shalt  }
0x45: {  	_ =	shalt  }
0x46: {  	_ =	shalt  }
0x47: {  	_ =	shalt  }
0x48: {  	_ =	shalt  }
0x49: {  	_ =	shalt  }
0x4a: {  	_ =	shalt  }
0x4b: {  	_ =	shalt  }
0x4c: {  	_ =	shalt  }
0x4d: {  	_ =	shalt  }
0x4e: {  	_ =	shalt  }
0x4f: {  	_ =	shalt  }
0x50: {  	_ =	shalt  }
0x51: {  	_ =	shalt  }
0x52: {  	_ =	shalt  }
0x53: {  	_ =	shalt  }
0x54: {  	_ =	shalt  }
0x55: {  	_ =	shalt  }
0x56: {  	_ =	shalt  }
0x57: {  	_ =	shalt  }
0x58: {  	_ =	shalt  }
0x59: {  	_ =	shalt  }
0x5a: {  	_ =	shalt  }
0x5b: {  	_ =	shalt  }
0x5c: {  	_ =	shalt  }
0x5d: {  	_ =	shalt  }
0x5e: {  	_ =	shalt  }
0x5f: {  	_ =	shalt  }
0x60: {  	_ =	shalt  }
0x61: {  	_ =	shalt  }
0x62: {  	_ =	shalt  }
0x63: {  	_ =	shalt  }
0x64: {  	_ =	shalt  }
0x65: {  	_ =	shalt  }
0x66: {  	_ =	shalt  }
0x67: {  	_ =	shalt  }
0x68: {  	_ =	shalt  }
0x69: {  	_ =	shalt  }
0x6a: {  	_ =	shalt  }
0x6b: {  	_ =	shalt  }
0x6c: {  	_ =	shalt  }
0x6d: {  	_ =	shalt  }
0x6e: {  	_ =	shalt  }
0x6f: {  	_ =	shalt  }
0x70: {  	_ =	shalt  }
0x71: {  	_ =	shalt  }
0x72: {  	_ =	shalt  }
0x73: {  	_ =	shalt  }
0x74: {  	_ =	shalt  }
0x75: {  	_ =	shalt  }
0x76: {  	_ =	shalt  }
0x77: {  	_ =	shalt  }
0x78: {  	_ =	shalt  }
0x79: {  	_ =	shalt  }
0x7a: {  	_ =	shalt  }
0x7b: {  	_ =	shalt  }
0x7c: {  	_ =	shalt  }
0x7d: {  	_ =	shalt  }
0x7e: {  	_ =	shalt  }
0x7f: {  	_ =	shalt  }
0x80: {  	_ =	shalt  }
0x81: {  	_ =	shalt  }
0x82: {  	_ =	shalt  }
0x83: {  	_ =	shalt  }
0x84: {  	_ =	shalt  }
0x85: {  	_ =	shalt  }
0x86: {  	_ =	shalt  }
0x87: {  	_ =	shalt  }
.Lfunc_end0:
.L_simem_size_0:
called_computation.3_lowered:
.L_overlay_start_0:
0x88: {  	s2 =	sld [smem:$0x3FD9]  }
0x89: {  	s3 =	sld [smem:$0x3FFE];
	_ =	sdelay $0x1  }
0x8a: {  	s1 =	srdreg.scid  }
0x8b: {  	s0 =	sand.u32 $0x1, s1  }
0x8c: {  	s14 =	sshll.u32 s0, $0xA;
	s2 =	sadd.s32 s3, s2  }
0x8d: {  	s2 =	sadd.s32 s2, s14  }
0x8e: {  	[smem:$0x3FC6] =	sst s2  }
0x8f: {  	_ = 	snop  }
0x90: {  	s2 =	sld [smem:$0x3FD0];
	_ =	sdelay $0x2  }
0x91: {  	s15 =	simm.s32 $0xA;
	s4 =	simm.s32 $0x10  }
0x92: {  	[smem:s4], [sflag:s15] =	dma.local [hbm:s2], $0x1  }
0x93: {  	_ =	swait.eq [sflag:s15], $0x1  }
0x94: {  	[sflag:s15] =	ssyncset.done $0x0  }
0x95: {  	[sflag:s15] =	ssyncadd.s32 $0xFFFFFFFF  }
0x96: {  	s16 =	sld [smem:$0x10];
	(tm) =	ssettm $0x1  }
0x97: {  	s17 =	sld [smem:$0x3FFB];
	_ =	sdelay $0x3  }
0x98: {  	_ =	strace s17  }
0x99: {  	s3 =	sld [smem:$0x3FFC];
	_ =	sdelay $0x3  }
0x9a: {  	_ =	strace s3  }
0x9b: {  	s3 =	sld [smem:$0x3FFD];
	_ =	sdelay $0x3  }
0x9c: {  	_ =	strace s3  }
0x9d: {  	_ =	strace $0x8FFFFFFF  }
0x9e: {  	s18 =	sld [smem:$0x3FDB];
	_ =	sdelay $0x1  }
0x9f: {  	s19 =	simm.s32 $_scs_section_size  }
0xa0: {  	s5 =	simm.s32 $_size__tile_overlayer_lowered;
	s6 =	simm.s32 $_tile_overlayer_lowered  }
0xa1: {  	s22 =	simm.s32 $0x1BFF;
	s21 =	sshll.u32 s6, $0x1;
	s3 =	sadd.s32 s19, s18  }
0xa2: {  	s7 =	simm.s32 $0x0;
	s20 =	sshll.u32 s5, $0x1;
	s5 =	sadd.s32 s21, s3  }
0xa3: {  	[timem:s7], [sflag:s22] =	dma.local [hbm:s5], s20  }
0xa4: {  	_ =	swait.ge [sflag:s22], s20  }
0xa5: {  	s4 =	ssub.s32 $0x0, s20;
	[sflag:s22] =	ssyncset.done $0x0  }
0xa6: {  	[sflag:s22] =	ssyncadd.s32 s4;
	_ =	sdelay $0x1  }
0xa7: {  	s23 =	simm.s32 $0x1B8B  }
0xa8: {  	_ =	swait.ge [sflag:s23], $0x1  }
0xa9: {  	[sflag:s23] =	ssyncset.done $0x0  }
0xaa: {  	s25 =	simm.s32 $0x1B8E;
	s24 =	sld [smem:$0x3FFE];
	[sflag:s23] =	ssyncadd.s32 $0xFFFFFFFF  }
0xab: {  	s26 =	simm.s32 $execute0_lowered;
	[smem:$0x3FD2] =	sst s25  }
0xac: {  	s5 =	sshll.u32 s26, $0x1;
	_ =	strace $0x8000004F;
	[dreg:$0x1] =	wrdreg $0xFFFFFFFF  }
0xad: {  	s28 =	simm.s32 $_size_execute0_lowered;
	s3 =	sadd.s32 s3, s5;
	[dreg:$0x0] =	wrdreg $0x0  }
0xae: {  	s5 =	sshll.u32 s28, $0x1;
	[dreg:$0x2] =	wrdreg s3  }
0xaf: {  	[dreg:$0x3] =	wrdreg s5  }
0xb0: {  	[dreg:$0x4] =	wrdreg $0xC0  }
0xb1: {  	_ =	task [dreg:s7], $0x5FFFF  }
0xb2: {  	[dreg:$0x1] =	wrdreg $0xFFFFFFFF  }
0xb3: {  	[dreg:$0x0] =	wrdreg $0x60  }
0xb4: {  	[dreg:$0x2] =	wrdreg s24  }
0xb5: {  	[dreg:$0x3] =	wrdreg s16  }
0xb6: {  	[dreg:$0x4] =	wrdreg $0x9  }
0xb7: {  	_ =	task.clear_ibuf [dreg:s7], $0x5FFFF;
	_ =	strace $0x9000004F  }
0xb8: {  	s29 =	simm.s32 $0x9;
	_ =	strace $0x80000051  }
0xb9: {  	_ =	swait.ge [sflag:s29], $0x1  }
0xba: {  	[sflag:s29] =	ssyncadd.s32 $0xFFFFFFFF  }
0xbb: {  	_ =	strace $0x90000051  }
0xbc: {  	_ =	sfence  }
0xbd: {  	s30 =	sld [smem:$0x0];
	_ =	sdelay $0x2  }
0xbe: {  	s31 =	sshll.u32 s1, $0xD;
	s1 =	sshrl.u32 s1, $0x2  }
0xbf: {  	s3 =	sand.u32 $0x4000, s31;
	s1 =	sadd.s32 s1, s30  }
0xc0: {  	s0 =	sor.u32 s3, s0;
	s1 =	sshll.u32 s1, $0x11  }
0xc1: {  	s0 =	sor.u32 s1, s0  }
0xc2: {  	s0 =	sadd.s32 $0x8F2B, s0  }
0xc3: {  	[sflag:s0] =	ssyncadd.remote.s32 $0x1  }
0xc4: {  	_ =	sfence.sel $0xFFFF  }
0xc5: {  	[dreg:$0x0] =	wrdreg $0xFFFFFFFF;
	(pc) =	sbr.abs _section_cstart, $3  }
0xc6: {  	[dreg:$0x1] =	wrdreg $0xFFFFFFFF  }
0xc7: {  	_ =	task.clear_ibuf [dreg:s7], $0x2FFFF;
	_ =	strace $0x9FFFFFFF  }
0xc8: {  	(tm) =	ssettm $0x7FFFFFFF  }
0xc9: {  	_ =	shalt  }
tec
execute0_lowered:
.L_overlay_start_1:
0x0: {  	(tag) =	ssettag $0x1  }
0x1: {  	v0 =	vimm.f32 $0.0e+00;
	v3 =	vlaneseq.u32;
	v2 =	vimm.s32 $0xFEDCBA9  }
0x2: {  	v6 =	vimm.s32 $0x98765432;
	vm0 =	vmmov $0xffff;
	vm9 =	vcmask $0x3F3C  }
0x3: {  	v9 =	vimm.s32 $0x3210FEDC;
	v10 =	vimm.s32 $0xBA987654;
	v11 =	vimm.s32 $0x43210FED  }
0x4: {  	v12 =	vimm.s32 $0xCBA98765;
	vm10 =	vcmask $0x3F38;
	vm11 =	vcmask $0x3F34  }
0x5: {  	vm12 =	vcmask $0x3F30;
	vm13 =	vcmask $0x3F2C;
	v23 =	vimm.s32 $0xFEDCBA98  }
0x6: {  	v24 =	vimm.s32 $0xEDCBA987;
	v25 =	vimm.s32 $0x76543210;
	vm14 =	vcmask $0x3F28  }
0x7: {  	vm15 =	vcmask $0x3F24;
	v1 =	vand.u32 $0x7, v3;
	v4 =	vunpack.c.l.s4.s8 v2  }
0x8: {  	v2 =	vimm.s32 $0x87654321;
	v7 =	vshrl.u32 v3, $0x3;
	v6 =	vunpack.c.l.s4.s8 v6  }
0x9: {  	v3 =	vor.u32 $0x8, v3;
	v9 =	vunpack.c.l.s4.s8 v9;
	v10 =	vunpack.c.l.s4.s8 v10  }
0xa: {  	v23 =	vunpack.c.l.s4.s8 v23;
	v5 =	vunpack.c.l.s4.s8 v2;
	v2 =	vimm.s32 $0x10FEDCBA  }
0xb: {  	s0 =	rddreg [dreg:$0x0];
	v24 =	vunpack.c.l.s4.s8 v24;
	v25 =	vunpack.c.l.s4.s8 v25;
	v8 =	vunpack.c.l.s4.s8 v2  }
0xc: {  	s1 =	rddreg [dreg:$0x1];
	s3 =	srdreg.scid;
	v2 =	vmul.u32 $0x8, v7;
	v13 =	vunpack.c.0.s8.s32 v4;
	v4 =	vimm.s32 $0x0  }
0xd: {  	s8 =	stileid.u32;
	s2 =	simm.s32 $0x0;
	s9 =	simm.s32 $0x200;
	v16 =	vunpack.c.0.s8.s32 v6;
	v7 =	vimm.s32 $0x210FEDCB;
	v19 =	vunpack.c.0.s8.s32 v9  }
0xe: {  	s10 =	simm.s32 $0xA00;
	s11 =	simm.s32 $0x1200;
	s12 =	simm.s32 $0x1A00;
	v20 =	vunpack.c.0.s8.s32 v10;
	v10 =	vimm.s32 $0x543210FE;
	v24 =	vunpack.c.0.s8.s32 v24  }
0xf: {  	s13 =	simm.s32 $0x2200;
	s14 =	simm.s32 $0x2A00;
	s15 =	simm.s32 $0x3200;
	v14 =	vunpack.c.0.s8.s32 v5;
	v4 =	vsel vm0, $0xFFFFFFFF, v4;
	v7 =	vunpack.c.l.s4.s8 v7  }
0x10: {  	s16 =	simm.s32 $0x3A00;
	s17 =	simm.s32 $0x4200;
	s18 =	simm.s32 $0x4A00;
	v10 =	vunpack.c.l.s4.s8 v10;
	v15 =	vunpack.c.0.s8.s32 v8;
	v8 =	vimm.s32 $0xA9876543  }
0x11: {  	s19 =	simm.s32 $0x5200;
	s20 =	simm.s32 $0x5A00;
	s21 =	simm.s32 $0x6200;
	[tilespmem:$0x1FFF0] =	vst v4;
	v4 =	vcombine.low v14, v13;
	v8 =	vunpack.c.l.s4.s8 v8;
	v17 =	vunpack.c.0.s8.s32 v7  }
0x12: {  	s22 =	simm.s32 $0x6A00;
	s23 =	simm.s32 $0x7200;
	s24 =	simm.s32 $0x7A00;
	v7 =	vunpack.c.l.s4.s8 v11;
	v11 =	vunpack.c.l.s4.s8 v12;
	v12 =	vimm.s32 $0x6543210F  }
0x13: {  	s25 =	simm.s32 $0x1;
	s29 =	simm.s32 $0x400;
	s30 =	simm.s32 $0x0;
	v26 =	vunpack.c.0.s8.s32 v10;
	v13 =	vcombine.low v13, v14;
	v6 =	vcombine.low v16, v15  }
0x14: {  	s4 =	sand.u32 $0x1, s3;
	s26 =	sshll.u32 s8, $0x1;
	[smem:$0x7FF] =	sst s2;
	v12 =	vunpack.c.l.s4.s8 v12;
	v14 =	vcombine.low v15, v16;
	v18 =	vunpack.c.0.s8.s32 v8  }
0x15: {  	s3 =	sadd.s32 $0xC5A00, s0;
	s8 =	sshll.u32 s8, $0xB;
	s5 =	sor.u32 s4, s26;
	v21 =	vunpack.c.0.s8.s32 v7;
	v22 =	vunpack.c.0.s8.s32 v11;
	v11 =	vimm.s32 $0xDCBA9876  }
0x16: {  	s4 =	ssub.s32 $0x2, s4;
	s8 =	sand.u32 $0x6000, s8;
	s26 =	simm.s32 $0x8200;
	v16 =	vcombine.low v19, v20;
	v8 =	vcombine.low v20, v19;
	v11 =	vunpack.c.l.s4.s8 v11  }
0x17: {  	s6 =	sshll.u32 s5, $0x6;
	s7 =	sshll.u32 s5, $0xE;
	s28 =	sshrl.u32 s4, $0x1;
	v62 =	vunpack.c.0.s8.s32 v12;
	v7 =	vcombine.low v18, v17;
	v9 =	vcombine.low v22, v21  }
0x18: {  	s5 =	sshll.u32 s5, $0x4;
	s1 =	sadd.s32 s1, s8;
	s8 =	simm.s32 $0x2;
	v15 =	vcombine.low v17, v18;
	v27 =	vunpack.c.0.s8.s32 v11;
	v11 =	vunpack.c.0.s8.s32 v23  }
0x19: {  	s6 =	sadd.s32 s6, s0;
	s0 =	sadd.s32 s7, s0;
	s7 =	ssub.s32 s4, s28;
	v12 =	vunpack.c.0.s8.s32 v25;
	v17 =	vcombine.low v21, v22;
	v19 =	vcombine.low v62, v24  }
0x1a: {  	s31 =	sand.u32 $0x70, s5;
	s4 =	sadd.s32 $0x5A00, s6;
	s5 =	sadd.s32 $0x105A00, s0;
	v10 =	vcombine.low v27, v26;
	v63 =	vand.u32 $0xF, v11;
	v11 =	vcombine.low v24, v62  }
0x1b: {  	v5 =	vimm.f32 $1.000000000e+00;
	s6 =	sadd.s32 s31, s1;
	s7 =	smax.u32 s7, $0x1;
	_ =	strace $0x80000050;
	v18 =	vcombine.low v26, v27;
	v12 =	vcombine.low v63, v12  }
.LBB2_1:
0x1c: {  	s0 =	simm.s32 $0x40;
	s1 =	simm.s32 $0x0  }
.LBB2_2:
0x1d: {  	p0 =	sne.s32 s0, $0x7FC0;
	[tilespmem:s1+$0x8200] =	vst v0;
	s1 =	smov.u32 s0;
	s0 =	sadd.s32 $0x40, s0  }
.Ltmp0:
0x1e: {  	(pc) =	sbr.rel @p0 .LBB2_2-.Ltmp0, $2  }
0x1f: {  	_ =	sdelay $0x2  }
0x20: {  	s1 =	sshra.s32 s1, $0x2  }
0x21: {  	[tilespmem:s1+$0x8200] =	vst v0  }
0x22: {  	[tilespmem:s30], [sflag:$0x2] =	stream.linear.gather [hbm4b:s4+s30], $0x200, $0x38;
	[tilespmem:$0xA200] =	vst v63  }
0x23: {  	_ =	swait.ge [sflag:s8], $0x200  }
0x24: {  	[sflag:s8] =	ssyncset.done $0x0  }
0x25: {  	s31 =	simm.s32 $0x0;
	s0 =	simm.s32 $0x0;
	[sflag:s8] =	ssyncadd.s32 $0xFFFFFE00  }
.LBB2_4:
0x26: {  	s1 =	sshll.u32 s0, $0x7  }
0x27: {  	s1 =	sand.u32 $0x3FFFFF80, s1  }
0x28: {  	v20 =	vld [tilespmem:s1+$0x0];
	_ =	sdelay $0x4  }
0x29: {  	v21 =	vshll.u32 v20, $0x1  }
0x2a: {  	v20 =	vand.u32 $0x7, v20;
	v21 =	vand.u32 $0xFFFFFFF0, v21  }
0x2b: {  	v20 =	vor.u32 v20, v21  }
0x2c: {  	v21 =	vperm.xlane v20, v1  }
0x2d: {  	v22 =	vld [tilespmem:$0x1FFF0]  }
0x2e: {  	v20 =	vperm.xlane v20, v3;
	v21 =	vadd.s32 v2, v21;
	_ =	sdelay $0x1  }
0x2f: {  	v20 =	vadd.s32 v2, v20;
	_ =	sdelay $0x1  }
0x30: {  	vm0 =	vnez.u8 v22  }
0x31: {  	[tilespmem:s9], [sflag:$0x1] =	stream.indirect_vreg.gather [hbm4b:s3+s30], $0x80, v21, vm0, $0xb8;
	[tilespmem:$0xA200] =	vst v63  }
0x32: {  	_ = 	snop  }
0x33: {  	[tilespmem:s10], [sflag:$0x1] =	stream.indirect_vreg.gather [hbm4b:s3+s30], $0x80, v20, vm0, $0xb8;
	[tilespmem:$0xA200] =	vst v63  }
0x34: {  	v20 =	vld [tilespmem:s1+$0x10];
	_ =	sdelay $0x4  }
0x35: {  	v21 =	vshll.u32 v20, $0x1  }
0x36: {  	v20 =	vand.u32 $0x7, v20;
	v21 =	vand.u32 $0xFFFFFFF0, v21  }
0x37: {  	v20 =	vor.u32 v20, v21  }
0x38: {  	v21 =	vperm.xlane v20, v1;
	_ =	sdelay $0x1  }
0x39: {  	v20 =	vperm.xlane v20, v3;
	v21 =	vadd.s32 v2, v21;
	_ =	sdelay $0x1  }
0x3a: {  	v20 =	vadd.s32 v2, v20;
	_ =	sdelay $0x2  }
0x3b: {  	[tilespmem:s11], [sflag:$0x1] =	stream.indirect_vreg.gather [hbm4b:s3+s30], $0x80, v21, vm0, $0xb8;
	[tilespmem:$0xA200] =	vst v63  }
0x3c: {  	_ = 	snop  }
0x3d: {  	[tilespmem:s12], [sflag:$0x1] =	stream.indirect_vreg.gather [hbm4b:s3+s30], $0x80, v20, vm0, $0xb8;
	[tilespmem:$0xA200] =	vst v63  }
0x3e: {  	v20 =	vld [tilespmem:s1+$0x20];
	_ =	sdelay $0x4  }
0x3f: {  	v21 =	vshll.u32 v20, $0x1  }
0x40: {  	v20 =	vand.u32 $0x7, v20;
	v21 =	vand.u32 $0xFFFFFFF0, v21  }
0x41: {  	v20 =	vor.u32 v20, v21  }
0x42: {  	v21 =	vperm.xlane v20, v1;
	_ =	sdelay $0x1  }
0x43: {  	v20 =	vperm.xlane v20, v3;
	v21 =	vadd.s32 v2, v21;
	_ =	sdelay $0x1  }
0x44: {  	v20 =	vadd.s32 v2, v20;
	_ =	sdelay $0x2  }
0x45: {  	[tilespmem:s13], [sflag:$0x1] =	stream.indirect_vreg.gather [hbm4b:s3+s30], $0x80, v21, vm0, $0xb8;
	[tilespmem:$0xA200] =	vst v63  }
0x46: {  	_ = 	snop  }
0x47: {  	[tilespmem:s14], [sflag:$0x1] =	stream.indirect_vreg.gather [hbm4b:s3+s30], $0x80, v20, vm0, $0xb8;
	[tilespmem:$0xA200] =	vst v63  }
0x48: {  	v20 =	vld [tilespmem:s1+$0x30];
	_ =	sdelay $0x4  }
0x49: {  	v21 =	vshll.u32 v20, $0x1  }
0x4a: {  	v20 =	vand.u32 $0x7, v20;
	v21 =	vand.u32 $0xFFFFFFF0, v21  }
0x4b: {  	v20 =	vor.u32 v20, v21  }
0x4c: {  	v21 =	vperm.xlane v20, v1;
	_ =	sdelay $0x1  }
0x4d: {  	v20 =	vperm.xlane v20, v3;
	v21 =	vadd.s32 v2, v21;
	_ =	sdelay $0x1  }
0x4e: {  	v20 =	vadd.s32 v2, v20;
	_ =	sdelay $0x2  }
0x4f: {  	[tilespmem:s15], [sflag:$0x1] =	stream.indirect_vreg.gather [hbm4b:s3+s30], $0x80, v21, vm0, $0xb8;
	[tilespmem:$0xA200] =	vst v63  }
0x50: {  	_ = 	snop  }
0x51: {  	[tilespmem:s16], [sflag:$0x1] =	stream.indirect_vreg.gather [hbm4b:s3+s30], $0x80, v20, vm0, $0xb8;
	[tilespmem:$0xA200] =	vst v63  }
0x52: {  	v20 =	vld [tilespmem:s1+$0x40];
	_ =	sdelay $0x4  }
0x53: {  	v21 =	vshll.u32 v20, $0x1  }
0x54: {  	v20 =	vand.u32 $0x7, v20;
	v21 =	vand.u32 $0xFFFFFFF0, v21  }
0x55: {  	v20 =	vor.u32 v20, v21  }
0x56: {  	v21 =	vperm.xlane v20, v1;
	_ =	sdelay $0x1  }
0x57: {  	v20 =	vperm.xlane v20, v3;
	v21 =	vadd.s32 v2, v21;
	_ =	sdelay $0x1  }
0x58: {  	v20 =	vadd.s32 v2, v20;
	_ =	sdelay $0x2  }
0x59: {  	[tilespmem:s17], [sflag:$0x1] =	stream.indirect_vreg.gather [hbm4b:s3+s30], $0x80, v21, vm0, $0xb8;
	[tilespmem:$0xA200] =	vst v63  }
0x5a: {  	_ = 	snop  }
0x5b: {  	[tilespmem:s18], [sflag:$0x1] =	stream.indirect_vreg.gather [hbm4b:s3+s30], $0x80, v20, vm0, $0xb8;
	[tilespmem:$0xA200] =	vst v63  }
0x5c: {  	v20 =	vld [tilespmem:s1+$0x50];
	_ =	sdelay $0x4  }
0x5d: {  	v21 =	vshll.u32 v20, $0x1  }
0x5e: {  	v20 =	vand.u32 $0x7, v20;
	v21 =	vand.u32 $0xFFFFFFF0, v21  }
0x5f: {  	v20 =	vor.u32 v20, v21  }
0x60: {  	v21 =	vperm.xlane v20, v1;
	_ =	sdelay $0x1  }
0x61: {  	v20 =	vperm.xlane v20, v3;
	v21 =	vadd.s32 v2, v21;
	_ =	sdelay $0x1  }
0x62: {  	v20 =	vadd.s32 v2, v20;
	_ =	sdelay $0x2  }
0x63: {  	[tilespmem:s19], [sflag:$0x1] =	stream.indirect_vreg.gather [hbm4b:s3+s30], $0x80, v21, vm0, $0xb8;
	[tilespmem:$0xA200] =	vst v63  }
0x64: {  	_ = 	snop  }
0x65: {  	[tilespmem:s20], [sflag:$0x1] =	stream.indirect_vreg.gather [hbm4b:s3+s30], $0x80, v20, vm0, $0xb8;
	[tilespmem:$0xA200] =	vst v63  }
0x66: {  	v20 =	vld [tilespmem:s1+$0x60];
	_ =	sdelay $0x4  }
0x67: {  	v21 =	vshll.u32 v20, $0x1  }
0x68: {  	v20 =	vand.u32 $0x7, v20;
	v21 =	vand.u32 $0xFFFFFFF0, v21  }
0x69: {  	v20 =	vor.u32 v20, v21  }
0x6a: {  	v21 =	vperm.xlane v20, v1;
	_ =	sdelay $0x1  }
0x6b: {  	v20 =	vperm.xlane v20, v3;
	v21 =	vadd.s32 v2, v21;
	_ =	sdelay $0x1  }
0x6c: {  	v20 =	vadd.s32 v2, v20;
	_ =	sdelay $0x2  }
0x6d: {  	[tilespmem:s21], [sflag:$0x1] =	stream.indirect_vreg.gather [hbm4b:s3+s30], $0x80, v21, vm0, $0xb8;
	[tilespmem:$0xA200] =	vst v63  }
0x6e: {  	_ = 	snop  }
0x6f: {  	[tilespmem:s22], [sflag:$0x1] =	stream.indirect_vreg.gather [hbm4b:s3+s30], $0x80, v20, vm0, $0xb8;
	[tilespmem:$0xA200] =	vst v63  }
0x70: {  	v20 =	vld [tilespmem:s1+$0x70];
	_ =	sdelay $0x4  }
0x71: {  	v21 =	vshll.u32 v20, $0x1  }
0x72: {  	v20 =	vand.u32 $0x7, v20;
	v21 =	vand.u32 $0xFFFFFFF0, v21  }
0x73: {  	v20 =	vor.u32 v20, v21  }
0x74: {  	v21 =	vperm.xlane v20, v1;
	_ =	sdelay $0x1  }
0x75: {  	v20 =	vperm.xlane v20, v3;
	v21 =	vadd.s32 v2, v21;
	_ =	sdelay $0x1  }
0x76: {  	v20 =	vadd.s32 v2, v20;
	_ =	sdelay $0x2  }
0x77: {  	[tilespmem:s23], [sflag:$0x1] =	stream.indirect_vreg.gather [hbm4b:s3+s30], $0x80, v21, vm0, $0xb8;
	[tilespmem:$0xA200] =	vst v63  }
0x78: {  	_ = 	snop  }
0x79: {  	[tilespmem:s24], [sflag:$0x1] =	stream.indirect_vreg.gather [hbm4b:s3+s30], $0x80, v20, vm0, $0xb8;
	[tilespmem:$0xA200] =	vst v63  }
0x7a: {  	_ =	swait.ge [sflag:s25], $0x8000  }
0x7b: {  	s28 =	sshll.u32 s0, $0xC;
	[sflag:s25] =	ssyncset.done $0x0  }
0x7c: {  	s1 =	sadd.s32 s28, s5;
	v21 =	vmov s31;
	[sflag:s25] =	ssyncadd.s32 $0xFFFF8000  }
0x7d: {  	[hbm4b:s1+s30] =	stream.linear.scatter [tilespmem:s9], [sflag:$0x2], $0x8000, $0x38;
	[tilespmem:$0xA200] =	vst v63  }
0x7e: {  	_ =	swait.ge [sflag:s8], $0x8000  }
0x7f: {  	[sflag:s8] =	ssyncset.done $0x0  }
0x80: {  	s28 =	simm.s32 $0x0;
	[sflag:s8] =	ssyncadd.s32 $0xFFFF8000  }
0x81: {  	v20 =	vld.idx.msk [tilespmem:v21+s28+$0x0 ss:$0x1], $0xffff;
	_ =	sdelay $0x4  }
0x82: {  	v22 =	vperm.xlane v20, v6;
	v23 =	vperm.xlane v20, v9  }
0x83: {  	v24 =	vperm.xlane v20, v8;
	v25 =	vperm.xlane v20, v18  }
0x84: {  	v26 =	vperm.xlane v20, v4;
	v27 =	vperm.xlane v20, v14  }
0x85: {  	v28 =	vperm.xlane v20, v17;
	vm1 =	veq.s32 v22, v20;
	vm7 =	veq.s32 v23, v20  }
0x86: {  	v23 =	vperm.xlane v20, v7;
	vm4 =	veq.s32 v24, v20;
	v24 =	vperm.xlane v20, v10  }
0x87: {  	vm5 =	veq.s32 v26, v20;
	vm3 =	veq.s32 v27, v20;
	vm0 =	veq.s32 v28, v20  }
0x88: {  	v26 =	vimm.s32 $0x0;
	v22 =	vsel vm1, $0x3F800000, v0;
	vm8 =	vmand vm4, vm12  }
0x89: {  	v26 =	vsel vm0, $0xFFFFFFFF, v26;
	vm2 =	vmand vm1, vm10;
	vm1 =	veq.s32 v25, v20  }
0x8a: {  	v25 =	vperm.xlane v20, v19;
	vm6 =	veq.s32 v23, v20;
	v23 =	vsel vm5, $0x40000000, v5  }
0x8b: {  	vm0 =	vmand vm7, vm13;
	vm5 =	vmand vm5, vm9;
	v22 =	vadd.f32 v22, v23  }
0x8c: {  	[tilespmem:$0x1FFE0] =	vst v26;
	v26 =	vperm.xlane v20, v11;
	v23 =	vsel vm6, $0x3F800000, v0;
	vm6 =	vmand vm6, vm11  }
0x8d: {  	vm2 =	vmor vm5, vm2;
	vm5 =	veq.s32 v24, v20;
	v22 =	vadd.f32 v23, v22  }
0x8e: {  	vm6 =	vmor vm2, vm6;
	vm2 =	veq.s32 v25, v20;
	v23 =	vsel vm4, $0x3F800000, v0  }
0x8f: {  	v24 =	vsel vm5, $0x3F800000, v0;
	vm4 =	veq.s32 v26, v20;
	v22 =	vadd.f32 v23, v22  }
0x90: {  	vm6 =	vmor vm6, vm8;
	v26 =	vperm.xlane v20, v12;
	v23 =	vsel vm7, $0x3F800000, v0  }
0x91: {  	vm5 =	vmand vm5, vm14;
	vm6 =	vmor vm6, vm0;
	v22 =	vadd.f32 v23, v22  }
0x92: {  	v25 =	vsel vm4, $0x3F800000, v0;
	vm6 =	vmor vm6, vm5;
	vm5 =	veq.s32 v26, v20  }
0x93: {  	s1 =	simm.s32 $0x40;
	v23 =	vperm.xlane v20, v13;
	v24 =	vadd.f32 v24, v22;
	v22 =	vperm.xlane v20, v15  }
.LBB2_5:
0x94: {  	vm4 =	vmand vm4, vm15  }
0x95: {  	vm0 =	vmmov vm15;
	vm15 =	vmmov vm14;
	vm14 =	vmmov vm13  }
0x96: {  	vm13 =	vmmov vm12;
	vm12 =	vmmov vm11;
	vm11 =	vmmov vm10  }
0x97: {  	vm10 =	vmmov vm9;
	v24 =	vadd.f32 v25, v24;
	vm7 =	veq.s32 v23, v20  }
0x98: {  	v23 =	vperm.xlane v20, v16;
	v25 =	vsel vm5, $0x3F800000, v0;
	vm8 =	veq.s32 v22, v20  }
0x99: {  	vm4 =	vmor vm6, vm4;
	vm6 =	vcmask $0x3F20;
	v22 =	vadd.f32 v25, v24  }
0x9a: {  	vm5 =	vmand vm5, vm6;
	vm9 =	veq.s32 v23, v20;
	v23 =	vsel vm7, $0x3F800000, v0  }
0x9b: {  	vm4 =	vmor vm4, vm5;
	vm5 =	vcmask $0x3F1C;
	v22 =	vadd.f32 v23, v22  }
0x9c: {  	vm5 =	vmand vm7, vm5;
	v23 =	vsel vm3, $0x3F800000, v0  }
0x9d: {  	vm4 =	vmor vm4, vm5;
	vm5 =	vcmask $0x3F18;
	v22 =	vadd.f32 v23, v22  }
0x9e: {  	vm3 =	vmand vm3, vm5;
	v23 =	vsel vm8, $0x3F800000, v0  }
0x9f: {  	vm3 =	vmor vm4, vm3;
	vm4 =	vcmask $0x3F14;
	v22 =	vadd.f32 v23, v22;
	v23 =	vld [tilespmem:$0x1FFE0]  }
0xa0: {  	vm4 =	vmand vm8, vm4  }
0xa1: {  	vm3 =	vmor vm3, vm4;
	vm4 =	vcmask $0x3F10  }
0xa2: {  	vm4 =	vmand vm9, vm4  }
0xa3: {  	vm3 =	vmor vm3, vm4  }
0xa4: {  	vm4 =	vcmask $0x3F0C;
	vm5 =	vnez.u8 v23;
	v23 =	vsel vm9, $0x3F800000, v0  }
0xa5: {  	vm9 =	vmmov vm10;
	vm10 =	vmmov vm11;
	vm11 =	vmmov vm12  }
0xa6: {  	vm12 =	vmmov vm13;
	vm13 =	vmmov vm14;
	vm14 =	vmmov vm15  }
0xa7: {  	vm15 =	vmmov vm0;
	vm0 =	vcmask $0x3F08;
	vm4 =	vmand vm5, vm4  }
0xa8: {  	vm3 =	vmor vm3, vm4;
	vm4 =	vmand vm1, vm0;
	vm0 =	vcmask $0x3F04  }
0xa9: {  	v22 =	vadd.f32 v23, v22;
	vm3 =	vmor vm3, vm4;
	vm4 =	vmand vm2, vm0  }
0xaa: {  	v23 =	vsel vm5, $0x3F800000, v0;
	vm0 =	vmor vm3, vm4  }
0xab: {  	v22 =	vadd.f32 v23, v22;
	vm0 =	vmneg vm0  }
0xac: {  	v23 =	vsel vm1, $0x3F800000, v0  }
0xad: {  	v22 =	vadd.f32 v23, v22  }
0xae: {  	v23 =	vsel vm2, $0x3F800000, v0  }
0xaf: {  	v22 =	vadd.f32 v23, v22  }
0xb0: {  	s28 =	smov.u32 s1  }
0xb1: {  	s28 =	sshra.s32 s28, $0x2;
	[tilespmem:v20+s26+$0x0] =	vst.idx.add.f32.msk vm0, v22  }
0xb2: {  	v20 =	vld.idx.msk [tilespmem:v21+s28+$0x0 ss:$0x1], $0xffff;
	_ =	sdelay $0x4  }
0xb3: {  	v22 =	vperm.xlane v20, v6;
	v23 =	vperm.xlane v20, v9  }
0xb4: {  	v24 =	vperm.xlane v20, v8;
	v25 =	vperm.xlane v20, v18  }
0xb5: {  	v26 =	vperm.xlane v20, v4;
	v27 =	vperm.xlane v20, v14  }
0xb6: {  	v28 =	vperm.xlane v20, v17;
	vm1 =	veq.s32 v22, v20;
	vm2 =	veq.s32 v23, v20  }
0xb7: {  	v23 =	vperm.xlane v20, v7;
	vm4 =	veq.s32 v24, v20;
	v24 =	vperm.xlane v20, v10  }
0xb8: {  	vm5 =	veq.s32 v26, v20;
	vm3 =	veq.s32 v27, v20;
	vm0 =	veq.s32 v28, v20  }
0xb9: {  	v26 =	vimm.s32 $0x0;
	v22 =	vsel vm1, $0x3F800000, v0;
	vm7 =	vmand vm4, vm12  }
0xba: {  	v26 =	vsel vm0, $0xFFFFFFFF, v26;
	vm8 =	vmand vm1, vm10;
	vm1 =	veq.s32 v25, v20  }
0xbb: {  	v25 =	vperm.xlane v20, v19;
	vm6 =	veq.s32 v23, v20;
	v23 =	vsel vm5, $0x40000000, v5  }
0xbc: {  	[tilespmem:$0x1FFE0] =	vst v26;
	vm5 =	vmand vm5, vm9;
	v26 =	vperm.xlane v20, v11;
	v22 =	vadd.f32 v22, v23  }
0xbd: {  	v23 =	vsel vm6, $0x3F800000, v0;
	vm6 =	vmand vm6, vm11;
	vm5 =	vmor vm5, vm8  }
0xbe: {  	vm8 =	vmand vm2, vm13;
	vm5 =	vmor vm5, vm6;
	v22 =	vadd.f32 v23, v22  }
0xbf: {  	p0 =	sne.s32 s1, $0x1C0;
	vm6 =	veq.s32 v24, v20;
	v23 =	vsel vm4, $0x3F800000, v0;
	vm4 =	veq.s32 v26, v20  }
.Ltmp1:
0xc0: {  	v24 =	vsel vm6, $0x3F800000, v0;
	vm6 =	vmand vm6, vm14;
	v22 =	vadd.f32 v23, v22;
	(pc) =	sbr.rel @p0 .LBB2_5-.Ltmp1, $4  }
0xc1: {  	vm5 =	vmor vm5, vm7;
	v26 =	vperm.xlane v20, v12;
	v23 =	vsel vm2, $0x3F800000, v0  }
0xc2: {  	vm5 =	vmor vm5, vm8;
	vm2 =	veq.s32 v25, v20;
	v22 =	vadd.f32 v23, v22  }
0xc3: {  	vm6 =	vmor vm5, vm6;
	v25 =	vsel vm4, $0x3F800000, v0;
	vm5 =	veq.s32 v26, v20  }
0xc4: {  	s1 =	sadd.s32 $0x40, s1;
	v23 =	vperm.xlane v20, v13;
	v24 =	vadd.f32 v24, v22;
	v22 =	vperm.xlane v20, v15  }
0xc5: {  	vm4 =	vmand vm4, vm15;
	v54 =	vsel vm5, $0x3F800000, v0  }
0xc6: {  	v55 =	vperm.xlane v20, v16;
	vm0 =	vcmask $0x3F20;
	vm7 =	vcmask $0x3F1C  }
0xc7: {  	v57 =	vsel vm3, $0x3F800000, v0;
	vm4 =	vmor vm6, vm4;
	vm6 =	veq.s32 v23, v20  }
0xc8: {  	v21 =	vadd.f32 v25, v24;
	vm0 =	vmand vm5, vm0;
	v56 =	vsel vm6, $0x3F800000, v0  }
0xc9: {  	vm4 =	vmor vm4, vm0;
	vm0 =	vmand vm6, vm7;
	vm6 =	veq.s32 v22, v20  }
0xca: {  	v59 =	vld [tilespmem:$0x1FFE0];
	vm5 =	veq.s32 v55, v20;
	vm7 =	vcmask $0x3F18;
	v21 =	vadd.f32 v54, v21  }
0xcb: {  	vm4 =	vmor vm4, vm0;
	vm7 =	vmand vm3, vm7;
	v58 =	vsel vm6, $0x3F800000, v0  }
0xcc: {  	vm3 =	vmor vm4, vm7;
	vm7 =	vcmask $0x3F14;
	v21 =	vadd.f32 v56, v21  }
0xcd: {  	v60 =	vsel vm5, $0x3F800000, v0;
	vm0 =	vmand vm6, vm7;
	vm7 =	vcmask $0x3F10  }
0xce: {  	vm3 =	vmor vm3, vm0;
	vm0 =	vmand vm5, vm7;
	v21 =	vadd.f32 v57, v21  }
0xcf: {  	vm6 =	vnez.u8 v59;
	vm3 =	vmor vm3, vm0;
	vm0 =	vcmask $0x3F0C  }
0xd0: {  	vm7 =	vcmask $0x3F08;
	vm0 =	vmand vm6, vm0;
	v21 =	vadd.f32 v58, v21  }
0xd1: {  	vm3 =	vmor vm3, vm0;
	vm0 =	vmand vm1, vm7;
	vm7 =	vcmask $0x3F04  }
0xd2: {  	vm3 =	vmor vm3, vm0;
	vm0 =	vmand vm2, vm7;
	v21 =	vadd.f32 v60, v21  }
0xd3: {  	v61 =	vsel vm6, $0x3F800000, v0;
	vm0 =	vmor vm3, vm0  }
0xd4: {  	s0 =	sadd.s32 $0x1, s0;
	vm0 =	vmneg vm0;
	v21 =	vadd.f32 v61, v21  }
0xd5: {  	v62 =	vsel vm1, $0x3F800000, v0;
	p0 =	sne.s32 s0, $0x4  }
.Ltmp2:
0xd6: {  	v21 =	vadd.f32 v62, v21;
	(pc) =	sbr.rel @p0 .LBB2_4-.Ltmp2, $3  }
0xd7: {  	v63 =	vsel vm2, $0x3F800000, v0  }
0xd8: {  	v21 =	vadd.f32 v63, v21;
	_ =	sdelay $0x1  }
0xd9: {  	s31 =	sadd.s32 $0x80, s31;
	[tilespmem:v20+s26+$0x0] =	vst.idx.add.f32.msk vm0, v21  }
0xda: {  	s2 =	sadd.s32 $0x1, s2  }
0xdb: {  	p0 =	sne.s32 s2, s7  }
.Ltmp3:
0xdc: {  	s0 =	simm.s32 $0x80;
	(pc) =	sbr.rel @p0 .LBB2_1-.Ltmp3, $4  }
0xdd: {  	[hbm4b:s6+s0] =	stream.strided.scatter [tilespmem:s26], [sflag:$0x2], $0x2000, s29, s0, $0x38;
	[tilespmem:$0xA200] =	vst v63  }
0xde: {  	_ =	swait.ge [sflag:s8], $0x2000  }
0xdf: {  	[sflag:s8] =	ssyncset.done $0x0  }
0xe0: {  	[sflag:s8] =	ssyncadd.s32 $0xFFFFE000  }
0xe1: {  	_ =	sfence.sel $0x180000  }
0xe2: {  	[bflag:$0x0] =	sbarrier.arrive $0xFFFF  }
0xe3: {  	_ =	strace $0x90000050  }
0xe4: {  	s0 =	stileid.u32;
	[bflag:$0x2] =	sbarrier.arrive $0xFFFF  }
0xe5: {  	p0 =	sne.s32 s0, $0x0;
	s0 =	rddreg [dreg:$0x2]  }
0xe6: {  	s0 =	sadd.s32 @!p0 $0x100000, s0  }
0xe7: {  	[sflag:s0] =	ssyncadd.tile.s32 @!p0 $0x1;
	_ =	shalt  }
.Lfunc_end2:
_tile_overlayer_lowered:
.L_overlay_start_2:
0xe8: {  	(tag) =	ssettag $0x2  }
0xe9: {  	s0 =	rddreg [dreg:$0x0];
	s2 =	stileid.u32  }
0xea: {  	s1 =	rddreg [dreg:$0x1];
	p0 =	sne.s32 s2, $0x0  }
0xeb: {  	s3 =	rddreg [dreg:$0x2];
	[bflag:$0x3] =	sbarrier.arrive $0xFFFF;
	s2 =	simm.s32 @!p0 $0x1C02  }
0xec: {  	[timem:s3], [sflag:s2] =	dma.local @!p0 [hbm:s0], s1  }
0xed: {  	s0 =	simm.s32 @!p0 $0x2  }
0xee: {  	_ =	swait.ge @!p0 [sflag:s0], s1  }
0xef: {  	s1 =	ssub.s32 @!p0 $0x0, s1;
	[sflag:s0] =	ssyncset.done @!p0 $0x0  }
0xf0: {  	[sflag:s0] =	ssyncadd.s32 @!p0 s1  }
0xf1: {  	[bflag:$0x3] =	sbarrier.arrive $0xFFFF  }
0xf2: {  	_ =	shalt  }

</sc_bundles>
